<compile_context>
chip_gen: v7x
topology: tpu7x:2x2x1
jax: 0.10.2.dev20260603
libtpu: 0.0.44.dev20260713+nightly
codegen_flags: <defaults>
</compile_context>

<pallas_src>
import functools

import jax
import jax.numpy as jnp
import numpy as np
from jax import lax
from jax.experimental import pallas as pl
from jax.experimental.pallas import tpu as pltpu
from jax.experimental.pallas import tpu_sc as plsc

N_NODES = 10000
N_EDGES = 320000
NODE_DIM = 128
EDGE_DIM = 16
D = 128
H = 2
DH = D // H
N_LAYERS = 2
B = 1024

_NC, _NS = 2, 16
_NW = _NC * _NS
_NPAD = 10112


def _bdot(a, b):
    return jnp.dot(a.astype(jnp.bfloat16), b.astype(jnp.bfloat16),
                   preferred_element_type=jnp.float32)


def _sc_mesh():
    return plsc.VectorSubcoreMesh(
        core_axis_name="c", subcore_axis_name="s", num_cores=_NC, num_subcores=_NS
    )




def _eht_body(ef_ref, temb_ref, ew1_ref, eb1_ref, ew2_ref, eb2_ref, out_ref):
    r = jax.nn.relu(_bdot(ef_ref[...], ew1_ref[...]) + eb1_ref[...])
    out_ref[...] = _bdot(r, ew2_ref[...]) + eb2_ref[...] + temb_ref[...]


def _edge_ht(ef, t, p, E, BE):
    grid = (E // BE,)
    full = lambda shape: pl.BlockSpec(shape, lambda i: (0, 0))
    temb = jnp.cos(t[:, None] * p["time_w"][None, :] + p["time_b"][None, :])
    return pl.pallas_call(
        _eht_body,
        grid=grid,
        in_specs=[
            pl.BlockSpec((BE, EDGE_DIM), lambda i: (i, 0)),
            pl.BlockSpec((BE, D), lambda i: (i, 0)),
            full((EDGE_DIM, D)),
            full((1, D)),
            full((D, D)),
            full((1, D)),
        ],
        out_specs=pl.BlockSpec((BE, D), lambda i: (i, 0)),
        out_shape=jax.ShapeDtypeStruct((E, D), jnp.float32),
    )(ef, temb, p["edge_w1"], p["edge_b1"][None, :], p["edge_w2"],
      p["edge_b2"][None, :])




def _sc_gather(hq, h, src, dst, E):
    CB = 80
    ec = E // _NW
    nblk = ec // CB

    @functools.partial(
        pl.kernel,
        out_type=(
            jax.ShapeDtypeStruct((E, D), jnp.float32),
            jax.ShapeDtypeStruct((E, D), jnp.float32),
        ),
        mesh=_sc_mesh(),
        scratch_types=[
            pltpu.VMEM((CB,), jnp.int32),
            pltpu.VMEM((CB,), jnp.int32),
            pltpu.VMEM((CB, D), jnp.float32),
            pltpu.VMEM((CB, D), jnp.float32),
            pltpu.SemaphoreType.DMA,
            pltpu.SemaphoreType.DMA,
        ],
    )
    def k(hq_hbm, h_hbm, src_hbm, dst_hbm, oq_hbm, os_hbm,
          dbuf, sbuf, qbuf, hsbuf, sem1, sem2):
        wid = lax.axis_index("s") * _NC + lax.axis_index("c")

        def body(i, carry):
            base = wid * ec + i * CB
            pltpu.sync_copy(dst_hbm.at[pl.ds(base, CB)], dbuf)
            pltpu.sync_copy(src_hbm.at[pl.ds(base, CB)], sbuf)
            c1 = pltpu.async_copy(hq_hbm.at[dbuf], qbuf, sem1)
            c2 = pltpu.async_copy(h_hbm.at[sbuf], hsbuf, sem2)
            c1.wait()
            c2.wait()
            pltpu.sync_copy(qbuf, oq_hbm.at[pl.ds(base, CB)])
            pltpu.sync_copy(hsbuf, os_hbm.at[pl.ds(base, CB)])
            return carry

        lax.fori_loop(0, nblk, body, 0)

    return k(hq, h, src, dst)




def _payload_body(gq_ref, gs_ref, eht_ref, wk_ref, wv_ref, pay0_ref, pay1_ref):
    gq = gq_ref[...]
    msg = gs_ref[...] + eht_ref[...]
    kk = _bdot(msg, wk_ref[...])
    v = _bdot(msg, wv_ref[...])
    s0 = jnp.sum(gq[:, :DH] * kk[:, :DH], axis=1, keepdims=True) * (1.0 / np.sqrt(DH))
    s1 = jnp.sum(gq[:, DH:] * kk[:, DH:], axis=1, keepdims=True) * (1.0 / np.sqrt(DH))
    e0 = jnp.exp(s0)
    e1 = jnp.exp(s1)
    n = gq.shape[0]
    z = jnp.zeros((n, DH - 1), jnp.float32)
    pay0_ref[...] = jnp.concatenate([e0 * v[:, :DH], e0, z], axis=1)
    pay1_ref[...] = jnp.concatenate([e1 * v[:, DH:], e1, z], axis=1)


def _edge_payload(gq, gs, eht, wk, wv, E, BE):
    grid = (E // BE,)
    full = lambda shape: pl.BlockSpec(shape, lambda i: (0, 0))
    return pl.pallas_call(
        _payload_body,
        grid=grid,
        in_specs=[
            pl.BlockSpec((BE, D), lambda i: (i, 0)),
            pl.BlockSpec((BE, D), lambda i: (i, 0)),
            pl.BlockSpec((BE, D), lambda i: (i, 0)),
            full((D, D)),
            full((D, D)),
        ],
        out_specs=[
            pl.BlockSpec((BE, D), lambda i: (i, 0)),
            pl.BlockSpec((BE, D), lambda i: (i, 0)),
        ],
        out_shape=[
            jax.ShapeDtypeStruct((E, D), jnp.float32),
            jax.ShapeDtypeStruct((E, D), jnp.float32),
        ],
    )(gq, gs, eht, wk, wv)




def _sc_scatter(pay0, pay1, dst, zeros, E):
    CB = 80
    ec = E // _NW
    nblk = ec // CB
    rpt = _NPAD // _NS

    @functools.partial(
        pl.kernel,
        out_type=jax.ShapeDtypeStruct((_NC, H, _NPAD, D), jnp.float32),
        mesh=_sc_mesh(),
        scratch_types=[
            pltpu.VMEM((CB,), jnp.int32),
            pltpu.VMEM((CB, D), jnp.float32),
            pltpu.VMEM_SHARED((_NPAD, D), jnp.float32),
        ],
    )
    def k(pay0_hbm, pay1_hbm, dst_hbm, zeros_hbm, out_hbm, dbuf, pbuf, acc):
        cid = lax.axis_index("c")
        sid = lax.axis_index("s")
        wid = sid * _NC + cid
        r0 = sid * rpt

        def run_phase(pay_hbm, hout):
            def body(i, carry):
                base = wid * ec + i * CB
                pltpu.sync_copy(dst_hbm.at[pl.ds(base, CB)], dbuf)
                pltpu.sync_copy(pay_hbm.at[pl.ds(base, CB)], pbuf)
                pltpu.sync_copy(pbuf, acc.at[dbuf], add=True)
                return carry

            lax.fori_loop(0, nblk, body, 0)
            plsc.subcore_barrier()
            pltpu.sync_copy(acc.at[pl.ds(r0, rpt)], out_hbm.at[cid, hout, pl.ds(r0, rpt)])

        pltpu.sync_copy(zeros_hbm.at[pl.ds(r0, rpt)], acc.at[pl.ds(r0, rpt)])
        plsc.subcore_barrier()
        run_phase(pay0_hbm, 0)
        pltpu.sync_copy(zeros_hbm.at[pl.ds(r0, rpt)], acc.at[pl.ds(r0, rpt)])
        plsc.subcore_barrier()
        run_phase(pay1_hbm, 1)

    return k(pay0, pay1, dst, zeros)




def _agg_from_partials(pp):
    n = pp.shape[2]
    num0 = pp[0, 0, :, :DH] + pp[1, 0, :, :DH]
    num1 = pp[0, 1, :, :DH] + pp[1, 1, :, :DH]
    den0 = pp[0, 0, :, DH:DH + 1] + pp[1, 0, :, DH:DH + 1] + 1e-16
    den1 = pp[0, 1, :, DH:DH + 1] + pp[1, 1, :, DH:DH + 1] + 1e-16
    return jnp.concatenate(
        [num0 / jnp.broadcast_to(den0, (n, DH)),
         num1 / jnp.broadcast_to(den1, (n, DH))], axis=1)


def _combine_body(p_ref, h_ref, wo_ref, wskip_ref, bo_ref, wq_ref,
                  hnew_ref, hq_ref):
    agg = _agg_from_partials(p_ref[...])
    hnew = jax.nn.relu(_bdot(agg, wo_ref[...]) + _bdot(h_ref[...], wskip_ref[...])
                       + bo_ref[...])
    hnew_ref[...] = hnew
    hq_ref[...] = _bdot(hnew, wq_ref[...])


def _combine_final_body(p_ref, h_ref, wo_ref, wskip_ref, bo_ref, hnew_ref):
    agg = _agg_from_partials(p_ref[...])
    hnew_ref[...] = jax.nn.relu(
        _bdot(agg, wo_ref[...]) + _bdot(h_ref[...], wskip_ref[...]) + bo_ref[...])


def _combine(partials, h, wo, wskip, bo, wq_next, BN=2000):
    grid = (N_NODES // BN,)
    full = lambda shape: pl.BlockSpec(shape, lambda i: tuple(0 for _ in shape))
    if wq_next is not None:
        return pl.pallas_call(
            _combine_body,
            grid=grid,
            in_specs=[
                pl.BlockSpec((2, H, BN, D), lambda i: (0, 0, i, 0)),
                pl.BlockSpec((BN, D), lambda i: (i, 0)),
                full((D, D)),
                full((D, D)),
                full((1, D)),
                full((D, D)),
            ],
            out_specs=[
                pl.BlockSpec((BN, D), lambda i: (i, 0)),
                pl.BlockSpec((BN, D), lambda i: (i, 0)),
            ],
            out_shape=[
                jax.ShapeDtypeStruct((N_NODES, D), jnp.float32),
                jax.ShapeDtypeStruct((N_NODES, D), jnp.float32),
            ],
        )(partials, h, wo, wskip, bo[None, :], wq_next)
    return pl.pallas_call(
        _combine_final_body,
        grid=grid,
        in_specs=[
            pl.BlockSpec((2, H, BN, D), lambda i: (0, 0, i, 0)),
            pl.BlockSpec((BN, D), lambda i: (i, 0)),
            full((D, D)),
            full((D, D)),
            full((1, D)),
        ],
        out_specs=pl.BlockSpec((BN, D), lambda i: (i, 0)),
        out_shape=jax.ShapeDtypeStruct((N_NODES, D), jnp.float32),
    )(partials, h, wo, wskip, bo[None, :])


def _node_init_body(x_ref, w1_ref, b1_ref, w2_ref, b2_ref, wq_ref,
                    h_ref, hq_ref):
    h = _bdot(jax.nn.relu(_bdot(x_ref[...], w1_ref[...]) + b1_ref[...]),
              w2_ref[...]) + b2_ref[...]
    h_ref[...] = h
    hq_ref[...] = _bdot(h, wq_ref[...])


def _node_init(x, p, BN=2000):
    grid = (N_NODES // BN,)
    full = lambda shape: pl.BlockSpec(shape, lambda i: (0, 0))
    return pl.pallas_call(
        _node_init_body,
        grid=grid,
        in_specs=[
            pl.BlockSpec((BN, NODE_DIM), lambda i: (i, 0)),
            full((NODE_DIM, D)),
            full((1, D)),
            full((D, D)),
            full((1, D)),
            full((D, D)),
        ],
        out_specs=[
            pl.BlockSpec((BN, D), lambda i: (i, 0)),
            pl.BlockSpec((BN, D), lambda i: (i, 0)),
        ],
        out_shape=[
            jax.ShapeDtypeStruct((N_NODES, D), jnp.float32),
            jax.ShapeDtypeStruct((N_NODES, D), jnp.float32),
        ],
    )(x, p["node_w1"], p["node_b1"][None, :], p["node_w2"],
      p["node_b2"][None, :], p["l0_wq"])




def _embeddings(src, dst, t, ef, node_h, hq0, p, zeros_acc):
    E = src.shape[0]
    BE = 2000
    eht = _edge_ht(ef, t, p, E, BE)
    h = node_h
    hq = hq0
    for l in range(N_LAYERS):
        gq, gs = _sc_gather(hq, h, src, dst, E)
        pay0, pay1 = _edge_payload(gq, gs, eht, p["l%d_wk" % l], p["l%d_wv" % l],
                                   E, BE)
        partials = _sc_scatter(pay0, pay1, dst, zeros_acc, E)[:, :, :N_NODES, :]
        if l + 1 < N_LAYERS:
            h, hq = _combine(partials, h, p["l%d_wo" % l], p["l%d_wskip" % l],
                             p["l%d_bo" % l], p["l%d_wq" % (l + 1)])
        else:
            h = _combine(partials, h, p["l%d_wo" % l], p["l%d_wskip" % l],
                         p["l%d_bo" % l], None)
    return h


def kernel(src_org_edge_feat, src_edge_to_time, src_center_node_idx,
           src_neigh_edge, src_node_features, current_time, label, params):
    p = params
    zeros_acc = jnp.zeros((_NPAD, D), jnp.float32)

    node_h, hq0 = _node_init(src_node_features, p)

    src_a = src_neigh_edge[:, 0]
    dst_a = src_neigh_edge[:, 1]
    emb = _embeddings(src_a, dst_a, src_edge_to_time, src_org_edge_feat,
                      node_h, hq0, p, zeros_acc)

    ne5 = src_neigh_edge.reshape(N_EDGES // 5, 5, 2)[:, 1:, :].reshape(-1, 2)
    t5 = src_edge_to_time.reshape(N_EDGES // 5, 5)[:, 1:].reshape(-1)
    ef5 = src_org_edge_feat.reshape(N_EDGES // 5, 5, EDGE_DIM)[:, 1:, :].reshape(-1, EDGE_DIM)
    emb_aug = _embeddings(ne5[:, 0], ne5[:, 1], t5, ef5,
                          node_h, hq0, p, zeros_acc)

    root = emb[src_center_node_idx]
    aug_root = emb_aug[src_center_node_idx]

    gh = jax.nn.relu(root @ p["gdn_w1"] + p["gdn_b1"])
    anom_score = gh @ p["gdn_w2"] + p["gdn_b2"]
    group = (current_time // 1000.0).astype(jnp.int32).reshape(-1, 1)
    ah = jax.nn.relu(root @ p["aff_w1"] + p["aff_b1"])
    logits = (ah @ p["aff_w2"] + p["aff_b2"]).reshape(-1)
    root_cat = jnp.concatenate([root, aug_root], axis=0)
    group2 = jnp.tile(group, (2, 1))
    dev2 = jnp.tile(jax.lax.stop_gradient(anom_score), (2, 1))
    return (logits, anom_score, current_time, root_cat, group2, dev2)

# --- scband reference (transcript-rebuilt; emitter-appended) ---
"""Pipeline reference for scband-tgat-3350074491355 (READ-ONLY COPY).

The authoritative reference and input builder live on the scoring server;
editing this copy changes nothing except your own understanding.
"""

import jax, jax.numpy as jnp
import numpy as np

N_NODES = 10000
N_EDGES = 320000
NODE_DIM = 128
EDGE_DIM = 16
D = 128
H = 2
DH = D // H
N_LAYERS = 2
B = 1024


def _lin(key, fi, fo):
    return jax.random.normal(key, (fi, fo), jnp.float32) / np.sqrt(fi)


def setup_inputs(seed: int = 0) -> dict:
    key = jax.random.key(seed)
    ks = jax.random.split(key, 64)
    inp = {}
    inp["src_org_edge_feat"] = jax.random.normal(ks[0], (N_EDGES, EDGE_DIM), jnp.float32)
    inp["src_edge_to_time"] = jax.random.uniform(ks[1], (N_EDGES,), jnp.float32) * 1e4
    inp["src_center_node_idx"] = jax.random.randint(ks[2], (B,), 0, N_NODES)
    inp["src_neigh_edge"] = jax.random.randint(ks[3], (N_EDGES, 2), 0, N_NODES)
    inp["src_node_features"] = jax.random.normal(ks[4], (N_NODES, NODE_DIM), jnp.float32)
    inp["current_time"] = jax.random.uniform(ks[5], (B,), jnp.float32) * 1e4
    inp["label"] = jax.random.randint(ks[6], (B,), 0, 2)
    p = {}
    p["time_w"] = jnp.asarray(1.0 / 10 ** np.linspace(0, 9, D), jnp.float32)
    p["time_b"] = jnp.zeros((D,), jnp.float32)
    p["node_w1"] = _lin(ks[7], NODE_DIM, D); p["node_b1"] = jnp.zeros((D,), jnp.float32)
    p["node_w2"] = _lin(ks[8], D, D); p["node_b2"] = jnp.zeros((D,), jnp.float32)
    p["edge_w1"] = _lin(ks[9], EDGE_DIM, D); p["edge_b1"] = jnp.zeros((D,), jnp.float32)
    p["edge_w2"] = _lin(ks[10], D, D); p["edge_b2"] = jnp.zeros((D,), jnp.float32)
    kk = 11
    for l in range(N_LAYERS):
        for nm in ["wq", "wk", "wv", "wo", "wskip"]:
            p["l%d_%s" % (l, nm)] = _lin(ks[kk], D, D); kk += 1
        p["l%d_bo" % l] = jnp.zeros((D,), jnp.float32)
    p["aff_w1"] = _lin(ks[kk], D, D); kk += 1
    p["aff_b1"] = jnp.zeros((D,), jnp.float32)
    p["aff_w2"] = _lin(ks[kk], D, 1); kk += 1
    p["aff_b2"] = jnp.zeros((1,), jnp.float32)
    p["gdn_w1"] = _lin(ks[kk], D, D); kk += 1
    p["gdn_b1"] = jnp.zeros((D,), jnp.float32)
    p["gdn_w2"] = _lin(ks[kk], D, 1); kk += 1
    p["gdn_b2"] = jnp.zeros((1,), jnp.float32)
    inp["params"] = p
    return inp


def _time_encode(t, p):
    return jnp.cos(t[:, None] * p["time_w"][None, :] + p["time_b"][None, :])


def _feat_process(x, w1, b1, w2, b2):
    return jax.nn.relu(x @ w1 + b1) @ w2 + b2


def _compute_temporal_embeddings(neigh_edge, edge_to_time, edge_feat_raw, node_feat_raw, p):
    node_h = _feat_process(node_feat_raw, p["node_w1"], p["node_b1"], p["node_w2"], p["node_b2"])
    edge_h = _feat_process(edge_feat_raw, p["edge_w1"], p["edge_b1"], p["edge_w2"], p["edge_b2"])
    t_emb = _time_encode(edge_to_time, p)
    src = neigh_edge[:, 0]
    dst = neigh_edge[:, 1]
    h = node_h
    for l in range(N_LAYERS):
        q = h[dst] @ p["l%d_wq" % l]
        msg = h[src] + edge_h + t_emb
        k = msg @ p["l%d_wk" % l]
        v = msg @ p["l%d_wv" % l]
        E = q.shape[0]
        qh = q.reshape(E, H, DH)
        kh = k.reshape(E, H, DH)
        vh = v.reshape(E, H, DH)
        scores = jnp.sum(qh * kh, axis=-1) / np.sqrt(DH)
        smax = jax.ops.segment_max(scores, dst, num_segments=N_NODES)
        smax = jnp.where(jnp.isfinite(smax), smax, 0.0)
        smax = jax.lax.stop_gradient(smax)
        ex = jnp.exp(scores - smax[dst])
        denom = jax.ops.segment_sum(ex, dst, num_segments=N_NODES) + 1e-16
        alpha = ex / denom[dst]
        agg = jax.ops.segment_sum(alpha[:, :, None] * vh, dst, num_segments=N_NODES).reshape(N_NODES, D)
        h = jax.nn.relu(agg @ p["l%d_wo" % l] + h @ p["l%d_wskip" % l] + p["l%d_bo" % l])
    return h


def reference(src_org_edge_feat, src_edge_to_time, src_center_node_idx, src_neigh_edge, src_node_features, current_time, label, params):
    p = params
    emb = _compute_temporal_embeddings(src_neigh_edge, src_edge_to_time, src_org_edge_feat, src_node_features, p)
    root = emb[src_center_node_idx]
    gh = jax.nn.relu(root @ p["gdn_w1"] + p["gdn_b1"])
    anom_score = gh @ p["gdn_w2"] + p["gdn_b2"]
    dev = anom_score
    group = (current_time // 1000.0).astype(jnp.int32).reshape(-1, 1)
    ah = jax.nn.relu(root @ p["aff_w1"] + p["aff_b1"])
    logits = (ah @ p["aff_w2"] + p["aff_b2"]).reshape(-1)
    keep = (np.arange(N_EDGES) % 5) != 0
    aug_edge = src_neigh_edge[keep]
    aug_t = src_edge_to_time[keep]
    aug_f = src_org_edge_feat[keep]
    aug_emb = _compute_temporal_embeddings(aug_edge, aug_t, aug_f, src_node_features, p)
    aug_root = aug_emb[src_center_node_idx]
    root_cat = jnp.concatenate([root, aug_root], axis=0)
    group2 = jnp.tile(group, (2, 1))
    dev2 = jnp.tile(jax.lax.stop_gradient(dev), (2, 1))
    return (logits, anom_score, current_time, root_cat, group2, dev2)

if __name__ == "__main__":
    import jax
    _d = setup_inputs()
    print(jax.jit(kernel)(*tuple(_d.values())))

</pallas_src>

<mosaic_0001>
#map = affine_map<(d0, d1) -> (0, 0)>
#map1 = affine_map<(d0, d1) -> (0)>
module attributes {stable_mosaic.version = 14 : i64} {
  func.func @k(%arg0: i32, %arg1: i32, %arg2: memref<10000x128xf32, #tpu.memory_space<hbm>>, %arg3: memref<10000x128xf32, #tpu.memory_space<hbm>>, %arg4: memref<256000xi32, #tpu.memory_space<hbm>>, %arg5: memref<256000xi32, #tpu.memory_space<hbm>>, %arg6: memref<256000x128xf32, #tpu.memory_space<hbm>>, %arg7: memref<256000x128xf32, #tpu.memory_space<hbm>>, %arg8: memref<80xi32, #tpu.memory_space<vmem>>, %arg9: memref<80xi32, #tpu.memory_space<vmem>>, %arg10: memref<80x128xf32, #tpu.memory_space<vmem>>, %arg11: memref<80x128xf32, #tpu.memory_space<vmem>>, %arg12: memref<!tpu.dma_semaphore, #tpu.memory_space<semaphore_mem>>, %arg13: memref<!tpu.dma_semaphore, #tpu.memory_space<semaphore_mem>>) attributes {dimension_semantics = [#tpu.dimension_semantics<core_parallel>, #tpu.dimension_semantics<subcore_parallel>], iteration_bounds = array<i64: 2, 16>, scalar_prefetch = 0 : i64, scratch_operands = 6 : i64, tpu.core_type = #tpu.core_type<sc_vector_subcore>, window_params = [{transform_indices = #map}, {transform_indices = #map}, {transform_indices = #map1}, {transform_indices = #map1}, {transform_indices = #map}, {transform_indices = #map}]} {
    %mul3A = arith.constant 2 : i32
    %mul3A_0 = arith.muli %arg1, %mul3A : i32
    %add3A = arith.addi %mul3A_0, %arg0 : i32
    %scan3A = arith.constant 0 : i32
    %scan3A_1 = arith.constant 0 : i32
    %scan3A_2 = arith.constant 100 : i32
    %scan3A_3 = arith.addi %scan3A_1, %scan3A_2 : i32
    %scan3A_4 = arith.constant 1 : i32
    scf.for %scan3A_6 = %scan3A_1 to %scan3A_3 step %scan3A_4  : i32 {
      %mul3A_7 = arith.constant 8000 : i32
      %mul3A_8 = arith.muli %add3A, %mul3A_7 : i32
      %mul3A_9 = arith.constant 80 : i32
      %mul3A_10 = arith.muli %scan3A_6, %mul3A_9 : i32
      %add3A_11 = arith.addi %mul3A_8, %mul3A_10 : i32
      "tpu.region"() ({
        %run_scoped3A = tpu.sem_alloc : memref<!tpu.dma_semaphore, #tpu.memory_space<semaphore_mem>>
        %dma_start3A_22 = tpu.memref_slice %arg5[%add3A_11] : memref<256000xi32, #tpu.memory_space<hbm>> -> memref<80xi32, #tpu.memory_space<hbm>>
        %dma_start3A_23 = tpu.memref_slice %arg5[%add3A_11] : memref<256000xi32, #tpu.memory_space<hbm>> -> memref<80xi32, #tpu.memory_space<hbm>>
        tpu.enqueue_dma source(%dma_start3A_23 : memref<80xi32, #tpu.memory_space<hbm>>) target(%arg8 : memref<80xi32, #tpu.memory_space<vmem>>) target_semaphore(%run_scoped3A : memref<!tpu.dma_semaphore, #tpu.memory_space<semaphore_mem>>)
        %dma_wait3A_24 = tpu.memref_slice %arg5[%add3A_11] : memref<256000xi32, #tpu.memory_space<hbm>> -> memref<80xi32, #tpu.memory_space<hbm>>
        %dma_wait3A_25 = tpu.memref_slice %arg5[%add3A_11] : memref<256000xi32, #tpu.memory_space<hbm>> -> memref<80xi32, #tpu.memory_space<hbm>>
        tpu.wait_dma2 semaphore(%run_scoped3A : memref<!tpu.dma_semaphore, #tpu.memory_space<semaphore_mem>>) src(%dma_wait3A_25 : memref<80xi32, #tpu.memory_space<hbm>>) dst(%arg8 : memref<80xi32, #tpu.memory_space<vmem>>)
        tpu.yield
      }) : () -> ()
      "tpu.region"() ({
        %run_scoped3A = tpu.sem_alloc : memref<!tpu.dma_semaphore, #tpu.memory_space<semaphore_mem>>
        %dma_start3A_22 = tpu.memref_slice %arg4[%add3A_11] : memref<256000xi32, #tpu.memory_space<hbm>> -> memref<80xi32, #tpu.memory_space<hbm>>
        %dma_start3A_23 = tpu.memref_slice %arg4[%add3A_11] : memref<256000xi32, #tpu.memory_space<hbm>> -> memref<80xi32, #tpu.memory_space<hbm>>
        tpu.enqueue_dma source(%dma_start3A_23 : memref<80xi32, #tpu.memory_space<hbm>>) target(%arg9 : memref<80xi32, #tpu.memory_space<vmem>>) target_semaphore(%run_scoped3A : memref<!tpu.dma_semaphore, #tpu.memory_space<semaphore_mem>>)
        %dma_wait3A_24 = tpu.memref_slice %arg4[%add3A_11] : memref<256000xi32, #tpu.memory_space<hbm>> -> memref<80xi32, #tpu.memory_space<hbm>>
        %dma_wait3A_25 = tpu.memref_slice %arg4[%add3A_11] : memref<256000xi32, #tpu.memory_space<hbm>> -> memref<80xi32, #tpu.memory_space<hbm>>
        tpu.wait_dma2 semaphore(%run_scoped3A : memref<!tpu.dma_semaphore, #tpu.memory_space<semaphore_mem>>) src(%dma_wait3A_25 : memref<80xi32, #tpu.memory_space<hbm>>) dst(%arg9 : memref<80xi32, #tpu.memory_space<vmem>>)
        tpu.yield
      }) : () -> ()
      %dma_start3A = arith.constant 0 : i32
      %dma_start3A_12 = arith.constant 0 : i32
      %dma_start3A_13 = tpu.memref_slice %arg2[%dma_start3A, %dma_start3A_12] : memref<10000x128xf32, #tpu.memory_space<hbm>> -> memref<10000x128xf32, #tpu.memory_space<hbm>>
      tpu.enqueue_indirect_dma source(%dma_start3A_13 : memref<10000x128xf32, #tpu.memory_space<hbm>>) target(%arg10 : memref<80x128xf32, #tpu.memory_space<vmem>>) offsets(%arg8 : memref<80xi32, #tpu.memory_space<vmem>>) semaphore(%arg12 : memref<!tpu.dma_semaphore, #tpu.memory_space<semaphore_mem>>)
      %dma_start3A_14 = arith.constant 0 : i32
      %dma_start3A_15 = arith.constant 0 : i32
      %dma_start3A_16 = tpu.memref_slice %arg3[%dma_start3A_14, %dma_start3A_15] : memref<10000x128xf32, #tpu.memory_space<hbm>> -> memref<10000x128xf32, #tpu.memory_space<hbm>>
      tpu.enqueue_indirect_dma source(%dma_start3A_16 : memref<10000x128xf32, #tpu.memory_space<hbm>>) target(%arg11 : memref<80x128xf32, #tpu.memory_space<vmem>>) offsets(%arg9 : memref<80xi32, #tpu.memory_space<vmem>>) semaphore(%arg13 : memref<!tpu.dma_semaphore, #tpu.memory_space<semaphore_mem>>)
      %dma_wait3A = arith.constant 0 : i32
      %dma_wait3A_17 = arith.constant 0 : i32
      %dma_wait3A_18 = tpu.memref_slice %arg2[%dma_wait3A, %dma_wait3A_17] : memref<10000x128xf32, #tpu.memory_space<hbm>> -> memref<10000x128xf32, #tpu.memory_space<hbm>>
      tpu.wait_indirect_dma semaphore(%arg12 : memref<!tpu.dma_semaphore, #tpu.memory_space<semaphore_mem>>) src(%dma_wait3A_18 : memref<10000x128xf32, #tpu.memory_space<hbm>>) dst(%arg10 : memref<80x128xf32, #tpu.memory_space<vmem>>)
      %dma_wait3A_19 = arith.constant 0 : i32
      %dma_wait3A_20 = arith.constant 0 : i32
      %dma_wait3A_21 = tpu.memref_slice %arg3[%dma_wait3A_19, %dma_wait3A_20] : memref<10000x128xf32, #tpu.memory_space<hbm>> -> memref<10000x128xf32, #tpu.memory_space<hbm>>
      tpu.wait_indirect_dma semaphore(%arg13 : memref<!tpu.dma_semaphore, #tpu.memory_space<semaphore_mem>>) src(%dma_wait3A_21 : memref<10000x128xf32, #tpu.memory_space<hbm>>) dst(%arg11 : memref<80x128xf32, #tpu.memory_space<vmem>>)
      "tpu.region"() ({
        %run_scoped3A = tpu.sem_alloc : memref<!tpu.dma_semaphore, #tpu.memory_space<semaphore_mem>>
        %dma_start3A_22 = arith.constant 0 : i32
        %dma_start3A_23 = tpu.memref_slice %arg6[%add3A_11, %dma_start3A_22] : memref<256000x128xf32, #tpu.memory_space<hbm>> -> memref<80x128xf32, #tpu.memory_space<hbm>>
        %dma_start3A_24 = arith.constant 0 : i32
        %dma_start3A_25 = tpu.memref_slice %arg6[%add3A_11, %dma_start3A_24] : memref<256000x128xf32, #tpu.memory_space<hbm>> -> memref<80x128xf32, #tpu.memory_space<hbm>>
        tpu.enqueue_dma source(%arg10 : memref<80x128xf32, #tpu.memory_space<vmem>>) target(%dma_start3A_25 : memref<80x128xf32, #tpu.memory_space<hbm>>) target_semaphore(%run_scoped3A : memref<!tpu.dma_semaphore, #tpu.memory_space<semaphore_mem>>)
        %dma_wait3A_26 = arith.constant 0 : i32
        %dma_wait3A_27 = tpu.memref_slice %arg6[%add3A_11, %dma_wait3A_26] : memref<256000x128xf32, #tpu.memory_space<hbm>> -> memref<80x128xf32, #tpu.memory_space<hbm>>
        %dma_wait3A_28 = arith.constant 0 : i32
        %dma_wait3A_29 = tpu.memref_slice %arg6[%add3A_11, %dma_wait3A_28] : memref<256000x128xf32, #tpu.memory_space<hbm>> -> memref<80x128xf32, #tpu.memory_space<hbm>>
        tpu.wait_dma2 semaphore(%run_scoped3A : memref<!tpu.dma_semaphore, #tpu.memory_space<semaphore_mem>>) src(%arg10 : memref<80x128xf32, #tpu.memory_space<vmem>>) dst(%dma_wait3A_29 : memref<80x128xf32, #tpu.memory_space<hbm>>)
        tpu.yield
      }) : () -> ()
      "tpu.region"() ({
        %run_scoped3A = tpu.sem_alloc : memref<!tpu.dma_semaphore, #tpu.memory_space<semaphore_mem>>
        %dma_start3A_22 = arith.constant 0 : i32
        %dma_start3A_23 = tpu.memref_slice %arg7[%add3A_11, %dma_start3A_22] : memref<256000x128xf32, #tpu.memory_space<hbm>> -> memref<80x128xf32, #tpu.memory_space<hbm>>
        %dma_start3A_24 = arith.constant 0 : i32
        %dma_start3A_25 = tpu.memref_slice %arg7[%add3A_11, %dma_start3A_24] : memref<256000x128xf32, #tpu.memory_space<hbm>> -> memref<80x128xf32, #tpu.memory_space<hbm>>
        tpu.enqueue_dma source(%arg11 : memref<80x128xf32, #tpu.memory_space<vmem>>) target(%dma_start3A_25 : memref<80x128xf32, #tpu.memory_space<hbm>>) target_semaphore(%run_scoped3A : memref<!tpu.dma_semaphore, #tpu.memory_space<semaphore_mem>>)
        %dma_wait3A_26 = arith.constant 0 : i32
        %dma_wait3A_27 = tpu.memref_slice %arg7[%add3A_11, %dma_wait3A_26] : memref<256000x128xf32, #tpu.memory_space<hbm>> -> memref<80x128xf32, #tpu.memory_space<hbm>>
        %dma_wait3A_28 = arith.constant 0 : i32
        %dma_wait3A_29 = tpu.memref_slice %arg7[%add3A_11, %dma_wait3A_28] : memref<256000x128xf32, #tpu.memory_space<hbm>> -> memref<80x128xf32, #tpu.memory_space<hbm>>
        tpu.wait_dma2 semaphore(%run_scoped3A : memref<!tpu.dma_semaphore, #tpu.memory_space<semaphore_mem>>) src(%arg11 : memref<80x128xf32, #tpu.memory_space<vmem>>) dst(%dma_wait3A_29 : memref<80x128xf32, #tpu.memory_space<hbm>>)
        tpu.yield
      }) : () -> ()
    }
    %scan3A_5 = arith.constant 100 : i32
    return
  }
}

#map = affine_map<(d0, d1) -> (0, 0)>
#map1 = affine_map<(d0, d1) -> (0)>
#map2 = affine_map<(d0, d1) -> (0, 0, 0, 0)>
module attributes {stable_mosaic.version = 14 : i64} {
  func.func @k(%arg0: i32, %arg1: i32, %arg2: memref<320000x128xf32, #tpu.memory_space<hbm>>, %arg3: memref<320000x128xf32, #tpu.memory_space<hbm>>, %arg4: memref<320000xi32, #tpu.memory_space<hbm>>, %arg5: memref<10112x128xf32, #tpu.memory_space<hbm>>, %arg6: memref<2x2x10112x128xf32, #tpu.memory_space<hbm>>, %arg7: memref<80xi32, #tpu.memory_space<vmem>>, %arg8: memref<80x128xf32, #tpu.memory_space<vmem>>, %arg9: memref<10112x128xf32, #tpu.memory_space<vmem_shared>>) attributes {dimension_semantics = [#tpu.dimension_semantics<core_parallel>, #tpu.dimension_semantics<subcore_parallel>], iteration_bounds = array<i64: 2, 16>, scalar_prefetch = 0 : i64, scratch_operands = 3 : i64, tpu.core_type = #tpu.core_type<sc_vector_subcore>, window_params = [{transform_indices = #map}, {transform_indices = #map}, {transform_indices = #map1}, {transform_indices = #map}, {transform_indices = #map2}]} {
    %mul3A = arith.constant 2 : i32
    %mul3A_0 = arith.muli %arg1, %mul3A : i32
    %add3A = arith.addi %mul3A_0, %arg0 : i32
    %mul3A_1 = arith.constant 632 : i32
    %mul3A_2 = arith.muli %arg1, %mul3A_1 : i32
    "tpu.region"() ({
      %run_scoped3A_18 = tpu.sem_alloc : memref<!tpu.dma_semaphore, #tpu.memory_space<semaphore_mem>>
      %dma_start3A = arith.constant 0 : i32
      %dma_start3A_19 = tpu.memref_slice %arg9[%mul3A_2, %dma_start3A] : memref<10112x128xf32, #tpu.memory_space<vmem_shared>> -> memref<632x128xf32, #tpu.memory_space<vmem_shared>>
      %dma_start3A_20 = arith.constant 0 : i32
      %dma_start3A_21 = tpu.memref_slice %arg5[%mul3A_2, %dma_start3A_20] : memref<10112x128xf32, #tpu.memory_space<hbm>> -> memref<632x128xf32, #tpu.memory_space<hbm>>
      tpu.enqueue_dma source(%dma_start3A_21 : memref<632x128xf32, #tpu.memory_space<hbm>>) target(%dma_start3A_19 : memref<632x128xf32, #tpu.memory_space<vmem_shared>>) target_semaphore(%run_scoped3A_18 : memref<!tpu.dma_semaphore, #tpu.memory_space<semaphore_mem>>)
      %dma_wait3A = arith.constant 0 : i32
      %dma_wait3A_22 = tpu.memref_slice %arg9[%mul3A_2, %dma_wait3A] : memref<10112x128xf32, #tpu.memory_space<vmem_shared>> -> memref<632x128xf32, #tpu.memory_space<vmem_shared>>
      %dma_wait3A_23 = arith.constant 0 : i32
      %dma_wait3A_24 = tpu.memref_slice %arg5[%mul3A_2, %dma_wait3A_23] : memref<10112x128xf32, #tpu.memory_space<hbm>> -> memref<632x128xf32, #tpu.memory_space<hbm>>
      tpu.wait_dma2 semaphore(%run_scoped3A_18 : memref<!tpu.dma_semaphore, #tpu.memory_space<semaphore_mem>>) src(%dma_wait3A_24 : memref<632x128xf32, #tpu.memory_space<hbm>>) dst(%dma_wait3A_22 : memref<632x128xf32, #tpu.memory_space<vmem_shared>>)
      tpu.yield
    }) : () -> ()
    %barrier3A = arith.constant 0 : index
    tpu.barrier barrier_id(%barrier3A)
    %scan3A = arith.constant 0 : i32
    %scan3A_3 = arith.constant 0 : i32
    %scan3A_4 = arith.constant 125 : i32
    %scan3A_5 = arith.addi %scan3A_3, %scan3A_4 : i32
    %scan3A_6 = arith.constant 1 : i32
    scf.for %scan3A_18 = %scan3A_3 to %scan3A_5 step %scan3A_6  : i32 {
      %mul3A_19 = arith.constant 10000 : i32
      %mul3A_20 = arith.muli %add3A, %mul3A_19 : i32
      %mul3A_21 = arith.constant 80 : i32
      %mul3A_22 = arith.muli %scan3A_18, %mul3A_21 : i32
      %add3A_23 = arith.addi %mul3A_20, %mul3A_22 : i32
      "tpu.region"() ({
        %run_scoped3A_24 = tpu.sem_alloc : memref<!tpu.dma_semaphore, #tpu.memory_space<semaphore_mem>>
        %dma_start3A = tpu.memref_slice %arg4[%add3A_23] : memref<320000xi32, #tpu.memory_space<hbm>> -> memref<80xi32, #tpu.memory_space<hbm>>
        %dma_start3A_25 = tpu.memref_slice %arg4[%add3A_23] : memref<320000xi32, #tpu.memory_space<hbm>> -> memref<80xi32, #tpu.memory_space<hbm>>
        tpu.enqueue_dma source(%dma_start3A_25 : memref<80xi32, #tpu.memory_space<hbm>>) target(%arg7 : memref<80xi32, #tpu.memory_space<vmem>>) target_semaphore(%run_scoped3A_24 : memref<!tpu.dma_semaphore, #tpu.memory_space<semaphore_mem>>)
        %dma_wait3A = tpu.memref_slice %arg4[%add3A_23] : memref<320000xi32, #tpu.memory_space<hbm>> -> memref<80xi32, #tpu.memory_space<hbm>>
        %dma_wait3A_26 = tpu.memref_slice %arg4[%add3A_23] : memref<320000xi32, #tpu.memory_space<hbm>> -> memref<80xi32, #tpu.memory_space<hbm>>
        tpu.wait_dma2 semaphore(%run_scoped3A_24 : memref<!tpu.dma_semaphore, #tpu.memory_space<semaphore_mem>>) src(%dma_wait3A_26 : memref<80xi32, #tpu.memory_space<hbm>>) dst(%arg7 : memref<80xi32, #tpu.memory_space<vmem>>)
        tpu.yield
      }) : () -> ()
      "tpu.region"() ({
        %run_scoped3A_24 = tpu.sem_alloc : memref<!tpu.dma_semaphore, #tpu.memory_space<semaphore_mem>>
        %dma_start3A = arith.constant 0 : i32
        %dma_start3A_25 = tpu.memref_slice %arg2[%add3A_23, %dma_start3A] : memref<320000x128xf32, #tpu.memory_space<hbm>> -> memref<80x128xf32, #tpu.memory_space<hbm>>
        %dma_start3A_26 = arith.constant 0 : i32
        %dma_start3A_27 = tpu.memref_slice %arg2[%add3A_23, %dma_start3A_26] : memref<320000x128xf32, #tpu.memory_space<hbm>> -> memref<80x128xf32, #tpu.memory_space<hbm>>
        tpu.enqueue_dma source(%dma_start3A_27 : memref<80x128xf32, #tpu.memory_space<hbm>>) target(%arg8 : memref<80x128xf32, #tpu.memory_space<vmem>>) target_semaphore(%run_scoped3A_24 : memref<!tpu.dma_semaphore, #tpu.memory_space<semaphore_mem>>)
        %dma_wait3A = arith.constant 0 : i32
        %dma_wait3A_28 = tpu.memref_slice %arg2[%add3A_23, %dma_wait3A] : memref<320000x128xf32, #tpu.memory_space<hbm>> -> memref<80x128xf32, #tpu.memory_space<hbm>>
        %dma_wait3A_29 = arith.constant 0 : i32
        %dma_wait3A_30 = tpu.memref_slice %arg2[%add3A_23, %dma_wait3A_29] : memref<320000x128xf32, #tpu.memory_space<hbm>> -> memref<80x128xf32, #tpu.memory_space<hbm>>
        tpu.wait_dma2 semaphore(%run_scoped3A_24 : memref<!tpu.dma_semaphore, #tpu.memory_space<semaphore_mem>>) src(%dma_wait3A_30 : memref<80x128xf32, #tpu.memory_space<hbm>>) dst(%arg8 : memref<80x128xf32, #tpu.memory_space<vmem>>)
        tpu.yield
      }) : () -> ()
      "tpu.region"() ({
        %run_scoped3A_24 = tpu.sem_alloc : memref<!tpu.dma_semaphore, #tpu.memory_space<semaphore_mem>>
        %dma_start3A = arith.constant 0 : i32
        %dma_start3A_25 = arith.constant 0 : i32
        %dma_start3A_26 = tpu.memref_slice %arg9[%dma_start3A, %dma_start3A_25] : memref<10112x128xf32, #tpu.memory_space<vmem_shared>> -> memref<10112x128xf32, #tpu.memory_space<vmem_shared>>
        tpu.enqueue_indirect_dma source(%arg8 : memref<80x128xf32, #tpu.memory_space<vmem>>) target(%dma_start3A_26 : memref<10112x128xf32, #tpu.memory_space<vmem_shared>>) offsets(%arg7 : memref<80xi32, #tpu.memory_space<vmem>>) semaphore(%run_scoped3A_24 : memref<!tpu.dma_semaphore, #tpu.memory_space<semaphore_mem>>) {add = true}
        %dma_wait3A = arith.constant 0 : i32
        %dma_wait3A_27 = arith.constant 0 : i32
        %dma_wait3A_28 = tpu.memref_slice %arg9[%dma_wait3A, %dma_wait3A_27] : memref<10112x128xf32, #tpu.memory_space<vmem_shared>> -> memref<10112x128xf32, #tpu.memory_space<vmem_shared>>
        tpu.wait_indirect_dma semaphore(%run_scoped3A_24 : memref<!tpu.dma_semaphore, #tpu.memory_space<semaphore_mem>>) src(%arg8 : memref<80x128xf32, #tpu.memory_space<vmem>>) dst(%dma_wait3A_28 : memref<10112x128xf32, #tpu.memory_space<vmem_shared>>)
        tpu.yield
      }) : () -> ()
    }
    %scan3A_7 = arith.constant 125 : i32
    %barrier3A_8 = arith.constant 0 : index
    tpu.barrier barrier_id(%barrier3A_8)
    %run_scoped3A = arith.constant 0 : i32
    "tpu.region"() ({
      %run_scoped3A_18 = tpu.sem_alloc : memref<!tpu.dma_semaphore, #tpu.memory_space<semaphore_mem>>
      %dma_start3A = arith.constant 0 : i32
      %dma_start3A_19 = tpu.memref_slice %arg6[%arg0, %run_scoped3A, %mul3A_2, %dma_start3A] : memref<2x2x10112x128xf32, #tpu.memory_space<hbm>> -> memref<1x1x632x128xf32, #tpu.memory_space<hbm>>
      %dma_start3A_20 = tpu.memref_squeeze %dma_start3A_19 : memref<1x1x632x128xf32, #tpu.memory_space<hbm>> -> memref<632x128xf32, #tpu.memory_space<hbm>>
      %dma_start3A_21 = arith.constant 0 : i32
      %dma_start3A_22 = tpu.memref_slice %arg9[%mul3A_2, %dma_start3A_21] : memref<10112x128xf32, #tpu.memory_space<vmem_shared>> -> memref<632x128xf32, #tpu.memory_space<vmem_shared>>
      tpu.enqueue_dma source(%dma_start3A_22 : memref<632x128xf32, #tpu.memory_space<vmem_shared>>) target(%dma_start3A_20 : memref<632x128xf32, #tpu.memory_space<hbm>>) target_semaphore(%run_scoped3A_18 : memref<!tpu.dma_semaphore, #tpu.memory_space<semaphore_mem>>)
      %dma_wait3A = arith.constant 0 : i32
      %dma_wait3A_23 = tpu.memref_slice %arg6[%arg0, %run_scoped3A, %mul3A_2, %dma_wait3A] : memref<2x2x10112x128xf32, #tpu.memory_space<hbm>> -> memref<1x1x632x128xf32, #tpu.memory_space<hbm>>
      %dma_wait3A_24 = tpu.memref_squeeze %dma_wait3A_23 : memref<1x1x632x128xf32, #tpu.memory_space<hbm>> -> memref<632x128xf32, #tpu.memory_space<hbm>>
      %dma_wait3A_25 = arith.constant 0 : i32
      %dma_wait3A_26 = tpu.memref_slice %arg9[%mul3A_2, %dma_wait3A_25] : memref<10112x128xf32, #tpu.memory_space<vmem_shared>> -> memref<632x128xf32, #tpu.memory_space<vmem_shared>>
      tpu.wait_dma2 semaphore(%run_scoped3A_18 : memref<!tpu.dma_semaphore, #tpu.memory_space<semaphore_mem>>) src(%dma_wait3A_26 : memref<632x128xf32, #tpu.memory_space<vmem_shared>>) dst(%dma_wait3A_24 : memref<632x128xf32, #tpu.memory_space<hbm>>)
      tpu.yield
    }) : () -> ()
    "tpu.region"() ({
      %run_scoped3A_18 = tpu.sem_alloc : memref<!tpu.dma_semaphore, #tpu.memory_space<semaphore_mem>>
      %dma_start3A = arith.constant 0 : i32
      %dma_start3A_19 = tpu.memref_slice %arg9[%mul3A_2, %dma_start3A] : memref<10112x128xf32, #tpu.memory_space<vmem_shared>> -> memref<632x128xf32, #tpu.memory_space<vmem_shared>>
      %dma_start3A_20 = arith.constant 0 : i32
      %dma_start3A_21 = tpu.memref_slice %arg5[%mul3A_2, %dma_start3A_20] : memref<10112x128xf32, #tpu.memory_space<hbm>> -> memref<632x128xf32, #tpu.memory_space<hbm>>
      tpu.enqueue_dma source(%dma_start3A_21 : memref<632x128xf32, #tpu.memory_space<hbm>>) target(%dma_start3A_19 : memref<632x128xf32, #tpu.memory_space<vmem_shared>>) target_semaphore(%run_scoped3A_18 : memref<!tpu.dma_semaphore, #tpu.memory_space<semaphore_mem>>)
      %dma_wait3A = arith.constant 0 : i32
      %dma_wait3A_22 = tpu.memref_slice %arg9[%mul3A_2, %dma_wait3A] : memref<10112x128xf32, #tpu.memory_space<vmem_shared>> -> memref<632x128xf32, #tpu.memory_space<vmem_shared>>
      %dma_wait3A_23 = arith.constant 0 : i32
      %dma_wait3A_24 = tpu.memref_slice %arg5[%mul3A_2, %dma_wait3A_23] : memref<10112x128xf32, #tpu.memory_space<hbm>> -> memref<632x128xf32, #tpu.memory_space<hbm>>
      tpu.wait_dma2 semaphore(%run_scoped3A_18 : memref<!tpu.dma_semaphore, #tpu.memory_space<semaphore_mem>>) src(%dma_wait3A_24 : memref<632x128xf32, #tpu.memory_space<hbm>>) dst(%dma_wait3A_22 : memref<632x128xf32, #tpu.memory_space<vmem_shared>>)
      tpu.yield
    }) : () -> ()
    %barrier3A_9 = arith.constant 0 : index
    tpu.barrier barrier_id(%barrier3A_9)
    %scan3A_10 = arith.constant 0 : i32
    %scan3A_11 = arith.constant 0 : i32
    %scan3A_12 = arith.constant 125 : i32
    %scan3A_13 = arith.addi %scan3A_11, %scan3A_12 : i32
    %scan3A_14 = arith.constant 1 : i32
    scf.for %scan3A_18 = %scan3A_11 to %scan3A_13 step %scan3A_14  : i32 {
      %mul3A_19 = arith.constant 10000 : i32
      %mul3A_20 = arith.muli %add3A, %mul3A_19 : i32
      %mul3A_21 = arith.constant 80 : i32
      %mul3A_22 = arith.muli %scan3A_18, %mul3A_21 : i32
      %add3A_23 = arith.addi %mul3A_20, %mul3A_22 : i32
      "tpu.region"() ({
        %run_scoped3A_24 = tpu.sem_alloc : memref<!tpu.dma_semaphore, #tpu.memory_space<semaphore_mem>>
        %dma_start3A = tpu.memref_slice %arg4[%add3A_23] : memref<320000xi32, #tpu.memory_space<hbm>> -> memref<80xi32, #tpu.memory_space<hbm>>
        %dma_start3A_25 = tpu.memref_slice %arg4[%add3A_23] : memref<320000xi32, #tpu.memory_space<hbm>> -> memref<80xi32, #tpu.memory_space<hbm>>
        tpu.enqueue_dma source(%dma_start3A_25 : memref<80xi32, #tpu.memory_space<hbm>>) target(%arg7 : memref<80xi32, #tpu.memory_space<vmem>>) target_semaphore(%run_scoped3A_24 : memref<!tpu.dma_semaphore, #tpu.memory_space<semaphore_mem>>)
        %dma_wait3A = tpu.memref_slice %arg4[%add3A_23] : memref<320000xi32, #tpu.memory_space<hbm>> -> memref<80xi32, #tpu.memory_space<hbm>>
        %dma_wait3A_26 = tpu.memref_slice %arg4[%add3A_23] : memref<320000xi32, #tpu.memory_space<hbm>> -> memref<80xi32, #tpu.memory_space<hbm>>
        tpu.wait_dma2 semaphore(%run_scoped3A_24 : memref<!tpu.dma_semaphore, #tpu.memory_space<semaphore_mem>>) src(%dma_wait3A_26 : memref<80xi32, #tpu.memory_space<hbm>>) dst(%arg7 : memref<80xi32, #tpu.memory_space<vmem>>)
        tpu.yield
      }) : () -> ()
      "tpu.region"() ({
        %run_scoped3A_24 = tpu.sem_alloc : memref<!tpu.dma_semaphore, #tpu.memory_space<semaphore_mem>>
        %dma_start3A = arith.constant 0 : i32
        %dma_start3A_25 = tpu.memref_slice %arg3[%add3A_23, %dma_start3A] : memref<320000x128xf32, #tpu.memory_space<hbm>> -> memref<80x128xf32, #tpu.memory_space<hbm>>
        %dma_start3A_26 = arith.constant 0 : i32
        %dma_start3A_27 = tpu.memref_slice %arg3[%add3A_23, %dma_start3A_26] : memref<320000x128xf32, #tpu.memory_space<hbm>> -> memref<80x128xf32, #tpu.memory_space<hbm>>
        tpu.enqueue_dma source(%dma_start3A_27 : memref<80x128xf32, #tpu.memory_space<hbm>>) target(%arg8 : memref<80x128xf32, #tpu.memory_space<vmem>>) target_semaphore(%run_scoped3A_24 : memref<!tpu.dma_semaphore, #tpu.memory_space<semaphore_mem>>)
        %dma_wait3A = arith.constant 0 : i32
        %dma_wait3A_28 = tpu.memref_slice %arg3[%add3A_23, %dma_wait3A] : memref<320000x128xf32, #tpu.memory_space<hbm>> -> memref<80x128xf32, #tpu.memory_space<hbm>>
        %dma_wait3A_29 = arith.constant 0 : i32
        %dma_wait3A_30 = tpu.memref_slice %arg3[%add3A_23, %dma_wait3A_29] : memref<320000x128xf32, #tpu.memory_space<hbm>> -> memref<80x128xf32, #tpu.memory_space<hbm>>
        tpu.wait_dma2 semaphore(%run_scoped3A_24 : memref<!tpu.dma_semaphore, #tpu.memory_space<semaphore_mem>>) src(%dma_wait3A_30 : memref<80x128xf32, #tpu.memory_space<hbm>>) dst(%arg8 : memref<80x128xf32, #tpu.memory_space<vmem>>)
        tpu.yield
      }) : () -> ()
      "tpu.region"() ({
        %run_scoped3A_24 = tpu.sem_alloc : memref<!tpu.dma_semaphore, #tpu.memory_space<semaphore_mem>>
        %dma_start3A = arith.constant 0 : i32
        %dma_start3A_25 = arith.constant 0 : i32
        %dma_start3A_26 = tpu.memref_slice %arg9[%dma_start3A, %dma_start3A_25] : memref<10112x128xf32, #tpu.memory_space<vmem_shared>> -> memref<10112x128xf32, #tpu.memory_space<vmem_shared>>
        tpu.enqueue_indirect_dma source(%arg8 : memref<80x128xf32, #tpu.memory_space<vmem>>) target(%dma_start3A_26 : memref<10112x128xf32, #tpu.memory_space<vmem_shared>>) offsets(%arg7 : memref<80xi32, #tpu.memory_space<vmem>>) semaphore(%run_scoped3A_24 : memref<!tpu.dma_semaphore, #tpu.memory_space<semaphore_mem>>) {add = true}
        %dma_wait3A = arith.constant 0 : i32
        %dma_wait3A_27 = arith.constant 0 : i32
        %dma_wait3A_28 = tpu.memref_slice %arg9[%dma_wait3A, %dma_wait3A_27] : memref<10112x128xf32, #tpu.memory_space<vmem_shared>> -> memref<10112x128xf32, #tpu.memory_space<vmem_shared>>
        tpu.wait_indirect_dma semaphore(%run_scoped3A_24 : memref<!tpu.dma_semaphore, #tpu.memory_space<semaphore_mem>>) src(%arg8 : memref<80x128xf32, #tpu.memory_space<vmem>>) dst(%dma_wait3A_28 : memref<10112x128xf32, #tpu.memory_space<vmem_shared>>)
        tpu.yield
      }) : () -> ()
    }
    %scan3A_15 = arith.constant 125 : i32
    %barrier3A_16 = arith.constant 0 : index
    tpu.barrier barrier_id(%barrier3A_16)
    %run_scoped3A_17 = arith.constant 1 : i32
    "tpu.region"() ({
      %run_scoped3A_18 = tpu.sem_alloc : memref<!tpu.dma_semaphore, #tpu.memory_space<semaphore_mem>>
      %dma_start3A = arith.constant 0 : i32
      %dma_start3A_19 = tpu.memref_slice %arg6[%arg0, %run_scoped3A_17, %mul3A_2, %dma_start3A] : memref<2x2x10112x128xf32, #tpu.memory_space<hbm>> -> memref<1x1x632x128xf32, #tpu.memory_space<hbm>>
      %dma_start3A_20 = tpu.memref_squeeze %dma_start3A_19 : memref<1x1x632x128xf32, #tpu.memory_space<hbm>> -> memref<632x128xf32, #tpu.memory_space<hbm>>
      %dma_start3A_21 = arith.constant 0 : i32
      %dma_start3A_22 = tpu.memref_slice %arg9[%mul3A_2, %dma_start3A_21] : memref<10112x128xf32, #tpu.memory_space<vmem_shared>> -> memref<632x128xf32, #tpu.memory_space<vmem_shared>>
      tpu.enqueue_dma source(%dma_start3A_22 : memref<632x128xf32, #tpu.memory_space<vmem_shared>>) target(%dma_start3A_20 : memref<632x128xf32, #tpu.memory_space<hbm>>) target_semaphore(%run_scoped3A_18 : memref<!tpu.dma_semaphore, #tpu.memory_space<semaphore_mem>>)
      %dma_wait3A = arith.constant 0 : i32
      %dma_wait3A_23 = tpu.memref_slice %arg6[%arg0, %run_scoped3A_17, %mul3A_2, %dma_wait3A] : memref<2x2x10112x128xf32, #tpu.memory_space<hbm>> -> memref<1x1x632x128xf32, #tpu.memory_space<hbm>>
      %dma_wait3A_24 = tpu.memref_squeeze %dma_wait3A_23 : memref<1x1x632x128xf32, #tpu.memory_space<hbm>> -> memref<632x128xf32, #tpu.memory_space<hbm>>
      %dma_wait3A_25 = arith.constant 0 : i32
      %dma_wait3A_26 = tpu.memref_slice %arg9[%mul3A_2, %dma_wait3A_25] : memref<10112x128xf32, #tpu.memory_space<vmem_shared>> -> memref<632x128xf32, #tpu.memory_space<vmem_shared>>
      tpu.wait_dma2 semaphore(%run_scoped3A_18 : memref<!tpu.dma_semaphore, #tpu.memory_space<semaphore_mem>>) src(%dma_wait3A_26 : memref<632x128xf32, #tpu.memory_space<vmem_shared>>) dst(%dma_wait3A_24 : memref<632x128xf32, #tpu.memory_space<hbm>>)
      tpu.yield
    }) : () -> ()
    return
  }
}

#map = affine_map<(d0, d1) -> (0, 0)>
#map1 = affine_map<(d0, d1) -> (0)>
module attributes {stable_mosaic.version = 14 : i64} {
  func.func @k(%arg0: i32, %arg1: i32, %arg2: memref<10000x128xf32, #tpu.memory_space<hbm>>, %arg3: memref<10000x128xf32, #tpu.memory_space<hbm>>, %arg4: memref<320000xi32, #tpu.memory_space<hbm>>, %arg5: memref<320000xi32, #tpu.memory_space<hbm>>, %arg6: memref<320000x128xf32, #tpu.memory_space<hbm>>, %arg7: memref<320000x128xf32, #tpu.memory_space<hbm>>, %arg8: memref<80xi32, #tpu.memory_space<vmem>>, %arg9: memref<80xi32, #tpu.memory_space<vmem>>, %arg10: memref<80x128xf32, #tpu.memory_space<vmem>>, %arg11: memref<80x128xf32, #tpu.memory_space<vmem>>, %arg12: memref<!tpu.dma_semaphore, #tpu.memory_space<semaphore_mem>>, %arg13: memref<!tpu.dma_semaphore, #tpu.memory_space<semaphore_mem>>) attributes {dimension_semantics = [#tpu.dimension_semantics<core_parallel>, #tpu.dimension_semantics<subcore_parallel>], iteration_bounds = array<i64: 2, 16>, scalar_prefetch = 0 : i64, scratch_operands = 6 : i64, tpu.core_type = #tpu.core_type<sc_vector_subcore>, window_params = [{transform_indices = #map}, {transform_indices = #map}, {transform_indices = #map1}, {transform_indices = #map1}, {transform_indices = #map}, {transform_indices = #map}]} {
    %mul3A = arith.constant 2 : i32
    %mul3A_0 = arith.muli %arg1, %mul3A : i32
    %add3A = arith.addi %mul3A_0, %arg0 : i32
    %scan3A = arith.constant 0 : i32
    %scan3A_1 = arith.constant 0 : i32
    %scan3A_2 = arith.constant 125 : i32
    %scan3A_3 = arith.addi %scan3A_1, %scan3A_2 : i32
    %scan3A_4 = arith.constant 1 : i32
    scf.for %scan3A_6 = %scan3A_1 to %scan3A_3 step %scan3A_4  : i32 {
      %mul3A_7 = arith.constant 10000 : i32
      %mul3A_8 = arith.muli %add3A, %mul3A_7 : i32
      %mul3A_9 = arith.constant 80 : i32
      %mul3A_10 = arith.muli %scan3A_6, %mul3A_9 : i32
      %add3A_11 = arith.addi %mul3A_8, %mul3A_10 : i32
      "tpu.region"() ({
        %run_scoped3A = tpu.sem_alloc : memref<!tpu.dma_semaphore, #tpu.memory_space<semaphore_mem>>
        %dma_start3A_22 = tpu.memref_slice %arg5[%add3A_11] : memref<320000xi32, #tpu.memory_space<hbm>> -> memref<80xi32, #tpu.memory_space<hbm>>
        %dma_start3A_23 = tpu.memref_slice %arg5[%add3A_11] : memref<320000xi32, #tpu.memory_space<hbm>> -> memref<80xi32, #tpu.memory_space<hbm>>
        tpu.enqueue_dma source(%dma_start3A_23 : memref<80xi32, #tpu.memory_space<hbm>>) target(%arg8 : memref<80xi32, #tpu.memory_space<vmem>>) target_semaphore(%run_scoped3A : memref<!tpu.dma_semaphore, #tpu.memory_space<semaphore_mem>>)
        %dma_wait3A_24 = tpu.memref_slice %arg5[%add3A_11] : memref<320000xi32, #tpu.memory_space<hbm>> -> memref<80xi32, #tpu.memory_space<hbm>>
        %dma_wait3A_25 = tpu.memref_slice %arg5[%add3A_11] : memref<320000xi32, #tpu.memory_space<hbm>> -> memref<80xi32, #tpu.memory_space<hbm>>
        tpu.wait_dma2 semaphore(%run_scoped3A : memref<!tpu.dma_semaphore, #tpu.memory_space<semaphore_mem>>) src(%dma_wait3A_25 : memref<80xi32, #tpu.memory_space<hbm>>) dst(%arg8 : memref<80xi32, #tpu.memory_space<vmem>>)
        tpu.yield
      }) : () -> ()
      "tpu.region"() ({
        %run_scoped3A = tpu.sem_alloc : memref<!tpu.dma_semaphore, #tpu.memory_space<semaphore_mem>>
        %dma_start3A_22 = tpu.memref_slice %arg4[%add3A_11] : memref<320000xi32, #tpu.memory_space<hbm>> -> memref<80xi32, #tpu.memory_space<hbm>>
        %dma_start3A_23 = tpu.memref_slice %arg4[%add3A_11] : memref<320000xi32, #tpu.memory_space<hbm>> -> memref<80xi32, #tpu.memory_space<hbm>>
        tpu.enqueue_dma source(%dma_start3A_23 : memref<80xi32, #tpu.memory_space<hbm>>) target(%arg9 : memref<80xi32, #tpu.memory_space<vmem>>) target_semaphore(%run_scoped3A : memref<!tpu.dma_semaphore, #tpu.memory_space<semaphore_mem>>)
        %dma_wait3A_24 = tpu.memref_slice %arg4[%add3A_11] : memref<320000xi32, #tpu.memory_space<hbm>> -> memref<80xi32, #tpu.memory_space<hbm>>
        %dma_wait3A_25 = tpu.memref_slice %arg4[%add3A_11] : memref<320000xi32, #tpu.memory_space<hbm>> -> memref<80xi32, #tpu.memory_space<hbm>>
        tpu.wait_dma2 semaphore(%run_scoped3A : memref<!tpu.dma_semaphore, #tpu.memory_space<semaphore_mem>>) src(%dma_wait3A_25 : memref<80xi32, #tpu.memory_space<hbm>>) dst(%arg9 : memref<80xi32, #tpu.memory_space<vmem>>)
        tpu.yield
      }) : () -> ()
      %dma_start3A = arith.constant 0 : i32
      %dma_start3A_12 = arith.constant 0 : i32
      %dma_start3A_13 = tpu.memref_slice %arg2[%dma_start3A, %dma_start3A_12] : memref<10000x128xf32, #tpu.memory_space<hbm>> -> memref<10000x128xf32, #tpu.memory_space<hbm>>
      tpu.enqueue_indirect_dma source(%dma_start3A_13 : memref<10000x128xf32, #tpu.memory_space<hbm>>) target(%arg10 : memref<80x128xf32, #tpu.memory_space<vmem>>) offsets(%arg8 : memref<80xi32, #tpu.memory_space<vmem>>) semaphore(%arg12 : memref<!tpu.dma_semaphore, #tpu.memory_space<semaphore_mem>>)
      %dma_start3A_14 = arith.constant 0 : i32
      %dma_start3A_15 = arith.constant 0 : i32
      %dma_start3A_16 = tpu.memref_slice %arg3[%dma_start3A_14, %dma_start3A_15] : memref<10000x128xf32, #tpu.memory_space<hbm>> -> memref<10000x128xf32, #tpu.memory_space<hbm>>
      tpu.enqueue_indirect_dma source(%dma_start3A_16 : memref<10000x128xf32, #tpu.memory_space<hbm>>) target(%arg11 : memref<80x128xf32, #tpu.memory_space<vmem>>) offsets(%arg9 : memref<80xi32, #tpu.memory_space<vmem>>) semaphore(%arg13 : memref<!tpu.dma_semaphore, #tpu.memory_space<semaphore_mem>>)
      %dma_wait3A = arith.constant 0 : i32
      %dma_wait3A_17 = arith.constant 0 : i32
      %dma_wait3A_18 = tpu.memref_slice %arg2[%dma_wait3A, %dma_wait3A_17] : memref<10000x128xf32, #tpu.memory_space<hbm>> -> memref<10000x128xf32, #tpu.memory_space<hbm>>
      tpu.wait_indirect_dma semaphore(%arg12 : memref<!tpu.dma_semaphore, #tpu.memory_space<semaphore_mem>>) src(%dma_wait3A_18 : memref<10000x128xf32, #tpu.memory_space<hbm>>) dst(%arg10 : memref<80x128xf32, #tpu.memory_space<vmem>>)
      %dma_wait3A_19 = arith.constant 0 : i32
      %dma_wait3A_20 = arith.constant 0 : i32
      %dma_wait3A_21 = tpu.memref_slice %arg3[%dma_wait3A_19, %dma_wait3A_20] : memref<10000x128xf32, #tpu.memory_space<hbm>> -> memref<10000x128xf32, #tpu.memory_space<hbm>>
      tpu.wait_indirect_dma semaphore(%arg13 : memref<!tpu.dma_semaphore, #tpu.memory_space<semaphore_mem>>) src(%dma_wait3A_21 : memref<10000x128xf32, #tpu.memory_space<hbm>>) dst(%arg11 : memref<80x128xf32, #tpu.memory_space<vmem>>)
      "tpu.region"() ({
        %run_scoped3A = tpu.sem_alloc : memref<!tpu.dma_semaphore, #tpu.memory_space<semaphore_mem>>
        %dma_start3A_22 = arith.constant 0 : i32
        %dma_start3A_23 = tpu.memref_slice %arg6[%add3A_11, %dma_start3A_22] : memref<320000x128xf32, #tpu.memory_space<hbm>> -> memref<80x128xf32, #tpu.memory_space<hbm>>
        %dma_start3A_24 = arith.constant 0 : i32
        %dma_start3A_25 = tpu.memref_slice %arg6[%add3A_11, %dma_start3A_24] : memref<320000x128xf32, #tpu.memory_space<hbm>> -> memref<80x128xf32, #tpu.memory_space<hbm>>
        tpu.enqueue_dma source(%arg10 : memref<80x128xf32, #tpu.memory_space<vmem>>) target(%dma_start3A_25 : memref<80x128xf32, #tpu.memory_space<hbm>>) target_semaphore(%run_scoped3A : memref<!tpu.dma_semaphore, #tpu.memory_space<semaphore_mem>>)
        %dma_wait3A_26 = arith.constant 0 : i32
        %dma_wait3A_27 = tpu.memref_slice %arg6[%add3A_11, %dma_wait3A_26] : memref<320000x128xf32, #tpu.memory_space<hbm>> -> memref<80x128xf32, #tpu.memory_space<hbm>>
        %dma_wait3A_28 = arith.constant 0 : i32
        %dma_wait3A_29 = tpu.memref_slice %arg6[%add3A_11, %dma_wait3A_28] : memref<320000x128xf32, #tpu.memory_space<hbm>> -> memref<80x128xf32, #tpu.memory_space<hbm>>
        tpu.wait_dma2 semaphore(%run_scoped3A : memref<!tpu.dma_semaphore, #tpu.memory_space<semaphore_mem>>) src(%arg10 : memref<80x128xf32, #tpu.memory_space<vmem>>) dst(%dma_wait3A_29 : memref<80x128xf32, #tpu.memory_space<hbm>>)
        tpu.yield
      }) : () -> ()
      "tpu.region"() ({
        %run_scoped3A = tpu.sem_alloc : memref<!tpu.dma_semaphore, #tpu.memory_space<semaphore_mem>>
        %dma_start3A_22 = arith.constant 0 : i32
        %dma_start3A_23 = tpu.memref_slice %arg7[%add3A_11, %dma_start3A_22] : memref<320000x128xf32, #tpu.memory_space<hbm>> -> memref<80x128xf32, #tpu.memory_space<hbm>>
        %dma_start3A_24 = arith.constant 0 : i32
        %dma_start3A_25 = tpu.memref_slice %arg7[%add3A_11, %dma_start3A_24] : memref<320000x128xf32, #tpu.memory_space<hbm>> -> memref<80x128xf32, #tpu.memory_space<hbm>>
        tpu.enqueue_dma source(%arg11 : memref<80x128xf32, #tpu.memory_space<vmem>>) target(%dma_start3A_25 : memref<80x128xf32, #tpu.memory_space<hbm>>) target_semaphore(%run_scoped3A : memref<!tpu.dma_semaphore, #tpu.memory_space<semaphore_mem>>)
        %dma_wait3A_26 = arith.constant 0 : i32
        %dma_wait3A_27 = tpu.memref_slice %arg7[%add3A_11, %dma_wait3A_26] : memref<320000x128xf32, #tpu.memory_space<hbm>> -> memref<80x128xf32, #tpu.memory_space<hbm>>
        %dma_wait3A_28 = arith.constant 0 : i32
        %dma_wait3A_29 = tpu.memref_slice %arg7[%add3A_11, %dma_wait3A_28] : memref<320000x128xf32, #tpu.memory_space<hbm>> -> memref<80x128xf32, #tpu.memory_space<hbm>>
        tpu.wait_dma2 semaphore(%run_scoped3A : memref<!tpu.dma_semaphore, #tpu.memory_space<semaphore_mem>>) src(%arg11 : memref<80x128xf32, #tpu.memory_space<vmem>>) dst(%dma_wait3A_29 : memref<80x128xf32, #tpu.memory_space<hbm>>)
        tpu.yield
      }) : () -> ()
    }
    %scan3A_5 = arith.constant 125 : i32
    return
  }
}

#map = affine_map<(d0, d1) -> (0, 0)>
#map1 = affine_map<(d0, d1) -> (0)>
#map2 = affine_map<(d0, d1) -> (0, 0, 0, 0)>
module attributes {stable_mosaic.version = 14 : i64} {
  func.func @k(%arg0: i32, %arg1: i32, %arg2: memref<256000x128xf32, #tpu.memory_space<hbm>>, %arg3: memref<256000x128xf32, #tpu.memory_space<hbm>>, %arg4: memref<256000xi32, #tpu.memory_space<hbm>>, %arg5: memref<10112x128xf32, #tpu.memory_space<hbm>>, %arg6: memref<2x2x10112x128xf32, #tpu.memory_space<hbm>>, %arg7: memref<80xi32, #tpu.memory_space<vmem>>, %arg8: memref<80x128xf32, #tpu.memory_space<vmem>>, %arg9: memref<10112x128xf32, #tpu.memory_space<vmem_shared>>) attributes {dimension_semantics = [#tpu.dimension_semantics<core_parallel>, #tpu.dimension_semantics<subcore_parallel>], iteration_bounds = array<i64: 2, 16>, scalar_prefetch = 0 : i64, scratch_operands = 3 : i64, tpu.core_type = #tpu.core_type<sc_vector_subcore>, window_params = [{transform_indices = #map}, {transform_indices = #map}, {transform_indices = #map1}, {transform_indices = #map}, {transform_indices = #map2}]} {
    %mul3A = arith.constant 2 : i32
    %mul3A_0 = arith.muli %arg1, %mul3A : i32
    %add3A = arith.addi %mul3A_0, %arg0 : i32
    %mul3A_1 = arith.constant 632 : i32
    %mul3A_2 = arith.muli %arg1, %mul3A_1 : i32
    "tpu.region"() ({
      %run_scoped3A_18 = tpu.sem_alloc : memref<!tpu.dma_semaphore, #tpu.memory_space<semaphore_mem>>
      %dma_start3A = arith.constant 0 : i32
      %dma_start3A_19 = tpu.memref_slice %arg9[%mul3A_2, %dma_start3A] : memref<10112x128xf32, #tpu.memory_space<vmem_shared>> -> memref<632x128xf32, #tpu.memory_space<vmem_shared>>
      %dma_start3A_20 = arith.constant 0 : i32
      %dma_start3A_21 = tpu.memref_slice %arg5[%mul3A_2, %dma_start3A_20] : memref<10112x128xf32, #tpu.memory_space<hbm>> -> memref<632x128xf32, #tpu.memory_space<hbm>>
      tpu.enqueue_dma source(%dma_start3A_21 : memref<632x128xf32, #tpu.memory_space<hbm>>) target(%dma_start3A_19 : memref<632x128xf32, #tpu.memory_space<vmem_shared>>) target_semaphore(%run_scoped3A_18 : memref<!tpu.dma_semaphore, #tpu.memory_space<semaphore_mem>>)
      %dma_wait3A = arith.constant 0 : i32
      %dma_wait3A_22 = tpu.memref_slice %arg9[%mul3A_2, %dma_wait3A] : memref<10112x128xf32, #tpu.memory_space<vmem_shared>> -> memref<632x128xf32, #tpu.memory_space<vmem_shared>>
      %dma_wait3A_23 = arith.constant 0 : i32
      %dma_wait3A_24 = tpu.memref_slice %arg5[%mul3A_2, %dma_wait3A_23] : memref<10112x128xf32, #tpu.memory_space<hbm>> -> memref<632x128xf32, #tpu.memory_space<hbm>>
      tpu.wait_dma2 semaphore(%run_scoped3A_18 : memref<!tpu.dma_semaphore, #tpu.memory_space<semaphore_mem>>) src(%dma_wait3A_24 : memref<632x128xf32, #tpu.memory_space<hbm>>) dst(%dma_wait3A_22 : memref<632x128xf32, #tpu.memory_space<vmem_shared>>)
      tpu.yield
    }) : () -> ()
    %barrier3A = arith.constant 0 : index
    tpu.barrier barrier_id(%barrier3A)
    %scan3A = arith.constant 0 : i32
    %scan3A_3 = arith.constant 0 : i32
    %scan3A_4 = arith.constant 100 : i32
    %scan3A_5 = arith.addi %scan3A_3, %scan3A_4 : i32
    %scan3A_6 = arith.constant 1 : i32
    scf.for %scan3A_18 = %scan3A_3 to %scan3A_5 step %scan3A_6  : i32 {
      %mul3A_19 = arith.constant 8000 : i32
      %mul3A_20 = arith.muli %add3A, %mul3A_19 : i32
      %mul3A_21 = arith.constant 80 : i32
      %mul3A_22 = arith.muli %scan3A_18, %mul3A_21 : i32
      %add3A_23 = arith.addi %mul3A_20, %mul3A_22 : i32
      "tpu.region"() ({
        %run_scoped3A_24 = tpu.sem_alloc : memref<!tpu.dma_semaphore, #tpu.memory_space<semaphore_mem>>
        %dma_start3A = tpu.memref_slice %arg4[%add3A_23] : memref<256000xi32, #tpu.memory_space<hbm>> -> memref<80xi32, #tpu.memory_space<hbm>>
        %dma_start3A_25 = tpu.memref_slice %arg4[%add3A_23] : memref<256000xi32, #tpu.memory_space<hbm>> -> memref<80xi32, #tpu.memory_space<hbm>>
        tpu.enqueue_dma source(%dma_start3A_25 : memref<80xi32, #tpu.memory_space<hbm>>) target(%arg7 : memref<80xi32, #tpu.memory_space<vmem>>) target_semaphore(%run_scoped3A_24 : memref<!tpu.dma_semaphore, #tpu.memory_space<semaphore_mem>>)
        %dma_wait3A = tpu.memref_slice %arg4[%add3A_23] : memref<256000xi32, #tpu.memory_space<hbm>> -> memref<80xi32, #tpu.memory_space<hbm>>
        %dma_wait3A_26 = tpu.memref_slice %arg4[%add3A_23] : memref<256000xi32, #tpu.memory_space<hbm>> -> memref<80xi32, #tpu.memory_space<hbm>>
        tpu.wait_dma2 semaphore(%run_scoped3A_24 : memref<!tpu.dma_semaphore, #tpu.memory_space<semaphore_mem>>) src(%dma_wait3A_26 : memref<80xi32, #tpu.memory_space<hbm>>) dst(%arg7 : memref<80xi32, #tpu.memory_space<vmem>>)
        tpu.yield
      }) : () -> ()
      "tpu.region"() ({
        %run_scoped3A_24 = tpu.sem_alloc : memref<!tpu.dma_semaphore, #tpu.memory_space<semaphore_mem>>
        %dma_start3A = arith.constant 0 : i32
        %dma_start3A_25 = tpu.memref_slice %arg2[%add3A_23, %dma_start3A] : memref<256000x128xf32, #tpu.memory_space<hbm>> -> memref<80x128xf32, #tpu.memory_space<hbm>>
        %dma_start3A_26 = arith.constant 0 : i32
        %dma_start3A_27 = tpu.memref_slice %arg2[%add3A_23, %dma_start3A_26] : memref<256000x128xf32, #tpu.memory_space<hbm>> -> memref<80x128xf32, #tpu.memory_space<hbm>>
        tpu.enqueue_dma source(%dma_start3A_27 : memref<80x128xf32, #tpu.memory_space<hbm>>) target(%arg8 : memref<80x128xf32, #tpu.memory_space<vmem>>) target_semaphore(%run_scoped3A_24 : memref<!tpu.dma_semaphore, #tpu.memory_space<semaphore_mem>>)
        %dma_wait3A = arith.constant 0 : i32
        %dma_wait3A_28 = tpu.memref_slice %arg2[%add3A_23, %dma_wait3A] : memref<256000x128xf32, #tpu.memory_space<hbm>> -> memref<80x128xf32, #tpu.memory_space<hbm>>
        %dma_wait3A_29 = arith.constant 0 : i32
        %dma_wait3A_30 = tpu.memref_slice %arg2[%add3A_23, %dma_wait3A_29] : memref<256000x128xf32, #tpu.memory_space<hbm>> -> memref<80x128xf32, #tpu.memory_space<hbm>>
        tpu.wait_dma2 semaphore(%run_scoped3A_24 : memref<!tpu.dma_semaphore, #tpu.memory_space<semaphore_mem>>) src(%dma_wait3A_30 : memref<80x128xf32, #tpu.memory_space<hbm>>) dst(%arg8 : memref<80x128xf32, #tpu.memory_space<vmem>>)
        tpu.yield
      }) : () -> ()
      "tpu.region"() ({
        %run_scoped3A_24 = tpu.sem_alloc : memref<!tpu.dma_semaphore, #tpu.memory_space<semaphore_mem>>
        %dma_start3A = arith.constant 0 : i32
        %dma_start3A_25 = arith.constant 0 : i32
        %dma_start3A_26 = tpu.memref_slice %arg9[%dma_start3A, %dma_start3A_25] : memref<10112x128xf32, #tpu.memory_space<vmem_shared>> -> memref<10112x128xf32, #tpu.memory_space<vmem_shared>>
        tpu.enqueue_indirect_dma source(%arg8 : memref<80x128xf32, #tpu.memory_space<vmem>>) target(%dma_start3A_26 : memref<10112x128xf32, #tpu.memory_space<vmem_shared>>) offsets(%arg7 : memref<80xi32, #tpu.memory_space<vmem>>) semaphore(%run_scoped3A_24 : memref<!tpu.dma_semaphore, #tpu.memory_space<semaphore_mem>>) {add = true}
        %dma_wait3A = arith.constant 0 : i32
        %dma_wait3A_27 = arith.constant 0 : i32
        %dma_wait3A_28 = tpu.memref_slice %arg9[%dma_wait3A, %dma_wait3A_27] : memref<10112x128xf32, #tpu.memory_space<vmem_shared>> -> memref<10112x128xf32, #tpu.memory_space<vmem_shared>>
        tpu.wait_indirect_dma semaphore(%run_scoped3A_24 : memref<!tpu.dma_semaphore, #tpu.memory_space<semaphore_mem>>) src(%arg8 : memref<80x128xf32, #tpu.memory_space<vmem>>) dst(%dma_wait3A_28 : memref<10112x128xf32, #tpu.memory_space<vmem_shared>>)
        tpu.yield
      }) : () -> ()
    }
    %scan3A_7 = arith.constant 100 : i32
    %barrier3A_8 = arith.constant 0 : index
    tpu.barrier barrier_id(%barrier3A_8)
    %run_scoped3A = arith.constant 0 : i32
    "tpu.region"() ({
      %run_scoped3A_18 = tpu.sem_alloc : memref<!tpu.dma_semaphore, #tpu.memory_space<semaphore_mem>>
      %dma_start3A = arith.constant 0 : i32
      %dma_start3A_19 = tpu.memref_slice %arg6[%arg0, %run_scoped3A, %mul3A_2, %dma_start3A] : memref<2x2x10112x128xf32, #tpu.memory_space<hbm>> -> memref<1x1x632x128xf32, #tpu.memory_space<hbm>>
      %dma_start3A_20 = tpu.memref_squeeze %dma_start3A_19 : memref<1x1x632x128xf32, #tpu.memory_space<hbm>> -> memref<632x128xf32, #tpu.memory_space<hbm>>
      %dma_start3A_21 = arith.constant 0 : i32
      %dma_start3A_22 = tpu.memref_slice %arg9[%mul3A_2, %dma_start3A_21] : memref<10112x128xf32, #tpu.memory_space<vmem_shared>> -> memref<632x128xf32, #tpu.memory_space<vmem_shared>>
      tpu.enqueue_dma source(%dma_start3A_22 : memref<632x128xf32, #tpu.memory_space<vmem_shared>>) target(%dma_start3A_20 : memref<632x128xf32, #tpu.memory_space<hbm>>) target_semaphore(%run_scoped3A_18 : memref<!tpu.dma_semaphore, #tpu.memory_space<semaphore_mem>>)
      %dma_wait3A = arith.constant 0 : i32
      %dma_wait3A_23 = tpu.memref_slice %arg6[%arg0, %run_scoped3A, %mul3A_2, %dma_wait3A] : memref<2x2x10112x128xf32, #tpu.memory_space<hbm>> -> memref<1x1x632x128xf32, #tpu.memory_space<hbm>>
      %dma_wait3A_24 = tpu.memref_squeeze %dma_wait3A_23 : memref<1x1x632x128xf32, #tpu.memory_space<hbm>> -> memref<632x128xf32, #tpu.memory_space<hbm>>
      %dma_wait3A_25 = arith.constant 0 : i32
      %dma_wait3A_26 = tpu.memref_slice %arg9[%mul3A_2, %dma_wait3A_25] : memref<10112x128xf32, #tpu.memory_space<vmem_shared>> -> memref<632x128xf32, #tpu.memory_space<vmem_shared>>
      tpu.wait_dma2 semaphore(%run_scoped3A_18 : memref<!tpu.dma_semaphore, #tpu.memory_space<semaphore_mem>>) src(%dma_wait3A_26 : memref<632x128xf32, #tpu.memory_space<vmem_shared>>) dst(%dma_wait3A_24 : memref<632x128xf32, #tpu.memory_space<hbm>>)
      tpu.yield
    }) : () -> ()
    "tpu.region"() ({
      %run_scoped3A_18 = tpu.sem_alloc : memref<!tpu.dma_semaphore, #tpu.memory_space<semaphore_mem>>
      %dma_start3A = arith.constant 0 : i32
      %dma_start3A_19 = tpu.memref_slice %arg9[%mul3A_2, %dma_start3A] : memref<10112x128xf32, #tpu.memory_space<vmem_shared>> -> memref<632x128xf32, #tpu.memory_space<vmem_shared>>
      %dma_start3A_20 = arith.constant 0 : i32
      %dma_start3A_21 = tpu.memref_slice %arg5[%mul3A_2, %dma_start3A_20] : memref<10112x128xf32, #tpu.memory_space<hbm>> -> memref<632x128xf32, #tpu.memory_space<hbm>>
      tpu.enqueue_dma source(%dma_start3A_21 : memref<632x128xf32, #tpu.memory_space<hbm>>) target(%dma_start3A_19 : memref<632x128xf32, #tpu.memory_space<vmem_shared>>) target_semaphore(%run_scoped3A_18 : memref<!tpu.dma_semaphore, #tpu.memory_space<semaphore_mem>>)
      %dma_wait3A = arith.constant 0 : i32
      %dma_wait3A_22 = tpu.memref_slice %arg9[%mul3A_2, %dma_wait3A] : memref<10112x128xf32, #tpu.memory_space<vmem_shared>> -> memref<632x128xf32, #tpu.memory_space<vmem_shared>>
      %dma_wait3A_23 = arith.constant 0 : i32
      %dma_wait3A_24 = tpu.memref_slice %arg5[%mul3A_2, %dma_wait3A_23] : memref<10112x128xf32, #tpu.memory_space<hbm>> -> memref<632x128xf32, #tpu.memory_space<hbm>>
      tpu.wait_dma2 semaphore(%run_scoped3A_18 : memref<!tpu.dma_semaphore, #tpu.memory_space<semaphore_mem>>) src(%dma_wait3A_24 : memref<632x128xf32, #tpu.memory_space<hbm>>) dst(%dma_wait3A_22 : memref<632x128xf32, #tpu.memory_space<vmem_shared>>)
      tpu.yield
    }) : () -> ()
    %barrier3A_9 = arith.constant 0 : index
    tpu.barrier barrier_id(%barrier3A_9)
    %scan3A_10 = arith.constant 0 : i32
    %scan3A_11 = arith.constant 0 : i32
    %scan3A_12 = arith.constant 100 : i32
    %scan3A_13 = arith.addi %scan3A_11, %scan3A_12 : i32
    %scan3A_14 = arith.constant 1 : i32
    scf.for %scan3A_18 = %scan3A_11 to %scan3A_13 step %scan3A_14  : i32 {
      %mul3A_19 = arith.constant 8000 : i32
      %mul3A_20 = arith.muli %add3A, %mul3A_19 : i32
      %mul3A_21 = arith.constant 80 : i32
      %mul3A_22 = arith.muli %scan3A_18, %mul3A_21 : i32
      %add3A_23 = arith.addi %mul3A_20, %mul3A_22 : i32
      "tpu.region"() ({
        %run_scoped3A_24 = tpu.sem_alloc : memref<!tpu.dma_semaphore, #tpu.memory_space<semaphore_mem>>
        %dma_start3A = tpu.memref_slice %arg4[%add3A_23] : memref<256000xi32, #tpu.memory_space<hbm>> -> memref<80xi32, #tpu.memory_space<hbm>>
        %dma_start3A_25 = tpu.memref_slice %arg4[%add3A_23] : memref<256000xi32, #tpu.memory_space<hbm>> -> memref<80xi32, #tpu.memory_space<hbm>>
        tpu.enqueue_dma source(%dma_start3A_25 : memref<80xi32, #tpu.memory_space<hbm>>) target(%arg7 : memref<80xi32, #tpu.memory_space<vmem>>) target_semaphore(%run_scoped3A_24 : memref<!tpu.dma_semaphore, #tpu.memory_space<semaphore_mem>>)
        %dma_wait3A = tpu.memref_slice %arg4[%add3A_23] : memref<256000xi32, #tpu.memory_space<hbm>> -> memref<80xi32, #tpu.memory_space<hbm>>
        %dma_wait3A_26 = tpu.memref_slice %arg4[%add3A_23] : memref<256000xi32, #tpu.memory_space<hbm>> -> memref<80xi32, #tpu.memory_space<hbm>>
        tpu.wait_dma2 semaphore(%run_scoped3A_24 : memref<!tpu.dma_semaphore, #tpu.memory_space<semaphore_mem>>) src(%dma_wait3A_26 : memref<80xi32, #tpu.memory_space<hbm>>) dst(%arg7 : memref<80xi32, #tpu.memory_space<vmem>>)
        tpu.yield
      }) : () -> ()
      "tpu.region"() ({
        %run_scoped3A_24 = tpu.sem_alloc : memref<!tpu.dma_semaphore, #tpu.memory_space<semaphore_mem>>
        %dma_start3A = arith.constant 0 : i32
        %dma_start3A_25 = tpu.memref_slice %arg3[%add3A_23, %dma_start3A] : memref<256000x128xf32, #tpu.memory_space<hbm>> -> memref<80x128xf32, #tpu.memory_space<hbm>>
        %dma_start3A_26 = arith.constant 0 : i32
        %dma_start3A_27 = tpu.memref_slice %arg3[%add3A_23, %dma_start3A_26] : memref<256000x128xf32, #tpu.memory_space<hbm>> -> memref<80x128xf32, #tpu.memory_space<hbm>>
        tpu.enqueue_dma source(%dma_start3A_27 : memref<80x128xf32, #tpu.memory_space<hbm>>) target(%arg8 : memref<80x128xf32, #tpu.memory_space<vmem>>) target_semaphore(%run_scoped3A_24 : memref<!tpu.dma_semaphore, #tpu.memory_space<semaphore_mem>>)
        %dma_wait3A = arith.constant 0 : i32
        %dma_wait3A_28 = tpu.memref_slice %arg3[%add3A_23, %dma_wait3A] : memref<256000x128xf32, #tpu.memory_space<hbm>> -> memref<80x128xf32, #tpu.memory_space<hbm>>
        %dma_wait3A_29 = arith.constant 0 : i32
        %dma_wait3A_30 = tpu.memref_slice %arg3[%add3A_23, %dma_wait3A_29] : memref<256000x128xf32, #tpu.memory_space<hbm>> -> memref<80x128xf32, #tpu.memory_space<hbm>>
        tpu.wait_dma2 semaphore(%run_scoped3A_24 : memref<!tpu.dma_semaphore, #tpu.memory_space<semaphore_mem>>) src(%dma_wait3A_30 : memref<80x128xf32, #tpu.memory_space<hbm>>) dst(%arg8 : memref<80x128xf32, #tpu.memory_space<vmem>>)
        tpu.yield
      }) : () -> ()
      "tpu.region"() ({
        %run_scoped3A_24 = tpu.sem_alloc : memref<!tpu.dma_semaphore, #tpu.memory_space<semaphore_mem>>
        %dma_start3A = arith.constant 0 : i32
        %dma_start3A_25 = arith.constant 0 : i32
        %dma_start3A_26 = tpu.memref_slice %arg9[%dma_start3A, %dma_start3A_25] : memref<10112x128xf32, #tpu.memory_space<vmem_shared>> -> memref<10112x128xf32, #tpu.memory_space<vmem_shared>>
        tpu.enqueue_indirect_dma source(%arg8 : memref<80x128xf32, #tpu.memory_space<vmem>>) target(%dma_start3A_26 : memref<10112x128xf32, #tpu.memory_space<vmem_shared>>) offsets(%arg7 : memref<80xi32, #tpu.memory_space<vmem>>) semaphore(%run_scoped3A_24 : memref<!tpu.dma_semaphore, #tpu.memory_space<semaphore_mem>>) {add = true}
        %dma_wait3A = arith.constant 0 : i32
        %dma_wait3A_27 = arith.constant 0 : i32
        %dma_wait3A_28 = tpu.memref_slice %arg9[%dma_wait3A, %dma_wait3A_27] : memref<10112x128xf32, #tpu.memory_space<vmem_shared>> -> memref<10112x128xf32, #tpu.memory_space<vmem_shared>>
        tpu.wait_indirect_dma semaphore(%run_scoped3A_24 : memref<!tpu.dma_semaphore, #tpu.memory_space<semaphore_mem>>) src(%arg8 : memref<80x128xf32, #tpu.memory_space<vmem>>) dst(%dma_wait3A_28 : memref<10112x128xf32, #tpu.memory_space<vmem_shared>>)
        tpu.yield
      }) : () -> ()
    }
    %scan3A_15 = arith.constant 100 : i32
    %barrier3A_16 = arith.constant 0 : index
    tpu.barrier barrier_id(%barrier3A_16)
    %run_scoped3A_17 = arith.constant 1 : i32
    "tpu.region"() ({
      %run_scoped3A_18 = tpu.sem_alloc : memref<!tpu.dma_semaphore, #tpu.memory_space<semaphore_mem>>
      %dma_start3A = arith.constant 0 : i32
      %dma_start3A_19 = tpu.memref_slice %arg6[%arg0, %run_scoped3A_17, %mul3A_2, %dma_start3A] : memref<2x2x10112x128xf32, #tpu.memory_space<hbm>> -> memref<1x1x632x128xf32, #tpu.memory_space<hbm>>
      %dma_start3A_20 = tpu.memref_squeeze %dma_start3A_19 : memref<1x1x632x128xf32, #tpu.memory_space<hbm>> -> memref<632x128xf32, #tpu.memory_space<hbm>>
      %dma_start3A_21 = arith.constant 0 : i32
      %dma_start3A_22 = tpu.memref_slice %arg9[%mul3A_2, %dma_start3A_21] : memref<10112x128xf32, #tpu.memory_space<vmem_shared>> -> memref<632x128xf32, #tpu.memory_space<vmem_shared>>
      tpu.enqueue_dma source(%dma_start3A_22 : memref<632x128xf32, #tpu.memory_space<vmem_shared>>) target(%dma_start3A_20 : memref<632x128xf32, #tpu.memory_space<hbm>>) target_semaphore(%run_scoped3A_18 : memref<!tpu.dma_semaphore, #tpu.memory_space<semaphore_mem>>)
      %dma_wait3A = arith.constant 0 : i32
      %dma_wait3A_23 = tpu.memref_slice %arg6[%arg0, %run_scoped3A_17, %mul3A_2, %dma_wait3A] : memref<2x2x10112x128xf32, #tpu.memory_space<hbm>> -> memref<1x1x632x128xf32, #tpu.memory_space<hbm>>
      %dma_wait3A_24 = tpu.memref_squeeze %dma_wait3A_23 : memref<1x1x632x128xf32, #tpu.memory_space<hbm>> -> memref<632x128xf32, #tpu.memory_space<hbm>>
      %dma_wait3A_25 = arith.constant 0 : i32
      %dma_wait3A_26 = tpu.memref_slice %arg9[%mul3A_2, %dma_wait3A_25] : memref<10112x128xf32, #tpu.memory_space<vmem_shared>> -> memref<632x128xf32, #tpu.memory_space<vmem_shared>>
      tpu.wait_dma2 semaphore(%run_scoped3A_18 : memref<!tpu.dma_semaphore, #tpu.memory_space<semaphore_mem>>) src(%dma_wait3A_26 : memref<632x128xf32, #tpu.memory_space<vmem_shared>>) dst(%dma_wait3A_24 : memref<632x128xf32, #tpu.memory_space<hbm>>)
      tpu.yield
    }) : () -> ()
    return
  }
}

#map = affine_map<(d0, d1) -> (0, 0)>
#map1 = affine_map<(d0, d1) -> (0)>
module attributes {stable_mosaic.version = 14 : i64} {
  func.func @k(%arg0: i32, %arg1: i32, %arg2: memref<10000x128xf32, #tpu.memory_space<hbm>>, %arg3: memref<10000x128xf32, #tpu.memory_space<hbm>>, %arg4: memref<256000xi32, #tpu.memory_space<hbm>>, %arg5: memref<256000xi32, #tpu.memory_space<hbm>>, %arg6: memref<256000x128xf32, #tpu.memory_space<hbm>>, %arg7: memref<256000x128xf32, #tpu.memory_space<hbm>>, %arg8: memref<80xi32, #tpu.memory_space<vmem>>, %arg9: memref<80xi32, #tpu.memory_space<vmem>>, %arg10: memref<80x128xf32, #tpu.memory_space<vmem>>, %arg11: memref<80x128xf32, #tpu.memory_space<vmem>>, %arg12: memref<!tpu.dma_semaphore, #tpu.memory_space<semaphore_mem>>, %arg13: memref<!tpu.dma_semaphore, #tpu.memory_space<semaphore_mem>>) attributes {dimension_semantics = [#tpu.dimension_semantics<core_parallel>, #tpu.dimension_semantics<subcore_parallel>], iteration_bounds = array<i64: 2, 16>, scalar_prefetch = 0 : i64, scratch_operands = 6 : i64, tpu.core_type = #tpu.core_type<sc_vector_subcore>, window_params = [{transform_indices = #map}, {transform_indices = #map}, {transform_indices = #map1}, {transform_indices = #map1}, {transform_indices = #map}, {transform_indices = #map}]} {
    %mul3A = arith.constant 2 : i32
    %mul3A_0 = arith.muli %arg1, %mul3A : i32
    %add3A = arith.addi %mul3A_0, %arg0 : i32
    %scan3A = arith.constant 0 : i32
    %scan3A_1 = arith.constant 0 : i32
    %scan3A_2 = arith.constant 100 : i32
    %scan3A_3 = arith.addi %scan3A_1, %scan3A_2 : i32
    %scan3A_4 = arith.constant 1 : i32
    scf.for %scan3A_6 = %scan3A_1 to %scan3A_3 step %scan3A_4  : i32 {
      %mul3A_7 = arith.constant 8000 : i32
      %mul3A_8 = arith.muli %add3A, %mul3A_7 : i32
      %mul3A_9 = arith.constant 80 : i32
      %mul3A_10 = arith.muli %scan3A_6, %mul3A_9 : i32
      %add3A_11 = arith.addi %mul3A_8, %mul3A_10 : i32
      "tpu.region"() ({
        %run_scoped3A = tpu.sem_alloc : memref<!tpu.dma_semaphore, #tpu.memory_space<semaphore_mem>>
        %dma_start3A_22 = tpu.memref_slice %arg5[%add3A_11] : memref<256000xi32, #tpu.memory_space<hbm>> -> memref<80xi32, #tpu.memory_space<hbm>>
        %dma_start3A_23 = tpu.memref_slice %arg5[%add3A_11] : memref<256000xi32, #tpu.memory_space<hbm>> -> memref<80xi32, #tpu.memory_space<hbm>>
        tpu.enqueue_dma source(%dma_start3A_23 : memref<80xi32, #tpu.memory_space<hbm>>) target(%arg8 : memref<80xi32, #tpu.memory_space<vmem>>) target_semaphore(%run_scoped3A : memref<!tpu.dma_semaphore, #tpu.memory_space<semaphore_mem>>)
        %dma_wait3A_24 = tpu.memref_slice %arg5[%add3A_11] : memref<256000xi32, #tpu.memory_space<hbm>> -> memref<80xi32, #tpu.memory_space<hbm>>
        %dma_wait3A_25 = tpu.memref_slice %arg5[%add3A_11] : memref<256000xi32, #tpu.memory_space<hbm>> -> memref<80xi32, #tpu.memory_space<hbm>>
        tpu.wait_dma2 semaphore(%run_scoped3A : memref<!tpu.dma_semaphore, #tpu.memory_space<semaphore_mem>>) src(%dma_wait3A_25 : memref<80xi32, #tpu.memory_space<hbm>>) dst(%arg8 : memref<80xi32, #tpu.memory_space<vmem>>)
        tpu.yield
      }) : () -> ()
      "tpu.region"() ({
        %run_scoped3A = tpu.sem_alloc : memref<!tpu.dma_semaphore, #tpu.memory_space<semaphore_mem>>
        %dma_start3A_22 = tpu.memref_slice %arg4[%add3A_11] : memref<256000xi32, #tpu.memory_space<hbm>> -> memref<80xi32, #tpu.memory_space<hbm>>
        %dma_start3A_23 = tpu.memref_slice %arg4[%add3A_11] : memref<256000xi32, #tpu.memory_space<hbm>> -> memref<80xi32, #tpu.memory_space<hbm>>
        tpu.enqueue_dma source(%dma_start3A_23 : memref<80xi32, #tpu.memory_space<hbm>>) target(%arg9 : memref<80xi32, #tpu.memory_space<vmem>>) target_semaphore(%run_scoped3A : memref<!tpu.dma_semaphore, #tpu.memory_space<semaphore_mem>>)
        %dma_wait3A_24 = tpu.memref_slice %arg4[%add3A_11] : memref<256000xi32, #tpu.memory_space<hbm>> -> memref<80xi32, #tpu.memory_space<hbm>>
        %dma_wait3A_25 = tpu.memref_slice %arg4[%add3A_11] : memref<256000xi32, #tpu.memory_space<hbm>> -> memref<80xi32, #tpu.memory_space<hbm>>
        tpu.wait_dma2 semaphore(%run_scoped3A : memref<!tpu.dma_semaphore, #tpu.memory_space<semaphore_mem>>) src(%dma_wait3A_25 : memref<80xi32, #tpu.memory_space<hbm>>) dst(%arg9 : memref<80xi32, #tpu.memory_space<vmem>>)
        tpu.yield
      }) : () -> ()
      %dma_start3A = arith.constant 0 : i32
      %dma_start3A_12 = arith.constant 0 : i32
      %dma_start3A_13 = tpu.memref_slice %arg2[%dma_start3A, %dma_start3A_12] : memref<10000x128xf32, #tpu.memory_space<hbm>> -> memref<10000x128xf32, #tpu.memory_space<hbm>>
      tpu.enqueue_indirect_dma source(%dma_start3A_13 : memref<10000x128xf32, #tpu.memory_space<hbm>>) target(%arg10 : memref<80x128xf32, #tpu.memory_space<vmem>>) offsets(%arg8 : memref<80xi32, #tpu.memory_space<vmem>>) semaphore(%arg12 : memref<!tpu.dma_semaphore, #tpu.memory_space<semaphore_mem>>)
      %dma_start3A_14 = arith.constant 0 : i32
      %dma_start3A_15 = arith.constant 0 : i32
      %dma_start3A_16 = tpu.memref_slice %arg3[%dma_start3A_14, %dma_start3A_15] : memref<10000x128xf32, #tpu.memory_space<hbm>> -> memref<10000x128xf32, #tpu.memory_space<hbm>>
      tpu.enqueue_indirect_dma source(%dma_start3A_16 : memref<10000x128xf32, #tpu.memory_space<hbm>>) target(%arg11 : memref<80x128xf32, #tpu.memory_space<vmem>>) offsets(%arg9 : memref<80xi32, #tpu.memory_space<vmem>>) semaphore(%arg13 : memref<!tpu.dma_semaphore, #tpu.memory_space<semaphore_mem>>)
      %dma_wait3A = arith.constant 0 : i32
      %dma_wait3A_17 = arith.constant 0 : i32
      %dma_wait3A_18 = tpu.memref_slice %arg2[%dma_wait3A, %dma_wait3A_17] : memref<10000x128xf32, #tpu.memory_space<hbm>> -> memref<10000x128xf32, #tpu.memory_space<hbm>>
      tpu.wait_indirect_dma semaphore(%arg12 : memref<!tpu.dma_semaphore, #tpu.memory_space<semaphore_mem>>) src(%dma_wait3A_18 : memref<10000x128xf32, #tpu.memory_space<hbm>>) dst(%arg10 : memref<80x128xf32, #tpu.memory_space<vmem>>)
      %dma_wait3A_19 = arith.constant 0 : i32
      %dma_wait3A_20 = arith.constant 0 : i32
      %dma_wait3A_21 = tpu.memref_slice %arg3[%dma_wait3A_19, %dma_wait3A_20] : memref<10000x128xf32, #tpu.memory_space<hbm>> -> memref<10000x128xf32, #tpu.memory_space<hbm>>
      tpu.wait_indirect_dma semaphore(%arg13 : memref<!tpu.dma_semaphore, #tpu.memory_space<semaphore_mem>>) src(%dma_wait3A_21 : memref<10000x128xf32, #tpu.memory_space<hbm>>) dst(%arg11 : memref<80x128xf32, #tpu.memory_space<vmem>>)
      "tpu.region"() ({
        %run_scoped3A = tpu.sem_alloc : memref<!tpu.dma_semaphore, #tpu.memory_space<semaphore_mem>>
        %dma_start3A_22 = arith.constant 0 : i32
        %dma_start3A_23 = tpu.memref_slice %arg6[%add3A_11, %dma_start3A_22] : memref<256000x128xf32, #tpu.memory_space<hbm>> -> memref<80x128xf32, #tpu.memory_space<hbm>>
        %dma_start3A_24 = arith.constant 0 : i32
        %dma_start3A_25 = tpu.memref_slice %arg6[%add3A_11, %dma_start3A_24] : memref<256000x128xf32, #tpu.memory_space<hbm>> -> memref<80x128xf32, #tpu.memory_space<hbm>>
        tpu.enqueue_dma source(%arg10 : memref<80x128xf32, #tpu.memory_space<vmem>>) target(%dma_start3A_25 : memref<80x128xf32, #tpu.memory_space<hbm>>) target_semaphore(%run_scoped3A : memref<!tpu.dma_semaphore, #tpu.memory_space<semaphore_mem>>)
        %dma_wait3A_26 = arith.constant 0 : i32
        %dma_wait3A_27 = tpu.memref_slice %arg6[%add3A_11, %dma_wait3A_26] : memref<256000x128xf32, #tpu.memory_space<hbm>> -> memref<80x128xf32, #tpu.memory_space<hbm>>
        %dma_wait3A_28 = arith.constant 0 : i32
        %dma_wait3A_29 = tpu.memref_slice %arg6[%add3A_11, %dma_wait3A_28] : memref<256000x128xf32, #tpu.memory_space<hbm>> -> memref<80x128xf32, #tpu.memory_space<hbm>>
        tpu.wait_dma2 semaphore(%run_scoped3A : memref<!tpu.dma_semaphore, #tpu.memory_space<semaphore_mem>>) src(%arg10 : memref<80x128xf32, #tpu.memory_space<vmem>>) dst(%dma_wait3A_29 : memref<80x128xf32, #tpu.memory_space<hbm>>)
        tpu.yield
      }) : () -> ()
      "tpu.region"() ({
        %run_scoped3A = tpu.sem_alloc : memref<!tpu.dma_semaphore, #tpu.memory_space<semaphore_mem>>
        %dma_start3A_22 = arith.constant 0 : i32
        %dma_start3A_23 = tpu.memref_slice %arg7[%add3A_11, %dma_start3A_22] : memref<256000x128xf32, #tpu.memory_space<hbm>> -> memref<80x128xf32, #tpu.memory_space<hbm>>
        %dma_start3A_24 = arith.constant 0 : i32
        %dma_start3A_25 = tpu.memref_slice %arg7[%add3A_11, %dma_start3A_24] : memref<256000x128xf32, #tpu.memory_space<hbm>> -> memref<80x128xf32, #tpu.memory_space<hbm>>
        tpu.enqueue_dma source(%arg11 : memref<80x128xf32, #tpu.memory_space<vmem>>) target(%dma_start3A_25 : memref<80x128xf32, #tpu.memory_space<hbm>>) target_semaphore(%run_scoped3A : memref<!tpu.dma_semaphore, #tpu.memory_space<semaphore_mem>>)
        %dma_wait3A_26 = arith.constant 0 : i32
        %dma_wait3A_27 = tpu.memref_slice %arg7[%add3A_11, %dma_wait3A_26] : memref<256000x128xf32, #tpu.memory_space<hbm>> -> memref<80x128xf32, #tpu.memory_space<hbm>>
        %dma_wait3A_28 = arith.constant 0 : i32
        %dma_wait3A_29 = tpu.memref_slice %arg7[%add3A_11, %dma_wait3A_28] : memref<256000x128xf32, #tpu.memory_space<hbm>> -> memref<80x128xf32, #tpu.memory_space<hbm>>
        tpu.wait_dma2 semaphore(%run_scoped3A : memref<!tpu.dma_semaphore, #tpu.memory_space<semaphore_mem>>) src(%arg11 : memref<80x128xf32, #tpu.memory_space<vmem>>) dst(%dma_wait3A_29 : memref<80x128xf32, #tpu.memory_space<hbm>>)
        tpu.yield
      }) : () -> ()
    }
    %scan3A_5 = arith.constant 100 : i32
    return
  }
}

#map = affine_map<(d0, d1) -> (0, 0)>
#map1 = affine_map<(d0, d1) -> (0)>
module attributes {stable_mosaic.version = 14 : i64} {
  func.func @k(%arg0: i32, %arg1: i32, %arg2: memref<10000x128xf32, #tpu.memory_space<hbm>>, %arg3: memref<10000x128xf32, #tpu.memory_space<hbm>>, %arg4: memref<320000xi32, #tpu.memory_space<hbm>>, %arg5: memref<320000xi32, #tpu.memory_space<hbm>>, %arg6: memref<320000x128xf32, #tpu.memory_space<hbm>>, %arg7: memref<320000x128xf32, #tpu.memory_space<hbm>>, %arg8: memref<80xi32, #tpu.memory_space<vmem>>, %arg9: memref<80xi32, #tpu.memory_space<vmem>>, %arg10: memref<80x128xf32, #tpu.memory_space<vmem>>, %arg11: memref<80x128xf32, #tpu.memory_space<vmem>>, %arg12: memref<!tpu.dma_semaphore, #tpu.memory_space<semaphore_mem>>, %arg13: memref<!tpu.dma_semaphore, #tpu.memory_space<semaphore_mem>>) attributes {dimension_semantics = [#tpu.dimension_semantics<core_parallel>, #tpu.dimension_semantics<subcore_parallel>], iteration_bounds = array<i64: 2, 16>, scalar_prefetch = 0 : i64, scratch_operands = 6 : i64, tpu.core_type = #tpu.core_type<sc_vector_subcore>, window_params = [{transform_indices = #map}, {transform_indices = #map}, {transform_indices = #map1}, {transform_indices = #map1}, {transform_indices = #map}, {transform_indices = #map}]} {
    %mul3A = arith.constant 2 : i32
    %mul3A_0 = arith.muli %arg1, %mul3A : i32
    %add3A = arith.addi %mul3A_0, %arg0 : i32
    %scan3A = arith.constant 0 : i32
    %scan3A_1 = arith.constant 0 : i32
    %scan3A_2 = arith.constant 125 : i32
    %scan3A_3 = arith.addi %scan3A_1, %scan3A_2 : i32
    %scan3A_4 = arith.constant 1 : i32
    scf.for %scan3A_6 = %scan3A_1 to %scan3A_3 step %scan3A_4  : i32 {
      %mul3A_7 = arith.constant 10000 : i32
      %mul3A_8 = arith.muli %add3A, %mul3A_7 : i32
      %mul3A_9 = arith.constant 80 : i32
      %mul3A_10 = arith.muli %scan3A_6, %mul3A_9 : i32
      %add3A_11 = arith.addi %mul3A_8, %mul3A_10 : i32
      "tpu.region"() ({
        %run_scoped3A = tpu.sem_alloc : memref<!tpu.dma_semaphore, #tpu.memory_space<semaphore_mem>>
        %dma_start3A_22 = tpu.memref_slice %arg5[%add3A_11] : memref<320000xi32, #tpu.memory_space<hbm>> -> memref<80xi32, #tpu.memory_space<hbm>>
        %dma_start3A_23 = tpu.memref_slice %arg5[%add3A_11] : memref<320000xi32, #tpu.memory_space<hbm>> -> memref<80xi32, #tpu.memory_space<hbm>>
        tpu.enqueue_dma source(%dma_start3A_23 : memref<80xi32, #tpu.memory_space<hbm>>) target(%arg8 : memref<80xi32, #tpu.memory_space<vmem>>) target_semaphore(%run_scoped3A : memref<!tpu.dma_semaphore, #tpu.memory_space<semaphore_mem>>)
        %dma_wait3A_24 = tpu.memref_slice %arg5[%add3A_11] : memref<320000xi32, #tpu.memory_space<hbm>> -> memref<80xi32, #tpu.memory_space<hbm>>
        %dma_wait3A_25 = tpu.memref_slice %arg5[%add3A_11] : memref<320000xi32, #tpu.memory_space<hbm>> -> memref<80xi32, #tpu.memory_space<hbm>>
        tpu.wait_dma2 semaphore(%run_scoped3A : memref<!tpu.dma_semaphore, #tpu.memory_space<semaphore_mem>>) src(%dma_wait3A_25 : memref<80xi32, #tpu.memory_space<hbm>>) dst(%arg8 : memref<80xi32, #tpu.memory_space<vmem>>)
        tpu.yield
      }) : () -> ()
      "tpu.region"() ({
        %run_scoped3A = tpu.sem_alloc : memref<!tpu.dma_semaphore, #tpu.memory_space<semaphore_mem>>
        %dma_start3A_22 = tpu.memref_slice %arg4[%add3A_11] : memref<320000xi32, #tpu.memory_space<hbm>> -> memref<80xi32, #tpu.memory_space<hbm>>
        %dma_start3A_23 = tpu.memref_slice %arg4[%add3A_11] : memref<320000xi32, #tpu.memory_space<hbm>> -> memref<80xi32, #tpu.memory_space<hbm>>
        tpu.enqueue_dma source(%dma_start3A_23 : memref<80xi32, #tpu.memory_space<hbm>>) target(%arg9 : memref<80xi32, #tpu.memory_space<vmem>>) target_semaphore(%run_scoped3A : memref<!tpu.dma_semaphore, #tpu.memory_space<semaphore_mem>>)
        %dma_wait3A_24 = tpu.memref_slice %arg4[%add3A_11] : memref<320000xi32, #tpu.memory_space<hbm>> -> memref<80xi32, #tpu.memory_space<hbm>>
        %dma_wait3A_25 = tpu.memref_slice %arg4[%add3A_11] : memref<320000xi32, #tpu.memory_space<hbm>> -> memref<80xi32, #tpu.memory_space<hbm>>
        tpu.wait_dma2 semaphore(%run_scoped3A : memref<!tpu.dma_semaphore, #tpu.memory_space<semaphore_mem>>) src(%dma_wait3A_25 : memref<80xi32, #tpu.memory_space<hbm>>) dst(%arg9 : memref<80xi32, #tpu.memory_space<vmem>>)
        tpu.yield
      }) : () -> ()
      %dma_start3A = arith.constant 0 : i32
      %dma_start3A_12 = arith.constant 0 : i32
      %dma_start3A_13 = tpu.memref_slice %arg2[%dma_start3A, %dma_start3A_12] : memref<10000x128xf32, #tpu.memory_space<hbm>> -> memref<10000x128xf32, #tpu.memory_space<hbm>>
      tpu.enqueue_indirect_dma source(%dma_start3A_13 : memref<10000x128xf32, #tpu.memory_space<hbm>>) target(%arg10 : memref<80x128xf32, #tpu.memory_space<vmem>>) offsets(%arg8 : memref<80xi32, #tpu.memory_space<vmem>>) semaphore(%arg12 : memref<!tpu.dma_semaphore, #tpu.memory_space<semaphore_mem>>)
      %dma_start3A_14 = arith.constant 0 : i32
      %dma_start3A_15 = arith.constant 0 : i32
      %dma_start3A_16 = tpu.memref_slice %arg3[%dma_start3A_14, %dma_start3A_15] : memref<10000x128xf32, #tpu.memory_space<hbm>> -> memref<10000x128xf32, #tpu.memory_space<hbm>>
      tpu.enqueue_indirect_dma source(%dma_start3A_16 : memref<10000x128xf32, #tpu.memory_space<hbm>>) target(%arg11 : memref<80x128xf32, #tpu.memory_space<vmem>>) offsets(%arg9 : memref<80xi32, #tpu.memory_space<vmem>>) semaphore(%arg13 : memref<!tpu.dma_semaphore, #tpu.memory_space<semaphore_mem>>)
      %dma_wait3A = arith.constant 0 : i32
      %dma_wait3A_17 = arith.constant 0 : i32
      %dma_wait3A_18 = tpu.memref_slice %arg2[%dma_wait3A, %dma_wait3A_17] : memref<10000x128xf32, #tpu.memory_space<hbm>> -> memref<10000x128xf32, #tpu.memory_space<hbm>>
      tpu.wait_indirect_dma semaphore(%arg12 : memref<!tpu.dma_semaphore, #tpu.memory_space<semaphore_mem>>) src(%dma_wait3A_18 : memref<10000x128xf32, #tpu.memory_space<hbm>>) dst(%arg10 : memref<80x128xf32, #tpu.memory_space<vmem>>)
      %dma_wait3A_19 = arith.constant 0 : i32
      %dma_wait3A_20 = arith.constant 0 : i32
      %dma_wait3A_21 = tpu.memref_slice %arg3[%dma_wait3A_19, %dma_wait3A_20] : memref<10000x128xf32, #tpu.memory_space<hbm>> -> memref<10000x128xf32, #tpu.memory_space<hbm>>
      tpu.wait_indirect_dma semaphore(%arg13 : memref<!tpu.dma_semaphore, #tpu.memory_space<semaphore_mem>>) src(%dma_wait3A_21 : memref<10000x128xf32, #tpu.memory_space<hbm>>) dst(%arg11 : memref<80x128xf32, #tpu.memory_space<vmem>>)
      "tpu.region"() ({
        %run_scoped3A = tpu.sem_alloc : memref<!tpu.dma_semaphore, #tpu.memory_space<semaphore_mem>>
        %dma_start3A_22 = arith.constant 0 : i32
        %dma_start3A_23 = tpu.memref_slice %arg6[%add3A_11, %dma_start3A_22] : memref<320000x128xf32, #tpu.memory_space<hbm>> -> memref<80x128xf32, #tpu.memory_space<hbm>>
        %dma_start3A_24 = arith.constant 0 : i32
        %dma_start3A_25 = tpu.memref_slice %arg6[%add3A_11, %dma_start3A_24] : memref<320000x128xf32, #tpu.memory_space<hbm>> -> memref<80x128xf32, #tpu.memory_space<hbm>>
        tpu.enqueue_dma source(%arg10 : memref<80x128xf32, #tpu.memory_space<vmem>>) target(%dma_start3A_25 : memref<80x128xf32, #tpu.memory_space<hbm>>) target_semaphore(%run_scoped3A : memref<!tpu.dma_semaphore, #tpu.memory_space<semaphore_mem>>)
        %dma_wait3A_26 = arith.constant 0 : i32
        %dma_wait3A_27 = tpu.memref_slice %arg6[%add3A_11, %dma_wait3A_26] : memref<320000x128xf32, #tpu.memory_space<hbm>> -> memref<80x128xf32, #tpu.memory_space<hbm>>
        %dma_wait3A_28 = arith.constant 0 : i32
        %dma_wait3A_29 = tpu.memref_slice %arg6[%add3A_11, %dma_wait3A_28] : memref<320000x128xf32, #tpu.memory_space<hbm>> -> memref<80x128xf32, #tpu.memory_space<hbm>>
        tpu.wait_dma2 semaphore(%run_scoped3A : memref<!tpu.dma_semaphore, #tpu.memory_space<semaphore_mem>>) src(%arg10 : memref<80x128xf32, #tpu.memory_space<vmem>>) dst(%dma_wait3A_29 : memref<80x128xf32, #tpu.memory_space<hbm>>)
        tpu.yield
      }) : () -> ()
      "tpu.region"() ({
        %run_scoped3A = tpu.sem_alloc : memref<!tpu.dma_semaphore, #tpu.memory_space<semaphore_mem>>
        %dma_start3A_22 = arith.constant 0 : i32
        %dma_start3A_23 = tpu.memref_slice %arg7[%add3A_11, %dma_start3A_22] : memref<320000x128xf32, #tpu.memory_space<hbm>> -> memref<80x128xf32, #tpu.memory_space<hbm>>
        %dma_start3A_24 = arith.constant 0 : i32
        %dma_start3A_25 = tpu.memref_slice %arg7[%add3A_11, %dma_start3A_24] : memref<320000x128xf32, #tpu.memory_space<hbm>> -> memref<80x128xf32, #tpu.memory_space<hbm>>
        tpu.enqueue_dma source(%arg11 : memref<80x128xf32, #tpu.memory_space<vmem>>) target(%dma_start3A_25 : memref<80x128xf32, #tpu.memory_space<hbm>>) target_semaphore(%run_scoped3A : memref<!tpu.dma_semaphore, #tpu.memory_space<semaphore_mem>>)
        %dma_wait3A_26 = arith.constant 0 : i32
        %dma_wait3A_27 = tpu.memref_slice %arg7[%add3A_11, %dma_wait3A_26] : memref<320000x128xf32, #tpu.memory_space<hbm>> -> memref<80x128xf32, #tpu.memory_space<hbm>>
        %dma_wait3A_28 = arith.constant 0 : i32
        %dma_wait3A_29 = tpu.memref_slice %arg7[%add3A_11, %dma_wait3A_28] : memref<320000x128xf32, #tpu.memory_space<hbm>> -> memref<80x128xf32, #tpu.memory_space<hbm>>
        tpu.wait_dma2 semaphore(%run_scoped3A : memref<!tpu.dma_semaphore, #tpu.memory_space<semaphore_mem>>) src(%arg11 : memref<80x128xf32, #tpu.memory_space<vmem>>) dst(%dma_wait3A_29 : memref<80x128xf32, #tpu.memory_space<hbm>>)
        tpu.yield
      }) : () -> ()
    }
    %scan3A_5 = arith.constant 125 : i32
    return
  }
}

#map = affine_map<(d0, d1) -> (0, 0)>
#map1 = affine_map<(d0, d1) -> (0)>
#map2 = affine_map<(d0, d1) -> (0, 0, 0, 0)>
module attributes {stable_mosaic.version = 14 : i64} {
  func.func @k(%arg0: i32, %arg1: i32, %arg2: memref<256000x128xf32, #tpu.memory_space<hbm>>, %arg3: memref<256000x128xf32, #tpu.memory_space<hbm>>, %arg4: memref<256000xi32, #tpu.memory_space<hbm>>, %arg5: memref<10112x128xf32, #tpu.memory_space<hbm>>, %arg6: memref<2x2x10112x128xf32, #tpu.memory_space<hbm>>, %arg7: memref<80xi32, #tpu.memory_space<vmem>>, %arg8: memref<80x128xf32, #tpu.memory_space<vmem>>, %arg9: memref<10112x128xf32, #tpu.memory_space<vmem_shared>>) attributes {dimension_semantics = [#tpu.dimension_semantics<core_parallel>, #tpu.dimension_semantics<subcore_parallel>], iteration_bounds = array<i64: 2, 16>, scalar_prefetch = 0 : i64, scratch_operands = 3 : i64, tpu.core_type = #tpu.core_type<sc_vector_subcore>, window_params = [{transform_indices = #map}, {transform_indices = #map}, {transform_indices = #map1}, {transform_indices = #map}, {transform_indices = #map2}]} {
    %mul3A = arith.constant 2 : i32
    %mul3A_0 = arith.muli %arg1, %mul3A : i32
    %add3A = arith.addi %mul3A_0, %arg0 : i32
    %mul3A_1 = arith.constant 632 : i32
    %mul3A_2 = arith.muli %arg1, %mul3A_1 : i32
    "tpu.region"() ({
      %run_scoped3A_18 = tpu.sem_alloc : memref<!tpu.dma_semaphore, #tpu.memory_space<semaphore_mem>>
      %dma_start3A = arith.constant 0 : i32
      %dma_start3A_19 = tpu.memref_slice %arg9[%mul3A_2, %dma_start3A] : memref<10112x128xf32, #tpu.memory_space<vmem_shared>> -> memref<632x128xf32, #tpu.memory_space<vmem_shared>>
      %dma_start3A_20 = arith.constant 0 : i32
      %dma_start3A_21 = tpu.memref_slice %arg5[%mul3A_2, %dma_start3A_20] : memref<10112x128xf32, #tpu.memory_space<hbm>> -> memref<632x128xf32, #tpu.memory_space<hbm>>
      tpu.enqueue_dma source(%dma_start3A_21 : memref<632x128xf32, #tpu.memory_space<hbm>>) target(%dma_start3A_19 : memref<632x128xf32, #tpu.memory_space<vmem_shared>>) target_semaphore(%run_scoped3A_18 : memref<!tpu.dma_semaphore, #tpu.memory_space<semaphore_mem>>)
      %dma_wait3A = arith.constant 0 : i32
      %dma_wait3A_22 = tpu.memref_slice %arg9[%mul3A_2, %dma_wait3A] : memref<10112x128xf32, #tpu.memory_space<vmem_shared>> -> memref<632x128xf32, #tpu.memory_space<vmem_shared>>
      %dma_wait3A_23 = arith.constant 0 : i32
      %dma_wait3A_24 = tpu.memref_slice %arg5[%mul3A_2, %dma_wait3A_23] : memref<10112x128xf32, #tpu.memory_space<hbm>> -> memref<632x128xf32, #tpu.memory_space<hbm>>
      tpu.wait_dma2 semaphore(%run_scoped3A_18 : memref<!tpu.dma_semaphore, #tpu.memory_space<semaphore_mem>>) src(%dma_wait3A_24 : memref<632x128xf32, #tpu.memory_space<hbm>>) dst(%dma_wait3A_22 : memref<632x128xf32, #tpu.memory_space<vmem_shared>>)
      tpu.yield
    }) : () -> ()
    %barrier3A = arith.constant 0 : index
    tpu.barrier barrier_id(%barrier3A)
    %scan3A = arith.constant 0 : i32
    %scan3A_3 = arith.constant 0 : i32
    %scan3A_4 = arith.constant 100 : i32
    %scan3A_5 = arith.addi %scan3A_3, %scan3A_4 : i32
    %scan3A_6 = arith.constant 1 : i32
    scf.for %scan3A_18 = %scan3A_3 to %scan3A_5 step %scan3A_6  : i32 {
      %mul3A_19 = arith.constant 8000 : i32
      %mul3A_20 = arith.muli %add3A, %mul3A_19 : i32
      %mul3A_21 = arith.constant 80 : i32
      %mul3A_22 = arith.muli %scan3A_18, %mul3A_21 : i32
      %add3A_23 = arith.addi %mul3A_20, %mul3A_22 : i32
      "tpu.region"() ({
        %run_scoped3A_24 = tpu.sem_alloc : memref<!tpu.dma_semaphore, #tpu.memory_space<semaphore_mem>>
        %dma_start3A = tpu.memref_slice %arg4[%add3A_23] : memref<256000xi32, #tpu.memory_space<hbm>> -> memref<80xi32, #tpu.memory_space<hbm>>
        %dma_start3A_25 = tpu.memref_slice %arg4[%add3A_23] : memref<256000xi32, #tpu.memory_space<hbm>> -> memref<80xi32, #tpu.memory_space<hbm>>
        tpu.enqueue_dma source(%dma_start3A_25 : memref<80xi32, #tpu.memory_space<hbm>>) target(%arg7 : memref<80xi32, #tpu.memory_space<vmem>>) target_semaphore(%run_scoped3A_24 : memref<!tpu.dma_semaphore, #tpu.memory_space<semaphore_mem>>)
        %dma_wait3A = tpu.memref_slice %arg4[%add3A_23] : memref<256000xi32, #tpu.memory_space<hbm>> -> memref<80xi32, #tpu.memory_space<hbm>>
        %dma_wait3A_26 = tpu.memref_slice %arg4[%add3A_23] : memref<256000xi32, #tpu.memory_space<hbm>> -> memref<80xi32, #tpu.memory_space<hbm>>
        tpu.wait_dma2 semaphore(%run_scoped3A_24 : memref<!tpu.dma_semaphore, #tpu.memory_space<semaphore_mem>>) src(%dma_wait3A_26 : memref<80xi32, #tpu.memory_space<hbm>>) dst(%arg7 : memref<80xi32, #tpu.memory_space<vmem>>)
        tpu.yield
      }) : () -> ()
      "tpu.region"() ({
        %run_scoped3A_24 = tpu.sem_alloc : memref<!tpu.dma_semaphore, #tpu.memory_space<semaphore_mem>>
        %dma_start3A = arith.constant 0 : i32
        %dma_start3A_25 = tpu.memref_slice %arg2[%add3A_23, %dma_start3A] : memref<256000x128xf32, #tpu.memory_space<hbm>> -> memref<80x128xf32, #tpu.memory_space<hbm>>
        %dma_start3A_26 = arith.constant 0 : i32
        %dma_start3A_27 = tpu.memref_slice %arg2[%add3A_23, %dma_start3A_26] : memref<256000x128xf32, #tpu.memory_space<hbm>> -> memref<80x128xf32, #tpu.memory_space<hbm>>
        tpu.enqueue_dma source(%dma_start3A_27 : memref<80x128xf32, #tpu.memory_space<hbm>>) target(%arg8 : memref<80x128xf32, #tpu.memory_space<vmem>>) target_semaphore(%run_scoped3A_24 : memref<!tpu.dma_semaphore, #tpu.memory_space<semaphore_mem>>)
        %dma_wait3A = arith.constant 0 : i32
        %dma_wait3A_28 = tpu.memref_slice %arg2[%add3A_23, %dma_wait3A] : memref<256000x128xf32, #tpu.memory_space<hbm>> -> memref<80x128xf32, #tpu.memory_space<hbm>>
        %dma_wait3A_29 = arith.constant 0 : i32
        %dma_wait3A_30 = tpu.memref_slice %arg2[%add3A_23, %dma_wait3A_29] : memref<256000x128xf32, #tpu.memory_space<hbm>> -> memref<80x128xf32, #tpu.memory_space<hbm>>
        tpu.wait_dma2 semaphore(%run_scoped3A_24 : memref<!tpu.dma_semaphore, #tpu.memory_space<semaphore_mem>>) src(%dma_wait3A_30 : memref<80x128xf32, #tpu.memory_space<hbm>>) dst(%arg8 : memref<80x128xf32, #tpu.memory_space<vmem>>)
        tpu.yield
      }) : () -> ()
      "tpu.region"() ({
        %run_scoped3A_24 = tpu.sem_alloc : memref<!tpu.dma_semaphore, #tpu.memory_space<semaphore_mem>>
        %dma_start3A = arith.constant 0 : i32
        %dma_start3A_25 = arith.constant 0 : i32
        %dma_start3A_26 = tpu.memref_slice %arg9[%dma_start3A, %dma_start3A_25] : memref<10112x128xf32, #tpu.memory_space<vmem_shared>> -> memref<10112x128xf32, #tpu.memory_space<vmem_shared>>
        tpu.enqueue_indirect_dma source(%arg8 : memref<80x128xf32, #tpu.memory_space<vmem>>) target(%dma_start3A_26 : memref<10112x128xf32, #tpu.memory_space<vmem_shared>>) offsets(%arg7 : memref<80xi32, #tpu.memory_space<vmem>>) semaphore(%run_scoped3A_24 : memref<!tpu.dma_semaphore, #tpu.memory_space<semaphore_mem>>) {add = true}
        %dma_wait3A = arith.constant 0 : i32
        %dma_wait3A_27 = arith.constant 0 : i32
        %dma_wait3A_28 = tpu.memref_slice %arg9[%dma_wait3A, %dma_wait3A_27] : memref<10112x128xf32, #tpu.memory_space<vmem_shared>> -> memref<10112x128xf32, #tpu.memory_space<vmem_shared>>
        tpu.wait_indirect_dma semaphore(%run_scoped3A_24 : memref<!tpu.dma_semaphore, #tpu.memory_space<semaphore_mem>>) src(%arg8 : memref<80x128xf32, #tpu.memory_space<vmem>>) dst(%dma_wait3A_28 : memref<10112x128xf32, #tpu.memory_space<vmem_shared>>)
        tpu.yield
      }) : () -> ()
    }
    %scan3A_7 = arith.constant 100 : i32
    %barrier3A_8 = arith.constant 0 : index
    tpu.barrier barrier_id(%barrier3A_8)
    %run_scoped3A = arith.constant 0 : i32
    "tpu.region"() ({
      %run_scoped3A_18 = tpu.sem_alloc : memref<!tpu.dma_semaphore, #tpu.memory_space<semaphore_mem>>
      %dma_start3A = arith.constant 0 : i32
      %dma_start3A_19 = tpu.memref_slice %arg6[%arg0, %run_scoped3A, %mul3A_2, %dma_start3A] : memref<2x2x10112x128xf32, #tpu.memory_space<hbm>> -> memref<1x1x632x128xf32, #tpu.memory_space<hbm>>
      %dma_start3A_20 = tpu.memref_squeeze %dma_start3A_19 : memref<1x1x632x128xf32, #tpu.memory_space<hbm>> -> memref<632x128xf32, #tpu.memory_space<hbm>>
      %dma_start3A_21 = arith.constant 0 : i32
      %dma_start3A_22 = tpu.memref_slice %arg9[%mul3A_2, %dma_start3A_21] : memref<10112x128xf32, #tpu.memory_space<vmem_shared>> -> memref<632x128xf32, #tpu.memory_space<vmem_shared>>
      tpu.enqueue_dma source(%dma_start3A_22 : memref<632x128xf32, #tpu.memory_space<vmem_shared>>) target(%dma_start3A_20 : memref<632x128xf32, #tpu.memory_space<hbm>>) target_semaphore(%run_scoped3A_18 : memref<!tpu.dma_semaphore, #tpu.memory_space<semaphore_mem>>)
      %dma_wait3A = arith.constant 0 : i32
      %dma_wait3A_23 = tpu.memref_slice %arg6[%arg0, %run_scoped3A, %mul3A_2, %dma_wait3A] : memref<2x2x10112x128xf32, #tpu.memory_space<hbm>> -> memref<1x1x632x128xf32, #tpu.memory_space<hbm>>
      %dma_wait3A_24 = tpu.memref_squeeze %dma_wait3A_23 : memref<1x1x632x128xf32, #tpu.memory_space<hbm>> -> memref<632x128xf32, #tpu.memory_space<hbm>>
      %dma_wait3A_25 = arith.constant 0 : i32
      %dma_wait3A_26 = tpu.memref_slice %arg9[%mul3A_2, %dma_wait3A_25] : memref<10112x128xf32, #tpu.memory_space<vmem_shared>> -> memref<632x128xf32, #tpu.memory_space<vmem_shared>>
      tpu.wait_dma2 semaphore(%run_scoped3A_18 : memref<!tpu.dma_semaphore, #tpu.memory_space<semaphore_mem>>) src(%dma_wait3A_26 : memref<632x128xf32, #tpu.memory_space<vmem_shared>>) dst(%dma_wait3A_24 : memref<632x128xf32, #tpu.memory_space<hbm>>)
      tpu.yield
    }) : () -> ()
    "tpu.region"() ({
      %run_scoped3A_18 = tpu.sem_alloc : memref<!tpu.dma_semaphore, #tpu.memory_space<semaphore_mem>>
      %dma_start3A = arith.constant 0 : i32
      %dma_start3A_19 = tpu.memref_slice %arg9[%mul3A_2, %dma_start3A] : memref<10112x128xf32, #tpu.memory_space<vmem_shared>> -> memref<632x128xf32, #tpu.memory_space<vmem_shared>>
      %dma_start3A_20 = arith.constant 0 : i32
      %dma_start3A_21 = tpu.memref_slice %arg5[%mul3A_2, %dma_start3A_20] : memref<10112x128xf32, #tpu.memory_space<hbm>> -> memref<632x128xf32, #tpu.memory_space<hbm>>
      tpu.enqueue_dma source(%dma_start3A_21 : memref<632x128xf32, #tpu.memory_space<hbm>>) target(%dma_start3A_19 : memref<632x128xf32, #tpu.memory_space<vmem_shared>>) target_semaphore(%run_scoped3A_18 : memref<!tpu.dma_semaphore, #tpu.memory_space<semaphore_mem>>)
      %dma_wait3A = arith.constant 0 : i32
      %dma_wait3A_22 = tpu.memref_slice %arg9[%mul3A_2, %dma_wait3A] : memref<10112x128xf32, #tpu.memory_space<vmem_shared>> -> memref<632x128xf32, #tpu.memory_space<vmem_shared>>
      %dma_wait3A_23 = arith.constant 0 : i32
      %dma_wait3A_24 = tpu.memref_slice %arg5[%mul3A_2, %dma_wait3A_23] : memref<10112x128xf32, #tpu.memory_space<hbm>> -> memref<632x128xf32, #tpu.memory_space<hbm>>
      tpu.wait_dma2 semaphore(%run_scoped3A_18 : memref<!tpu.dma_semaphore, #tpu.memory_space<semaphore_mem>>) src(%dma_wait3A_24 : memref<632x128xf32, #tpu.memory_space<hbm>>) dst(%dma_wait3A_22 : memref<632x128xf32, #tpu.memory_space<vmem_shared>>)
      tpu.yield
    }) : () -> ()
    %barrier3A_9 = arith.constant 0 : index
    tpu.barrier barrier_id(%barrier3A_9)
    %scan3A_10 = arith.constant 0 : i32
    %scan3A_11 = arith.constant 0 : i32
    %scan3A_12 = arith.constant 100 : i32
    %scan3A_13 = arith.addi %scan3A_11, %scan3A_12 : i32
    %scan3A_14 = arith.constant 1 : i32
    scf.for %scan3A_18 = %scan3A_11 to %scan3A_13 step %scan3A_14  : i32 {
      %mul3A_19 = arith.constant 8000 : i32
      %mul3A_20 = arith.muli %add3A, %mul3A_19 : i32
      %mul3A_21 = arith.constant 80 : i32
      %mul3A_22 = arith.muli %scan3A_18, %mul3A_21 : i32
      %add3A_23 = arith.addi %mul3A_20, %mul3A_22 : i32
      "tpu.region"() ({
        %run_scoped3A_24 = tpu.sem_alloc : memref<!tpu.dma_semaphore, #tpu.memory_space<semaphore_mem>>
        %dma_start3A = tpu.memref_slice %arg4[%add3A_23] : memref<256000xi32, #tpu.memory_space<hbm>> -> memref<80xi32, #tpu.memory_space<hbm>>
        %dma_start3A_25 = tpu.memref_slice %arg4[%add3A_23] : memref<256000xi32, #tpu.memory_space<hbm>> -> memref<80xi32, #tpu.memory_space<hbm>>
        tpu.enqueue_dma source(%dma_start3A_25 : memref<80xi32, #tpu.memory_space<hbm>>) target(%arg7 : memref<80xi32, #tpu.memory_space<vmem>>) target_semaphore(%run_scoped3A_24 : memref<!tpu.dma_semaphore, #tpu.memory_space<semaphore_mem>>)
        %dma_wait3A = tpu.memref_slice %arg4[%add3A_23] : memref<256000xi32, #tpu.memory_space<hbm>> -> memref<80xi32, #tpu.memory_space<hbm>>
        %dma_wait3A_26 = tpu.memref_slice %arg4[%add3A_23] : memref<256000xi32, #tpu.memory_space<hbm>> -> memref<80xi32, #tpu.memory_space<hbm>>
        tpu.wait_dma2 semaphore(%run_scoped3A_24 : memref<!tpu.dma_semaphore, #tpu.memory_space<semaphore_mem>>) src(%dma_wait3A_26 : memref<80xi32, #tpu.memory_space<hbm>>) dst(%arg7 : memref<80xi32, #tpu.memory_space<vmem>>)
        tpu.yield
      }) : () -> ()
      "tpu.region"() ({
        %run_scoped3A_24 = tpu.sem_alloc : memref<!tpu.dma_semaphore, #tpu.memory_space<semaphore_mem>>
        %dma_start3A = arith.constant 0 : i32
        %dma_start3A_25 = tpu.memref_slice %arg3[%add3A_23, %dma_start3A] : memref<256000x128xf32, #tpu.memory_space<hbm>> -> memref<80x128xf32, #tpu.memory_space<hbm>>
        %dma_start3A_26 = arith.constant 0 : i32
        %dma_start3A_27 = tpu.memref_slice %arg3[%add3A_23, %dma_start3A_26] : memref<256000x128xf32, #tpu.memory_space<hbm>> -> memref<80x128xf32, #tpu.memory_space<hbm>>
        tpu.enqueue_dma source(%dma_start3A_27 : memref<80x128xf32, #tpu.memory_space<hbm>>) target(%arg8 : memref<80x128xf32, #tpu.memory_space<vmem>>) target_semaphore(%run_scoped3A_24 : memref<!tpu.dma_semaphore, #tpu.memory_space<semaphore_mem>>)
        %dma_wait3A = arith.constant 0 : i32
        %dma_wait3A_28 = tpu.memref_slice %arg3[%add3A_23, %dma_wait3A] : memref<256000x128xf32, #tpu.memory_space<hbm>> -> memref<80x128xf32, #tpu.memory_space<hbm>>
        %dma_wait3A_29 = arith.constant 0 : i32
        %dma_wait3A_30 = tpu.memref_slice %arg3[%add3A_23, %dma_wait3A_29] : memref<256000x128xf32, #tpu.memory_space<hbm>> -> memref<80x128xf32, #tpu.memory_space<hbm>>
        tpu.wait_dma2 semaphore(%run_scoped3A_24 : memref<!tpu.dma_semaphore, #tpu.memory_space<semaphore_mem>>) src(%dma_wait3A_30 : memref<80x128xf32, #tpu.memory_space<hbm>>) dst(%arg8 : memref<80x128xf32, #tpu.memory_space<vmem>>)
        tpu.yield
      }) : () -> ()
      "tpu.region"() ({
        %run_scoped3A_24 = tpu.sem_alloc : memref<!tpu.dma_semaphore, #tpu.memory_space<semaphore_mem>>
        %dma_start3A = arith.constant 0 : i32
        %dma_start3A_25 = arith.constant 0 : i32
        %dma_start3A_26 = tpu.memref_slice %arg9[%dma_start3A, %dma_start3A_25] : memref<10112x128xf32, #tpu.memory_space<vmem_shared>> -> memref<10112x128xf32, #tpu.memory_space<vmem_shared>>
        tpu.enqueue_indirect_dma source(%arg8 : memref<80x128xf32, #tpu.memory_space<vmem>>) target(%dma_start3A_26 : memref<10112x128xf32, #tpu.memory_space<vmem_shared>>) offsets(%arg7 : memref<80xi32, #tpu.memory_space<vmem>>) semaphore(%run_scoped3A_24 : memref<!tpu.dma_semaphore, #tpu.memory_space<semaphore_mem>>) {add = true}
        %dma_wait3A = arith.constant 0 : i32
        %dma_wait3A_27 = arith.constant 0 : i32
        %dma_wait3A_28 = tpu.memref_slice %arg9[%dma_wait3A, %dma_wait3A_27] : memref<10112x128xf32, #tpu.memory_space<vmem_shared>> -> memref<10112x128xf32, #tpu.memory_space<vmem_shared>>
        tpu.wait_indirect_dma semaphore(%run_scoped3A_24 : memref<!tpu.dma_semaphore, #tpu.memory_space<semaphore_mem>>) src(%arg8 : memref<80x128xf32, #tpu.memory_space<vmem>>) dst(%dma_wait3A_28 : memref<10112x128xf32, #tpu.memory_space<vmem_shared>>)
        tpu.yield
      }) : () -> ()
    }
    %scan3A_15 = arith.constant 100 : i32
    %barrier3A_16 = arith.constant 0 : index
    tpu.barrier barrier_id(%barrier3A_16)
    %run_scoped3A_17 = arith.constant 1 : i32
    "tpu.region"() ({
      %run_scoped3A_18 = tpu.sem_alloc : memref<!tpu.dma_semaphore, #tpu.memory_space<semaphore_mem>>
      %dma_start3A = arith.constant 0 : i32
      %dma_start3A_19 = tpu.memref_slice %arg6[%arg0, %run_scoped3A_17, %mul3A_2, %dma_start3A] : memref<2x2x10112x128xf32, #tpu.memory_space<hbm>> -> memref<1x1x632x128xf32, #tpu.memory_space<hbm>>
      %dma_start3A_20 = tpu.memref_squeeze %dma_start3A_19 : memref<1x1x632x128xf32, #tpu.memory_space<hbm>> -> memref<632x128xf32, #tpu.memory_space<hbm>>
      %dma_start3A_21 = arith.constant 0 : i32
      %dma_start3A_22 = tpu.memref_slice %arg9[%mul3A_2, %dma_start3A_21] : memref<10112x128xf32, #tpu.memory_space<vmem_shared>> -> memref<632x128xf32, #tpu.memory_space<vmem_shared>>
      tpu.enqueue_dma source(%dma_start3A_22 : memref<632x128xf32, #tpu.memory_space<vmem_shared>>) target(%dma_start3A_20 : memref<632x128xf32, #tpu.memory_space<hbm>>) target_semaphore(%run_scoped3A_18 : memref<!tpu.dma_semaphore, #tpu.memory_space<semaphore_mem>>)
      %dma_wait3A = arith.constant 0 : i32
      %dma_wait3A_23 = tpu.memref_slice %arg6[%arg0, %run_scoped3A_17, %mul3A_2, %dma_wait3A] : memref<2x2x10112x128xf32, #tpu.memory_space<hbm>> -> memref<1x1x632x128xf32, #tpu.memory_space<hbm>>
      %dma_wait3A_24 = tpu.memref_squeeze %dma_wait3A_23 : memref<1x1x632x128xf32, #tpu.memory_space<hbm>> -> memref<632x128xf32, #tpu.memory_space<hbm>>
      %dma_wait3A_25 = arith.constant 0 : i32
      %dma_wait3A_26 = tpu.memref_slice %arg9[%mul3A_2, %dma_wait3A_25] : memref<10112x128xf32, #tpu.memory_space<vmem_shared>> -> memref<632x128xf32, #tpu.memory_space<vmem_shared>>
      tpu.wait_dma2 semaphore(%run_scoped3A_18 : memref<!tpu.dma_semaphore, #tpu.memory_space<semaphore_mem>>) src(%dma_wait3A_26 : memref<632x128xf32, #tpu.memory_space<vmem_shared>>) dst(%dma_wait3A_24 : memref<632x128xf32, #tpu.memory_space<hbm>>)
      tpu.yield
    }) : () -> ()
    return
  }
}

#map = affine_map<(d0, d1) -> (0, 0)>
#map1 = affine_map<(d0, d1) -> (0)>
#map2 = affine_map<(d0, d1) -> (0, 0, 0, 0)>
module attributes {stable_mosaic.version = 14 : i64} {
  func.func @k(%arg0: i32, %arg1: i32, %arg2: memref<320000x128xf32, #tpu.memory_space<hbm>>, %arg3: memref<320000x128xf32, #tpu.memory_space<hbm>>, %arg4: memref<320000xi32, #tpu.memory_space<hbm>>, %arg5: memref<10112x128xf32, #tpu.memory_space<hbm>>, %arg6: memref<2x2x10112x128xf32, #tpu.memory_space<hbm>>, %arg7: memref<80xi32, #tpu.memory_space<vmem>>, %arg8: memref<80x128xf32, #tpu.memory_space<vmem>>, %arg9: memref<10112x128xf32, #tpu.memory_space<vmem_shared>>) attributes {dimension_semantics = [#tpu.dimension_semantics<core_parallel>, #tpu.dimension_semantics<subcore_parallel>], iteration_bounds = array<i64: 2, 16>, scalar_prefetch = 0 : i64, scratch_operands = 3 : i64, tpu.core_type = #tpu.core_type<sc_vector_subcore>, window_params = [{transform_indices = #map}, {transform_indices = #map}, {transform_indices = #map1}, {transform_indices = #map}, {transform_indices = #map2}]} {
    %mul3A = arith.constant 2 : i32
    %mul3A_0 = arith.muli %arg1, %mul3A : i32
    %add3A = arith.addi %mul3A_0, %arg0 : i32
    %mul3A_1 = arith.constant 632 : i32
    %mul3A_2 = arith.muli %arg1, %mul3A_1 : i32
    "tpu.region"() ({
      %run_scoped3A_18 = tpu.sem_alloc : memref<!tpu.dma_semaphore, #tpu.memory_space<semaphore_mem>>
      %dma_start3A = arith.constant 0 : i32
      %dma_start3A_19 = tpu.memref_slice %arg9[%mul3A_2, %dma_start3A] : memref<10112x128xf32, #tpu.memory_space<vmem_shared>> -> memref<632x128xf32, #tpu.memory_space<vmem_shared>>
      %dma_start3A_20 = arith.constant 0 : i32
      %dma_start3A_21 = tpu.memref_slice %arg5[%mul3A_2, %dma_start3A_20] : memref<10112x128xf32, #tpu.memory_space<hbm>> -> memref<632x128xf32, #tpu.memory_space<hbm>>
      tpu.enqueue_dma source(%dma_start3A_21 : memref<632x128xf32, #tpu.memory_space<hbm>>) target(%dma_start3A_19 : memref<632x128xf32, #tpu.memory_space<vmem_shared>>) target_semaphore(%run_scoped3A_18 : memref<!tpu.dma_semaphore, #tpu.memory_space<semaphore_mem>>)
      %dma_wait3A = arith.constant 0 : i32
      %dma_wait3A_22 = tpu.memref_slice %arg9[%mul3A_2, %dma_wait3A] : memref<10112x128xf32, #tpu.memory_space<vmem_shared>> -> memref<632x128xf32, #tpu.memory_space<vmem_shared>>
      %dma_wait3A_23 = arith.constant 0 : i32
      %dma_wait3A_24 = tpu.memref_slice %arg5[%mul3A_2, %dma_wait3A_23] : memref<10112x128xf32, #tpu.memory_space<hbm>> -> memref<632x128xf32, #tpu.memory_space<hbm>>
      tpu.wait_dma2 semaphore(%run_scoped3A_18 : memref<!tpu.dma_semaphore, #tpu.memory_space<semaphore_mem>>) src(%dma_wait3A_24 : memref<632x128xf32, #tpu.memory_space<hbm>>) dst(%dma_wait3A_22 : memref<632x128xf32, #tpu.memory_space<vmem_shared>>)
      tpu.yield
    }) : () -> ()
    %barrier3A = arith.constant 0 : index
    tpu.barrier barrier_id(%barrier3A)
    %scan3A = arith.constant 0 : i32
    %scan3A_3 = arith.constant 0 : i32
    %scan3A_4 = arith.constant 125 : i32
    %scan3A_5 = arith.addi %scan3A_3, %scan3A_4 : i32
    %scan3A_6 = arith.constant 1 : i32
    scf.for %scan3A_18 = %scan3A_3 to %scan3A_5 step %scan3A_6  : i32 {
      %mul3A_19 = arith.constant 10000 : i32
      %mul3A_20 = arith.muli %add3A, %mul3A_19 : i32
      %mul3A_21 = arith.constant 80 : i32
      %mul3A_22 = arith.muli %scan3A_18, %mul3A_21 : i32
      %add3A_23 = arith.addi %mul3A_20, %mul3A_22 : i32
      "tpu.region"() ({
        %run_scoped3A_24 = tpu.sem_alloc : memref<!tpu.dma_semaphore, #tpu.memory_space<semaphore_mem>>
        %dma_start3A = tpu.memref_slice %arg4[%add3A_23] : memref<320000xi32, #tpu.memory_space<hbm>> -> memref<80xi32, #tpu.memory_space<hbm>>
        %dma_start3A_25 = tpu.memref_slice %arg4[%add3A_23] : memref<320000xi32, #tpu.memory_space<hbm>> -> memref<80xi32, #tpu.memory_space<hbm>>
        tpu.enqueue_dma source(%dma_start3A_25 : memref<80xi32, #tpu.memory_space<hbm>>) target(%arg7 : memref<80xi32, #tpu.memory_space<vmem>>) target_semaphore(%run_scoped3A_24 : memref<!tpu.dma_semaphore, #tpu.memory_space<semaphore_mem>>)
        %dma_wait3A = tpu.memref_slice %arg4[%add3A_23] : memref<320000xi32, #tpu.memory_space<hbm>> -> memref<80xi32, #tpu.memory_space<hbm>>
        %dma_wait3A_26 = tpu.memref_slice %arg4[%add3A_23] : memref<320000xi32, #tpu.memory_space<hbm>> -> memref<80xi32, #tpu.memory_space<hbm>>
        tpu.wait_dma2 semaphore(%run_scoped3A_24 : memref<!tpu.dma_semaphore, #tpu.memory_space<semaphore_mem>>) src(%dma_wait3A_26 : memref<80xi32, #tpu.memory_space<hbm>>) dst(%arg7 : memref<80xi32, #tpu.memory_space<vmem>>)
        tpu.yield
      }) : () -> ()
      "tpu.region"() ({
        %run_scoped3A_24 = tpu.sem_alloc : memref<!tpu.dma_semaphore, #tpu.memory_space<semaphore_mem>>
        %dma_start3A = arith.constant 0 : i32
        %dma_start3A_25 = tpu.memref_slice %arg2[%add3A_23, %dma_start3A] : memref<320000x128xf32, #tpu.memory_space<hbm>> -> memref<80x128xf32, #tpu.memory_space<hbm>>
        %dma_start3A_26 = arith.constant 0 : i32
        %dma_start3A_27 = tpu.memref_slice %arg2[%add3A_23, %dma_start3A_26] : memref<320000x128xf32, #tpu.memory_space<hbm>> -> memref<80x128xf32, #tpu.memory_space<hbm>>
        tpu.enqueue_dma source(%dma_start3A_27 : memref<80x128xf32, #tpu.memory_space<hbm>>) target(%arg8 : memref<80x128xf32, #tpu.memory_space<vmem>>) target_semaphore(%run_scoped3A_24 : memref<!tpu.dma_semaphore, #tpu.memory_space<semaphore_mem>>)
        %dma_wait3A = arith.constant 0 : i32
        %dma_wait3A_28 = tpu.memref_slice %arg2[%add3A_23, %dma_wait3A] : memref<320000x128xf32, #tpu.memory_space<hbm>> -> memref<80x128xf32, #tpu.memory_space<hbm>>
        %dma_wait3A_29 = arith.constant 0 : i32
        %dma_wait3A_30 = tpu.memref_slice %arg2[%add3A_23, %dma_wait3A_29] : memref<320000x128xf32, #tpu.memory_space<hbm>> -> memref<80x128xf32, #tpu.memory_space<hbm>>
        tpu.wait_dma2 semaphore(%run_scoped3A_24 : memref<!tpu.dma_semaphore, #tpu.memory_space<semaphore_mem>>) src(%dma_wait3A_30 : memref<80x128xf32, #tpu.memory_space<hbm>>) dst(%arg8 : memref<80x128xf32, #tpu.memory_space<vmem>>)
        tpu.yield
      }) : () -> ()
      "tpu.region"() ({
        %run_scoped3A_24 = tpu.sem_alloc : memref<!tpu.dma_semaphore, #tpu.memory_space<semaphore_mem>>
        %dma_start3A = arith.constant 0 : i32
        %dma_start3A_25 = arith.constant 0 : i32
        %dma_start3A_26 = tpu.memref_slice %arg9[%dma_start3A, %dma_start3A_25] : memref<10112x128xf32, #tpu.memory_space<vmem_shared>> -> memref<10112x128xf32, #tpu.memory_space<vmem_shared>>
        tpu.enqueue_indirect_dma source(%arg8 : memref<80x128xf32, #tpu.memory_space<vmem>>) target(%dma_start3A_26 : memref<10112x128xf32, #tpu.memory_space<vmem_shared>>) offsets(%arg7 : memref<80xi32, #tpu.memory_space<vmem>>) semaphore(%run_scoped3A_24 : memref<!tpu.dma_semaphore, #tpu.memory_space<semaphore_mem>>) {add = true}
        %dma_wait3A = arith.constant 0 : i32
        %dma_wait3A_27 = arith.constant 0 : i32
        %dma_wait3A_28 = tpu.memref_slice %arg9[%dma_wait3A, %dma_wait3A_27] : memref<10112x128xf32, #tpu.memory_space<vmem_shared>> -> memref<10112x128xf32, #tpu.memory_space<vmem_shared>>
        tpu.wait_indirect_dma semaphore(%run_scoped3A_24 : memref<!tpu.dma_semaphore, #tpu.memory_space<semaphore_mem>>) src(%arg8 : memref<80x128xf32, #tpu.memory_space<vmem>>) dst(%dma_wait3A_28 : memref<10112x128xf32, #tpu.memory_space<vmem_shared>>)
        tpu.yield
      }) : () -> ()
    }
    %scan3A_7 = arith.constant 125 : i32
    %barrier3A_8 = arith.constant 0 : index
    tpu.barrier barrier_id(%barrier3A_8)
    %run_scoped3A = arith.constant 0 : i32
    "tpu.region"() ({
      %run_scoped3A_18 = tpu.sem_alloc : memref<!tpu.dma_semaphore, #tpu.memory_space<semaphore_mem>>
      %dma_start3A = arith.constant 0 : i32
      %dma_start3A_19 = tpu.memref_slice %arg6[%arg0, %run_scoped3A, %mul3A_2, %dma_start3A] : memref<2x2x10112x128xf32, #tpu.memory_space<hbm>> -> memref<1x1x632x128xf32, #tpu.memory_space<hbm>>
      %dma_start3A_20 = tpu.memref_squeeze %dma_start3A_19 : memref<1x1x632x128xf32, #tpu.memory_space<hbm>> -> memref<632x128xf32, #tpu.memory_space<hbm>>
      %dma_start3A_21 = arith.constant 0 : i32
      %dma_start3A_22 = tpu.memref_slice %arg9[%mul3A_2, %dma_start3A_21] : memref<10112x128xf32, #tpu.memory_space<vmem_shared>> -> memref<632x128xf32, #tpu.memory_space<vmem_shared>>
      tpu.enqueue_dma source(%dma_start3A_22 : memref<632x128xf32, #tpu.memory_space<vmem_shared>>) target(%dma_start3A_20 : memref<632x128xf32, #tpu.memory_space<hbm>>) target_semaphore(%run_scoped3A_18 : memref<!tpu.dma_semaphore, #tpu.memory_space<semaphore_mem>>)
      %dma_wait3A = arith.constant 0 : i32
      %dma_wait3A_23 = tpu.memref_slice %arg6[%arg0, %run_scoped3A, %mul3A_2, %dma_wait3A] : memref<2x2x10112x128xf32, #tpu.memory_space<hbm>> -> memref<1x1x632x128xf32, #tpu.memory_space<hbm>>
      %dma_wait3A_24 = tpu.memref_squeeze %dma_wait3A_23 : memref<1x1x632x128xf32, #tpu.memory_space<hbm>> -> memref<632x128xf32, #tpu.memory_space<hbm>>
      %dma_wait3A_25 = arith.constant 0 : i32
      %dma_wait3A_26 = tpu.memref_slice %arg9[%mul3A_2, %dma_wait3A_25] : memref<10112x128xf32, #tpu.memory_space<vmem_shared>> -> memref<632x128xf32, #tpu.memory_space<vmem_shared>>
      tpu.wait_dma2 semaphore(%run_scoped3A_18 : memref<!tpu.dma_semaphore, #tpu.memory_space<semaphore_mem>>) src(%dma_wait3A_26 : memref<632x128xf32, #tpu.memory_space<vmem_shared>>) dst(%dma_wait3A_24 : memref<632x128xf32, #tpu.memory_space<hbm>>)
      tpu.yield
    }) : () -> ()
    "tpu.region"() ({
      %run_scoped3A_18 = tpu.sem_alloc : memref<!tpu.dma_semaphore, #tpu.memory_space<semaphore_mem>>
      %dma_start3A = arith.constant 0 : i32
      %dma_start3A_19 = tpu.memref_slice %arg9[%mul3A_2, %dma_start3A] : memref<10112x128xf32, #tpu.memory_space<vmem_shared>> -> memref<632x128xf32, #tpu.memory_space<vmem_shared>>
      %dma_start3A_20 = arith.constant 0 : i32
      %dma_start3A_21 = tpu.memref_slice %arg5[%mul3A_2, %dma_start3A_20] : memref<10112x128xf32, #tpu.memory_space<hbm>> -> memref<632x128xf32, #tpu.memory_space<hbm>>
      tpu.enqueue_dma source(%dma_start3A_21 : memref<632x128xf32, #tpu.memory_space<hbm>>) target(%dma_start3A_19 : memref<632x128xf32, #tpu.memory_space<vmem_shared>>) target_semaphore(%run_scoped3A_18 : memref<!tpu.dma_semaphore, #tpu.memory_space<semaphore_mem>>)
      %dma_wait3A = arith.constant 0 : i32
      %dma_wait3A_22 = tpu.memref_slice %arg9[%mul3A_2, %dma_wait3A] : memref<10112x128xf32, #tpu.memory_space<vmem_shared>> -> memref<632x128xf32, #tpu.memory_space<vmem_shared>>
      %dma_wait3A_23 = arith.constant 0 : i32
      %dma_wait3A_24 = tpu.memref_slice %arg5[%mul3A_2, %dma_wait3A_23] : memref<10112x128xf32, #tpu.memory_space<hbm>> -> memref<632x128xf32, #tpu.memory_space<hbm>>
      tpu.wait_dma2 semaphore(%run_scoped3A_18 : memref<!tpu.dma_semaphore, #tpu.memory_space<semaphore_mem>>) src(%dma_wait3A_24 : memref<632x128xf32, #tpu.memory_space<hbm>>) dst(%dma_wait3A_22 : memref<632x128xf32, #tpu.memory_space<vmem_shared>>)
      tpu.yield
    }) : () -> ()
    %barrier3A_9 = arith.constant 0 : index
    tpu.barrier barrier_id(%barrier3A_9)
    %scan3A_10 = arith.constant 0 : i32
    %scan3A_11 = arith.constant 0 : i32
    %scan3A_12 = arith.constant 125 : i32
    %scan3A_13 = arith.addi %scan3A_11, %scan3A_12 : i32
    %scan3A_14 = arith.constant 1 : i32
    scf.for %scan3A_18 = %scan3A_11 to %scan3A_13 step %scan3A_14  : i32 {
      %mul3A_19 = arith.constant 10000 : i32
      %mul3A_20 = arith.muli %add3A, %mul3A_19 : i32
      %mul3A_21 = arith.constant 80 : i32
      %mul3A_22 = arith.muli %scan3A_18, %mul3A_21 : i32
      %add3A_23 = arith.addi %mul3A_20, %mul3A_22 : i32
      "tpu.region"() ({
        %run_scoped3A_24 = tpu.sem_alloc : memref<!tpu.dma_semaphore, #tpu.memory_space<semaphore_mem>>
        %dma_start3A = tpu.memref_slice %arg4[%add3A_23] : memref<320000xi32, #tpu.memory_space<hbm>> -> memref<80xi32, #tpu.memory_space<hbm>>
        %dma_start3A_25 = tpu.memref_slice %arg4[%add3A_23] : memref<320000xi32, #tpu.memory_space<hbm>> -> memref<80xi32, #tpu.memory_space<hbm>>
        tpu.enqueue_dma source(%dma_start3A_25 : memref<80xi32, #tpu.memory_space<hbm>>) target(%arg7 : memref<80xi32, #tpu.memory_space<vmem>>) target_semaphore(%run_scoped3A_24 : memref<!tpu.dma_semaphore, #tpu.memory_space<semaphore_mem>>)
        %dma_wait3A = tpu.memref_slice %arg4[%add3A_23] : memref<320000xi32, #tpu.memory_space<hbm>> -> memref<80xi32, #tpu.memory_space<hbm>>
        %dma_wait3A_26 = tpu.memref_slice %arg4[%add3A_23] : memref<320000xi32, #tpu.memory_space<hbm>> -> memref<80xi32, #tpu.memory_space<hbm>>
        tpu.wait_dma2 semaphore(%run_scoped3A_24 : memref<!tpu.dma_semaphore, #tpu.memory_space<semaphore_mem>>) src(%dma_wait3A_26 : memref<80xi32, #tpu.memory_space<hbm>>) dst(%arg7 : memref<80xi32, #tpu.memory_space<vmem>>)
        tpu.yield
      }) : () -> ()
      "tpu.region"() ({
        %run_scoped3A_24 = tpu.sem_alloc : memref<!tpu.dma_semaphore, #tpu.memory_space<semaphore_mem>>
        %dma_start3A = arith.constant 0 : i32
        %dma_start3A_25 = tpu.memref_slice %arg3[%add3A_23, %dma_start3A] : memref<320000x128xf32, #tpu.memory_space<hbm>> -> memref<80x128xf32, #tpu.memory_space<hbm>>
        %dma_start3A_26 = arith.constant 0 : i32
        %dma_start3A_27 = tpu.memref_slice %arg3[%add3A_23, %dma_start3A_26] : memref<320000x128xf32, #tpu.memory_space<hbm>> -> memref<80x128xf32, #tpu.memory_space<hbm>>
        tpu.enqueue_dma source(%dma_start3A_27 : memref<80x128xf32, #tpu.memory_space<hbm>>) target(%arg8 : memref<80x128xf32, #tpu.memory_space<vmem>>) target_semaphore(%run_scoped3A_24 : memref<!tpu.dma_semaphore, #tpu.memory_space<semaphore_mem>>)
        %dma_wait3A = arith.constant 0 : i32
        %dma_wait3A_28 = tpu.memref_slice %arg3[%add3A_23, %dma_wait3A] : memref<320000x128xf32, #tpu.memory_space<hbm>> -> memref<80x128xf32, #tpu.memory_space<hbm>>
        %dma_wait3A_29 = arith.constant 0 : i32
        %dma_wait3A_30 = tpu.memref_slice %arg3[%add3A_23, %dma_wait3A_29] : memref<320000x128xf32, #tpu.memory_space<hbm>> -> memref<80x128xf32, #tpu.memory_space<hbm>>
        tpu.wait_dma2 semaphore(%run_scoped3A_24 : memref<!tpu.dma_semaphore, #tpu.memory_space<semaphore_mem>>) src(%dma_wait3A_30 : memref<80x128xf32, #tpu.memory_space<hbm>>) dst(%arg8 : memref<80x128xf32, #tpu.memory_space<vmem>>)
        tpu.yield
      }) : () -> ()
      "tpu.region"() ({
        %run_scoped3A_24 = tpu.sem_alloc : memref<!tpu.dma_semaphore, #tpu.memory_space<semaphore_mem>>
        %dma_start3A = arith.constant 0 : i32
        %dma_start3A_25 = arith.constant 0 : i32
        %dma_start3A_26 = tpu.memref_slice %arg9[%dma_start3A, %dma_start3A_25] : memref<10112x128xf32, #tpu.memory_space<vmem_shared>> -> memref<10112x128xf32, #tpu.memory_space<vmem_shared>>
        tpu.enqueue_indirect_dma source(%arg8 : memref<80x128xf32, #tpu.memory_space<vmem>>) target(%dma_start3A_26 : memref<10112x128xf32, #tpu.memory_space<vmem_shared>>) offsets(%arg7 : memref<80xi32, #tpu.memory_space<vmem>>) semaphore(%run_scoped3A_24 : memref<!tpu.dma_semaphore, #tpu.memory_space<semaphore_mem>>) {add = true}
        %dma_wait3A = arith.constant 0 : i32
        %dma_wait3A_27 = arith.constant 0 : i32
        %dma_wait3A_28 = tpu.memref_slice %arg9[%dma_wait3A, %dma_wait3A_27] : memref<10112x128xf32, #tpu.memory_space<vmem_shared>> -> memref<10112x128xf32, #tpu.memory_space<vmem_shared>>
        tpu.wait_indirect_dma semaphore(%run_scoped3A_24 : memref<!tpu.dma_semaphore, #tpu.memory_space<semaphore_mem>>) src(%arg8 : memref<80x128xf32, #tpu.memory_space<vmem>>) dst(%dma_wait3A_28 : memref<10112x128xf32, #tpu.memory_space<vmem_shared>>)
        tpu.yield
      }) : () -> ()
    }
    %scan3A_15 = arith.constant 125 : i32
    %barrier3A_16 = arith.constant 0 : index
    tpu.barrier barrier_id(%barrier3A_16)
    %run_scoped3A_17 = arith.constant 1 : i32
    "tpu.region"() ({
      %run_scoped3A_18 = tpu.sem_alloc : memref<!tpu.dma_semaphore, #tpu.memory_space<semaphore_mem>>
      %dma_start3A = arith.constant 0 : i32
      %dma_start3A_19 = tpu.memref_slice %arg6[%arg0, %run_scoped3A_17, %mul3A_2, %dma_start3A] : memref<2x2x10112x128xf32, #tpu.memory_space<hbm>> -> memref<1x1x632x128xf32, #tpu.memory_space<hbm>>
      %dma_start3A_20 = tpu.memref_squeeze %dma_start3A_19 : memref<1x1x632x128xf32, #tpu.memory_space<hbm>> -> memref<632x128xf32, #tpu.memory_space<hbm>>
      %dma_start3A_21 = arith.constant 0 : i32
      %dma_start3A_22 = tpu.memref_slice %arg9[%mul3A_2, %dma_start3A_21] : memref<10112x128xf32, #tpu.memory_space<vmem_shared>> -> memref<632x128xf32, #tpu.memory_space<vmem_shared>>
      tpu.enqueue_dma source(%dma_start3A_22 : memref<632x128xf32, #tpu.memory_space<vmem_shared>>) target(%dma_start3A_20 : memref<632x128xf32, #tpu.memory_space<hbm>>) target_semaphore(%run_scoped3A_18 : memref<!tpu.dma_semaphore, #tpu.memory_space<semaphore_mem>>)
      %dma_wait3A = arith.constant 0 : i32
      %dma_wait3A_23 = tpu.memref_slice %arg6[%arg0, %run_scoped3A_17, %mul3A_2, %dma_wait3A] : memref<2x2x10112x128xf32, #tpu.memory_space<hbm>> -> memref<1x1x632x128xf32, #tpu.memory_space<hbm>>
      %dma_wait3A_24 = tpu.memref_squeeze %dma_wait3A_23 : memref<1x1x632x128xf32, #tpu.memory_space<hbm>> -> memref<632x128xf32, #tpu.memory_space<hbm>>
      %dma_wait3A_25 = arith.constant 0 : i32
      %dma_wait3A_26 = tpu.memref_slice %arg9[%mul3A_2, %dma_wait3A_25] : memref<10112x128xf32, #tpu.memory_space<vmem_shared>> -> memref<632x128xf32, #tpu.memory_space<vmem_shared>>
      tpu.wait_dma2 semaphore(%run_scoped3A_18 : memref<!tpu.dma_semaphore, #tpu.memory_space<semaphore_mem>>) src(%dma_wait3A_26 : memref<632x128xf32, #tpu.memory_space<vmem_shared>>) dst(%dma_wait3A_24 : memref<632x128xf32, #tpu.memory_space<hbm>>)
      tpu.yield
    }) : () -> ()
    return
  }
}

module attributes {stable_mosaic.version = 14 : i64} {
  func.func @_node_init_body(%arg0: i32, %arg1: memref<2000x128xf32, #tpu.memory_space<vmem>>, %arg2: memref<128x128xf32, #tpu.memory_space<vmem>>, %arg3: memref<1x128xf32, #tpu.memory_space<vmem>>, %arg4: memref<128x128xf32, #tpu.memory_space<vmem>>, %arg5: memref<1x128xf32, #tpu.memory_space<vmem>>, %arg6: memref<128x128xf32, #tpu.memory_space<vmem>>, %arg7: memref<2000x128xf32, #tpu.memory_space<vmem>>, %arg8: memref<2000x128xf32, #tpu.memory_space<vmem>>) attributes {dimension_semantics = [#tpu.dimension_semantics<arbitrary>], iteration_bounds = array<i64: 5>, scalar_prefetch = 0 : i64, scratch_operands = 0 : i64, tpu.core_type = #tpu.core_type<tc>, window_params = [{transform_indices = @transform_0, window_bounds = array<i64: 2000, 128>}, {pipeline_mode = #tpu.pipeline_mode<synchronous>, transform_indices = @transform_1, window_bounds = array<i64: 128, 128>}, {pipeline_mode = #tpu.pipeline_mode<synchronous>, transform_indices = @transform_2, window_bounds = array<i64: 1, 128>}, {pipeline_mode = #tpu.pipeline_mode<synchronous>, transform_indices = @transform_3, window_bounds = array<i64: 128, 128>}, {pipeline_mode = #tpu.pipeline_mode<synchronous>, transform_indices = @transform_4, window_bounds = array<i64: 1, 128>}, {pipeline_mode = #tpu.pipeline_mode<synchronous>, transform_indices = @transform_5, window_bounds = array<i64: 128, 128>}, {transform_indices = @transform_6, window_bounds = array<i64: 2000, 128>}, {transform_indices = @transform_7, window_bounds = array<i64: 2000, 128>}]} {
    %get3A = arith.constant 0 : index
    %get3A_0 = arith.constant 0 : index
    %get3A_1 = vector.load %arg1[%get3A, %get3A_0] : memref<2000x128xf32, #tpu.memory_space<vmem>>, vector<2000x128xf32>
    %get3A_2 = arith.constant 0 : index
    %get3A_3 = arith.constant 0 : index
    %get3A_4 = vector.load %arg2[%get3A_2, %get3A_3] : memref<128x128xf32, #tpu.memory_space<vmem>>, vector<128x128xf32>
    %convert_element_type3A = arith.truncf %get3A_1 : vector<2000x128xf32> to vector<2000x128xbf16>
    %convert_element_type3A_5 = arith.truncf %get3A_4 : vector<128x128xf32> to vector<128x128xbf16>
    %dot_general3A = arith.constant dense<0.000000e+00> : vector<2000x128xf32>
    %dot_general3A_6 = tpu.matmul %convert_element_type3A, %convert_element_type3A_5, %dot_general3A {dimension_numbers = #tpu.dot_dimension_numbers<[1], [0], [0], [1], [0, 0, 1, 1], [], []>, transpose_lhs_hint = false} : vector<2000x128xbf16>, vector<128x128xbf16>, vector<2000x128xf32> -> vector<2000x128xf32>
    %get3A_7 = arith.constant 0 : index
    %get3A_8 = arith.constant 0 : index
    %get3A_9 = vector.load %arg3[%get3A_7, %get3A_8] : memref<1x128xf32, #tpu.memory_space<vmem>>, vector<1x128xf32>
    %add3A = vector.broadcast %get3A_9 : vector<1x128xf32> to vector<2000x128xf32>
    %add3A_10 = arith.addf %dot_general3A_6, %add3A : vector<2000x128xf32>
    %max3A = arith.constant 0.000000e+00 : f32
    %max3A_11 = vector.broadcast %max3A : f32 to vector<2000x128xf32>
    %max3A_12 = arith.maximumf %add3A_10, %max3A_11 : vector<2000x128xf32>
    %get3A_13 = arith.constant 0 : index
    %get3A_14 = arith.constant 0 : index
    %get3A_15 = vector.load %arg4[%get3A_13, %get3A_14] : memref<128x128xf32, #tpu.memory_space<vmem>>, vector<128x128xf32>
    %convert_element_type3A_16 = arith.truncf %max3A_12 : vector<2000x128xf32> to vector<2000x128xbf16>
    %convert_element_type3A_17 = arith.truncf %get3A_15 : vector<128x128xf32> to vector<128x128xbf16>
    %dot_general3A_18 = arith.constant dense<0.000000e+00> : vector<2000x128xf32>
    %dot_general3A_19 = tpu.matmul %convert_element_type3A_16, %convert_element_type3A_17, %dot_general3A_18 {dimension_numbers = #tpu.dot_dimension_numbers<[1], [0], [0], [1], [0, 0, 1, 1], [], []>, transpose_lhs_hint = false} : vector<2000x128xbf16>, vector<128x128xbf16>, vector<2000x128xf32> -> vector<2000x128xf32>
    %get3A_20 = arith.constant 0 : index
    %get3A_21 = arith.constant 0 : index
    %get3A_22 = vector.load %arg5[%get3A_20, %get3A_21] : memref<1x128xf32, #tpu.memory_space<vmem>>, vector<1x128xf32>
    %add3A_23 = vector.broadcast %get3A_22 : vector<1x128xf32> to vector<2000x128xf32>
    %add3A_24 = arith.addf %dot_general3A_19, %add3A_23 : vector<2000x128xf32>
    %swap3A = arith.constant 0 : index
    %swap3A_25 = arith.constant 0 : index
    %swap3A_26 = vector.load %arg7[%swap3A, %swap3A_25] : memref<2000x128xf32, #tpu.memory_space<vmem>>, vector<2000x128xf32>
    tpu.vector_store %arg7[%swap3A, %swap3A_25], %add3A_24 {strides = array<i32>} : memref<2000x128xf32, #tpu.memory_space<vmem>>, vector<2000x128xf32>,
    %get3A_27 = arith.constant 0 : index
    %get3A_28 = arith.constant 0 : index
    %get3A_29 = vector.load %arg6[%get3A_27, %get3A_28] : memref<128x128xf32, #tpu.memory_space<vmem>>, vector<128x128xf32>
    %convert_element_type3A_30 = arith.truncf %add3A_24 : vector<2000x128xf32> to vector<2000x128xbf16>
    %convert_element_type3A_31 = arith.truncf %get3A_29 : vector<128x128xf32> to vector<128x128xbf16>
    %dot_general3A_32 = arith.constant dense<0.000000e+00> : vector<2000x128xf32>
    %dot_general3A_33 = tpu.matmul %convert_element_type3A_30, %convert_element_type3A_31, %dot_general3A_32 {dimension_numbers = #tpu.dot_dimension_numbers<[1], [0], [0], [1], [0, 0, 1, 1], [], []>, transpose_lhs_hint = false} : vector<2000x128xbf16>, vector<128x128xbf16>, vector<2000x128xf32> -> vector<2000x128xf32>
    %swap3A_34 = arith.constant 0 : index
    %swap3A_35 = arith.constant 0 : index
    %swap3A_36 = vector.load %arg8[%swap3A_34, %swap3A_35] : memref<2000x128xf32, #tpu.memory_space<vmem>>, vector<2000x128xf32>
    tpu.vector_store %arg8[%swap3A_34, %swap3A_35], %dot_general3A_33 {strides = array<i32>} : memref<2000x128xf32, #tpu.memory_space<vmem>>, vector<2000x128xf32>,
    return
  }
  func.func @transform_0(%arg0: i32) -> (i32, i32) {
    %c0_i32 = arith.constant 0 : i32
    %c0_i32_0 = arith.constant 0 : i32
    return %arg0, %c0_i32 : i32, i32
  }
  func.func @transform_1(%arg0: i32) -> (i32, i32) {
    %c0_i32 = arith.constant 0 : i32
    %c0_i32_0 = arith.constant 0 : i32
    %c0_i32_1 = arith.constant 0 : i32
    return %c0_i32, %c0_i32_0 : i32, i32
  }
  func.func @transform_2(%arg0: i32) -> (i32, i32) {
    %c0_i32 = arith.constant 0 : i32
    %c0_i32_0 = arith.constant 0 : i32
    %c0_i32_1 = arith.constant 0 : i32
    return %c0_i32, %c0_i32_0 : i32, i32
  }
  func.func @transform_3(%arg0: i32) -> (i32, i32) {
    %c0_i32 = arith.constant 0 : i32
    %c0_i32_0 = arith.constant 0 : i32
    %c0_i32_1 = arith.constant 0 : i32
    return %c0_i32, %c0_i32_0 : i32, i32
  }
  func.func @transform_4(%arg0: i32) -> (i32, i32) {
    %c0_i32 = arith.constant 0 : i32
    %c0_i32_0 = arith.constant 0 : i32
    %c0_i32_1 = arith.constant 0 : i32
    return %c0_i32, %c0_i32_0 : i32, i32
  }
  func.func @transform_5(%arg0: i32) -> (i32, i32) {
    %c0_i32 = arith.constant 0 : i32
    %c0_i32_0 = arith.constant 0 : i32
    %c0_i32_1 = arith.constant 0 : i32
    return %c0_i32, %c0_i32_0 : i32, i32
  }
  func.func @transform_6(%arg0: i32) -> (i32, i32) {
    %c0_i32 = arith.constant 0 : i32
    %c0_i32_0 = arith.constant 0 : i32
    return %arg0, %c0_i32 : i32, i32
  }
  func.func @transform_7(%arg0: i32) -> (i32, i32) {
    %c0_i32 = arith.constant 0 : i32
    %c0_i32_0 = arith.constant 0 : i32
    return %arg0, %c0_i32 : i32, i32
  }
}

module attributes {stable_mosaic.version = 14 : i64} {
  func.func @_eht_body(%arg0: i32, %arg1: memref<2000x16xf32, #tpu.memory_space<vmem>>, %arg2: memref<2000x128xf32, #tpu.memory_space<vmem>>, %arg3: memref<16x128xf32, #tpu.memory_space<vmem>>, %arg4: memref<1x128xf32, #tpu.memory_space<vmem>>, %arg5: memref<128x128xf32, #tpu.memory_space<vmem>>, %arg6: memref<1x128xf32, #tpu.memory_space<vmem>>, %arg7: memref<2000x128xf32, #tpu.memory_space<vmem>>) attributes {dimension_semantics = [#tpu.dimension_semantics<arbitrary>], iteration_bounds = array<i64: 128>, scalar_prefetch = 0 : i64, scratch_operands = 0 : i64, tpu.core_type = #tpu.core_type<tc>, window_params = [{transform_indices = @transform_0, window_bounds = array<i64: 2000, 16>}, {transform_indices = @transform_1, window_bounds = array<i64: 2000, 128>}, {pipeline_mode = #tpu.pipeline_mode<synchronous>, transform_indices = @transform_2, window_bounds = array<i64: 16, 128>}, {pipeline_mode = #tpu.pipeline_mode<synchronous>, transform_indices = @transform_3, window_bounds = array<i64: 1, 128>}, {pipeline_mode = #tpu.pipeline_mode<synchronous>, transform_indices = @transform_4, window_bounds = array<i64: 128, 128>}, {pipeline_mode = #tpu.pipeline_mode<synchronous>, transform_indices = @transform_5, window_bounds = array<i64: 1, 128>}, {transform_indices = @transform_6, window_bounds = array<i64: 2000, 128>}]} {
    %get3A = arith.constant 0 : index
    %get3A_0 = arith.constant 0 : index
    %get3A_1 = vector.load %arg1[%get3A, %get3A_0] : memref<2000x16xf32, #tpu.memory_space<vmem>>, vector<2000x16xf32>
    %get3A_2 = arith.constant 0 : index
    %get3A_3 = arith.constant 0 : index
    %get3A_4 = vector.load %arg3[%get3A_2, %get3A_3] : memref<16x128xf32, #tpu.memory_space<vmem>>, vector<16x128xf32>
    %convert_element_type3A = arith.truncf %get3A_1 : vector<2000x16xf32> to vector<2000x16xbf16>
    %convert_element_type3A_5 = arith.truncf %get3A_4 : vector<16x128xf32> to vector<16x128xbf16>
    %dot_general3A = arith.constant dense<0.000000e+00> : vector<2000x128xf32>
    %dot_general3A_6 = tpu.matmul %convert_element_type3A, %convert_element_type3A_5, %dot_general3A {dimension_numbers = #tpu.dot_dimension_numbers<[1], [0], [0], [1], [0, 0, 1, 1], [], []>, transpose_lhs_hint = false} : vector<2000x16xbf16>, vector<16x128xbf16>, vector<2000x128xf32> -> vector<2000x128xf32>
    %get3A_7 = arith.constant 0 : index
    %get3A_8 = arith.constant 0 : index
    %get3A_9 = vector.load %arg4[%get3A_7, %get3A_8] : memref<1x128xf32, #tpu.memory_space<vmem>>, vector<1x128xf32>
    %add3A = vector.broadcast %get3A_9 : vector<1x128xf32> to vector<2000x128xf32>
    %add3A_10 = arith.addf %dot_general3A_6, %add3A : vector<2000x128xf32>
    %max3A = arith.constant 0.000000e+00 : f32
    %max3A_11 = vector.broadcast %max3A : f32 to vector<2000x128xf32>
    %max3A_12 = arith.maximumf %add3A_10, %max3A_11 : vector<2000x128xf32>
    %get3A_13 = arith.constant 0 : index
    %get3A_14 = arith.constant 0 : index
    %get3A_15 = vector.load %arg5[%get3A_13, %get3A_14] : memref<128x128xf32, #tpu.memory_space<vmem>>, vector<128x128xf32>
    %convert_element_type3A_16 = arith.truncf %max3A_12 : vector<2000x128xf32> to vector<2000x128xbf16>
    %convert_element_type3A_17 = arith.truncf %get3A_15 : vector<128x128xf32> to vector<128x128xbf16>
    %dot_general3A_18 = arith.constant dense<0.000000e+00> : vector<2000x128xf32>
    %dot_general3A_19 = tpu.matmul %convert_element_type3A_16, %convert_element_type3A_17, %dot_general3A_18 {dimension_numbers = #tpu.dot_dimension_numbers<[1], [0], [0], [1], [0, 0, 1, 1], [], []>, transpose_lhs_hint = false} : vector<2000x128xbf16>, vector<128x128xbf16>, vector<2000x128xf32> -> vector<2000x128xf32>
    %get3A_20 = arith.constant 0 : index
    %get3A_21 = arith.constant 0 : index
    %get3A_22 = vector.load %arg6[%get3A_20, %get3A_21] : memref<1x128xf32, #tpu.memory_space<vmem>>, vector<1x128xf32>
    %add3A_23 = vector.broadcast %get3A_22 : vector<1x128xf32> to vector<2000x128xf32>
    %add3A_24 = arith.addf %dot_general3A_19, %add3A_23 : vector<2000x128xf32>
    %get3A_25 = arith.constant 0 : index
    %get3A_26 = arith.constant 0 : index
    %get3A_27 = vector.load %arg2[%get3A_25, %get3A_26] : memref<2000x128xf32, #tpu.memory_space<vmem>>, vector<2000x128xf32>
    %add3A_28 = arith.addf %add3A_24, %get3A_27 : vector<2000x128xf32>
    %swap3A = arith.constant 0 : index
    %swap3A_29 = arith.constant 0 : index
    %swap3A_30 = vector.load %arg7[%swap3A, %swap3A_29] : memref<2000x128xf32, #tpu.memory_space<vmem>>, vector<2000x128xf32>
    tpu.vector_store %arg7[%swap3A, %swap3A_29], %add3A_28 {strides = array<i32>} : memref<2000x128xf32, #tpu.memory_space<vmem>>, vector<2000x128xf32>,
    return
  }
  func.func @transform_0(%arg0: i32) -> (i32, i32) {
    %c0_i32 = arith.constant 0 : i32
    %c0_i32_0 = arith.constant 0 : i32
    return %arg0, %c0_i32 : i32, i32
  }
  func.func @transform_1(%arg0: i32) -> (i32, i32) {
    %c0_i32 = arith.constant 0 : i32
    %c0_i32_0 = arith.constant 0 : i32
    return %arg0, %c0_i32 : i32, i32
  }
  func.func @transform_2(%arg0: i32) -> (i32, i32) {
    %c0_i32 = arith.constant 0 : i32
    %c0_i32_0 = arith.constant 0 : i32
    %c0_i32_1 = arith.constant 0 : i32
    return %c0_i32, %c0_i32_0 : i32, i32
  }
  func.func @transform_3(%arg0: i32) -> (i32, i32) {
    %c0_i32 = arith.constant 0 : i32
    %c0_i32_0 = arith.constant 0 : i32
    %c0_i32_1 = arith.constant 0 : i32
    return %c0_i32, %c0_i32_0 : i32, i32
  }
  func.func @transform_4(%arg0: i32) -> (i32, i32) {
    %c0_i32 = arith.constant 0 : i32
    %c0_i32_0 = arith.constant 0 : i32
    %c0_i32_1 = arith.constant 0 : i32
    return %c0_i32, %c0_i32_0 : i32, i32
  }
  func.func @transform_5(%arg0: i32) -> (i32, i32) {
    %c0_i32 = arith.constant 0 : i32
    %c0_i32_0 = arith.constant 0 : i32
    %c0_i32_1 = arith.constant 0 : i32
    return %c0_i32, %c0_i32_0 : i32, i32
  }
  func.func @transform_6(%arg0: i32) -> (i32, i32) {
    %c0_i32 = arith.constant 0 : i32
    %c0_i32_0 = arith.constant 0 : i32
    return %arg0, %c0_i32 : i32, i32
  }
}

module attributes {stable_mosaic.version = 14 : i64} {
  func.func @_payload_body(%arg0: i32, %arg1: memref<2000x128xf32, #tpu.memory_space<vmem>>, %arg2: memref<2000x128xf32, #tpu.memory_space<vmem>>, %arg3: memref<2000x128xf32, #tpu.memory_space<vmem>>, %arg4: memref<128x128xf32, #tpu.memory_space<vmem>>, %arg5: memref<128x128xf32, #tpu.memory_space<vmem>>, %arg6: memref<2000x128xf32, #tpu.memory_space<vmem>>, %arg7: memref<2000x128xf32, #tpu.memory_space<vmem>>) attributes {dimension_semantics = [#tpu.dimension_semantics<arbitrary>], iteration_bounds = array<i64: 128>, scalar_prefetch = 0 : i64, scratch_operands = 0 : i64, tpu.core_type = #tpu.core_type<tc>, window_params = [{transform_indices = @transform_0, window_bounds = array<i64: 2000, 128>}, {transform_indices = @transform_1, window_bounds = array<i64: 2000, 128>}, {transform_indices = @transform_2, window_bounds = array<i64: 2000, 128>}, {pipeline_mode = #tpu.pipeline_mode<synchronous>, transform_indices = @transform_3, window_bounds = array<i64: 128, 128>}, {pipeline_mode = #tpu.pipeline_mode<synchronous>, transform_indices = @transform_4, window_bounds = array<i64: 128, 128>}, {transform_indices = @transform_5, window_bounds = array<i64: 2000, 128>}, {transform_indices = @transform_6, window_bounds = array<i64: 2000, 128>}]} {
    %get3A = arith.constant 0 : index
    %get3A_0 = arith.constant 0 : index
    %get3A_1 = vector.load %arg1[%get3A, %get3A_0] : memref<2000x128xf32, #tpu.memory_space<vmem>>, vector<2000x128xf32>
    %get3A_2 = arith.constant 0 : index
    %get3A_3 = arith.constant 0 : index
    %get3A_4 = vector.load %arg2[%get3A_2, %get3A_3] : memref<2000x128xf32, #tpu.memory_space<vmem>>, vector<2000x128xf32>
    %get3A_5 = arith.constant 0 : index
    %get3A_6 = arith.constant 0 : index
    %get3A_7 = vector.load %arg3[%get3A_5, %get3A_6] : memref<2000x128xf32, #tpu.memory_space<vmem>>, vector<2000x128xf32>
    %add3A = arith.addf %get3A_4, %get3A_7 : vector<2000x128xf32>
    %get3A_8 = arith.constant 0 : index
    %get3A_9 = arith.constant 0 : index
    %get3A_10 = vector.load %arg4[%get3A_8, %get3A_9] : memref<128x128xf32, #tpu.memory_space<vmem>>, vector<128x128xf32>
    %convert_element_type3A = arith.truncf %add3A : vector<2000x128xf32> to vector<2000x128xbf16>
    %convert_element_type3A_11 = arith.truncf %get3A_10 : vector<128x128xf32> to vector<128x128xbf16>
    %dot_general3A = arith.constant dense<0.000000e+00> : vector<2000x128xf32>
    %dot_general3A_12 = tpu.matmul %convert_element_type3A, %convert_element_type3A_11, %dot_general3A {dimension_numbers = #tpu.dot_dimension_numbers<[1], [0], [0], [1], [0, 0, 1, 1], [], []>, transpose_lhs_hint = false} : vector<2000x128xbf16>, vector<128x128xbf16>, vector<2000x128xf32> -> vector<2000x128xf32>
    %get3A_13 = arith.constant 0 : index
    %get3A_14 = arith.constant 0 : index
    %get3A_15 = vector.load %arg5[%get3A_13, %get3A_14] : memref<128x128xf32, #tpu.memory_space<vmem>>, vector<128x128xf32>
    %convert_element_type3A_16 = arith.truncf %add3A : vector<2000x128xf32> to vector<2000x128xbf16>
    %convert_element_type3A_17 = arith.truncf %get3A_15 : vector<128x128xf32> to vector<128x128xbf16>
    %dot_general3A_18 = arith.constant dense<0.000000e+00> : vector<2000x128xf32>
    %dot_general3A_19 = tpu.matmul %convert_element_type3A_16, %convert_element_type3A_17, %dot_general3A_18 {dimension_numbers = #tpu.dot_dimension_numbers<[1], [0], [0], [1], [0, 0, 1, 1], [], []>, transpose_lhs_hint = false} : vector<2000x128xbf16>, vector<128x128xbf16>, vector<2000x128xf32> -> vector<2000x128xf32>
    %slice3A = vector.extract_strided_slice %get3A_1 {offsets = [0, 0], sizes = [2000, 64], strides = [1, 1]} : vector<2000x128xf32> to vector<2000x64xf32>
    %slice3A_20 = vector.extract_strided_slice %dot_general3A_12 {offsets = [0, 0], sizes = [2000, 64], strides = [1, 1]} : vector<2000x128xf32> to vector<2000x64xf32>
    %mul3A = arith.mulf %slice3A, %slice3A_20 : vector<2000x64xf32>
    %reduce_sum3A = arith.constant dense<0.000000e+00> : vector<2000xf32>
    %reduce_sum3A_21 = vector.multi_reduction <add>, %mul3A, %reduce_sum3A [1] : vector<2000x64xf32> to vector<2000xf32>
    %broadcast_in_dim3A = vector.shape_cast %reduce_sum3A_21 : vector<2000xf32> to vector<2000x1xf32>
    %mul3A_22 = arith.constant 1.250000e-01 : f32
    %mul3A_23 = vector.broadcast %mul3A_22 : f32 to vector<2000x1xf32>
    %mul3A_24 = arith.mulf %broadcast_in_dim3A, %mul3A_23 : vector<2000x1xf32>
    %slice3A_25 = vector.extract_strided_slice %get3A_1 {offsets = [0, 64], sizes = [2000, 64], strides = [1, 1]} : vector<2000x128xf32> to vector<2000x64xf32>
    %slice3A_26 = vector.extract_strided_slice %dot_general3A_12 {offsets = [0, 64], sizes = [2000, 64], strides = [1, 1]} : vector<2000x128xf32> to vector<2000x64xf32>
    %mul3A_27 = arith.mulf %slice3A_25, %slice3A_26 : vector<2000x64xf32>
    %reduce_sum3A_28 = arith.constant dense<0.000000e+00> : vector<2000xf32>
    %reduce_sum3A_29 = vector.multi_reduction <add>, %mul3A_27, %reduce_sum3A_28 [1] : vector<2000x64xf32> to vector<2000xf32>
    %broadcast_in_dim3A_30 = vector.shape_cast %reduce_sum3A_29 : vector<2000xf32> to vector<2000x1xf32>
    %mul3A_31 = arith.constant 1.250000e-01 : f32
    %mul3A_32 = vector.broadcast %mul3A_31 : f32 to vector<2000x1xf32>
    %mul3A_33 = arith.mulf %broadcast_in_dim3A_30, %mul3A_32 : vector<2000x1xf32>
    %exp3A = math.exp %mul3A_24 : vector<2000x1xf32>
    %exp3A_34 = math.exp %mul3A_33 : vector<2000x1xf32>
    %broadcast_in_dim3A_35 = arith.constant 0.000000e+00 : f32
    %broadcast_in_dim3A_36 = vector.broadcast %broadcast_in_dim3A_35 : f32 to vector<2000x63xf32>
    %slice3A_37 = vector.extract_strided_slice %dot_general3A_19 {offsets = [0, 0], sizes = [2000, 64], strides = [1, 1]} : vector<2000x128xf32> to vector<2000x64xf32>
    %mul3A_38 = vector.broadcast %exp3A : vector<2000x1xf32> to vector<2000x64xf32>
    %mul3A_39 = arith.mulf %mul3A_38, %slice3A_37 : vector<2000x64xf32>
    %concatenate3A = tpu.concatenate %mul3A_39, %exp3A, %broadcast_in_dim3A_36 in 1 : vector<2000x64xf32>, vector<2000x1xf32>, vector<2000x63xf32> -> vector<2000x128xf32>
    %swap3A = arith.constant 0 : index
    %swap3A_40 = arith.constant 0 : index
    %swap3A_41 = vector.load %arg6[%swap3A, %swap3A_40] : memref<2000x128xf32, #tpu.memory_space<vmem>>, vector<2000x128xf32>
    tpu.vector_store %arg6[%swap3A, %swap3A_40], %concatenate3A {strides = array<i32>} : memref<2000x128xf32, #tpu.memory_space<vmem>>, vector<2000x128xf32>,
    %slice3A_42 = vector.extract_strided_slice %dot_general3A_19 {offsets = [0, 64], sizes = [2000, 64], strides = [1, 1]} : vector<2000x128xf32> to vector<2000x64xf32>
    %mul3A_43 = vector.broadcast %exp3A_34 : vector<2000x1xf32> to vector<2000x64xf32>
    %mul3A_44 = arith.mulf %mul3A_43, %slice3A_42 : vector<2000x64xf32>
    %concatenate3A_45 = tpu.concatenate %mul3A_44, %exp3A_34, %broadcast_in_dim3A_36 in 1 : vector<2000x64xf32>, vector<2000x1xf32>, vector<2000x63xf32> -> vector<2000x128xf32>
    %swap3A_46 = arith.constant 0 : index
    %swap3A_47 = arith.constant 0 : index
    %swap3A_48 = vector.load %arg7[%swap3A_46, %swap3A_47] : memref<2000x128xf32, #tpu.memory_space<vmem>>, vector<2000x128xf32>
    tpu.vector_store %arg7[%swap3A_46, %swap3A_47], %concatenate3A_45 {strides = array<i32>} : memref<2000x128xf32, #tpu.memory_space<vmem>>, vector<2000x128xf32>,
    return
  }
  func.func @transform_0(%arg0: i32) -> (i32, i32) {
    %c0_i32 = arith.constant 0 : i32
    %c0_i32_0 = arith.constant 0 : i32
    return %arg0, %c0_i32 : i32, i32
  }
  func.func @transform_1(%arg0: i32) -> (i32, i32) {
    %c0_i32 = arith.constant 0 : i32
    %c0_i32_0 = arith.constant 0 : i32
    return %arg0, %c0_i32 : i32, i32
  }
  func.func @transform_2(%arg0: i32) -> (i32, i32) {
    %c0_i32 = arith.constant 0 : i32
    %c0_i32_0 = arith.constant 0 : i32
    return %arg0, %c0_i32 : i32, i32
  }
  func.func @transform_3(%arg0: i32) -> (i32, i32) {
    %c0_i32 = arith.constant 0 : i32
    %c0_i32_0 = arith.constant 0 : i32
    %c0_i32_1 = arith.constant 0 : i32
    return %c0_i32, %c0_i32_0 : i32, i32
  }
  func.func @transform_4(%arg0: i32) -> (i32, i32) {
    %c0_i32 = arith.constant 0 : i32
    %c0_i32_0 = arith.constant 0 : i32
    %c0_i32_1 = arith.constant 0 : i32
    return %c0_i32, %c0_i32_0 : i32, i32
  }
  func.func @transform_5(%arg0: i32) -> (i32, i32) {
    %c0_i32 = arith.constant 0 : i32
    %c0_i32_0 = arith.constant 0 : i32
    return %arg0, %c0_i32 : i32, i32
  }
  func.func @transform_6(%arg0: i32) -> (i32, i32) {
    %c0_i32 = arith.constant 0 : i32
    %c0_i32_0 = arith.constant 0 : i32
    return %arg0, %c0_i32 : i32, i32
  }
}

module attributes {stable_mosaic.version = 14 : i64} {
  func.func @_eht_body(%arg0: i32, %arg1: memref<2000x16xf32, #tpu.memory_space<vmem>>, %arg2: memref<2000x128xf32, #tpu.memory_space<vmem>>, %arg3: memref<16x128xf32, #tpu.memory_space<vmem>>, %arg4: memref<1x128xf32, #tpu.memory_space<vmem>>, %arg5: memref<128x128xf32, #tpu.memory_space<vmem>>, %arg6: memref<1x128xf32, #tpu.memory_space<vmem>>, %arg7: memref<2000x128xf32, #tpu.memory_space<vmem>>) attributes {dimension_semantics = [#tpu.dimension_semantics<arbitrary>], iteration_bounds = array<i64: 160>, scalar_prefetch = 0 : i64, scratch_operands = 0 : i64, tpu.core_type = #tpu.core_type<tc>, window_params = [{transform_indices = @transform_0, window_bounds = array<i64: 2000, 16>}, {transform_indices = @transform_1, window_bounds = array<i64: 2000, 128>}, {pipeline_mode = #tpu.pipeline_mode<synchronous>, transform_indices = @transform_2, window_bounds = array<i64: 16, 128>}, {pipeline_mode = #tpu.pipeline_mode<synchronous>, transform_indices = @transform_3, window_bounds = array<i64: 1, 128>}, {pipeline_mode = #tpu.pipeline_mode<synchronous>, transform_indices = @transform_4, window_bounds = array<i64: 128, 128>}, {pipeline_mode = #tpu.pipeline_mode<synchronous>, transform_indices = @transform_5, window_bounds = array<i64: 1, 128>}, {transform_indices = @transform_6, window_bounds = array<i64: 2000, 128>}]} {
    %get3A = arith.constant 0 : index
    %get3A_0 = arith.constant 0 : index
    %get3A_1 = vector.load %arg1[%get3A, %get3A_0] : memref<2000x16xf32, #tpu.memory_space<vmem>>, vector<2000x16xf32>
    %get3A_2 = arith.constant 0 : index
    %get3A_3 = arith.constant 0 : index
    %get3A_4 = vector.load %arg3[%get3A_2, %get3A_3] : memref<16x128xf32, #tpu.memory_space<vmem>>, vector<16x128xf32>
    %convert_element_type3A = arith.truncf %get3A_1 : vector<2000x16xf32> to vector<2000x16xbf16>
    %convert_element_type3A_5 = arith.truncf %get3A_4 : vector<16x128xf32> to vector<16x128xbf16>
    %dot_general3A = arith.constant dense<0.000000e+00> : vector<2000x128xf32>
    %dot_general3A_6 = tpu.matmul %convert_element_type3A, %convert_element_type3A_5, %dot_general3A {dimension_numbers = #tpu.dot_dimension_numbers<[1], [0], [0], [1], [0, 0, 1, 1], [], []>, transpose_lhs_hint = false} : vector<2000x16xbf16>, vector<16x128xbf16>, vector<2000x128xf32> -> vector<2000x128xf32>
    %get3A_7 = arith.constant 0 : index
    %get3A_8 = arith.constant 0 : index
    %get3A_9 = vector.load %arg4[%get3A_7, %get3A_8] : memref<1x128xf32, #tpu.memory_space<vmem>>, vector<1x128xf32>
    %add3A = vector.broadcast %get3A_9 : vector<1x128xf32> to vector<2000x128xf32>
    %add3A_10 = arith.addf %dot_general3A_6, %add3A : vector<2000x128xf32>
    %max3A = arith.constant 0.000000e+00 : f32
    %max3A_11 = vector.broadcast %max3A : f32 to vector<2000x128xf32>
    %max3A_12 = arith.maximumf %add3A_10, %max3A_11 : vector<2000x128xf32>
    %get3A_13 = arith.constant 0 : index
    %get3A_14 = arith.constant 0 : index
    %get3A_15 = vector.load %arg5[%get3A_13, %get3A_14] : memref<128x128xf32, #tpu.memory_space<vmem>>, vector<128x128xf32>
    %convert_element_type3A_16 = arith.truncf %max3A_12 : vector<2000x128xf32> to vector<2000x128xbf16>
    %convert_element_type3A_17 = arith.truncf %get3A_15 : vector<128x128xf32> to vector<128x128xbf16>
    %dot_general3A_18 = arith.constant dense<0.000000e+00> : vector<2000x128xf32>
    %dot_general3A_19 = tpu.matmul %convert_element_type3A_16, %convert_element_type3A_17, %dot_general3A_18 {dimension_numbers = #tpu.dot_dimension_numbers<[1], [0], [0], [1], [0, 0, 1, 1], [], []>, transpose_lhs_hint = false} : vector<2000x128xbf16>, vector<128x128xbf16>, vector<2000x128xf32> -> vector<2000x128xf32>
    %get3A_20 = arith.constant 0 : index
    %get3A_21 = arith.constant 0 : index
    %get3A_22 = vector.load %arg6[%get3A_20, %get3A_21] : memref<1x128xf32, #tpu.memory_space<vmem>>, vector<1x128xf32>
    %add3A_23 = vector.broadcast %get3A_22 : vector<1x128xf32> to vector<2000x128xf32>
    %add3A_24 = arith.addf %dot_general3A_19, %add3A_23 : vector<2000x128xf32>
    %get3A_25 = arith.constant 0 : index
    %get3A_26 = arith.constant 0 : index
    %get3A_27 = vector.load %arg2[%get3A_25, %get3A_26] : memref<2000x128xf32, #tpu.memory_space<vmem>>, vector<2000x128xf32>
    %add3A_28 = arith.addf %add3A_24, %get3A_27 : vector<2000x128xf32>
    %swap3A = arith.constant 0 : index
    %swap3A_29 = arith.constant 0 : index
    %swap3A_30 = vector.load %arg7[%swap3A, %swap3A_29] : memref<2000x128xf32, #tpu.memory_space<vmem>>, vector<2000x128xf32>
    tpu.vector_store %arg7[%swap3A, %swap3A_29], %add3A_28 {strides = array<i32>} : memref<2000x128xf32, #tpu.memory_space<vmem>>, vector<2000x128xf32>,
    return
  }
  func.func @transform_0(%arg0: i32) -> (i32, i32) {
    %c0_i32 = arith.constant 0 : i32
    %c0_i32_0 = arith.constant 0 : i32
    return %arg0, %c0_i32 : i32, i32
  }
  func.func @transform_1(%arg0: i32) -> (i32, i32) {
    %c0_i32 = arith.constant 0 : i32
    %c0_i32_0 = arith.constant 0 : i32
    return %arg0, %c0_i32 : i32, i32
  }
  func.func @transform_2(%arg0: i32) -> (i32, i32) {
    %c0_i32 = arith.constant 0 : i32
    %c0_i32_0 = arith.constant 0 : i32
    %c0_i32_1 = arith.constant 0 : i32
    return %c0_i32, %c0_i32_0 : i32, i32
  }
  func.func @transform_3(%arg0: i32) -> (i32, i32) {
    %c0_i32 = arith.constant 0 : i32
    %c0_i32_0 = arith.constant 0 : i32
    %c0_i32_1 = arith.constant 0 : i32
    return %c0_i32, %c0_i32_0 : i32, i32
  }
  func.func @transform_4(%arg0: i32) -> (i32, i32) {
    %c0_i32 = arith.constant 0 : i32
    %c0_i32_0 = arith.constant 0 : i32
    %c0_i32_1 = arith.constant 0 : i32
    return %c0_i32, %c0_i32_0 : i32, i32
  }
  func.func @transform_5(%arg0: i32) -> (i32, i32) {
    %c0_i32 = arith.constant 0 : i32
    %c0_i32_0 = arith.constant 0 : i32
    %c0_i32_1 = arith.constant 0 : i32
    return %c0_i32, %c0_i32_0 : i32, i32
  }
  func.func @transform_6(%arg0: i32) -> (i32, i32) {
    %c0_i32 = arith.constant 0 : i32
    %c0_i32_0 = arith.constant 0 : i32
    return %arg0, %c0_i32 : i32, i32
  }
}

module attributes {stable_mosaic.version = 14 : i64} {
  func.func @_payload_body(%arg0: i32, %arg1: memref<2000x128xf32, #tpu.memory_space<vmem>>, %arg2: memref<2000x128xf32, #tpu.memory_space<vmem>>, %arg3: memref<2000x128xf32, #tpu.memory_space<vmem>>, %arg4: memref<128x128xf32, #tpu.memory_space<vmem>>, %arg5: memref<128x128xf32, #tpu.memory_space<vmem>>, %arg6: memref<2000x128xf32, #tpu.memory_space<vmem>>, %arg7: memref<2000x128xf32, #tpu.memory_space<vmem>>) attributes {dimension_semantics = [#tpu.dimension_semantics<arbitrary>], iteration_bounds = array<i64: 160>, scalar_prefetch = 0 : i64, scratch_operands = 0 : i64, tpu.core_type = #tpu.core_type<tc>, window_params = [{transform_indices = @transform_0, window_bounds = array<i64: 2000, 128>}, {transform_indices = @transform_1, window_bounds = array<i64: 2000, 128>}, {transform_indices = @transform_2, window_bounds = array<i64: 2000, 128>}, {pipeline_mode = #tpu.pipeline_mode<synchronous>, transform_indices = @transform_3, window_bounds = array<i64: 128, 128>}, {pipeline_mode = #tpu.pipeline_mode<synchronous>, transform_indices = @transform_4, window_bounds = array<i64: 128, 128>}, {transform_indices = @transform_5, window_bounds = array<i64: 2000, 128>}, {transform_indices = @transform_6, window_bounds = array<i64: 2000, 128>}]} {
    %get3A = arith.constant 0 : index
    %get3A_0 = arith.constant 0 : index
    %get3A_1 = vector.load %arg1[%get3A, %get3A_0] : memref<2000x128xf32, #tpu.memory_space<vmem>>, vector<2000x128xf32>
    %get3A_2 = arith.constant 0 : index
    %get3A_3 = arith.constant 0 : index
    %get3A_4 = vector.load %arg2[%get3A_2, %get3A_3] : memref<2000x128xf32, #tpu.memory_space<vmem>>, vector<2000x128xf32>
    %get3A_5 = arith.constant 0 : index
    %get3A_6 = arith.constant 0 : index
    %get3A_7 = vector.load %arg3[%get3A_5, %get3A_6] : memref<2000x128xf32, #tpu.memory_space<vmem>>, vector<2000x128xf32>
    %add3A = arith.addf %get3A_4, %get3A_7 : vector<2000x128xf32>
    %get3A_8 = arith.constant 0 : index
    %get3A_9 = arith.constant 0 : index
    %get3A_10 = vector.load %arg4[%get3A_8, %get3A_9] : memref<128x128xf32, #tpu.memory_space<vmem>>, vector<128x128xf32>
    %convert_element_type3A = arith.truncf %add3A : vector<2000x128xf32> to vector<2000x128xbf16>
    %convert_element_type3A_11 = arith.truncf %get3A_10 : vector<128x128xf32> to vector<128x128xbf16>
    %dot_general3A = arith.constant dense<0.000000e+00> : vector<2000x128xf32>
    %dot_general3A_12 = tpu.matmul %convert_element_type3A, %convert_element_type3A_11, %dot_general3A {dimension_numbers = #tpu.dot_dimension_numbers<[1], [0], [0], [1], [0, 0, 1, 1], [], []>, transpose_lhs_hint = false} : vector<2000x128xbf16>, vector<128x128xbf16>, vector<2000x128xf32> -> vector<2000x128xf32>
    %get3A_13 = arith.constant 0 : index
    %get3A_14 = arith.constant 0 : index
    %get3A_15 = vector.load %arg5[%get3A_13, %get3A_14] : memref<128x128xf32, #tpu.memory_space<vmem>>, vector<128x128xf32>
    %convert_element_type3A_16 = arith.truncf %add3A : vector<2000x128xf32> to vector<2000x128xbf16>
    %convert_element_type3A_17 = arith.truncf %get3A_15 : vector<128x128xf32> to vector<128x128xbf16>
    %dot_general3A_18 = arith.constant dense<0.000000e+00> : vector<2000x128xf32>
    %dot_general3A_19 = tpu.matmul %convert_element_type3A_16, %convert_element_type3A_17, %dot_general3A_18 {dimension_numbers = #tpu.dot_dimension_numbers<[1], [0], [0], [1], [0, 0, 1, 1], [], []>, transpose_lhs_hint = false} : vector<2000x128xbf16>, vector<128x128xbf16>, vector<2000x128xf32> -> vector<2000x128xf32>
    %slice3A = vector.extract_strided_slice %get3A_1 {offsets = [0, 0], sizes = [2000, 64], strides = [1, 1]} : vector<2000x128xf32> to vector<2000x64xf32>
    %slice3A_20 = vector.extract_strided_slice %dot_general3A_12 {offsets = [0, 0], sizes = [2000, 64], strides = [1, 1]} : vector<2000x128xf32> to vector<2000x64xf32>
    %mul3A = arith.mulf %slice3A, %slice3A_20 : vector<2000x64xf32>
    %reduce_sum3A = arith.constant dense<0.000000e+00> : vector<2000xf32>
    %reduce_sum3A_21 = vector.multi_reduction <add>, %mul3A, %reduce_sum3A [1] : vector<2000x64xf32> to vector<2000xf32>
    %broadcast_in_dim3A = vector.shape_cast %reduce_sum3A_21 : vector<2000xf32> to vector<2000x1xf32>
    %mul3A_22 = arith.constant 1.250000e-01 : f32
    %mul3A_23 = vector.broadcast %mul3A_22 : f32 to vector<2000x1xf32>
    %mul3A_24 = arith.mulf %broadcast_in_dim3A, %mul3A_23 : vector<2000x1xf32>
    %slice3A_25 = vector.extract_strided_slice %get3A_1 {offsets = [0, 64], sizes = [2000, 64], strides = [1, 1]} : vector<2000x128xf32> to vector<2000x64xf32>
    %slice3A_26 = vector.extract_strided_slice %dot_general3A_12 {offsets = [0, 64], sizes = [2000, 64], strides = [1, 1]} : vector<2000x128xf32> to vector<2000x64xf32>
    %mul3A_27 = arith.mulf %slice3A_25, %slice3A_26 : vector<2000x64xf32>
    %reduce_sum3A_28 = arith.constant dense<0.000000e+00> : vector<2000xf32>
    %reduce_sum3A_29 = vector.multi_reduction <add>, %mul3A_27, %reduce_sum3A_28 [1] : vector<2000x64xf32> to vector<2000xf32>
    %broadcast_in_dim3A_30 = vector.shape_cast %reduce_sum3A_29 : vector<2000xf32> to vector<2000x1xf32>
    %mul3A_31 = arith.constant 1.250000e-01 : f32
    %mul3A_32 = vector.broadcast %mul3A_31 : f32 to vector<2000x1xf32>
    %mul3A_33 = arith.mulf %broadcast_in_dim3A_30, %mul3A_32 : vector<2000x1xf32>
    %exp3A = math.exp %mul3A_24 : vector<2000x1xf32>
    %exp3A_34 = math.exp %mul3A_33 : vector<2000x1xf32>
    %broadcast_in_dim3A_35 = arith.constant 0.000000e+00 : f32
    %broadcast_in_dim3A_36 = vector.broadcast %broadcast_in_dim3A_35 : f32 to vector<2000x63xf32>
    %slice3A_37 = vector.extract_strided_slice %dot_general3A_19 {offsets = [0, 0], sizes = [2000, 64], strides = [1, 1]} : vector<2000x128xf32> to vector<2000x64xf32>
    %mul3A_38 = vector.broadcast %exp3A : vector<2000x1xf32> to vector<2000x64xf32>
    %mul3A_39 = arith.mulf %mul3A_38, %slice3A_37 : vector<2000x64xf32>
    %concatenate3A = tpu.concatenate %mul3A_39, %exp3A, %broadcast_in_dim3A_36 in 1 : vector<2000x64xf32>, vector<2000x1xf32>, vector<2000x63xf32> -> vector<2000x128xf32>
    %swap3A = arith.constant 0 : index
    %swap3A_40 = arith.constant 0 : index
    %swap3A_41 = vector.load %arg6[%swap3A, %swap3A_40] : memref<2000x128xf32, #tpu.memory_space<vmem>>, vector<2000x128xf32>
    tpu.vector_store %arg6[%swap3A, %swap3A_40], %concatenate3A {strides = array<i32>} : memref<2000x128xf32, #tpu.memory_space<vmem>>, vector<2000x128xf32>,
    %slice3A_42 = vector.extract_strided_slice %dot_general3A_19 {offsets = [0, 64], sizes = [2000, 64], strides = [1, 1]} : vector<2000x128xf32> to vector<2000x64xf32>
    %mul3A_43 = vector.broadcast %exp3A_34 : vector<2000x1xf32> to vector<2000x64xf32>
    %mul3A_44 = arith.mulf %mul3A_43, %slice3A_42 : vector<2000x64xf32>
    %concatenate3A_45 = tpu.concatenate %mul3A_44, %exp3A_34, %broadcast_in_dim3A_36 in 1 : vector<2000x64xf32>, vector<2000x1xf32>, vector<2000x63xf32> -> vector<2000x128xf32>
    %swap3A_46 = arith.constant 0 : index
    %swap3A_47 = arith.constant 0 : index
    %swap3A_48 = vector.load %arg7[%swap3A_46, %swap3A_47] : memref<2000x128xf32, #tpu.memory_space<vmem>>, vector<2000x128xf32>
    tpu.vector_store %arg7[%swap3A_46, %swap3A_47], %concatenate3A_45 {strides = array<i32>} : memref<2000x128xf32, #tpu.memory_space<vmem>>, vector<2000x128xf32>,
    return
  }
  func.func @transform_0(%arg0: i32) -> (i32, i32) {
    %c0_i32 = arith.constant 0 : i32
    %c0_i32_0 = arith.constant 0 : i32
    return %arg0, %c0_i32 : i32, i32
  }
  func.func @transform_1(%arg0: i32) -> (i32, i32) {
    %c0_i32 = arith.constant 0 : i32
    %c0_i32_0 = arith.constant 0 : i32
    return %arg0, %c0_i32 : i32, i32
  }
  func.func @transform_2(%arg0: i32) -> (i32, i32) {
    %c0_i32 = arith.constant 0 : i32
    %c0_i32_0 = arith.constant 0 : i32
    return %arg0, %c0_i32 : i32, i32
  }
  func.func @transform_3(%arg0: i32) -> (i32, i32) {
    %c0_i32 = arith.constant 0 : i32
    %c0_i32_0 = arith.constant 0 : i32
    %c0_i32_1 = arith.constant 0 : i32
    return %c0_i32, %c0_i32_0 : i32, i32
  }
  func.func @transform_4(%arg0: i32) -> (i32, i32) {
    %c0_i32 = arith.constant 0 : i32
    %c0_i32_0 = arith.constant 0 : i32
    %c0_i32_1 = arith.constant 0 : i32
    return %c0_i32, %c0_i32_0 : i32, i32
  }
  func.func @transform_5(%arg0: i32) -> (i32, i32) {
    %c0_i32 = arith.constant 0 : i32
    %c0_i32_0 = arith.constant 0 : i32
    return %arg0, %c0_i32 : i32, i32
  }
  func.func @transform_6(%arg0: i32) -> (i32, i32) {
    %c0_i32 = arith.constant 0 : i32
    %c0_i32_0 = arith.constant 0 : i32
    return %arg0, %c0_i32 : i32, i32
  }
}

module attributes {stable_mosaic.version = 14 : i64} {
  func.func @_combine_body(%arg0: i32, %arg1: memref<2x2x2000x128xf32, #tpu.memory_space<vmem>>, %arg2: memref<2000x128xf32, #tpu.memory_space<vmem>>, %arg3: memref<128x128xf32, #tpu.memory_space<vmem>>, %arg4: memref<128x128xf32, #tpu.memory_space<vmem>>, %arg5: memref<1x128xf32, #tpu.memory_space<vmem>>, %arg6: memref<128x128xf32, #tpu.memory_space<vmem>>, %arg7: memref<2000x128xf32, #tpu.memory_space<vmem>>, %arg8: memref<2000x128xf32, #tpu.memory_space<vmem>>) attributes {dimension_semantics = [#tpu.dimension_semantics<arbitrary>], iteration_bounds = array<i64: 5>, scalar_prefetch = 0 : i64, scratch_operands = 0 : i64, tpu.core_type = #tpu.core_type<tc>, window_params = [{transform_indices = @transform_0, window_bounds = array<i64: 2, 2, 2000, 128>}, {transform_indices = @transform_1, window_bounds = array<i64: 2000, 128>}, {pipeline_mode = #tpu.pipeline_mode<synchronous>, transform_indices = @transform_2, window_bounds = array<i64: 128, 128>}, {pipeline_mode = #tpu.pipeline_mode<synchronous>, transform_indices = @transform_3, window_bounds = array<i64: 128, 128>}, {pipeline_mode = #tpu.pipeline_mode<synchronous>, transform_indices = @transform_4, window_bounds = array<i64: 1, 128>}, {pipeline_mode = #tpu.pipeline_mode<synchronous>, transform_indices = @transform_5, window_bounds = array<i64: 128, 128>}, {transform_indices = @transform_6, window_bounds = array<i64: 2000, 128>}, {transform_indices = @transform_7, window_bounds = array<i64: 2000, 128>}]} {
    %get3A = arith.constant 0 : index
    %get3A_0 = arith.constant 0 : index
    %get3A_1 = arith.constant 0 : index
    %get3A_2 = arith.constant 0 : index
    %get3A_3 = vector.load %arg1[%get3A, %get3A_0, %get3A_1, %get3A_2] : memref<2x2x2000x128xf32, #tpu.memory_space<vmem>>, vector<2x2x2000x128xf32>
    %slice3A = vector.extract_strided_slice %get3A_3 {offsets = [0, 0, 0, 0], sizes = [1, 1, 2000, 64], strides = [1, 1, 1, 1]} : vector<2x2x2000x128xf32> to vector<1x1x2000x64xf32>
    %squeeze3A = vector.shape_cast %slice3A : vector<1x1x2000x64xf32> to vector<2000x64xf32>
    %slice3A_4 = vector.extract_strided_slice %get3A_3 {offsets = [1, 0, 0, 0], sizes = [1, 1, 2000, 64], strides = [1, 1, 1, 1]} : vector<2x2x2000x128xf32> to vector<1x1x2000x64xf32>
    %squeeze3A_5 = vector.shape_cast %slice3A_4 : vector<1x1x2000x64xf32> to vector<2000x64xf32>
    %add3A = arith.addf %squeeze3A, %squeeze3A_5 : vector<2000x64xf32>
    %slice3A_6 = vector.extract_strided_slice %get3A_3 {offsets = [0, 1, 0, 0], sizes = [1, 1, 2000, 64], strides = [1, 1, 1, 1]} : vector<2x2x2000x128xf32> to vector<1x1x2000x64xf32>
    %squeeze3A_7 = vector.shape_cast %slice3A_6 : vector<1x1x2000x64xf32> to vector<2000x64xf32>
    %slice3A_8 = vector.extract_strided_slice %get3A_3 {offsets = [1, 1, 0, 0], sizes = [1, 1, 2000, 64], strides = [1, 1, 1, 1]} : vector<2x2x2000x128xf32> to vector<1x1x2000x64xf32>
    %squeeze3A_9 = vector.shape_cast %slice3A_8 : vector<1x1x2000x64xf32> to vector<2000x64xf32>
    %add3A_10 = arith.addf %squeeze3A_7, %squeeze3A_9 : vector<2000x64xf32>
    %slice3A_11 = vector.extract_strided_slice %get3A_3 {offsets = [0, 0, 0, 64], sizes = [1, 1, 2000, 1], strides = [1, 1, 1, 1]} : vector<2x2x2000x128xf32> to vector<1x1x2000x1xf32>
    %squeeze3A_12 = vector.shape_cast %slice3A_11 : vector<1x1x2000x1xf32> to vector<2000x1xf32>
    %slice3A_13 = vector.extract_strided_slice %get3A_3 {offsets = [1, 0, 0, 64], sizes = [1, 1, 2000, 1], strides = [1, 1, 1, 1]} : vector<2x2x2000x128xf32> to vector<1x1x2000x1xf32>
    %squeeze3A_14 = vector.shape_cast %slice3A_13 : vector<1x1x2000x1xf32> to vector<2000x1xf32>
    %add3A_15 = arith.addf %squeeze3A_12, %squeeze3A_14 : vector<2000x1xf32>
    %add3A_16 = arith.constant 1.000000e-16 : f32
    %add3A_17 = vector.broadcast %add3A_16 : f32 to vector<2000x1xf32>
    %add3A_18 = arith.addf %add3A_15, %add3A_17 : vector<2000x1xf32>
    %slice3A_19 = vector.extract_strided_slice %get3A_3 {offsets = [0, 1, 0, 64], sizes = [1, 1, 2000, 1], strides = [1, 1, 1, 1]} : vector<2x2x2000x128xf32> to vector<1x1x2000x1xf32>
    %squeeze3A_20 = vector.shape_cast %slice3A_19 : vector<1x1x2000x1xf32> to vector<2000x1xf32>
    %slice3A_21 = vector.extract_strided_slice %get3A_3 {offsets = [1, 1, 0, 64], sizes = [1, 1, 2000, 1], strides = [1, 1, 1, 1]} : vector<2x2x2000x128xf32> to vector<1x1x2000x1xf32>
    %squeeze3A_22 = vector.shape_cast %slice3A_21 : vector<1x1x2000x1xf32> to vector<2000x1xf32>
    %add3A_23 = arith.addf %squeeze3A_20, %squeeze3A_22 : vector<2000x1xf32>
    %add3A_24 = arith.constant 1.000000e-16 : f32
    %add3A_25 = vector.broadcast %add3A_24 : f32 to vector<2000x1xf32>
    %add3A_26 = arith.addf %add3A_23, %add3A_25 : vector<2000x1xf32>
    %broadcast_in_dim3A = vector.shape_cast %add3A_18 : vector<2000x1xf32> to vector<2000x1xf32>
    %broadcast_in_dim3A_27 = vector.broadcast %broadcast_in_dim3A : vector<2000x1xf32> to vector<2000x64xf32>
    %div3A = arith.divf %add3A, %broadcast_in_dim3A_27 : vector<2000x64xf32>
    %broadcast_in_dim3A_28 = vector.shape_cast %add3A_26 : vector<2000x1xf32> to vector<2000x1xf32>
    %broadcast_in_dim3A_29 = vector.broadcast %broadcast_in_dim3A_28 : vector<2000x1xf32> to vector<2000x64xf32>
    %div3A_30 = arith.divf %add3A_10, %broadcast_in_dim3A_29 : vector<2000x64xf32>
    %concatenate3A = tpu.concatenate %div3A, %div3A_30 in 1 : vector<2000x64xf32>, vector<2000x64xf32> -> vector<2000x128xf32>
    %get3A_31 = arith.constant 0 : index
    %get3A_32 = arith.constant 0 : index
    %get3A_33 = vector.load %arg3[%get3A_31, %get3A_32] : memref<128x128xf32, #tpu.memory_space<vmem>>, vector<128x128xf32>
    %convert_element_type3A = arith.truncf %concatenate3A : vector<2000x128xf32> to vector<2000x128xbf16>
    %convert_element_type3A_34 = arith.truncf %get3A_33 : vector<128x128xf32> to vector<128x128xbf16>
    %dot_general3A = arith.constant dense<0.000000e+00> : vector<2000x128xf32>
    %dot_general3A_35 = tpu.matmul %convert_element_type3A, %convert_element_type3A_34, %dot_general3A {dimension_numbers = #tpu.dot_dimension_numbers<[1], [0], [0], [1], [0, 0, 1, 1], [], []>, transpose_lhs_hint = false} : vector<2000x128xbf16>, vector<128x128xbf16>, vector<2000x128xf32> -> vector<2000x128xf32>
    %get3A_36 = arith.constant 0 : index
    %get3A_37 = arith.constant 0 : index
    %get3A_38 = vector.load %arg2[%get3A_36, %get3A_37] : memref<2000x128xf32, #tpu.memory_space<vmem>>, vector<2000x128xf32>
    %get3A_39 = arith.constant 0 : index
    %get3A_40 = arith.constant 0 : index
    %get3A_41 = vector.load %arg4[%get3A_39, %get3A_40] : memref<128x128xf32, #tpu.memory_space<vmem>>, vector<128x128xf32>
    %convert_element_type3A_42 = arith.truncf %get3A_38 : vector<2000x128xf32> to vector<2000x128xbf16>
    %convert_element_type3A_43 = arith.truncf %get3A_41 : vector<128x128xf32> to vector<128x128xbf16>
    %dot_general3A_44 = arith.constant dense<0.000000e+00> : vector<2000x128xf32>
    %dot_general3A_45 = tpu.matmul %convert_element_type3A_42, %convert_element_type3A_43, %dot_general3A_44 {dimension_numbers = #tpu.dot_dimension_numbers<[1], [0], [0], [1], [0, 0, 1, 1], [], []>, transpose_lhs_hint = false} : vector<2000x128xbf16>, vector<128x128xbf16>, vector<2000x128xf32> -> vector<2000x128xf32>
    %add3A_46 = arith.addf %dot_general3A_35, %dot_general3A_45 : vector<2000x128xf32>
    %get3A_47 = arith.constant 0 : index
    %get3A_48 = arith.constant 0 : index
    %get3A_49 = vector.load %arg5[%get3A_47, %get3A_48] : memref<1x128xf32, #tpu.memory_space<vmem>>, vector<1x128xf32>
    %add3A_50 = vector.broadcast %get3A_49 : vector<1x128xf32> to vector<2000x128xf32>
    %add3A_51 = arith.addf %add3A_46, %add3A_50 : vector<2000x128xf32>
    %max3A = arith.constant 0.000000e+00 : f32
    %max3A_52 = vector.broadcast %max3A : f32 to vector<2000x128xf32>
    %max3A_53 = arith.maximumf %add3A_51, %max3A_52 : vector<2000x128xf32>
    %swap3A = arith.constant 0 : index
    %swap3A_54 = arith.constant 0 : index
    %swap3A_55 = vector.load %arg7[%swap3A, %swap3A_54] : memref<2000x128xf32, #tpu.memory_space<vmem>>, vector<2000x128xf32>
    tpu.vector_store %arg7[%swap3A, %swap3A_54], %max3A_53 {strides = array<i32>} : memref<2000x128xf32, #tpu.memory_space<vmem>>, vector<2000x128xf32>,
    %get3A_56 = arith.constant 0 : index
    %get3A_57 = arith.constant 0 : index
    %get3A_58 = vector.load %arg6[%get3A_56, %get3A_57] : memref<128x128xf32, #tpu.memory_space<vmem>>, vector<128x128xf32>
    %convert_element_type3A_59 = arith.truncf %max3A_53 : vector<2000x128xf32> to vector<2000x128xbf16>
    %convert_element_type3A_60 = arith.truncf %get3A_58 : vector<128x128xf32> to vector<128x128xbf16>
    %dot_general3A_61 = arith.constant dense<0.000000e+00> : vector<2000x128xf32>
    %dot_general3A_62 = tpu.matmul %convert_element_type3A_59, %convert_element_type3A_60, %dot_general3A_61 {dimension_numbers = #tpu.dot_dimension_numbers<[1], [0], [0], [1], [0, 0, 1, 1], [], []>, transpose_lhs_hint = false} : vector<2000x128xbf16>, vector<128x128xbf16>, vector<2000x128xf32> -> vector<2000x128xf32>
    %swap3A_63 = arith.constant 0 : index
    %swap3A_64 = arith.constant 0 : index
    %swap3A_65 = vector.load %arg8[%swap3A_63, %swap3A_64] : memref<2000x128xf32, #tpu.memory_space<vmem>>, vector<2000x128xf32>
    tpu.vector_store %arg8[%swap3A_63, %swap3A_64], %dot_general3A_62 {strides = array<i32>} : memref<2000x128xf32, #tpu.memory_space<vmem>>, vector<2000x128xf32>,
    return
  }
  func.func @transform_0(%arg0: i32) -> (i32, i32, i32, i32) {
    %c0_i32 = arith.constant 0 : i32
    %c0_i32_0 = arith.constant 0 : i32
    %c0_i32_1 = arith.constant 0 : i32
    %c0_i32_2 = arith.constant 0 : i32
    return %c0_i32, %c0_i32_0, %arg0, %c0_i32_1 : i32, i32, i32, i32
  }
  func.func @transform_1(%arg0: i32) -> (i32, i32) {
    %c0_i32 = arith.constant 0 : i32
    %c0_i32_0 = arith.constant 0 : i32
    return %arg0, %c0_i32 : i32, i32
  }
  func.func @transform_2(%arg0: i32) -> (i32, i32) {
    %c0_i32 = arith.constant 0 : i32
    %c0_i32_0 = arith.constant 0 : i32
    %c0_i32_1 = arith.constant 0 : i32
    return %c0_i32, %c0_i32_0 : i32, i32
  }
  func.func @transform_3(%arg0: i32) -> (i32, i32) {
    %c0_i32 = arith.constant 0 : i32
    %c0_i32_0 = arith.constant 0 : i32
    %c0_i32_1 = arith.constant 0 : i32
    return %c0_i32, %c0_i32_0 : i32, i32
  }
  func.func @transform_4(%arg0: i32) -> (i32, i32) {
    %c0_i32 = arith.constant 0 : i32
    %c0_i32_0 = arith.constant 0 : i32
    %c0_i32_1 = arith.constant 0 : i32
    return %c0_i32, %c0_i32_0 : i32, i32
  }
  func.func @transform_5(%arg0: i32) -> (i32, i32) {
    %c0_i32 = arith.constant 0 : i32
    %c0_i32_0 = arith.constant 0 : i32
    %c0_i32_1 = arith.constant 0 : i32
    return %c0_i32, %c0_i32_0 : i32, i32
  }
  func.func @transform_6(%arg0: i32) -> (i32, i32) {
    %c0_i32 = arith.constant 0 : i32
    %c0_i32_0 = arith.constant 0 : i32
    return %arg0, %c0_i32 : i32, i32
  }
  func.func @transform_7(%arg0: i32) -> (i32, i32) {
    %c0_i32 = arith.constant 0 : i32
    %c0_i32_0 = arith.constant 0 : i32
    return %arg0, %c0_i32 : i32, i32
  }
}

module attributes {stable_mosaic.version = 14 : i64} {
  func.func @_combine_final_body(%arg0: i32, %arg1: memref<2x2x2000x128xf32, #tpu.memory_space<vmem>>, %arg2: memref<2000x128xf32, #tpu.memory_space<vmem>>, %arg3: memref<128x128xf32, #tpu.memory_space<vmem>>, %arg4: memref<128x128xf32, #tpu.memory_space<vmem>>, %arg5: memref<1x128xf32, #tpu.memory_space<vmem>>, %arg6: memref<2000x128xf32, #tpu.memory_space<vmem>>) attributes {dimension_semantics = [#tpu.dimension_semantics<arbitrary>], iteration_bounds = array<i64: 5>, scalar_prefetch = 0 : i64, scratch_operands = 0 : i64, tpu.core_type = #tpu.core_type<tc>, window_params = [{transform_indices = @transform_0, window_bounds = array<i64: 2, 2, 2000, 128>}, {transform_indices = @transform_1, window_bounds = array<i64: 2000, 128>}, {pipeline_mode = #tpu.pipeline_mode<synchronous>, transform_indices = @transform_2, window_bounds = array<i64: 128, 128>}, {pipeline_mode = #tpu.pipeline_mode<synchronous>, transform_indices = @transform_3, window_bounds = array<i64: 128, 128>}, {pipeline_mode = #tpu.pipeline_mode<synchronous>, transform_indices = @transform_4, window_bounds = array<i64: 1, 128>}, {transform_indices = @transform_5, window_bounds = array<i64: 2000, 128>}]} {
    %get3A = arith.constant 0 : index
    %get3A_0 = arith.constant 0 : index
    %get3A_1 = arith.constant 0 : index
    %get3A_2 = arith.constant 0 : index
    %get3A_3 = vector.load %arg1[%get3A, %get3A_0, %get3A_1, %get3A_2] : memref<2x2x2000x128xf32, #tpu.memory_space<vmem>>, vector<2x2x2000x128xf32>
    %slice3A = vector.extract_strided_slice %get3A_3 {offsets = [0, 0, 0, 0], sizes = [1, 1, 2000, 64], strides = [1, 1, 1, 1]} : vector<2x2x2000x128xf32> to vector<1x1x2000x64xf32>
    %squeeze3A = vector.shape_cast %slice3A : vector<1x1x2000x64xf32> to vector<2000x64xf32>
    %slice3A_4 = vector.extract_strided_slice %get3A_3 {offsets = [1, 0, 0, 0], sizes = [1, 1, 2000, 64], strides = [1, 1, 1, 1]} : vector<2x2x2000x128xf32> to vector<1x1x2000x64xf32>
    %squeeze3A_5 = vector.shape_cast %slice3A_4 : vector<1x1x2000x64xf32> to vector<2000x64xf32>
    %add3A = arith.addf %squeeze3A, %squeeze3A_5 : vector<2000x64xf32>
    %slice3A_6 = vector.extract_strided_slice %get3A_3 {offsets = [0, 1, 0, 0], sizes = [1, 1, 2000, 64], strides = [1, 1, 1, 1]} : vector<2x2x2000x128xf32> to vector<1x1x2000x64xf32>
    %squeeze3A_7 = vector.shape_cast %slice3A_6 : vector<1x1x2000x64xf32> to vector<2000x64xf32>
    %slice3A_8 = vector.extract_strided_slice %get3A_3 {offsets = [1, 1, 0, 0], sizes = [1, 1, 2000, 64], strides = [1, 1, 1, 1]} : vector<2x2x2000x128xf32> to vector<1x1x2000x64xf32>
    %squeeze3A_9 = vector.shape_cast %slice3A_8 : vector<1x1x2000x64xf32> to vector<2000x64xf32>
    %add3A_10 = arith.addf %squeeze3A_7, %squeeze3A_9 : vector<2000x64xf32>
    %slice3A_11 = vector.extract_strided_slice %get3A_3 {offsets = [0, 0, 0, 64], sizes = [1, 1, 2000, 1], strides = [1, 1, 1, 1]} : vector<2x2x2000x128xf32> to vector<1x1x2000x1xf32>
    %squeeze3A_12 = vector.shape_cast %slice3A_11 : vector<1x1x2000x1xf32> to vector<2000x1xf32>
    %slice3A_13 = vector.extract_strided_slice %get3A_3 {offsets = [1, 0, 0, 64], sizes = [1, 1, 2000, 1], strides = [1, 1, 1, 1]} : vector<2x2x2000x128xf32> to vector<1x1x2000x1xf32>
    %squeeze3A_14 = vector.shape_cast %slice3A_13 : vector<1x1x2000x1xf32> to vector<2000x1xf32>
    %add3A_15 = arith.addf %squeeze3A_12, %squeeze3A_14 : vector<2000x1xf32>
    %add3A_16 = arith.constant 1.000000e-16 : f32
    %add3A_17 = vector.broadcast %add3A_16 : f32 to vector<2000x1xf32>
    %add3A_18 = arith.addf %add3A_15, %add3A_17 : vector<2000x1xf32>
    %slice3A_19 = vector.extract_strided_slice %get3A_3 {offsets = [0, 1, 0, 64], sizes = [1, 1, 2000, 1], strides = [1, 1, 1, 1]} : vector<2x2x2000x128xf32> to vector<1x1x2000x1xf32>
    %squeeze3A_20 = vector.shape_cast %slice3A_19 : vector<1x1x2000x1xf32> to vector<2000x1xf32>
    %slice3A_21 = vector.extract_strided_slice %get3A_3 {offsets = [1, 1, 0, 64], sizes = [1, 1, 2000, 1], strides = [1, 1, 1, 1]} : vector<2x2x2000x128xf32> to vector<1x1x2000x1xf32>
    %squeeze3A_22 = vector.shape_cast %slice3A_21 : vector<1x1x2000x1xf32> to vector<2000x1xf32>
    %add3A_23 = arith.addf %squeeze3A_20, %squeeze3A_22 : vector<2000x1xf32>
    %add3A_24 = arith.constant 1.000000e-16 : f32
    %add3A_25 = vector.broadcast %add3A_24 : f32 to vector<2000x1xf32>
    %add3A_26 = arith.addf %add3A_23, %add3A_25 : vector<2000x1xf32>
    %broadcast_in_dim3A = vector.shape_cast %add3A_18 : vector<2000x1xf32> to vector<2000x1xf32>
    %broadcast_in_dim3A_27 = vector.broadcast %broadcast_in_dim3A : vector<2000x1xf32> to vector<2000x64xf32>
    %div3A = arith.divf %add3A, %broadcast_in_dim3A_27 : vector<2000x64xf32>
    %broadcast_in_dim3A_28 = vector.shape_cast %add3A_26 : vector<2000x1xf32> to vector<2000x1xf32>
    %broadcast_in_dim3A_29 = vector.broadcast %broadcast_in_dim3A_28 : vector<2000x1xf32> to vector<2000x64xf32>
    %div3A_30 = arith.divf %add3A_10, %broadcast_in_dim3A_29 : vector<2000x64xf32>
    %concatenate3A = tpu.concatenate %div3A, %div3A_30 in 1 : vector<2000x64xf32>, vector<2000x64xf32> -> vector<2000x128xf32>
    %get3A_31 = arith.constant 0 : index
    %get3A_32 = arith.constant 0 : index
    %get3A_33 = vector.load %arg3[%get3A_31, %get3A_32] : memref<128x128xf32, #tpu.memory_space<vmem>>, vector<128x128xf32>
    %convert_element_type3A = arith.truncf %concatenate3A : vector<2000x128xf32> to vector<2000x128xbf16>
    %convert_element_type3A_34 = arith.truncf %get3A_33 : vector<128x128xf32> to vector<128x128xbf16>
    %dot_general3A = arith.constant dense<0.000000e+00> : vector<2000x128xf32>
    %dot_general3A_35 = tpu.matmul %convert_element_type3A, %convert_element_type3A_34, %dot_general3A {dimension_numbers = #tpu.dot_dimension_numbers<[1], [0], [0], [1], [0, 0, 1, 1], [], []>, transpose_lhs_hint = false} : vector<2000x128xbf16>, vector<128x128xbf16>, vector<2000x128xf32> -> vector<2000x128xf32>
    %get3A_36 = arith.constant 0 : index
    %get3A_37 = arith.constant 0 : index
    %get3A_38 = vector.load %arg2[%get3A_36, %get3A_37] : memref<2000x128xf32, #tpu.memory_space<vmem>>, vector<2000x128xf32>
    %get3A_39 = arith.constant 0 : index
    %get3A_40 = arith.constant 0 : index
    %get3A_41 = vector.load %arg4[%get3A_39, %get3A_40] : memref<128x128xf32, #tpu.memory_space<vmem>>, vector<128x128xf32>
    %convert_element_type3A_42 = arith.truncf %get3A_38 : vector<2000x128xf32> to vector<2000x128xbf16>
    %convert_element_type3A_43 = arith.truncf %get3A_41 : vector<128x128xf32> to vector<128x128xbf16>
    %dot_general3A_44 = arith.constant dense<0.000000e+00> : vector<2000x128xf32>
    %dot_general3A_45 = tpu.matmul %convert_element_type3A_42, %convert_element_type3A_43, %dot_general3A_44 {dimension_numbers = #tpu.dot_dimension_numbers<[1], [0], [0], [1], [0, 0, 1, 1], [], []>, transpose_lhs_hint = false} : vector<2000x128xbf16>, vector<128x128xbf16>, vector<2000x128xf32> -> vector<2000x128xf32>
    %add3A_46 = arith.addf %dot_general3A_35, %dot_general3A_45 : vector<2000x128xf32>
    %get3A_47 = arith.constant 0 : index
    %get3A_48 = arith.constant 0 : index
    %get3A_49 = vector.load %arg5[%get3A_47, %get3A_48] : memref<1x128xf32, #tpu.memory_space<vmem>>, vector<1x128xf32>
    %add3A_50 = vector.broadcast %get3A_49 : vector<1x128xf32> to vector<2000x128xf32>
    %add3A_51 = arith.addf %add3A_46, %add3A_50 : vector<2000x128xf32>
    %max3A = arith.constant 0.000000e+00 : f32
    %max3A_52 = vector.broadcast %max3A : f32 to vector<2000x128xf32>
    %max3A_53 = arith.maximumf %add3A_51, %max3A_52 : vector<2000x128xf32>
    %swap3A = arith.constant 0 : index
    %swap3A_54 = arith.constant 0 : index
    %swap3A_55 = vector.load %arg6[%swap3A, %swap3A_54] : memref<2000x128xf32, #tpu.memory_space<vmem>>, vector<2000x128xf32>
    tpu.vector_store %arg6[%swap3A, %swap3A_54], %max3A_53 {strides = array<i32>} : memref<2000x128xf32, #tpu.memory_space<vmem>>, vector<2000x128xf32>,
    return
  }
  func.func @transform_0(%arg0: i32) -> (i32, i32, i32, i32) {
    %c0_i32 = arith.constant 0 : i32
    %c0_i32_0 = arith.constant 0 : i32
    %c0_i32_1 = arith.constant 0 : i32
    %c0_i32_2 = arith.constant 0 : i32
    return %c0_i32, %c0_i32_0, %arg0, %c0_i32_1 : i32, i32, i32, i32
  }
  func.func @transform_1(%arg0: i32) -> (i32, i32) {
    %c0_i32 = arith.constant 0 : i32
    %c0_i32_0 = arith.constant 0 : i32
    return %arg0, %c0_i32 : i32, i32
  }
  func.func @transform_2(%arg0: i32) -> (i32, i32) {
    %c0_i32 = arith.constant 0 : i32
    %c0_i32_0 = arith.constant 0 : i32
    %c0_i32_1 = arith.constant 0 : i32
    return %c0_i32, %c0_i32_0 : i32, i32
  }
  func.func @transform_3(%arg0: i32) -> (i32, i32) {
    %c0_i32 = arith.constant 0 : i32
    %c0_i32_0 = arith.constant 0 : i32
    %c0_i32_1 = arith.constant 0 : i32
    return %c0_i32, %c0_i32_0 : i32, i32
  }
  func.func @transform_4(%arg0: i32) -> (i32, i32) {
    %c0_i32 = arith.constant 0 : i32
    %c0_i32_0 = arith.constant 0 : i32
    %c0_i32_1 = arith.constant 0 : i32
    return %c0_i32, %c0_i32_0 : i32, i32
  }
  func.func @transform_5(%arg0: i32) -> (i32, i32) {
    %c0_i32 = arith.constant 0 : i32
    %c0_i32_0 = arith.constant 0 : i32
    return %arg0, %c0_i32 : i32, i32
  }
}

</mosaic_0001>

<sc_bundles>
// kernel: kernel.21.cloned.1.call-start
scs
__scs_entry_jumppad:
0x0: {  	(pc) =	sbr.rel $0x88, $3  }
0x1: {  	(tag) =	ssettag $0x0;
	lr =	simm.s32 $0x1  }
0x2: {  	[smem:$0x3F7D] =	sst lr;
	_ =	strace $0xD0000000  }
0x3: {  	_ = 	snop  }
0x4: {  	_ = 	snop  }
0x5: {  	_ = 	snop  }
0x6: {  	_ = 	snop  }
0x7: {  	_ = 	snop  }
__scs_overlays_trampoline_lowered:
0x8: {  	[smem:$0x3F8C] =	sst s0  }
0x9: {  	[smem:$0x3F8D] =	sst s1  }
0xa: {  	[smem:$0x3F8E] =	sst s2  }
0xb: {  	[smem:$0x3F8F] =	sst s3  }
0xc: {  	[smem:$0x3F90] =	sst s4  }
0xd: {  	[smem:$0x3F91] =	sst s5  }
0xe: {  	[smem:$0x3F92] =	sst s6  }
0xf: {  	[smem:$0x3F93] =	sst s7  }
0x10: {  	[smem:$0x3F94] =	sst s8  }
0x11: {  	[smem:$0x3F95] =	sst s9;
	s0 =	simm.s32 @!p0 $0x0  }
0x12: {  	s1 =	sld [smem:$0x3F7B];
	s0 =	simm.s32 @p0 $0x1  }
0x13: {  	[smem:$0x3F96] =	sst s0;
	s0 =	simm.s32 @!p1 $0x0  }
0x14: {  	s2 =	sld [smem:$0x3F7A];
	s0 =	simm.s32 @p1 $0x1  }
0x15: {  	[smem:$0x3F97] =	sst s0;
	s0 =	simm.s32 @!p2 $0x0  }
0x16: {  	s3 =	sld [smem:$0x3FDB];
	s0 =	simm.s32 @p2 $0x1  }
0x17: {  	s4 =	simm.s32 $0x1BF5;
	[smem:$0x3F99] =	sst s0  }
0x18: {  	s0 =	sld [smem:$0x3F7C];
	_ =	swait.ge [sflag:s4], $0x0  }
0x19: {  	s7 =	sld [smem:$0x3F7D]  }
0x1a: {  	s8 =	sadd.s32 $0xFFFFE003, lr  }
0x1b: {  	s9 =	sadd.s32 $0xFFFFFEF7, lr;
	s5 =	simm.s32 $0xFFFFFFFF;
	p2 =	slt.u32 s8, $0xFFFFF086  }
0x1c: {  	p1 =	slt.u32 s9, $0xF7A;
	s5 =	simm.s32 @!p2 $0x0  }
0x1d: {  	s5 =	simm.s32 @p1 $0x1;
	p0 =	seq.s32 s7, s2  }
0x1e: {  	s7 =	smul.u32 @!p0 $0xF7A, s2;
	p2 =	seq.s32 @!p0 s5, $0x0  }
0x1f: {  	s9 =	smul.u32 $0xF7A, s1;
	s8 =	simm.s32 @!p0 $0x1BF5;
	p2 =	por !p2, p0  }
0x20: {  	[sflag:s8] =	ssyncset.s32 @!p0 $0xFFFFF086;
	s6 =	sadd.s32 @!p0 s3, s7;
	s7 =	simm.s32 @!p0 $0x108  }
0x21: {  	s3 =	sadd.s32 s3, s9;
	s6 =	sadd.s32 @!p0 $0x88, s6;
	s7 =	simm.s32 @p2 $0x1082  }
0x22: {  	[simem:s7], [sflag:s8] =	dma.local @!p0 [hbm:s6], $0xF7A  }
0x23: {  	s9 =	sor.u32 $0xD0000000, s2;
	s6 =	simm.s32 $0x108;
	_ =	swait.ge @!p0 [sflag:s8], $0x0  }
0x24: {  	s3 =	sadd.s32 $0x88, s3;
	s6 =	simm.s32 @!p1 $0x1082;
	[sflag:s4] =	ssyncset.s32 $0xFFFFF086  }
0x25: {  	[simem:s6], [sflag:s4] =	dma.local [hbm:s3], $0xF7A  }
0x26: {  	[smem:$0x3F7D] =	sst s1;
	(tag) =	ssettag s2;
	_ =	strace s9  }
0x27: {  	s1 =	sld [smem:$0x3F8D]  }
0x28: {  	s2 =	sld [smem:$0x3F8E]  }
0x29: {  	s4 =	sld [smem:$0x3F90]  }
0x2a: {  	p0 =	seq.s32 s5, $0x0;
	s5 =	sld [smem:$0x3F91]  }
0x2b: {  	s6 =	sld [smem:$0x3F92]  }
0x2c: {  	s7 =	sld [smem:$0x3F93]  }
0x2d: {  	s3 =	simm.s32 $0x108;
	s8 =	sld [smem:$0x3F94]  }
0x2e: {  	s3 =	simm.s32 @!p0 $0x1082;
	s9 =	sld [smem:$0x3F95]  }
0x2f: {  	lr =	sadd.s32 s0, s3;
	s0 =	sld [smem:$0x3F8C]  }
0x30: {  	s3 =	sld [smem:$0x3F8F]  }
0x31: {  	[smem:$0x3F98] =	sst s10  }
0x32: {  	s10 =	sld [smem:$0x3F96];
	_ =	sdelay $0x3  }
0x33: {  	p0 =	seq.s32 s10, $0x1;
	s10 =	sld [smem:$0x3F98];
	_ =	sdelay $0x3  }
0x34: {  	[smem:$0x3F98] =	sst s10  }
0x35: {  	s10 =	sld [smem:$0x3F97];
	_ =	sdelay $0x3  }
0x36: {  	p1 =	seq.s32 s10, $0x1;
	s10 =	sld [smem:$0x3F98];
	_ =	sdelay $0x3  }
0x37: {  	[smem:$0x3F98] =	sst s10  }
0x38: {  	s10 =	sld [smem:$0x3F99]  }
0x39: {  	_ = 	snop;
	(pc) =	sbr.ind lr, $3  }
0x3a: {  	_ = 	snop  }
0x3b: {  	_ = 	snop  }
0x3c: {  	p2 =	seq.s32 s10, $0x1;
	s10 =	sld [smem:$0x3F98]  }
0x3d: {  	_ =	shalt  }
0x3e: {  	_ =	shalt  }
0x3f: {  	_ =	shalt  }
0x40: {  	_ =	shalt  }
0x41: {  	_ =	shalt  }
0x42: {  	_ =	shalt  }
0x43: {  	_ =	shalt  }
0x44: {  	_ =	shalt  }
0x45: {  	_ =	shalt  }
0x46: {  	_ =	shalt  }
0x47: {  	_ =	shalt  }
0x48: {  	_ =	shalt  }
0x49: {  	_ =	shalt  }
0x4a: {  	_ =	shalt  }
0x4b: {  	_ =	shalt  }
0x4c: {  	_ =	shalt  }
0x4d: {  	_ =	shalt  }
0x4e: {  	_ =	shalt  }
0x4f: {  	_ =	shalt  }
0x50: {  	_ =	shalt  }
0x51: {  	_ =	shalt  }
0x52: {  	_ =	shalt  }
0x53: {  	_ =	shalt  }
0x54: {  	_ =	shalt  }
0x55: {  	_ =	shalt  }
0x56: {  	_ =	shalt  }
0x57: {  	_ =	shalt  }
0x58: {  	_ =	shalt  }
0x59: {  	_ =	shalt  }
0x5a: {  	_ =	shalt  }
0x5b: {  	_ =	shalt  }
0x5c: {  	_ =	shalt  }
0x5d: {  	_ =	shalt  }
0x5e: {  	_ =	shalt  }
0x5f: {  	_ =	shalt  }
0x60: {  	_ =	shalt  }
0x61: {  	_ =	shalt  }
0x62: {  	_ =	shalt  }
0x63: {  	_ =	shalt  }
0x64: {  	_ =	shalt  }
0x65: {  	_ =	shalt  }
0x66: {  	_ =	shalt  }
0x67: {  	_ =	shalt  }
0x68: {  	_ =	shalt  }
0x69: {  	_ =	shalt  }
0x6a: {  	_ =	shalt  }
0x6b: {  	_ =	shalt  }
0x6c: {  	_ =	shalt  }
0x6d: {  	_ =	shalt  }
0x6e: {  	_ =	shalt  }
0x6f: {  	_ =	shalt  }
0x70: {  	_ =	shalt  }
0x71: {  	_ =	shalt  }
0x72: {  	_ =	shalt  }
0x73: {  	_ =	shalt  }
0x74: {  	_ =	shalt  }
0x75: {  	_ =	shalt  }
0x76: {  	_ =	shalt  }
0x77: {  	_ =	shalt  }
0x78: {  	_ =	shalt  }
0x79: {  	_ =	shalt  }
0x7a: {  	_ =	shalt  }
0x7b: {  	_ =	shalt  }
0x7c: {  	_ =	shalt  }
0x7d: {  	_ =	shalt  }
0x7e: {  	_ =	shalt  }
0x7f: {  	_ =	shalt  }
0x80: {  	_ =	shalt  }
0x81: {  	_ =	shalt  }
0x82: {  	_ =	shalt  }
0x83: {  	_ =	shalt  }
0x84: {  	_ =	shalt  }
0x85: {  	_ =	shalt  }
0x86: {  	_ =	shalt  }
0x87: {  	_ =	shalt  }
.Lfunc_end0:
.L_simem_size_0:
called_computation_lowered:
.L_overlay_start_0:
0x88: {  	s2 =	sld [smem:$0x3FD9]  }
0x89: {  	s3 =	sld [smem:$0x3FFE];
	_ =	sdelay $0x1  }
0x8a: {  	s1 =	srdreg.scid  }
0x8b: {  	s0 =	sand.u32 $0x1, s1  }
0x8c: {  	s17 =	sshll.u32 s0, $0xA;
	s2 =	sadd.s32 s3, s2  }
0x8d: {  	s2 =	sadd.s32 s2, s17  }
0x8e: {  	[smem:$0x3FA4] =	sst s2  }
0x8f: {  	_ = 	snop  }
0x90: {  	(tm) =	ssettm $0x1  }
0x91: {  	s18 =	sld [smem:$0x3FFB];
	_ =	sdelay $0x3  }
0x92: {  	_ =	strace s18  }
0x93: {  	s2 =	sld [smem:$0x3FFC];
	_ =	sdelay $0x3  }
0x94: {  	_ =	strace s2  }
0x95: {  	s2 =	sld [smem:$0x3FFD];
	_ =	sdelay $0x3  }
0x96: {  	_ =	strace s2  }
0x97: {  	_ =	strace $0x8FFFFFFF  }
0x98: {  	s19 =	sld [smem:$0x3FDB];
	_ =	sdelay $0x1  }
0x99: {  	s20 =	simm.s32 $_scs_section_size  }
0x9a: {  	s4 =	simm.s32 $_size__tile_overlayer_lowered;
	s5 =	simm.s32 $_tile_overlayer_lowered  }
0x9b: {  	s6 =	simm.s32 $0x1BFF;
	s21 =	sshll.u32 s5, $0x1;
	s3 =	sadd.s32 s20, s19  }
0x9c: {  	s22 =	simm.s32 $0x0;
	s4 =	sshll.u32 s4, $0x1;
	s5 =	sadd.s32 s21, s3  }
0x9d: {  	[timem:s22], [sflag:s6] =	dma.local [hbm:s5], s4  }
0x9e: {  	_ =	swait.ge [sflag:s6], s4  }
0x9f: {  	s4 =	ssub.s32 $0x0, s4;
	[sflag:s6] =	ssyncset.done $0x0  }
0xa0: {  	[sflag:s6] =	ssyncadd.s32 s4;
	_ =	sdelay $0x1  }
0xa1: {  	s23 =	simm.s32 $0x1B8B  }
0xa2: {  	_ =	swait.ge [sflag:s23], $0x1  }
0xa3: {  	[sflag:s23] =	ssyncset.done $0x0  }
0xa4: {  	[sflag:s23] =	ssyncadd.s32 $0xFFFFFFFF  }
0xa5: {  	s4 =	sld [smem:$0x0]  }
0xa6: {  	s5 =	sand.u32 $0xFFFFFFFE, s1  }
0xa7: {  	p0 =	sne.s32 s1, s5  }
0xa8: {  	s5 =	sshll.u32 @p0 s5, $0xE  }
0xa9: {  	s5 =	sadd.s32 @p0 $0x11B8D, s5;
	s6 =	sshll.u32 @p0 s4, $0x11  }
0xaa: {  	s5 =	sor.u32 @p0 s6, s5  }
0xab: {  	[sflag:s5] =	ssyncadd.remote.s32 @p0 $0x1;
	_ =	sdelay $0x1  }
0xac: {  	s5 =	simm.s32 @p0 $0x1B8D  }
0xad: {  	_ =	swait.eq @p0 [sflag:s5], $0x1  }
0xae: {  	[sflag:s5] =	ssyncadd.s32 @p0 $0xFFFFFFFF  }
0xaf: {  	s6 =	sshll.u32 @!p0 s1, $0xE  }
0xb0: {  	s6 =	sor.u32 @!p0 $0x4000, s6;
	s5 =	simm.s32 @!p0 $0x1B8D  }
0xb1: {  	s4 =	sshll.u32 @!p0 s4, $0x11;
	s6 =	sadd.s32 @!p0 $0x11B8D, s6;
	_ =	swait.eq @!p0 [sflag:s5], $0x1  }
0xb2: {  	s4 =	sor.u32 @!p0 s4, s6;
	[sflag:s5] =	ssyncadd.s32 @!p0 $0xFFFFFFFF  }
0xb3: {  	s25 =	simm.s32 $0x1B8E;
	s24 =	sld [smem:$0x3FFE];
	[sflag:s4] =	ssyncadd.remote.s32 @!p0 $0x1  }
0xb4: {  	s26 =	simm.s32 $execute0_lowered;
	[smem:$0x3FD2] =	sst s25  }
0xb5: {  	s5 =	sshll.u32 s26, $0x1;
	_ =	strace $0x80000049;
	[dreg:$0x1] =	wrdreg $0xFFFFFFFF  }
0xb6: {  	s28 =	simm.s32 $_size_execute0_lowered;
	s3 =	sadd.s32 s3, s5;
	[dreg:$0x0] =	wrdreg $0x0  }
0xb7: {  	s5 =	sshll.u32 s28, $0x1;
	[dreg:$0x2] =	wrdreg s3  }
0xb8: {  	[dreg:$0x3] =	wrdreg s5  }
0xb9: {  	[dreg:$0x4] =	wrdreg $0xC0  }
0xba: {  	_ =	task [dreg:s22], $0x5FFFF  }
0xbb: {  	[dreg:$0x1] =	wrdreg $0xFFFFFFFF  }
0xbc: {  	[dreg:$0x0] =	wrdreg $0x60  }
0xbd: {  	[dreg:$0x2] =	wrdreg s24  }
0xbe: {  	[dreg:$0x3] =	wrdreg $0x9  }
0xbf: {  	_ =	task.clear_ibuf [dreg:s22], $0x4FFFF;
	_ =	strace $0x90000049  }
0xc0: {  	s29 =	simm.s32 $0x9;
	_ =	strace $0x8000004B  }
0xc1: {  	_ =	swait.ge [sflag:s29], $0x1  }
0xc2: {  	[sflag:s29] =	ssyncadd.s32 $0xFFFFFFFF  }
0xc3: {  	_ =	strace $0x9000004B  }
0xc4: {  	_ =	sfence  }
0xc5: {  	s30 =	sld [smem:$0x0];
	_ =	sdelay $0x2  }
0xc6: {  	s31 =	sshll.u32 s1, $0xD;
	s1 =	sshrl.u32 s1, $0x2  }
0xc7: {  	s4 =	sand.u32 $0x4000, s31;
	s1 =	sadd.s32 s1, s30  }
0xc8: {  	s0 =	sor.u32 s4, s0;
	s1 =	sshll.u32 s1, $0x11  }
0xc9: {  	s0 =	sor.u32 s1, s0  }
0xca: {  	s0 =	sadd.s32 $0x8F2B, s0  }
0xcb: {  	[sflag:s0] =	ssyncadd.remote.s32 $0x1  }
0xcc: {  	_ =	sfence.sel $0xFFFF  }
0xcd: {  	[dreg:$0x0] =	wrdreg $0xFFFFFFFF;
	(pc) =	sbr.abs _section_cstart, $3  }
0xce: {  	[dreg:$0x1] =	wrdreg $0xFFFFFFFF  }
0xcf: {  	_ =	task.clear_ibuf [dreg:s22], $0x2FFFF;
	_ =	strace $0x9FFFFFFF  }
0xd0: {  	(tm) =	ssettm $0x7FFFFFFF  }
0xd1: {  	_ =	shalt  }
tec
execute0_lowered:
.L_overlay_start_1:
0x0: {  	(tag) =	ssettag $0x1  }
0x1: {  	s5 =	rddreg [dreg:$0x0]  }
0x2: {  	s0 =	rddreg [dreg:$0x1]  }
0x3: {  	s3 =	srdreg.scid;
	s1 =	stileid.u32;
	s2 =	simm.s32 $0x0  }
0x4: {  	s11 =	simm.s32 $0x80;
	s12 =	simm.s32 $0x50;
	s13 =	simm.s32 $0x100  }
0x5: {  	s14 =	simm.s32 $0x2900;
	s15 =	simm.s32 $0x1;
	s7 =	smul.u32 $0x4E20, s1  }
0x6: {  	s16 =	simm.s32 $0x2;
	s6 =	sand.u32 $0x1, s3;
	s9 =	smul.u32 $0x4E200, s1  }
0x7: {  	s17 =	simm.s32 $0x0;
	[smem:$0x7FF] =	sst s2;
	s8 =	smul.u32 $0x2710, s6  }
0x8: {  	s3 =	sadd.s32 $0x3B400, s5;
	s4 =	sadd.s32 $0x14200, s5;
	s10 =	smul.u32 $0x27100, s6  }
0x9: {  	_ =	strace $0x8000004A;
	s6 =	ssub.s32 $0x2, s6;
	s29 =	sadd.s32 s9, s5  }
0xa: {  	s30 =	sshrl.u32 s6, $0x1;
	s7 =	sadd.s32 s8, s7;
	s8 =	sadd.s32 s10, s29  }
0xb: {  	s6 =	ssub.s32 s6, s30;
	s10 =	simm.s32 $0x3;
	s7 =	sshrl.u32 s7, $0x3  }
0xc: {  	s31 =	sadd.s32 s7, s5;
	s5 =	sadd.s32 $0x846200, s8;
	s7 =	sadd.s32 $0xD28200, s8  }
0xd: {  	s6 =	smax.u32 s6, $0x1;
	s8 =	sadd.s32 $0x832600, s31;
	s9 =	sadd.s32 $0x83C400, s31  }
.LBB2_1:
0xe: {  	s18 =	sadd.s32 $0x0, s9  }
0xf: {  	[tilespmem:s2], [sflag:$0x3] =	stream.linear.gather [hbm4b:s18+s2], $0x50, $0x38;
	[tilespmem:$0x5100] =	vst v63  }
0x10: {  	_ =	swait.ge [sflag:s10], $0x50  }
0x11: {  	[sflag:s10] =	ssyncset.done $0x0  }
0x12: {  	s31 =	sadd.s32 $0x0, s8;
	[sflag:s10] =	ssyncadd.s32 $0xFFFFFFB0  }
0x13: {  	[tilespmem:s11], [sflag:$0x3] =	stream.linear.gather [hbm4b:s31+s2], $0x50, $0x38;
	[tilespmem:$0x5100] =	vst v63  }
0x14: {  	_ =	swait.ge [sflag:s10], $0x50  }
0x15: {  	[sflag:s10] =	ssyncset.done $0x0  }
0x16: {  	[sflag:s10] =	ssyncadd.s32 $0xFFFFFFB0  }
0x17: {  	[tilespmem:s13], [sflag:$0x1] =	stream.indirect.gather [hbm4b:s3+s12], $0x80, s2, s12, $0xb8;
	[tilespmem:$0x5100] =	vst v63  }
0x18: {  	_ = 	snop  }
0x19: {  	[tilespmem:s14], [sflag:$0x2] =	stream.indirect.gather [hbm4b:s4+s12], $0x80, s11, s12, $0xb8;
	[tilespmem:$0x5100] =	vst v63  }
0x1a: {  	_ =	swait.ge [sflag:s15], $0x2800  }
0x1b: {  	[sflag:s15] =	ssyncset.done $0x0  }
0x1c: {  	[sflag:s15] =	ssyncadd.s32 $0xFFFFD800  }
0x1d: {  	_ =	swait.ge [sflag:s16], $0x2800  }
0x1e: {  	[sflag:s16] =	ssyncset.done $0x0  }
0x1f: {  	[sflag:s16] =	ssyncadd.s32 $0xFFFFD800  }
0x20: {  	[hbm4b:s5+s2] =	stream.linear.scatter [tilespmem:s13], [sflag:$0x3], $0x2800, $0x38;
	[tilespmem:$0x5100] =	vst v63  }
0x21: {  	_ =	swait.ge [sflag:s10], $0x2800  }
0x22: {  	[sflag:s10] =	ssyncset.done $0x0  }
0x23: {  	[sflag:s10] =	ssyncadd.s32 $0xFFFFD800  }
0x24: {  	[hbm4b:s7+s2] =	stream.linear.scatter [tilespmem:s14], [sflag:$0x3], $0x2800, $0x38;
	[tilespmem:$0x5100] =	vst v63  }
0x25: {  	s20 =	simm.s32 $0xA;
	s21 =	simm.s32 $0x14;
	_ =	swait.ge [sflag:s10], $0x2800  }
0x26: {  	s19 =	sadd.s32 $0x500, s5;
	s18 =	sadd.s32 $0x500, s7;
	[sflag:s10] =	ssyncset.done $0x0  }
.LBB2_2:
0x27: {  	s22 =	sadd.s32 s20, s9  }
0x28: {  	[sflag:s10] =	ssyncadd.s32 $0xFFFFD800;
	s23 =	smov.u32 s21;
	s24 =	sadd.s32 $0xA, s21  }
0x29: {  	[tilespmem:s2], [sflag:$0x3] =	stream.linear.gather [hbm4b:s22+s2], $0x50, $0x38;
	[tilespmem:$0x5100] =	vst v63  }
0x2a: {  	p0 =	sne.s32 s21, $0x4D8;
	_ =	swait.ge [sflag:s10], $0x50  }
0x2b: {  	[sflag:s10] =	ssyncset.done $0x0  }
0x2c: {  	s21 =	sadd.s32 s20, s8;
	s20 =	smov.u32 s23;
	[sflag:s10] =	ssyncadd.s32 $0xFFFFFFB0  }
0x2d: {  	[tilespmem:s11], [sflag:$0x3] =	stream.linear.gather [hbm4b:s21+s2], $0x50, $0x38;
	[tilespmem:$0x5100] =	vst v63  }
0x2e: {  	_ =	swait.ge [sflag:s10], $0x50  }
0x2f: {  	[sflag:s10] =	ssyncset.done $0x0  }
0x30: {  	[sflag:s10] =	ssyncadd.s32 $0xFFFFFFB0  }
0x31: {  	[tilespmem:s13], [sflag:$0x1] =	stream.indirect.gather [hbm4b:s3+s12], $0x80, s2, s12, $0xb8;
	[tilespmem:$0x5100] =	vst v63  }
0x32: {  	_ = 	snop  }
0x33: {  	[tilespmem:s14], [sflag:$0x2] =	stream.indirect.gather [hbm4b:s4+s12], $0x80, s11, s12, $0xb8;
	[tilespmem:$0x5100] =	vst v63  }
0x34: {  	_ =	swait.ge [sflag:s15], $0x2800  }
0x35: {  	[sflag:s15] =	ssyncset.done $0x0  }
0x36: {  	[sflag:s15] =	ssyncadd.s32 $0xFFFFD800  }
0x37: {  	_ =	swait.ge [sflag:s16], $0x2800  }
0x38: {  	[sflag:s16] =	ssyncset.done $0x0  }
0x39: {  	[sflag:s16] =	ssyncadd.s32 $0xFFFFD800  }
0x3a: {  	[hbm4b:s19+s2] =	stream.linear.scatter [tilespmem:s13], [sflag:$0x3], $0x2800, $0x38;
	[tilespmem:$0x5100] =	vst v63  }
0x3b: {  	_ =	swait.ge [sflag:s10], $0x2800  }
.Ltmp0:
0x3c: {  	[sflag:s10] =	ssyncset.done $0x0;
	(pc) =	sbr.rel @p0 .LBB2_2-.Ltmp0, $4  }
0x3d: {  	[sflag:s10] =	ssyncadd.s32 $0xFFFFD800  }
0x3e: {  	[hbm4b:s18+s2] =	stream.linear.scatter [tilespmem:s14], [sflag:$0x3], $0x2800, $0x38;
	[tilespmem:$0x5100] =	vst v63  }
0x3f: {  	s21 =	smov.u32 s24;
	_ =	swait.ge [sflag:s10], $0x2800  }
0x40: {  	s19 =	sadd.s32 $0x500, s19;
	s18 =	sadd.s32 $0x500, s18;
	[sflag:s10] =	ssyncset.done $0x0  }
0x41: {  	s21 =	sadd.s32 s20, s9;
	[sflag:s10] =	ssyncadd.s32 $0xFFFFD800  }
0x42: {  	[tilespmem:s2], [sflag:$0x3] =	stream.linear.gather [hbm4b:s21+s2], $0x50, $0x38;
	[tilespmem:$0x5100] =	vst v63  }
0x43: {  	_ =	swait.ge [sflag:s10], $0x50  }
0x44: {  	[sflag:s10] =	ssyncset.done $0x0  }
0x45: {  	s31 =	sadd.s32 s20, s8;
	[sflag:s10] =	ssyncadd.s32 $0xFFFFFFB0  }
0x46: {  	[tilespmem:s11], [sflag:$0x3] =	stream.linear.gather [hbm4b:s31+s2], $0x50, $0x38;
	[tilespmem:$0x5100] =	vst v63  }
0x47: {  	_ =	swait.ge [sflag:s10], $0x50  }
0x48: {  	[sflag:s10] =	ssyncset.done $0x0  }
0x49: {  	[sflag:s10] =	ssyncadd.s32 $0xFFFFFFB0  }
0x4a: {  	[tilespmem:s13], [sflag:$0x1] =	stream.indirect.gather [hbm4b:s3+s12], $0x80, s2, s12, $0xb8;
	[tilespmem:$0x5100] =	vst v63  }
0x4b: {  	_ = 	snop  }
0x4c: {  	[tilespmem:s14], [sflag:$0x2] =	stream.indirect.gather [hbm4b:s4+s12], $0x80, s11, s12, $0xb8;
	[tilespmem:$0x5100] =	vst v63  }
0x4d: {  	_ =	swait.ge [sflag:s15], $0x2800  }
0x4e: {  	[sflag:s15] =	ssyncset.done $0x0  }
0x4f: {  	[sflag:s15] =	ssyncadd.s32 $0xFFFFD800  }
0x50: {  	_ =	swait.ge [sflag:s16], $0x2800  }
0x51: {  	[sflag:s16] =	ssyncset.done $0x0  }
0x52: {  	[sflag:s16] =	ssyncadd.s32 $0xFFFFD800  }
0x53: {  	[hbm4b:s19+s2] =	stream.linear.scatter [tilespmem:s13], [sflag:$0x3], $0x2800, $0x38;
	[tilespmem:$0x5100] =	vst v63  }
0x54: {  	s17 =	sadd.s32 $0x1, s17;
	_ =	swait.ge [sflag:s10], $0x2800  }
0x55: {  	p0 =	sne.s32 s17, s6;
	[sflag:s10] =	ssyncset.done $0x0  }
.Ltmp1:
0x56: {  	[sflag:s10] =	ssyncadd.s32 $0xFFFFD800;
	(pc) =	sbr.rel @p0 .LBB2_1-.Ltmp1, $4  }
0x57: {  	[hbm4b:s18+s2] =	stream.linear.scatter [tilespmem:s14], [sflag:$0x3], $0x2800, $0x38;
	[tilespmem:$0x5100] =	vst v63  }
0x58: {  	_ =	swait.ge [sflag:s10], $0x2800  }
0x59: {  	[sflag:s10] =	ssyncset.done $0x0  }
0x5a: {  	[sflag:s10] =	ssyncadd.s32 $0xFFFFD800  }
0x5b: {  	_ =	sfence.sel $0x180000  }
0x5c: {  	[bflag:$0x0] =	sbarrier.arrive $0xFFFF  }
0x5d: {  	p0 =	sne.s32 s1, $0x0;
	_ =	strace $0x9000004A  }
0x5e: {  	s0 =	sadd.s32 @!p0 $0x100000, s0;
	[bflag:$0x2] =	sbarrier.arrive $0xFFFF  }
0x5f: {  	[sflag:s0] =	ssyncadd.tile.s32 @!p0 $0x1;
	_ =	shalt  }
.Lfunc_end2:
_tile_overlayer_lowered:
.L_overlay_start_2:
0x60: {  	(tag) =	ssettag $0x2  }
0x61: {  	s0 =	rddreg [dreg:$0x0];
	s2 =	stileid.u32  }
0x62: {  	s1 =	rddreg [dreg:$0x1];
	p0 =	sne.s32 s2, $0x0  }
0x63: {  	s3 =	rddreg [dreg:$0x2];
	[bflag:$0x3] =	sbarrier.arrive $0xFFFF;
	s2 =	simm.s32 @!p0 $0x1C03  }
0x64: {  	[timem:s3], [sflag:s2] =	dma.local @!p0 [hbm:s0], s1  }
0x65: {  	s0 =	simm.s32 @!p0 $0x3  }
0x66: {  	_ =	swait.ge @!p0 [sflag:s0], s1  }
0x67: {  	s1 =	ssub.s32 @!p0 $0x0, s1;
	[sflag:s0] =	ssyncset.done @!p0 $0x0  }
0x68: {  	[sflag:s0] =	ssyncadd.s32 @!p0 s1  }
0x69: {  	[bflag:$0x3] =	sbarrier.arrive $0xFFFF  }
0x6a: {  	_ =	shalt  }

// kernel: kernel.24.cloned.1.call-start
scs
__scs_entry_jumppad:
0x0: {  	(pc) =	sbr.rel $0x88, $3  }
0x1: {  	(tag) =	ssettag $0x0;
	lr =	simm.s32 $0x1  }
0x2: {  	[smem:$0x3F7D] =	sst lr;
	_ =	strace $0xD0000000  }
0x3: {  	_ = 	snop  }
0x4: {  	_ = 	snop  }
0x5: {  	_ = 	snop  }
0x6: {  	_ = 	snop  }
0x7: {  	_ = 	snop  }
__scs_overlays_trampoline_lowered:
0x8: {  	[smem:$0x3F8C] =	sst s0  }
0x9: {  	[smem:$0x3F8D] =	sst s1  }
0xa: {  	[smem:$0x3F8E] =	sst s2  }
0xb: {  	[smem:$0x3F8F] =	sst s3  }
0xc: {  	[smem:$0x3F90] =	sst s4  }
0xd: {  	[smem:$0x3F91] =	sst s5  }
0xe: {  	[smem:$0x3F92] =	sst s6  }
0xf: {  	[smem:$0x3F93] =	sst s7  }
0x10: {  	[smem:$0x3F94] =	sst s8  }
0x11: {  	[smem:$0x3F95] =	sst s9;
	s0 =	simm.s32 @!p0 $0x0  }
0x12: {  	s1 =	sld [smem:$0x3F7B];
	s0 =	simm.s32 @p0 $0x1  }
0x13: {  	[smem:$0x3F96] =	sst s0;
	s0 =	simm.s32 @!p1 $0x0  }
0x14: {  	s2 =	sld [smem:$0x3F7A];
	s0 =	simm.s32 @p1 $0x1  }
0x15: {  	[smem:$0x3F97] =	sst s0;
	s0 =	simm.s32 @!p2 $0x0  }
0x16: {  	s3 =	sld [smem:$0x3FDB];
	s0 =	simm.s32 @p2 $0x1  }
0x17: {  	s4 =	simm.s32 $0x1BF5;
	[smem:$0x3F99] =	sst s0  }
0x18: {  	s0 =	sld [smem:$0x3F7C];
	_ =	swait.ge [sflag:s4], $0x0  }
0x19: {  	s7 =	sld [smem:$0x3F7D]  }
0x1a: {  	s8 =	sadd.s32 $0xFFFFE003, lr  }
0x1b: {  	s9 =	sadd.s32 $0xFFFFFEF7, lr;
	s5 =	simm.s32 $0xFFFFFFFF;
	p2 =	slt.u32 s8, $0xFFFFF086  }
0x1c: {  	p1 =	slt.u32 s9, $0xF7A;
	s5 =	simm.s32 @!p2 $0x0  }
0x1d: {  	s5 =	simm.s32 @p1 $0x1;
	p0 =	seq.s32 s7, s2  }
0x1e: {  	s7 =	smul.u32 @!p0 $0xF7A, s2;
	p2 =	seq.s32 @!p0 s5, $0x0  }
0x1f: {  	s9 =	smul.u32 $0xF7A, s1;
	s8 =	simm.s32 @!p0 $0x1BF5;
	p2 =	por !p2, p0  }
0x20: {  	[sflag:s8] =	ssyncset.s32 @!p0 $0xFFFFF086;
	s6 =	sadd.s32 @!p0 s3, s7;
	s7 =	simm.s32 @!p0 $0x108  }
0x21: {  	s3 =	sadd.s32 s3, s9;
	s6 =	sadd.s32 @!p0 $0x88, s6;
	s7 =	simm.s32 @p2 $0x1082  }
0x22: {  	[simem:s7], [sflag:s8] =	dma.local @!p0 [hbm:s6], $0xF7A  }
0x23: {  	s9 =	sor.u32 $0xD0000000, s2;
	s6 =	simm.s32 $0x108;
	_ =	swait.ge @!p0 [sflag:s8], $0x0  }
0x24: {  	s3 =	sadd.s32 $0x88, s3;
	s6 =	simm.s32 @!p1 $0x1082;
	[sflag:s4] =	ssyncset.s32 $0xFFFFF086  }
0x25: {  	[simem:s6], [sflag:s4] =	dma.local [hbm:s3], $0xF7A  }
0x26: {  	[smem:$0x3F7D] =	sst s1;
	(tag) =	ssettag s2;
	_ =	strace s9  }
0x27: {  	s1 =	sld [smem:$0x3F8D]  }
0x28: {  	s2 =	sld [smem:$0x3F8E]  }
0x29: {  	s4 =	sld [smem:$0x3F90]  }
0x2a: {  	p0 =	seq.s32 s5, $0x0;
	s5 =	sld [smem:$0x3F91]  }
0x2b: {  	s6 =	sld [smem:$0x3F92]  }
0x2c: {  	s7 =	sld [smem:$0x3F93]  }
0x2d: {  	s3 =	simm.s32 $0x108;
	s8 =	sld [smem:$0x3F94]  }
0x2e: {  	s3 =	simm.s32 @!p0 $0x1082;
	s9 =	sld [smem:$0x3F95]  }
0x2f: {  	lr =	sadd.s32 s0, s3;
	s0 =	sld [smem:$0x3F8C]  }
0x30: {  	s3 =	sld [smem:$0x3F8F]  }
0x31: {  	[smem:$0x3F98] =	sst s10  }
0x32: {  	s10 =	sld [smem:$0x3F96];
	_ =	sdelay $0x3  }
0x33: {  	p0 =	seq.s32 s10, $0x1;
	s10 =	sld [smem:$0x3F98];
	_ =	sdelay $0x3  }
0x34: {  	[smem:$0x3F98] =	sst s10  }
0x35: {  	s10 =	sld [smem:$0x3F97];
	_ =	sdelay $0x3  }
0x36: {  	p1 =	seq.s32 s10, $0x1;
	s10 =	sld [smem:$0x3F98];
	_ =	sdelay $0x3  }
0x37: {  	[smem:$0x3F98] =	sst s10  }
0x38: {  	s10 =	sld [smem:$0x3F99]  }
0x39: {  	_ = 	snop;
	(pc) =	sbr.ind lr, $3  }
0x3a: {  	_ = 	snop  }
0x3b: {  	_ = 	snop  }
0x3c: {  	p2 =	seq.s32 s10, $0x1;
	s10 =	sld [smem:$0x3F98]  }
0x3d: {  	_ =	shalt  }
0x3e: {  	_ =	shalt  }
0x3f: {  	_ =	shalt  }
0x40: {  	_ =	shalt  }
0x41: {  	_ =	shalt  }
0x42: {  	_ =	shalt  }
0x43: {  	_ =	shalt  }
0x44: {  	_ =	shalt  }
0x45: {  	_ =	shalt  }
0x46: {  	_ =	shalt  }
0x47: {  	_ =	shalt  }
0x48: {  	_ =	shalt  }
0x49: {  	_ =	shalt  }
0x4a: {  	_ =	shalt  }
0x4b: {  	_ =	shalt  }
0x4c: {  	_ =	shalt  }
0x4d: {  	_ =	shalt  }
0x4e: {  	_ =	shalt  }
0x4f: {  	_ =	shalt  }
0x50: {  	_ =	shalt  }
0x51: {  	_ =	shalt  }
0x52: {  	_ =	shalt  }
0x53: {  	_ =	shalt  }
0x54: {  	_ =	shalt  }
0x55: {  	_ =	shalt  }
0x56: {  	_ =	shalt  }
0x57: {  	_ =	shalt  }
0x58: {  	_ =	shalt  }
0x59: {  	_ =	shalt  }
0x5a: {  	_ =	shalt  }
0x5b: {  	_ =	shalt  }
0x5c: {  	_ =	shalt  }
0x5d: {  	_ =	shalt  }
0x5e: {  	_ =	shalt  }
0x5f: {  	_ =	shalt  }
0x60: {  	_ =	shalt  }
0x61: {  	_ =	shalt  }
0x62: {  	_ =	shalt  }
0x63: {  	_ =	shalt  }
0x64: {  	_ =	shalt  }
0x65: {  	_ =	shalt  }
0x66: {  	_ =	shalt  }
0x67: {  	_ =	shalt  }
0x68: {  	_ =	shalt  }
0x69: {  	_ =	shalt  }
0x6a: {  	_ =	shalt  }
0x6b: {  	_ =	shalt  }
0x6c: {  	_ =	shalt  }
0x6d: {  	_ =	shalt  }
0x6e: {  	_ =	shalt  }
0x6f: {  	_ =	shalt  }
0x70: {  	_ =	shalt  }
0x71: {  	_ =	shalt  }
0x72: {  	_ =	shalt  }
0x73: {  	_ =	shalt  }
0x74: {  	_ =	shalt  }
0x75: {  	_ =	shalt  }
0x76: {  	_ =	shalt  }
0x77: {  	_ =	shalt  }
0x78: {  	_ =	shalt  }
0x79: {  	_ =	shalt  }
0x7a: {  	_ =	shalt  }
0x7b: {  	_ =	shalt  }
0x7c: {  	_ =	shalt  }
0x7d: {  	_ =	shalt  }
0x7e: {  	_ =	shalt  }
0x7f: {  	_ =	shalt  }
0x80: {  	_ =	shalt  }
0x81: {  	_ =	shalt  }
0x82: {  	_ =	shalt  }
0x83: {  	_ =	shalt  }
0x84: {  	_ =	shalt  }
0x85: {  	_ =	shalt  }
0x86: {  	_ =	shalt  }
0x87: {  	_ =	shalt  }
.Lfunc_end0:
.L_simem_size_0:
called_computation.1_lowered:
.L_overlay_start_0:
0x88: {  	s2 =	sld [smem:$0x3FD9]  }
0x89: {  	s3 =	sld [smem:$0x3FFE];
	_ =	sdelay $0x1  }
0x8a: {  	s1 =	srdreg.scid  }
0x8b: {  	s0 =	sand.u32 $0x1, s1  }
0x8c: {  	s17 =	sshll.u32 s0, $0xA;
	s2 =	sadd.s32 s3, s2  }
0x8d: {  	s2 =	sadd.s32 s2, s17  }
0x8e: {  	[smem:$0x3FA4] =	sst s2  }
0x8f: {  	_ = 	snop  }
0x90: {  	(tm) =	ssettm $0x1  }
0x91: {  	s18 =	sld [smem:$0x3FFB];
	_ =	sdelay $0x3  }
0x92: {  	_ =	strace s18  }
0x93: {  	s2 =	sld [smem:$0x3FFC];
	_ =	sdelay $0x3  }
0x94: {  	_ =	strace s2  }
0x95: {  	s2 =	sld [smem:$0x3FFD];
	_ =	sdelay $0x3  }
0x96: {  	_ =	strace s2  }
0x97: {  	_ =	strace $0x8FFFFFFF  }
0x98: {  	s19 =	sld [smem:$0x3FDB];
	_ =	sdelay $0x1  }
0x99: {  	s20 =	simm.s32 $_scs_section_size  }
0x9a: {  	s4 =	simm.s32 $_size__tile_overlayer_lowered;
	s5 =	simm.s32 $_tile_overlayer_lowered  }
0x9b: {  	s6 =	simm.s32 $0x1BFF;
	s21 =	sshll.u32 s5, $0x1;
	s3 =	sadd.s32 s20, s19  }
0x9c: {  	s22 =	simm.s32 $0x0;
	s4 =	sshll.u32 s4, $0x1;
	s5 =	sadd.s32 s21, s3  }
0x9d: {  	[timem:s22], [sflag:s6] =	dma.local [hbm:s5], s4  }
0x9e: {  	_ =	swait.ge [sflag:s6], s4  }
0x9f: {  	s4 =	ssub.s32 $0x0, s4;
	[sflag:s6] =	ssyncset.done $0x0  }
0xa0: {  	[sflag:s6] =	ssyncadd.s32 s4;
	_ =	sdelay $0x1  }
0xa1: {  	s23 =	simm.s32 $0x1B8B  }
0xa2: {  	_ =	swait.ge [sflag:s23], $0x1  }
0xa3: {  	[sflag:s23] =	ssyncset.done $0x0  }
0xa4: {  	[sflag:s23] =	ssyncadd.s32 $0xFFFFFFFF  }
0xa5: {  	s4 =	sld [smem:$0x0]  }
0xa6: {  	s5 =	sand.u32 $0xFFFFFFFE, s1  }
0xa7: {  	p0 =	sne.s32 s1, s5  }
0xa8: {  	s5 =	sshll.u32 @p0 s5, $0xE  }
0xa9: {  	s5 =	sadd.s32 @p0 $0x11B8D, s5;
	s6 =	sshll.u32 @p0 s4, $0x11  }
0xaa: {  	s5 =	sor.u32 @p0 s6, s5  }
0xab: {  	[sflag:s5] =	ssyncadd.remote.s32 @p0 $0x1;
	_ =	sdelay $0x1  }
0xac: {  	s5 =	simm.s32 @p0 $0x1B8D  }
0xad: {  	_ =	swait.eq @p0 [sflag:s5], $0x1  }
0xae: {  	[sflag:s5] =	ssyncadd.s32 @p0 $0xFFFFFFFF  }
0xaf: {  	s6 =	sshll.u32 @!p0 s1, $0xE  }
0xb0: {  	s6 =	sor.u32 @!p0 $0x4000, s6;
	s5 =	simm.s32 @!p0 $0x1B8D  }
0xb1: {  	s4 =	sshll.u32 @!p0 s4, $0x11;
	s6 =	sadd.s32 @!p0 $0x11B8D, s6;
	_ =	swait.eq @!p0 [sflag:s5], $0x1  }
0xb2: {  	s4 =	sor.u32 @!p0 s4, s6;
	[sflag:s5] =	ssyncadd.s32 @!p0 $0xFFFFFFFF  }
0xb3: {  	s25 =	simm.s32 $0x1B8E;
	s24 =	sld [smem:$0x3FFE];
	[sflag:s4] =	ssyncadd.remote.s32 @!p0 $0x1  }
0xb4: {  	s26 =	simm.s32 $execute0_lowered;
	[smem:$0x3FD2] =	sst s25  }
0xb5: {  	s5 =	sshll.u32 s26, $0x1;
	_ =	strace $0x8000004F;
	[dreg:$0x1] =	wrdreg $0xFFFFFFFF  }
0xb6: {  	s28 =	simm.s32 $_size_execute0_lowered;
	s3 =	sadd.s32 s3, s5;
	[dreg:$0x0] =	wrdreg $0x0  }
0xb7: {  	s5 =	sshll.u32 s28, $0x1;
	[dreg:$0x2] =	wrdreg s3  }
0xb8: {  	[dreg:$0x3] =	wrdreg s5  }
0xb9: {  	[dreg:$0x4] =	wrdreg $0xC0  }
0xba: {  	_ =	task [dreg:s22], $0x5FFFF  }
0xbb: {  	[dreg:$0x1] =	wrdreg $0xFFFFFFFF  }
0xbc: {  	[dreg:$0x0] =	wrdreg $0x60  }
0xbd: {  	[dreg:$0x2] =	wrdreg s24  }
0xbe: {  	[dreg:$0x3] =	wrdreg $0x28800  }
0xbf: {  	[dreg:$0x4] =	wrdreg $0x9  }
0xc0: {  	_ =	task.clear_ibuf [dreg:s22], $0x5FFFF;
	_ =	strace $0x9000004F  }
0xc1: {  	s29 =	simm.s32 $0x9;
	_ =	strace $0x80000051  }
0xc2: {  	_ =	swait.ge [sflag:s29], $0x1  }
0xc3: {  	[sflag:s29] =	ssyncadd.s32 $0xFFFFFFFF  }
0xc4: {  	_ =	strace $0x90000051  }
0xc5: {  	_ =	sfence  }
0xc6: {  	s30 =	sld [smem:$0x0];
	_ =	sdelay $0x2  }
0xc7: {  	s31 =	sshll.u32 s1, $0xD;
	s1 =	sshrl.u32 s1, $0x2  }
0xc8: {  	s4 =	sand.u32 $0x4000, s31;
	s1 =	sadd.s32 s1, s30  }
0xc9: {  	s0 =	sor.u32 s4, s0;
	s1 =	sshll.u32 s1, $0x11  }
0xca: {  	s0 =	sor.u32 s1, s0  }
0xcb: {  	s0 =	sadd.s32 $0x8F2B, s0  }
0xcc: {  	[sflag:s0] =	ssyncadd.remote.s32 $0x1  }
0xcd: {  	_ =	sfence.sel $0xFFFF  }
0xce: {  	[dreg:$0x0] =	wrdreg $0xFFFFFFFF;
	(pc) =	sbr.abs _section_cstart, $3  }
0xcf: {  	[dreg:$0x1] =	wrdreg $0xFFFFFFFF  }
0xd0: {  	_ =	task.clear_ibuf [dreg:s22], $0x2FFFF;
	_ =	strace $0x9FFFFFFF  }
0xd1: {  	(tm) =	ssettm $0x7FFFFFFF  }
tec
execute0_lowered:
.L_overlay_start_1:
0x0: {  	(tag) =	ssettag $0x1  }
0x1: {  	s0 =	stileid.u32;
	s1 =	srdreg.scid  }
0x2: {  	s4 =	rddreg [dreg:$0x0];
	s6 =	smul.u32 $0x4E20, s0  }
0x3: {  	s2 =	rddreg [dreg:$0x1];
	s8 =	smul.u32 $0x4E200, s0  }
0x4: {  	s3 =	simm.s32 $0x0;
	s14 =	simm.s32 $0x80;
	s24 =	smul.u32 $0x13C00, s0  }
0x5: {  	s15 =	simm.s32 $0x50;
	s5 =	sand.u32 $0x1, s1;
	s12 =	smul.u32 $0x4F000, s0  }
0x6: {  	s16 =	simm.s32 $0x0;
	s1 =	rddreg [dreg:$0x2];
	s7 =	smul.u32 $0x2710, s5  }
0x7: {  	[smem:$0x7FF] =	sst s3;
	s29 =	sshll.u32 s0, $0x6;
	s9 =	smul.u32 $0x278000, s5  }
0x8: {  	_ =	strace $0x80000050;
	s26 =	ssub.s32 $0x2, s5;
	s30 =	smul.u32 $0x27100, s5  }
0x9: {  	s5 =	sor.u32 $0x1C01, s29;
	s8 =	sadd.s32 s8, s4;
	s25 =	sshrl.u32 s24, $0x3  }
0xa: {  	s11 =	sshrl.u32 s26, $0x1;
	s28 =	sshrl.u32 s12, $0x2;
	s6 =	sadd.s32 s7, s6  }
0xb: {  	s7 =	sadd.s32 s24, s9;
	s9 =	ssub.s32 s26, s11;
	s13 =	sadd.s32 s28, s2  }
0xc: {  	s31 =	sadd.s32 s30, s8;
	s6 =	sshrl.u32 s6, $0x3;
	s7 =	sshrl.u32 s7, $0x3  }
0xd: {  	s8 =	smax.u32 s9, $0x1;
	s9 =	sadd.s32 $0x120A200, s31;
	s11 =	sadd.s32 $0x3B400, s31  }
0xe: {  	s10 =	sadd.s32 s6, s4;
	s6 =	sadd.s32 s25, s4;
	s7 =	sadd.s32 s7, s4  }
0xf: {  	s12 =	sshrl.u32 s13, $0x3;
	s4 =	sadd.s32 $0x1EBC200, s6;
	s6 =	sadd.s32 $0x51D400, s7  }
0x10: {  	s13 =	simm.s32 $0x1;
	s7 =	sadd.s32 $0x544C00, s7;
	s10 =	sadd.s32 $0x83C400, s10  }
.LBB2_1:
0x11: {  	[spmem:s12], [sflag:s5] =	dma.local [hbm:s4], $0x2780  }
0x12: {  	_ =	swait.ge [sflag:s13], $0x2780  }
0x13: {  	[sflag:s13] =	ssyncset.done $0x0  }
0x14: {  	[sflag:s13] =	ssyncadd.s32 $0xFFFFD880  }
0x15: {  	s17 =	sadd.s32 $0x0, s10;
	[bflag:$0x0] =	sbarrier.arrive $0xFFFF  }
0x16: {  	[tilespmem:s3], [sflag:$0x1] =	stream.linear.gather [hbm4b:s17+s3], $0x50, $0x38;
	[tilespmem:$0x16480] =	vst v63  }
0x17: {  	_ =	swait.ge [sflag:s13], $0x50  }
0x18: {  	[sflag:s13] =	ssyncset.done $0x0  }
0x19: {  	[sflag:s13] =	ssyncadd.s32 $0xFFFFFFB0  }
0x1a: {  	[tilespmem:s14], [sflag:$0x1] =	stream.linear.gather [hbm4b:s9+s3], $0x2800, $0x38;
	[tilespmem:$0x16480] =	vst v63  }
0x1b: {  	_ =	swait.ge [sflag:s13], $0x2800  }
0x1c: {  	[sflag:s13] =	ssyncset.done $0x0  }
0x1d: {  	[sflag:s13] =	ssyncadd.s32 $0xFFFFD800  }
0x1e: {  	[spmem:s2] =	stream.indirect.scatter.add.f32 [tilespmem:s14], [sflag:$0x1], $0x80, s3, s15, $0xb8;
	[tilespmem:$0x16480] =	vst v63  }
0x1f: {  	s18 =	simm.s32 $0xA;
	_ =	swait.ge [sflag:s13], $0x2800  }
0x20: {  	s19 =	simm.s32 $0x14;
	s17 =	sadd.s32 $0x500, s9;
	[sflag:s13] =	ssyncset.done $0x0  }
.LBB2_2:
0x21: {  	s20 =	sadd.s32 s18, s10  }
0x22: {  	[sflag:s13] =	ssyncadd.s32 $0xFFFFD800;
	s18 =	smov.u32 s19;
	s21 =	sadd.s32 $0xA, s19  }
0x23: {  	[tilespmem:s3], [sflag:$0x1] =	stream.linear.gather [hbm4b:s20+s3], $0x50, $0x38;
	[tilespmem:$0x16480] =	vst v63  }
0x24: {  	p0 =	sne.s32 s19, $0x4D8;
	_ =	swait.ge [sflag:s13], $0x50  }
0x25: {  	[sflag:s13] =	ssyncset.done $0x0  }
0x26: {  	[sflag:s13] =	ssyncadd.s32 $0xFFFFFFB0  }
0x27: {  	[tilespmem:s14], [sflag:$0x1] =	stream.linear.gather [hbm4b:s17+s3], $0x2800, $0x38;
	[tilespmem:$0x16480] =	vst v63  }
0x28: {  	_ =	swait.ge [sflag:s13], $0x2800  }
.Ltmp0:
0x29: {  	[sflag:s13] =	ssyncset.done $0x0;
	(pc) =	sbr.rel @p0 .LBB2_2-.Ltmp0, $4  }
0x2a: {  	[sflag:s13] =	ssyncadd.s32 $0xFFFFD800  }
0x2b: {  	[spmem:s2] =	stream.indirect.scatter.add.f32 [tilespmem:s14], [sflag:$0x1], $0x80, s3, s15, $0xb8;
	[tilespmem:$0x16480] =	vst v63  }
0x2c: {  	_ =	swait.ge [sflag:s13], $0x2800  }
0x2d: {  	s19 =	smov.u32 s21;
	s17 =	sadd.s32 $0x500, s17;
	[sflag:s13] =	ssyncset.done $0x0  }
0x2e: {  	s18 =	sadd.s32 s18, s10;
	[sflag:s13] =	ssyncadd.s32 $0xFFFFD800  }
0x2f: {  	[tilespmem:s3], [sflag:$0x1] =	stream.linear.gather [hbm4b:s18+s3], $0x50, $0x38;
	[tilespmem:$0x16480] =	vst v63  }
0x30: {  	_ =	swait.ge [sflag:s13], $0x50  }
0x31: {  	[sflag:s13] =	ssyncset.done $0x0  }
0x32: {  	[sflag:s13] =	ssyncadd.s32 $0xFFFFFFB0  }
0x33: {  	[tilespmem:s14], [sflag:$0x1] =	stream.linear.gather [hbm4b:s17+s3], $0x2800, $0x38;
	[tilespmem:$0x16480] =	vst v63  }
0x34: {  	_ =	swait.ge [sflag:s13], $0x2800  }
0x35: {  	[sflag:s13] =	ssyncset.done $0x0  }
0x36: {  	[sflag:s13] =	ssyncadd.s32 $0xFFFFD800  }
0x37: {  	[spmem:s2] =	stream.indirect.scatter.add.f32 [tilespmem:s14], [sflag:$0x1], $0x80, s3, s15, $0xb8;
	[tilespmem:$0x16480] =	vst v63  }
0x38: {  	_ =	swait.ge [sflag:s13], $0x2800  }
0x39: {  	[sflag:s13] =	ssyncset.done $0x0  }
0x3a: {  	[sflag:s13] =	ssyncadd.s32 $0xFFFFD800  }
0x3b: {  	[bflag:$0x0] =	sbarrier.arrive $0xFFFF  }
0x3c: {  	[hbm:s6], [sflag:s5] =	dma.local [spmem:s12], $0x2780  }
0x3d: {  	_ =	swait.ge [sflag:s13], $0x2780  }
0x3e: {  	[sflag:s13] =	ssyncset.done $0x0  }
0x3f: {  	[sflag:s13] =	ssyncadd.s32 $0xFFFFD880  }
0x40: {  	[spmem:s12], [sflag:s5] =	dma.local [hbm:s4], $0x2780  }
0x41: {  	_ =	swait.ge [sflag:s13], $0x2780  }
0x42: {  	[sflag:s13] =	ssyncset.done $0x0  }
0x43: {  	[sflag:s13] =	ssyncadd.s32 $0xFFFFD880  }
0x44: {  	s31 =	sadd.s32 $0x0, s10;
	[bflag:$0x0] =	sbarrier.arrive $0xFFFF  }
0x45: {  	[tilespmem:s3], [sflag:$0x1] =	stream.linear.gather [hbm4b:s31+s3], $0x50, $0x38;
	[tilespmem:$0x16480] =	vst v63  }
0x46: {  	_ =	swait.ge [sflag:s13], $0x50  }
0x47: {  	[sflag:s13] =	ssyncset.done $0x0  }
0x48: {  	[sflag:s13] =	ssyncadd.s32 $0xFFFFFFB0  }
0x49: {  	[tilespmem:s14], [sflag:$0x1] =	stream.linear.gather [hbm4b:s11+s3], $0x2800, $0x38;
	[tilespmem:$0x16480] =	vst v63  }
0x4a: {  	_ =	swait.ge [sflag:s13], $0x2800  }
0x4b: {  	[sflag:s13] =	ssyncset.done $0x0  }
0x4c: {  	[sflag:s13] =	ssyncadd.s32 $0xFFFFD800  }
0x4d: {  	[spmem:s2] =	stream.indirect.scatter.add.f32 [tilespmem:s14], [sflag:$0x1], $0x80, s3, s15, $0xb8;
	[tilespmem:$0x16480] =	vst v63  }
0x4e: {  	s19 =	simm.s32 $0x14;
	_ =	swait.ge [sflag:s13], $0x2800  }
0x4f: {  	s18 =	simm.s32 $0xA;
	s17 =	sadd.s32 $0x500, s11;
	[sflag:s13] =	ssyncset.done $0x0  }
.LBB2_4:
0x50: {  	s20 =	sadd.s32 s18, s10  }
0x51: {  	[sflag:s13] =	ssyncadd.s32 $0xFFFFD800;
	s18 =	smov.u32 s19;
	s21 =	sadd.s32 $0xA, s19  }
0x52: {  	[tilespmem:s3], [sflag:$0x1] =	stream.linear.gather [hbm4b:s20+s3], $0x50, $0x38;
	[tilespmem:$0x16480] =	vst v63  }
0x53: {  	p0 =	sne.s32 s19, $0x4D8;
	_ =	swait.ge [sflag:s13], $0x50  }
0x54: {  	[sflag:s13] =	ssyncset.done $0x0  }
0x55: {  	[sflag:s13] =	ssyncadd.s32 $0xFFFFFFB0  }
0x56: {  	[tilespmem:s14], [sflag:$0x1] =	stream.linear.gather [hbm4b:s17+s3], $0x2800, $0x38;
	[tilespmem:$0x16480] =	vst v63  }
0x57: {  	_ =	swait.ge [sflag:s13], $0x2800  }
.Ltmp1:
0x58: {  	[sflag:s13] =	ssyncset.done $0x0;
	(pc) =	sbr.rel @p0 .LBB2_4-.Ltmp1, $4  }
0x59: {  	[sflag:s13] =	ssyncadd.s32 $0xFFFFD800  }
0x5a: {  	[spmem:s2] =	stream.indirect.scatter.add.f32 [tilespmem:s14], [sflag:$0x1], $0x80, s3, s15, $0xb8;
	[tilespmem:$0x16480] =	vst v63  }
0x5b: {  	_ =	swait.ge [sflag:s13], $0x2800  }
0x5c: {  	s19 =	smov.u32 s21;
	s17 =	sadd.s32 $0x500, s17;
	[sflag:s13] =	ssyncset.done $0x0  }
0x5d: {  	s18 =	sadd.s32 s18, s10;
	[sflag:s13] =	ssyncadd.s32 $0xFFFFD800  }
0x5e: {  	[tilespmem:s3], [sflag:$0x1] =	stream.linear.gather [hbm4b:s18+s3], $0x50, $0x38;
	[tilespmem:$0x16480] =	vst v63  }
0x5f: {  	_ =	swait.ge [sflag:s13], $0x50  }
0x60: {  	[sflag:s13] =	ssyncset.done $0x0  }
0x61: {  	[sflag:s13] =	ssyncadd.s32 $0xFFFFFFB0  }
0x62: {  	[tilespmem:s14], [sflag:$0x1] =	stream.linear.gather [hbm4b:s17+s3], $0x2800, $0x38;
	[tilespmem:$0x16480] =	vst v63  }
0x63: {  	_ =	swait.ge [sflag:s13], $0x2800  }
0x64: {  	[sflag:s13] =	ssyncset.done $0x0  }
0x65: {  	[sflag:s13] =	ssyncadd.s32 $0xFFFFD800  }
0x66: {  	[spmem:s2] =	stream.indirect.scatter.add.f32 [tilespmem:s14], [sflag:$0x1], $0x80, s3, s15, $0xb8;
	[tilespmem:$0x16480] =	vst v63  }
0x67: {  	_ =	swait.ge [sflag:s13], $0x2800  }
0x68: {  	s16 =	sadd.s32 $0x1, s16;
	[sflag:s13] =	ssyncset.done $0x0  }
0x69: {  	p0 =	sne.s32 s16, s8;
	[sflag:s13] =	ssyncadd.s32 $0xFFFFD800  }
.Ltmp2:
0x6a: {  	[bflag:$0x0] =	sbarrier.arrive $0xFFFF;
	(pc) =	sbr.rel @p0 .LBB2_1-.Ltmp2, $4  }
0x6b: {  	[hbm:s7], [sflag:s5] =	dma.local [spmem:s12], $0x2780  }
0x6c: {  	_ =	swait.ge [sflag:s13], $0x2780  }
0x6d: {  	[sflag:s13] =	ssyncset.done $0x0  }
0x6e: {  	[sflag:s13] =	ssyncadd.s32 $0xFFFFD880  }
0x6f: {  	_ =	sfence.sel $0x180000  }
0x70: {  	[bflag:$0x0] =	sbarrier.arrive $0xFFFF  }
0x71: {  	p0 =	sne.s32 s0, $0x0;
	_ =	strace $0x90000050  }
0x72: {  	s0 =	sadd.s32 @!p0 $0x100000, s1;
	[bflag:$0x2] =	sbarrier.arrive $0xFFFF  }
0x73: {  	[sflag:s0] =	ssyncadd.tile.s32 @!p0 $0x1;
	_ =	shalt  }
.Lfunc_end2:
_tile_overlayer_lowered:
.L_overlay_start_2:
0x74: {  	(tag) =	ssettag $0x2  }
0x75: {  	s0 =	rddreg [dreg:$0x0];
	s2 =	stileid.u32  }
0x76: {  	s1 =	rddreg [dreg:$0x1];
	p0 =	sne.s32 s2, $0x0  }
0x77: {  	s3 =	rddreg [dreg:$0x2];
	[bflag:$0x3] =	sbarrier.arrive $0xFFFF;
	s2 =	simm.s32 @!p0 $0x1C01  }
0x78: {  	[timem:s3], [sflag:s2] =	dma.local @!p0 [hbm:s0], s1  }
0x79: {  	s0 =	simm.s32 @!p0 $0x1  }
0x7a: {  	_ =	swait.ge @!p0 [sflag:s0], s1  }
0x7b: {  	s1 =	ssub.s32 @!p0 $0x0, s1;
	[sflag:s0] =	ssyncset.done @!p0 $0x0  }
0x7c: {  	[sflag:s0] =	ssyncadd.s32 @!p0 s1  }
0x7d: {  	[bflag:$0x3] =	sbarrier.arrive $0xFFFF  }
0x7e: {  	_ =	shalt  }

// kernel: kernel.27.cloned.1.call-start
scs
__scs_entry_jumppad:
0x0: {  	(pc) =	sbr.rel $0x88, $3  }
0x1: {  	(tag) =	ssettag $0x0;
	lr =	simm.s32 $0x1  }
0x2: {  	[smem:$0x3F7D] =	sst lr;
	_ =	strace $0xD0000000  }
0x3: {  	_ = 	snop  }
0x4: {  	_ = 	snop  }
0x5: {  	_ = 	snop  }
0x6: {  	_ = 	snop  }
0x7: {  	_ = 	snop  }
__scs_overlays_trampoline_lowered:
0x8: {  	[smem:$0x3F8C] =	sst s0  }
0x9: {  	[smem:$0x3F8D] =	sst s1  }
0xa: {  	[smem:$0x3F8E] =	sst s2  }
0xb: {  	[smem:$0x3F8F] =	sst s3  }
0xc: {  	[smem:$0x3F90] =	sst s4  }
0xd: {  	[smem:$0x3F91] =	sst s5  }
0xe: {  	[smem:$0x3F92] =	sst s6  }
0xf: {  	[smem:$0x3F93] =	sst s7  }
0x10: {  	[smem:$0x3F94] =	sst s8  }
0x11: {  	[smem:$0x3F95] =	sst s9;
	s0 =	simm.s32 @!p0 $0x0  }
0x12: {  	s1 =	sld [smem:$0x3F7B];
	s0 =	simm.s32 @p0 $0x1  }
0x13: {  	[smem:$0x3F96] =	sst s0;
	s0 =	simm.s32 @!p1 $0x0  }
0x14: {  	s2 =	sld [smem:$0x3F7A];
	s0 =	simm.s32 @p1 $0x1  }
0x15: {  	[smem:$0x3F97] =	sst s0;
	s0 =	simm.s32 @!p2 $0x0  }
0x16: {  	s3 =	sld [smem:$0x3FDB];
	s0 =	simm.s32 @p2 $0x1  }
0x17: {  	s4 =	simm.s32 $0x1BF5;
	[smem:$0x3F99] =	sst s0  }
0x18: {  	s0 =	sld [smem:$0x3F7C];
	_ =	swait.ge [sflag:s4], $0x0  }
0x19: {  	s7 =	sld [smem:$0x3F7D]  }
0x1a: {  	s8 =	sadd.s32 $0xFFFFE003, lr  }
0x1b: {  	s9 =	sadd.s32 $0xFFFFFEF7, lr;
	s5 =	simm.s32 $0xFFFFFFFF;
	p2 =	slt.u32 s8, $0xFFFFF086  }
0x1c: {  	p1 =	slt.u32 s9, $0xF7A;
	s5 =	simm.s32 @!p2 $0x0  }
0x1d: {  	s5 =	simm.s32 @p1 $0x1;
	p0 =	seq.s32 s7, s2  }
0x1e: {  	s7 =	smul.u32 @!p0 $0xF7A, s2;
	p2 =	seq.s32 @!p0 s5, $0x0  }
0x1f: {  	s9 =	smul.u32 $0xF7A, s1;
	s8 =	simm.s32 @!p0 $0x1BF5;
	p2 =	por !p2, p0  }
0x20: {  	[sflag:s8] =	ssyncset.s32 @!p0 $0xFFFFF086;
	s6 =	sadd.s32 @!p0 s3, s7;
	s7 =	simm.s32 @!p0 $0x108  }
0x21: {  	s3 =	sadd.s32 s3, s9;
	s6 =	sadd.s32 @!p0 $0x88, s6;
	s7 =	simm.s32 @p2 $0x1082  }
0x22: {  	[simem:s7], [sflag:s8] =	dma.local @!p0 [hbm:s6], $0xF7A  }
0x23: {  	s9 =	sor.u32 $0xD0000000, s2;
	s6 =	simm.s32 $0x108;
	_ =	swait.ge @!p0 [sflag:s8], $0x0  }
0x24: {  	s3 =	sadd.s32 $0x88, s3;
	s6 =	simm.s32 @!p1 $0x1082;
	[sflag:s4] =	ssyncset.s32 $0xFFFFF086  }
0x25: {  	[simem:s6], [sflag:s4] =	dma.local [hbm:s3], $0xF7A  }
0x26: {  	[smem:$0x3F7D] =	sst s1;
	(tag) =	ssettag s2;
	_ =	strace s9  }
0x27: {  	s1 =	sld [smem:$0x3F8D]  }
0x28: {  	s2 =	sld [smem:$0x3F8E]  }
0x29: {  	s4 =	sld [smem:$0x3F90]  }
0x2a: {  	p0 =	seq.s32 s5, $0x0;
	s5 =	sld [smem:$0x3F91]  }
0x2b: {  	s6 =	sld [smem:$0x3F92]  }
0x2c: {  	s7 =	sld [smem:$0x3F93]  }
0x2d: {  	s3 =	simm.s32 $0x108;
	s8 =	sld [smem:$0x3F94]  }
0x2e: {  	s3 =	simm.s32 @!p0 $0x1082;
	s9 =	sld [smem:$0x3F95]  }
0x2f: {  	lr =	sadd.s32 s0, s3;
	s0 =	sld [smem:$0x3F8C]  }
0x30: {  	s3 =	sld [smem:$0x3F8F]  }
0x31: {  	[smem:$0x3F98] =	sst s10  }
0x32: {  	s10 =	sld [smem:$0x3F96];
	_ =	sdelay $0x3  }
0x33: {  	p0 =	seq.s32 s10, $0x1;
	s10 =	sld [smem:$0x3F98];
	_ =	sdelay $0x3  }
0x34: {  	[smem:$0x3F98] =	sst s10  }
0x35: {  	s10 =	sld [smem:$0x3F97];
	_ =	sdelay $0x3  }
0x36: {  	p1 =	seq.s32 s10, $0x1;
	s10 =	sld [smem:$0x3F98];
	_ =	sdelay $0x3  }
0x37: {  	[smem:$0x3F98] =	sst s10  }
0x38: {  	s10 =	sld [smem:$0x3F99]  }
0x39: {  	_ = 	snop;
	(pc) =	sbr.ind lr, $3  }
0x3a: {  	_ = 	snop  }
0x3b: {  	_ = 	snop  }
0x3c: {  	p2 =	seq.s32 s10, $0x1;
	s10 =	sld [smem:$0x3F98]  }
0x3d: {  	_ =	shalt  }
0x3e: {  	_ =	shalt  }
0x3f: {  	_ =	shalt  }
0x40: {  	_ =	shalt  }
0x41: {  	_ =	shalt  }
0x42: {  	_ =	shalt  }
0x43: {  	_ =	shalt  }
0x44: {  	_ =	shalt  }
0x45: {  	_ =	shalt  }
0x46: {  	_ =	shalt  }
0x47: {  	_ =	shalt  }
0x48: {  	_ =	shalt  }
0x49: {  	_ =	shalt  }
0x4a: {  	_ =	shalt  }
0x4b: {  	_ =	shalt  }
0x4c: {  	_ =	shalt  }
0x4d: {  	_ =	shalt  }
0x4e: {  	_ =	shalt  }
0x4f: {  	_ =	shalt  }
0x50: {  	_ =	shalt  }
0x51: {  	_ =	shalt  }
0x52: {  	_ =	shalt  }
0x53: {  	_ =	shalt  }
0x54: {  	_ =	shalt  }
0x55: {  	_ =	shalt  }
0x56: {  	_ =	shalt  }
0x57: {  	_ =	shalt  }
0x58: {  	_ =	shalt  }
0x59: {  	_ =	shalt  }
0x5a: {  	_ =	shalt  }
0x5b: {  	_ =	shalt  }
0x5c: {  	_ =	shalt  }
0x5d: {  	_ =	shalt  }
0x5e: {  	_ =	shalt  }
0x5f: {  	_ =	shalt  }
0x60: {  	_ =	shalt  }
0x61: {  	_ =	shalt  }
0x62: {  	_ =	shalt  }
0x63: {  	_ =	shalt  }
0x64: {  	_ =	shalt  }
0x65: {  	_ =	shalt  }
0x66: {  	_ =	shalt  }
0x67: {  	_ =	shalt  }
0x68: {  	_ =	shalt  }
0x69: {  	_ =	shalt  }
0x6a: {  	_ =	shalt  }
0x6b: {  	_ =	shalt  }
0x6c: {  	_ =	shalt  }
0x6d: {  	_ =	shalt  }
0x6e: {  	_ =	shalt  }
0x6f: {  	_ =	shalt  }
0x70: {  	_ =	shalt  }
0x71: {  	_ =	shalt  }
0x72: {  	_ =	shalt  }
0x73: {  	_ =	shalt  }
0x74: {  	_ =	shalt  }
0x75: {  	_ =	shalt  }
0x76: {  	_ =	shalt  }
0x77: {  	_ =	shalt  }
0x78: {  	_ =	shalt  }
0x79: {  	_ =	shalt  }
0x7a: {  	_ =	shalt  }
0x7b: {  	_ =	shalt  }
0x7c: {  	_ =	shalt  }
0x7d: {  	_ =	shalt  }
0x7e: {  	_ =	shalt  }
0x7f: {  	_ =	shalt  }
0x80: {  	_ =	shalt  }
0x81: {  	_ =	shalt  }
0x82: {  	_ =	shalt  }
0x83: {  	_ =	shalt  }
0x84: {  	_ =	shalt  }
0x85: {  	_ =	shalt  }
0x86: {  	_ =	shalt  }
0x87: {  	_ =	shalt  }
.Lfunc_end0:
.L_simem_size_0:
called_computation.2_lowered:
.L_overlay_start_0:
0x88: {  	s2 =	sld [smem:$0x3FD9]  }
0x89: {  	s3 =	sld [smem:$0x3FFE];
	_ =	sdelay $0x1  }
0x8a: {  	s1 =	srdreg.scid  }
0x8b: {  	s0 =	sand.u32 $0x1, s1  }
0x8c: {  	s17 =	sshll.u32 s0, $0xA;
	s2 =	sadd.s32 s3, s2  }
0x8d: {  	s2 =	sadd.s32 s2, s17  }
0x8e: {  	[smem:$0x3FA4] =	sst s2  }
0x8f: {  	_ = 	snop  }
0x90: {  	(tm) =	ssettm $0x1  }
0x91: {  	s18 =	sld [smem:$0x3FFB];
	_ =	sdelay $0x3  }
0x92: {  	_ =	strace s18  }
0x93: {  	s2 =	sld [smem:$0x3FFC];
	_ =	sdelay $0x3  }
0x94: {  	_ =	strace s2  }
0x95: {  	s2 =	sld [smem:$0x3FFD];
	_ =	sdelay $0x3  }
0x96: {  	_ =	strace s2  }
0x97: {  	_ =	strace $0x8FFFFFFF  }
0x98: {  	s19 =	sld [smem:$0x3FDB];
	_ =	sdelay $0x1  }
0x99: {  	s20 =	simm.s32 $_scs_section_size  }
0x9a: {  	s4 =	simm.s32 $_size__tile_overlayer_lowered;
	s5 =	simm.s32 $_tile_overlayer_lowered  }
0x9b: {  	s6 =	simm.s32 $0x1BFF;
	s21 =	sshll.u32 s5, $0x1;
	s3 =	sadd.s32 s20, s19  }
0x9c: {  	s22 =	simm.s32 $0x0;
	s4 =	sshll.u32 s4, $0x1;
	s5 =	sadd.s32 s21, s3  }
0x9d: {  	[timem:s22], [sflag:s6] =	dma.local [hbm:s5], s4  }
0x9e: {  	_ =	swait.ge [sflag:s6], s4  }
0x9f: {  	s4 =	ssub.s32 $0x0, s4;
	[sflag:s6] =	ssyncset.done $0x0  }
0xa0: {  	[sflag:s6] =	ssyncadd.s32 s4;
	_ =	sdelay $0x1  }
0xa1: {  	s23 =	simm.s32 $0x1B8B  }
0xa2: {  	_ =	swait.ge [sflag:s23], $0x1  }
0xa3: {  	[sflag:s23] =	ssyncset.done $0x0  }
0xa4: {  	[sflag:s23] =	ssyncadd.s32 $0xFFFFFFFF  }
0xa5: {  	s4 =	sld [smem:$0x0]  }
0xa6: {  	s5 =	sand.u32 $0xFFFFFFFE, s1  }
0xa7: {  	p0 =	sne.s32 s1, s5  }
0xa8: {  	s5 =	sshll.u32 @p0 s5, $0xE  }
0xa9: {  	s5 =	sadd.s32 @p0 $0x11B8D, s5;
	s6 =	sshll.u32 @p0 s4, $0x11  }
0xaa: {  	s5 =	sor.u32 @p0 s6, s5  }
0xab: {  	[sflag:s5] =	ssyncadd.remote.s32 @p0 $0x1;
	_ =	sdelay $0x1  }
0xac: {  	s5 =	simm.s32 @p0 $0x1B8D  }
0xad: {  	_ =	swait.eq @p0 [sflag:s5], $0x1  }
0xae: {  	[sflag:s5] =	ssyncadd.s32 @p0 $0xFFFFFFFF  }
0xaf: {  	s6 =	sshll.u32 @!p0 s1, $0xE  }
0xb0: {  	s6 =	sor.u32 @!p0 $0x4000, s6;
	s5 =	simm.s32 @!p0 $0x1B8D  }
0xb1: {  	s4 =	sshll.u32 @!p0 s4, $0x11;
	s6 =	sadd.s32 @!p0 $0x11B8D, s6;
	_ =	swait.eq @!p0 [sflag:s5], $0x1  }
0xb2: {  	s4 =	sor.u32 @!p0 s4, s6;
	[sflag:s5] =	ssyncadd.s32 @!p0 $0xFFFFFFFF  }
0xb3: {  	s25 =	simm.s32 $0x1B8E;
	s24 =	sld [smem:$0x3FFE];
	[sflag:s4] =	ssyncadd.remote.s32 @!p0 $0x1  }
0xb4: {  	s26 =	simm.s32 $execute0_lowered;
	[smem:$0x3FD2] =	sst s25  }
0xb5: {  	s5 =	sshll.u32 s26, $0x1;
	_ =	strace $0x80000055;
	[dreg:$0x1] =	wrdreg $0xFFFFFFFF  }
0xb6: {  	s28 =	simm.s32 $_size_execute0_lowered;
	s3 =	sadd.s32 s3, s5;
	[dreg:$0x0] =	wrdreg $0x0  }
0xb7: {  	s5 =	sshll.u32 s28, $0x1;
	[dreg:$0x2] =	wrdreg s3  }
0xb8: {  	[dreg:$0x3] =	wrdreg s5  }
0xb9: {  	[dreg:$0x4] =	wrdreg $0xC0  }
0xba: {  	_ =	task [dreg:s22], $0x5FFFF  }
0xbb: {  	[dreg:$0x1] =	wrdreg $0xFFFFFFFF  }
0xbc: {  	[dreg:$0x0] =	wrdreg $0x60  }
0xbd: {  	[dreg:$0x2] =	wrdreg s24  }
0xbe: {  	[dreg:$0x3] =	wrdreg $0x9  }
0xbf: {  	_ =	task.clear_ibuf [dreg:s22], $0x4FFFF;
	_ =	strace $0x90000055  }
0xc0: {  	s29 =	simm.s32 $0x9;
	_ =	strace $0x80000057  }
0xc1: {  	_ =	swait.ge [sflag:s29], $0x1  }
0xc2: {  	[sflag:s29] =	ssyncadd.s32 $0xFFFFFFFF  }
0xc3: {  	_ =	strace $0x90000057  }
0xc4: {  	_ =	sfence  }
0xc5: {  	s30 =	sld [smem:$0x0];
	_ =	sdelay $0x2  }
0xc6: {  	s31 =	sshll.u32 s1, $0xD;
	s1 =	sshrl.u32 s1, $0x2  }
0xc7: {  	s4 =	sand.u32 $0x4000, s31;
	s1 =	sadd.s32 s1, s30  }
0xc8: {  	s0 =	sor.u32 s4, s0;
	s1 =	sshll.u32 s1, $0x11  }
0xc9: {  	s0 =	sor.u32 s1, s0  }
0xca: {  	s0 =	sadd.s32 $0x8F2B, s0  }
0xcb: {  	[sflag:s0] =	ssyncadd.remote.s32 $0x1  }
0xcc: {  	_ =	sfence.sel $0xFFFF  }
0xcd: {  	[dreg:$0x0] =	wrdreg $0xFFFFFFFF;
	(pc) =	sbr.abs _section_cstart, $3  }
0xce: {  	[dreg:$0x1] =	wrdreg $0xFFFFFFFF  }
0xcf: {  	_ =	task.clear_ibuf [dreg:s22], $0x2FFFF;
	_ =	strace $0x9FFFFFFF  }
0xd0: {  	(tm) =	ssettm $0x7FFFFFFF  }
0xd1: {  	_ =	shalt  }
tec
execute0_lowered:
.L_overlay_start_1:
0x0: {  	(tag) =	ssettag $0x1  }
0x1: {  	s5 =	rddreg [dreg:$0x0]  }
0x2: {  	s0 =	rddreg [dreg:$0x1]  }
0x3: {  	s2 =	simm.s32 $0x0;
	s3 =	srdreg.scid;
	s1 =	stileid.u32  }
0x4: {  	s11 =	simm.s32 $0x80;
	s12 =	simm.s32 $0x50;
	s13 =	simm.s32 $0x100  }
0x5: {  	s14 =	simm.s32 $0x2900;
	s15 =	simm.s32 $0x1;
	s7 =	smul.u32 $0x4E20, s1  }
0x6: {  	s16 =	simm.s32 $0x2;
	s6 =	sand.u32 $0x1, s3;
	s9 =	smul.u32 $0x4E200, s1  }
0x7: {  	s17 =	simm.s32 $0x0;
	s3 =	sadd.s32 $0x609800, s5;
	s8 =	smul.u32 $0x2710, s6  }
0x8: {  	[smem:$0x7FF] =	sst s2;
	s4 =	sadd.s32 $0x5E2600, s5;
	s10 =	smul.u32 $0x27100, s6  }
0x9: {  	_ =	strace $0x80000056;
	s6 =	ssub.s32 $0x2, s6;
	s29 =	sadd.s32 s9, s5  }
0xa: {  	s30 =	sshrl.u32 s6, $0x1;
	s7 =	sadd.s32 s8, s7;
	s8 =	sadd.s32 s10, s29  }
0xb: {  	s6 =	ssub.s32 s6, s30;
	s10 =	simm.s32 $0x3;
	s7 =	sshrl.u32 s7, $0x3  }
0xc: {  	s31 =	sadd.s32 s7, s5;
	s5 =	sadd.s32 $0x3B400, s8;
	s7 =	sadd.s32 $0x846200, s8  }
0xd: {  	s6 =	smax.u32 s6, $0x1;
	s8 =	sadd.s32 $0x832600, s31;
	s9 =	sadd.s32 $0x83C400, s31  }
.LBB2_1:
0xe: {  	s18 =	sadd.s32 $0x0, s9  }
0xf: {  	[tilespmem:s2], [sflag:$0x3] =	stream.linear.gather [hbm4b:s18+s2], $0x50, $0x38;
	[tilespmem:$0x5100] =	vst v63  }
0x10: {  	_ =	swait.ge [sflag:s10], $0x50  }
0x11: {  	[sflag:s10] =	ssyncset.done $0x0  }
0x12: {  	s31 =	sadd.s32 $0x0, s8;
	[sflag:s10] =	ssyncadd.s32 $0xFFFFFFB0  }
0x13: {  	[tilespmem:s11], [sflag:$0x3] =	stream.linear.gather [hbm4b:s31+s2], $0x50, $0x38;
	[tilespmem:$0x5100] =	vst v63  }
0x14: {  	_ =	swait.ge [sflag:s10], $0x50  }
0x15: {  	[sflag:s10] =	ssyncset.done $0x0  }
0x16: {  	[sflag:s10] =	ssyncadd.s32 $0xFFFFFFB0  }
0x17: {  	[tilespmem:s13], [sflag:$0x1] =	stream.indirect.gather [hbm4b:s3+s12], $0x80, s2, s12, $0xb8;
	[tilespmem:$0x5100] =	vst v63  }
0x18: {  	_ = 	snop  }
0x19: {  	[tilespmem:s14], [sflag:$0x2] =	stream.indirect.gather [hbm4b:s4+s12], $0x80, s11, s12, $0xb8;
	[tilespmem:$0x5100] =	vst v63  }
0x1a: {  	_ =	swait.ge [sflag:s15], $0x2800  }
0x1b: {  	[sflag:s15] =	ssyncset.done $0x0  }
0x1c: {  	[sflag:s15] =	ssyncadd.s32 $0xFFFFD800  }
0x1d: {  	_ =	swait.ge [sflag:s16], $0x2800  }
0x1e: {  	[sflag:s16] =	ssyncset.done $0x0  }
0x1f: {  	[sflag:s16] =	ssyncadd.s32 $0xFFFFD800  }
0x20: {  	[hbm4b:s5+s2] =	stream.linear.scatter [tilespmem:s13], [sflag:$0x3], $0x2800, $0x38;
	[tilespmem:$0x5100] =	vst v63  }
0x21: {  	_ =	swait.ge [sflag:s10], $0x2800  }
0x22: {  	[sflag:s10] =	ssyncset.done $0x0  }
0x23: {  	[sflag:s10] =	ssyncadd.s32 $0xFFFFD800  }
0x24: {  	[hbm4b:s7+s2] =	stream.linear.scatter [tilespmem:s14], [sflag:$0x3], $0x2800, $0x38;
	[tilespmem:$0x5100] =	vst v63  }
0x25: {  	s20 =	simm.s32 $0xA;
	s21 =	simm.s32 $0x14;
	_ =	swait.ge [sflag:s10], $0x2800  }
0x26: {  	s19 =	sadd.s32 $0x500, s5;
	s18 =	sadd.s32 $0x500, s7;
	[sflag:s10] =	ssyncset.done $0x0  }
.LBB2_2:
0x27: {  	s22 =	sadd.s32 s20, s9  }
0x28: {  	[sflag:s10] =	ssyncadd.s32 $0xFFFFD800;
	s23 =	smov.u32 s21;
	s24 =	sadd.s32 $0xA, s21  }
0x29: {  	[tilespmem:s2], [sflag:$0x3] =	stream.linear.gather [hbm4b:s22+s2], $0x50, $0x38;
	[tilespmem:$0x5100] =	vst v63  }
0x2a: {  	p0 =	sne.s32 s21, $0x4D8;
	_ =	swait.ge [sflag:s10], $0x50  }
0x2b: {  	[sflag:s10] =	ssyncset.done $0x0  }
0x2c: {  	s21 =	sadd.s32 s20, s8;
	s20 =	smov.u32 s23;
	[sflag:s10] =	ssyncadd.s32 $0xFFFFFFB0  }
0x2d: {  	[tilespmem:s11], [sflag:$0x3] =	stream.linear.gather [hbm4b:s21+s2], $0x50, $0x38;
	[tilespmem:$0x5100] =	vst v63  }
0x2e: {  	_ =	swait.ge [sflag:s10], $0x50  }
0x2f: {  	[sflag:s10] =	ssyncset.done $0x0  }
0x30: {  	[sflag:s10] =	ssyncadd.s32 $0xFFFFFFB0  }
0x31: {  	[tilespmem:s13], [sflag:$0x1] =	stream.indirect.gather [hbm4b:s3+s12], $0x80, s2, s12, $0xb8;
	[tilespmem:$0x5100] =	vst v63  }
0x32: {  	_ = 	snop  }
0x33: {  	[tilespmem:s14], [sflag:$0x2] =	stream.indirect.gather [hbm4b:s4+s12], $0x80, s11, s12, $0xb8;
	[tilespmem:$0x5100] =	vst v63  }
0x34: {  	_ =	swait.ge [sflag:s15], $0x2800  }
0x35: {  	[sflag:s15] =	ssyncset.done $0x0  }
0x36: {  	[sflag:s15] =	ssyncadd.s32 $0xFFFFD800  }
0x37: {  	_ =	swait.ge [sflag:s16], $0x2800  }
0x38: {  	[sflag:s16] =	ssyncset.done $0x0  }
0x39: {  	[sflag:s16] =	ssyncadd.s32 $0xFFFFD800  }
0x3a: {  	[hbm4b:s19+s2] =	stream.linear.scatter [tilespmem:s13], [sflag:$0x3], $0x2800, $0x38;
	[tilespmem:$0x5100] =	vst v63  }
0x3b: {  	_ =	swait.ge [sflag:s10], $0x2800  }
.Ltmp0:
0x3c: {  	[sflag:s10] =	ssyncset.done $0x0;
	(pc) =	sbr.rel @p0 .LBB2_2-.Ltmp0, $4  }
0x3d: {  	[sflag:s10] =	ssyncadd.s32 $0xFFFFD800  }
0x3e: {  	[hbm4b:s18+s2] =	stream.linear.scatter [tilespmem:s14], [sflag:$0x3], $0x2800, $0x38;
	[tilespmem:$0x5100] =	vst v63  }
0x3f: {  	s21 =	smov.u32 s24;
	_ =	swait.ge [sflag:s10], $0x2800  }
0x40: {  	s19 =	sadd.s32 $0x500, s19;
	s18 =	sadd.s32 $0x500, s18;
	[sflag:s10] =	ssyncset.done $0x0  }
0x41: {  	s21 =	sadd.s32 s20, s9;
	[sflag:s10] =	ssyncadd.s32 $0xFFFFD800  }
0x42: {  	[tilespmem:s2], [sflag:$0x3] =	stream.linear.gather [hbm4b:s21+s2], $0x50, $0x38;
	[tilespmem:$0x5100] =	vst v63  }
0x43: {  	_ =	swait.ge [sflag:s10], $0x50  }
0x44: {  	[sflag:s10] =	ssyncset.done $0x0  }
0x45: {  	s31 =	sadd.s32 s20, s8;
	[sflag:s10] =	ssyncadd.s32 $0xFFFFFFB0  }
0x46: {  	[tilespmem:s11], [sflag:$0x3] =	stream.linear.gather [hbm4b:s31+s2], $0x50, $0x38;
	[tilespmem:$0x5100] =	vst v63  }
0x47: {  	_ =	swait.ge [sflag:s10], $0x50  }
0x48: {  	[sflag:s10] =	ssyncset.done $0x0  }
0x49: {  	[sflag:s10] =	ssyncadd.s32 $0xFFFFFFB0  }
0x4a: {  	[tilespmem:s13], [sflag:$0x1] =	stream.indirect.gather [hbm4b:s3+s12], $0x80, s2, s12, $0xb8;
	[tilespmem:$0x5100] =	vst v63  }
0x4b: {  	_ = 	snop  }
0x4c: {  	[tilespmem:s14], [sflag:$0x2] =	stream.indirect.gather [hbm4b:s4+s12], $0x80, s11, s12, $0xb8;
	[tilespmem:$0x5100] =	vst v63  }
0x4d: {  	_ =	swait.ge [sflag:s15], $0x2800  }
0x4e: {  	[sflag:s15] =	ssyncset.done $0x0  }
0x4f: {  	[sflag:s15] =	ssyncadd.s32 $0xFFFFD800  }
0x50: {  	_ =	swait.ge [sflag:s16], $0x2800  }
0x51: {  	[sflag:s16] =	ssyncset.done $0x0  }
0x52: {  	[sflag:s16] =	ssyncadd.s32 $0xFFFFD800  }
0x53: {  	[hbm4b:s19+s2] =	stream.linear.scatter [tilespmem:s13], [sflag:$0x3], $0x2800, $0x38;
	[tilespmem:$0x5100] =	vst v63  }
0x54: {  	s17 =	sadd.s32 $0x1, s17;
	_ =	swait.ge [sflag:s10], $0x2800  }
0x55: {  	p0 =	sne.s32 s17, s6;
	[sflag:s10] =	ssyncset.done $0x0  }
.Ltmp1:
0x56: {  	[sflag:s10] =	ssyncadd.s32 $0xFFFFD800;
	(pc) =	sbr.rel @p0 .LBB2_1-.Ltmp1, $4  }
0x57: {  	[hbm4b:s18+s2] =	stream.linear.scatter [tilespmem:s14], [sflag:$0x3], $0x2800, $0x38;
	[tilespmem:$0x5100] =	vst v63  }
0x58: {  	_ =	swait.ge [sflag:s10], $0x2800  }
0x59: {  	[sflag:s10] =	ssyncset.done $0x0  }
0x5a: {  	[sflag:s10] =	ssyncadd.s32 $0xFFFFD800  }
0x5b: {  	_ =	sfence.sel $0x180000  }
0x5c: {  	[bflag:$0x0] =	sbarrier.arrive $0xFFFF  }
0x5d: {  	p0 =	sne.s32 s1, $0x0;
	_ =	strace $0x90000056  }
0x5e: {  	s0 =	sadd.s32 @!p0 $0x100000, s0;
	[bflag:$0x2] =	sbarrier.arrive $0xFFFF  }
0x5f: {  	[sflag:s0] =	ssyncadd.tile.s32 @!p0 $0x1;
	_ =	shalt  }
.Lfunc_end2:
_tile_overlayer_lowered:
.L_overlay_start_2:
0x60: {  	(tag) =	ssettag $0x2  }
0x61: {  	s0 =	rddreg [dreg:$0x0];
	s2 =	stileid.u32  }
0x62: {  	s1 =	rddreg [dreg:$0x1];
	p0 =	sne.s32 s2, $0x0  }
0x63: {  	s3 =	rddreg [dreg:$0x2];
	[bflag:$0x3] =	sbarrier.arrive $0xFFFF;
	s2 =	simm.s32 @!p0 $0x1C03  }
0x64: {  	[timem:s3], [sflag:s2] =	dma.local @!p0 [hbm:s0], s1  }
0x65: {  	s0 =	simm.s32 @!p0 $0x3  }
0x66: {  	_ =	swait.ge @!p0 [sflag:s0], s1  }
0x67: {  	s1 =	ssub.s32 @!p0 $0x0, s1;
	[sflag:s0] =	ssyncset.done @!p0 $0x0  }
0x68: {  	[sflag:s0] =	ssyncadd.s32 @!p0 s1  }
0x69: {  	[bflag:$0x3] =	sbarrier.arrive $0xFFFF  }
0x6a: {  	_ =	shalt  }

// kernel: kernel.30.cloned.1.call-start
scs
__scs_entry_jumppad:
0x0: {  	(pc) =	sbr.rel $0x88, $3  }
0x1: {  	(tag) =	ssettag $0x0;
	lr =	simm.s32 $0x1  }
0x2: {  	[smem:$0x3F7D] =	sst lr;
	_ =	strace $0xD0000000  }
0x3: {  	_ = 	snop  }
0x4: {  	_ = 	snop  }
0x5: {  	_ = 	snop  }
0x6: {  	_ = 	snop  }
0x7: {  	_ = 	snop  }
__scs_overlays_trampoline_lowered:
0x8: {  	[smem:$0x3F8C] =	sst s0  }
0x9: {  	[smem:$0x3F8D] =	sst s1  }
0xa: {  	[smem:$0x3F8E] =	sst s2  }
0xb: {  	[smem:$0x3F8F] =	sst s3  }
0xc: {  	[smem:$0x3F90] =	sst s4  }
0xd: {  	[smem:$0x3F91] =	sst s5  }
0xe: {  	[smem:$0x3F92] =	sst s6  }
0xf: {  	[smem:$0x3F93] =	sst s7  }
0x10: {  	[smem:$0x3F94] =	sst s8  }
0x11: {  	[smem:$0x3F95] =	sst s9;
	s0 =	simm.s32 @!p0 $0x0  }
0x12: {  	s1 =	sld [smem:$0x3F7B];
	s0 =	simm.s32 @p0 $0x1  }
0x13: {  	[smem:$0x3F96] =	sst s0;
	s0 =	simm.s32 @!p1 $0x0  }
0x14: {  	s2 =	sld [smem:$0x3F7A];
	s0 =	simm.s32 @p1 $0x1  }
0x15: {  	[smem:$0x3F97] =	sst s0;
	s0 =	simm.s32 @!p2 $0x0  }
0x16: {  	s3 =	sld [smem:$0x3FDB];
	s0 =	simm.s32 @p2 $0x1  }
0x17: {  	s4 =	simm.s32 $0x1BF5;
	[smem:$0x3F99] =	sst s0  }
0x18: {  	s0 =	sld [smem:$0x3F7C];
	_ =	swait.ge [sflag:s4], $0x0  }
0x19: {  	s7 =	sld [smem:$0x3F7D]  }
0x1a: {  	s8 =	sadd.s32 $0xFFFFE003, lr  }
0x1b: {  	s9 =	sadd.s32 $0xFFFFFEF7, lr;
	s5 =	simm.s32 $0xFFFFFFFF;
	p2 =	slt.u32 s8, $0xFFFFF086  }
0x1c: {  	p1 =	slt.u32 s9, $0xF7A;
	s5 =	simm.s32 @!p2 $0x0  }
0x1d: {  	s5 =	simm.s32 @p1 $0x1;
	p0 =	seq.s32 s7, s2  }
0x1e: {  	s7 =	smul.u32 @!p0 $0xF7A, s2;
	p2 =	seq.s32 @!p0 s5, $0x0  }
0x1f: {  	s9 =	smul.u32 $0xF7A, s1;
	s8 =	simm.s32 @!p0 $0x1BF5;
	p2 =	por !p2, p0  }
0x20: {  	[sflag:s8] =	ssyncset.s32 @!p0 $0xFFFFF086;
	s6 =	sadd.s32 @!p0 s3, s7;
	s7 =	simm.s32 @!p0 $0x108  }
0x21: {  	s3 =	sadd.s32 s3, s9;
	s6 =	sadd.s32 @!p0 $0x88, s6;
	s7 =	simm.s32 @p2 $0x1082  }
0x22: {  	[simem:s7], [sflag:s8] =	dma.local @!p0 [hbm:s6], $0xF7A  }
0x23: {  	s9 =	sor.u32 $0xD0000000, s2;
	s6 =	simm.s32 $0x108;
	_ =	swait.ge @!p0 [sflag:s8], $0x0  }
0x24: {  	s3 =	sadd.s32 $0x88, s3;
	s6 =	simm.s32 @!p1 $0x1082;
	[sflag:s4] =	ssyncset.s32 $0xFFFFF086  }
0x25: {  	[simem:s6], [sflag:s4] =	dma.local [hbm:s3], $0xF7A  }
0x26: {  	[smem:$0x3F7D] =	sst s1;
	(tag) =	ssettag s2;
	_ =	strace s9  }
0x27: {  	s1 =	sld [smem:$0x3F8D]  }
0x28: {  	s2 =	sld [smem:$0x3F8E]  }
0x29: {  	s4 =	sld [smem:$0x3F90]  }
0x2a: {  	p0 =	seq.s32 s5, $0x0;
	s5 =	sld [smem:$0x3F91]  }
0x2b: {  	s6 =	sld [smem:$0x3F92]  }
0x2c: {  	s7 =	sld [smem:$0x3F93]  }
0x2d: {  	s3 =	simm.s32 $0x108;
	s8 =	sld [smem:$0x3F94]  }
0x2e: {  	s3 =	simm.s32 @!p0 $0x1082;
	s9 =	sld [smem:$0x3F95]  }
0x2f: {  	lr =	sadd.s32 s0, s3;
	s0 =	sld [smem:$0x3F8C]  }
0x30: {  	s3 =	sld [smem:$0x3F8F]  }
0x31: {  	[smem:$0x3F98] =	sst s10  }
0x32: {  	s10 =	sld [smem:$0x3F96];
	_ =	sdelay $0x3  }
0x33: {  	p0 =	seq.s32 s10, $0x1;
	s10 =	sld [smem:$0x3F98];
	_ =	sdelay $0x3  }
0x34: {  	[smem:$0x3F98] =	sst s10  }
0x35: {  	s10 =	sld [smem:$0x3F97];
	_ =	sdelay $0x3  }
0x36: {  	p1 =	seq.s32 s10, $0x1;
	s10 =	sld [smem:$0x3F98];
	_ =	sdelay $0x3  }
0x37: {  	[smem:$0x3F98] =	sst s10  }
0x38: {  	s10 =	sld [smem:$0x3F99]  }
0x39: {  	_ = 	snop;
	(pc) =	sbr.ind lr, $3  }
0x3a: {  	_ = 	snop  }
0x3b: {  	_ = 	snop  }
0x3c: {  	p2 =	seq.s32 s10, $0x1;
	s10 =	sld [smem:$0x3F98]  }
0x3d: {  	_ =	shalt  }
0x3e: {  	_ =	shalt  }
0x3f: {  	_ =	shalt  }
0x40: {  	_ =	shalt  }
0x41: {  	_ =	shalt  }
0x42: {  	_ =	shalt  }
0x43: {  	_ =	shalt  }
0x44: {  	_ =	shalt  }
0x45: {  	_ =	shalt  }
0x46: {  	_ =	shalt  }
0x47: {  	_ =	shalt  }
0x48: {  	_ =	shalt  }
0x49: {  	_ =	shalt  }
0x4a: {  	_ =	shalt  }
0x4b: {  	_ =	shalt  }
0x4c: {  	_ =	shalt  }
0x4d: {  	_ =	shalt  }
0x4e: {  	_ =	shalt  }
0x4f: {  	_ =	shalt  }
0x50: {  	_ =	shalt  }
0x51: {  	_ =	shalt  }
0x52: {  	_ =	shalt  }
0x53: {  	_ =	shalt  }
0x54: {  	_ =	shalt  }
0x55: {  	_ =	shalt  }
0x56: {  	_ =	shalt  }
0x57: {  	_ =	shalt  }
0x58: {  	_ =	shalt  }
0x59: {  	_ =	shalt  }
0x5a: {  	_ =	shalt  }
0x5b: {  	_ =	shalt  }
0x5c: {  	_ =	shalt  }
0x5d: {  	_ =	shalt  }
0x5e: {  	_ =	shalt  }
0x5f: {  	_ =	shalt  }
0x60: {  	_ =	shalt  }
0x61: {  	_ =	shalt  }
0x62: {  	_ =	shalt  }
0x63: {  	_ =	shalt  }
0x64: {  	_ =	shalt  }
0x65: {  	_ =	shalt  }
0x66: {  	_ =	shalt  }
0x67: {  	_ =	shalt  }
0x68: {  	_ =	shalt  }
0x69: {  	_ =	shalt  }
0x6a: {  	_ =	shalt  }
0x6b: {  	_ =	shalt  }
0x6c: {  	_ =	shalt  }
0x6d: {  	_ =	shalt  }
0x6e: {  	_ =	shalt  }
0x6f: {  	_ =	shalt  }
0x70: {  	_ =	shalt  }
0x71: {  	_ =	shalt  }
0x72: {  	_ =	shalt  }
0x73: {  	_ =	shalt  }
0x74: {  	_ =	shalt  }
0x75: {  	_ =	shalt  }
0x76: {  	_ =	shalt  }
0x77: {  	_ =	shalt  }
0x78: {  	_ =	shalt  }
0x79: {  	_ =	shalt  }
0x7a: {  	_ =	shalt  }
0x7b: {  	_ =	shalt  }
0x7c: {  	_ =	shalt  }
0x7d: {  	_ =	shalt  }
0x7e: {  	_ =	shalt  }
0x7f: {  	_ =	shalt  }
0x80: {  	_ =	shalt  }
0x81: {  	_ =	shalt  }
0x82: {  	_ =	shalt  }
0x83: {  	_ =	shalt  }
0x84: {  	_ =	shalt  }
0x85: {  	_ =	shalt  }
0x86: {  	_ =	shalt  }
0x87: {  	_ =	shalt  }
.Lfunc_end0:
.L_simem_size_0:
called_computation.3_lowered:
.L_overlay_start_0:
0x88: {  	s2 =	sld [smem:$0x3FD9]  }
0x89: {  	s3 =	sld [smem:$0x3FFE];
	_ =	sdelay $0x1  }
0x8a: {  	s1 =	srdreg.scid  }
0x8b: {  	s0 =	sand.u32 $0x1, s1  }
0x8c: {  	s17 =	sshll.u32 s0, $0xA;
	s2 =	sadd.s32 s3, s2  }
0x8d: {  	s2 =	sadd.s32 s2, s17  }
0x8e: {  	[smem:$0x3FA4] =	sst s2  }
0x8f: {  	_ = 	snop  }
0x90: {  	(tm) =	ssettm $0x1  }
0x91: {  	s18 =	sld [smem:$0x3FFB];
	_ =	sdelay $0x3  }
0x92: {  	_ =	strace s18  }
0x93: {  	s2 =	sld [smem:$0x3FFC];
	_ =	sdelay $0x3  }
0x94: {  	_ =	strace s2  }
0x95: {  	s2 =	sld [smem:$0x3FFD];
	_ =	sdelay $0x3  }
0x96: {  	_ =	strace s2  }
0x97: {  	_ =	strace $0x8FFFFFFF  }
0x98: {  	s19 =	sld [smem:$0x3FDB];
	_ =	sdelay $0x1  }
0x99: {  	s20 =	simm.s32 $_scs_section_size  }
0x9a: {  	s4 =	simm.s32 $_size__tile_overlayer_lowered;
	s5 =	simm.s32 $_tile_overlayer_lowered  }
0x9b: {  	s6 =	simm.s32 $0x1BFF;
	s21 =	sshll.u32 s5, $0x1;
	s3 =	sadd.s32 s20, s19  }
0x9c: {  	s22 =	simm.s32 $0x0;
	s4 =	sshll.u32 s4, $0x1;
	s5 =	sadd.s32 s21, s3  }
0x9d: {  	[timem:s22], [sflag:s6] =	dma.local [hbm:s5], s4  }
0x9e: {  	_ =	swait.ge [sflag:s6], s4  }
0x9f: {  	s4 =	ssub.s32 $0x0, s4;
	[sflag:s6] =	ssyncset.done $0x0  }
0xa0: {  	[sflag:s6] =	ssyncadd.s32 s4;
	_ =	sdelay $0x1  }
0xa1: {  	s23 =	simm.s32 $0x1B8B  }
0xa2: {  	_ =	swait.ge [sflag:s23], $0x1  }
0xa3: {  	[sflag:s23] =	ssyncset.done $0x0  }
0xa4: {  	[sflag:s23] =	ssyncadd.s32 $0xFFFFFFFF  }
0xa5: {  	s4 =	sld [smem:$0x0]  }
0xa6: {  	s5 =	sand.u32 $0xFFFFFFFE, s1  }
0xa7: {  	p0 =	sne.s32 s1, s5  }
0xa8: {  	s5 =	sshll.u32 @p0 s5, $0xE  }
0xa9: {  	s5 =	sadd.s32 @p0 $0x11B8D, s5;
	s6 =	sshll.u32 @p0 s4, $0x11  }
0xaa: {  	s5 =	sor.u32 @p0 s6, s5  }
0xab: {  	[sflag:s5] =	ssyncadd.remote.s32 @p0 $0x1;
	_ =	sdelay $0x1  }
0xac: {  	s5 =	simm.s32 @p0 $0x1B8D  }
0xad: {  	_ =	swait.eq @p0 [sflag:s5], $0x1  }
0xae: {  	[sflag:s5] =	ssyncadd.s32 @p0 $0xFFFFFFFF  }
0xaf: {  	s6 =	sshll.u32 @!p0 s1, $0xE  }
0xb0: {  	s6 =	sor.u32 @!p0 $0x4000, s6;
	s5 =	simm.s32 @!p0 $0x1B8D  }
0xb1: {  	s4 =	sshll.u32 @!p0 s4, $0x11;
	s6 =	sadd.s32 @!p0 $0x11B8D, s6;
	_ =	swait.eq @!p0 [sflag:s5], $0x1  }
0xb2: {  	s4 =	sor.u32 @!p0 s4, s6;
	[sflag:s5] =	ssyncadd.s32 @!p0 $0xFFFFFFFF  }
0xb3: {  	s25 =	simm.s32 $0x1B8E;
	s24 =	sld [smem:$0x3FFE];
	[sflag:s4] =	ssyncadd.remote.s32 @!p0 $0x1  }
0xb4: {  	s26 =	simm.s32 $execute0_lowered;
	[smem:$0x3FD2] =	sst s25  }
0xb5: {  	s5 =	sshll.u32 s26, $0x1;
	_ =	strace $0x8000005B;
	[dreg:$0x1] =	wrdreg $0xFFFFFFFF  }
0xb6: {  	s28 =	simm.s32 $_size_execute0_lowered;
	s3 =	sadd.s32 s3, s5;
	[dreg:$0x0] =	wrdreg $0x0  }
0xb7: {  	s5 =	sshll.u32 s28, $0x1;
	[dreg:$0x2] =	wrdreg s3  }
0xb8: {  	[dreg:$0x3] =	wrdreg s5  }
0xb9: {  	[dreg:$0x4] =	wrdreg $0xC0  }
0xba: {  	_ =	task [dreg:s22], $0x5FFFF  }
0xbb: {  	[dreg:$0x1] =	wrdreg $0xFFFFFFFF  }
0xbc: {  	[dreg:$0x0] =	wrdreg $0x60  }
0xbd: {  	[dreg:$0x2] =	wrdreg s24  }
0xbe: {  	[dreg:$0x3] =	wrdreg $0x28800  }
0xbf: {  	[dreg:$0x4] =	wrdreg $0x9  }
0xc0: {  	_ =	task.clear_ibuf [dreg:s22], $0x5FFFF;
	_ =	strace $0x9000005B  }
0xc1: {  	s29 =	simm.s32 $0x9;
	_ =	strace $0x8000005D  }
0xc2: {  	_ =	swait.ge [sflag:s29], $0x1  }
0xc3: {  	[sflag:s29] =	ssyncadd.s32 $0xFFFFFFFF  }
0xc4: {  	_ =	strace $0x9000005D  }
0xc5: {  	_ =	sfence  }
0xc6: {  	s30 =	sld [smem:$0x0];
	_ =	sdelay $0x2  }
0xc7: {  	s31 =	sshll.u32 s1, $0xD;
	s1 =	sshrl.u32 s1, $0x2  }
0xc8: {  	s4 =	sand.u32 $0x4000, s31;
	s1 =	sadd.s32 s1, s30  }
0xc9: {  	s0 =	sor.u32 s4, s0;
	s1 =	sshll.u32 s1, $0x11  }
0xca: {  	s0 =	sor.u32 s1, s0  }
0xcb: {  	s0 =	sadd.s32 $0x8F2B, s0  }
0xcc: {  	[sflag:s0] =	ssyncadd.remote.s32 $0x1  }
0xcd: {  	_ =	sfence.sel $0xFFFF  }
0xce: {  	[dreg:$0x0] =	wrdreg $0xFFFFFFFF;
	(pc) =	sbr.abs _section_cstart, $3  }
0xcf: {  	[dreg:$0x1] =	wrdreg $0xFFFFFFFF  }
0xd0: {  	_ =	task.clear_ibuf [dreg:s22], $0x2FFFF;
	_ =	strace $0x9FFFFFFF  }
0xd1: {  	(tm) =	ssettm $0x7FFFFFFF  }
tec
execute0_lowered:
.L_overlay_start_1:
0x0: {  	(tag) =	ssettag $0x1  }
0x1: {  	s0 =	stileid.u32;
	s1 =	srdreg.scid  }
0x2: {  	s4 =	rddreg [dreg:$0x0];
	s6 =	smul.u32 $0x4E20, s0  }
0x3: {  	s2 =	rddreg [dreg:$0x1];
	s8 =	smul.u32 $0x4E200, s0  }
0x4: {  	s3 =	simm.s32 $0x0;
	s14 =	simm.s32 $0x80;
	s24 =	smul.u32 $0x13C00, s0  }
0x5: {  	s15 =	simm.s32 $0x50;
	s5 =	sand.u32 $0x1, s1;
	s12 =	smul.u32 $0x4F000, s0  }
0x6: {  	s16 =	simm.s32 $0x0;
	s1 =	rddreg [dreg:$0x2];
	s7 =	smul.u32 $0x2710, s5  }
0x7: {  	[smem:$0x7FF] =	sst s3;
	s29 =	sshll.u32 s0, $0x6;
	s9 =	smul.u32 $0x278000, s5  }
0x8: {  	_ =	strace $0x8000005C;
	s26 =	ssub.s32 $0x2, s5;
	s30 =	smul.u32 $0x27100, s5  }
0x9: {  	s5 =	sor.u32 $0x1C01, s29;
	s8 =	sadd.s32 s8, s4;
	s25 =	sshrl.u32 s24, $0x3  }
0xa: {  	s11 =	sshrl.u32 s26, $0x1;
	s28 =	sshrl.u32 s12, $0x2;
	s6 =	sadd.s32 s7, s6  }
0xb: {  	s7 =	sadd.s32 s24, s9;
	s9 =	ssub.s32 s26, s11;
	s13 =	sadd.s32 s28, s2  }
0xc: {  	s31 =	sadd.s32 s30, s8;
	s6 =	sshrl.u32 s6, $0x3;
	s7 =	sshrl.u32 s7, $0x3  }
0xd: {  	s8 =	smax.u32 s9, $0x1;
	s9 =	sadd.s32 $0x1EE3A00, s31;
	s11 =	sadd.s32 $0x14F8200, s31  }
0xe: {  	s10 =	sadd.s32 s6, s4;
	s6 =	sadd.s32 s25, s4;
	s7 =	sadd.s32 s7, s4  }
0xf: {  	s12 =	sshrl.u32 s13, $0x3;
	s4 =	sadd.s32 $0x1EBC200, s6;
	s6 =	sadd.s32 $0x609800, s7  }
0x10: {  	s13 =	simm.s32 $0x1;
	s7 =	sadd.s32 $0x631000, s7;
	s10 =	sadd.s32 $0x83C400, s10  }
.LBB2_1:
0x11: {  	[spmem:s12], [sflag:s5] =	dma.local [hbm:s4], $0x2780  }
0x12: {  	_ =	swait.ge [sflag:s13], $0x2780  }
0x13: {  	[sflag:s13] =	ssyncset.done $0x0  }
0x14: {  	[sflag:s13] =	ssyncadd.s32 $0xFFFFD880  }
0x15: {  	s17 =	sadd.s32 $0x0, s10;
	[bflag:$0x0] =	sbarrier.arrive $0xFFFF  }
0x16: {  	[tilespmem:s3], [sflag:$0x1] =	stream.linear.gather [hbm4b:s17+s3], $0x50, $0x38;
	[tilespmem:$0x16480] =	vst v63  }
0x17: {  	_ =	swait.ge [sflag:s13], $0x50  }
0x18: {  	[sflag:s13] =	ssyncset.done $0x0  }
0x19: {  	[sflag:s13] =	ssyncadd.s32 $0xFFFFFFB0  }
0x1a: {  	[tilespmem:s14], [sflag:$0x1] =	stream.linear.gather [hbm4b:s9+s3], $0x2800, $0x38;
	[tilespmem:$0x16480] =	vst v63  }
0x1b: {  	_ =	swait.ge [sflag:s13], $0x2800  }
0x1c: {  	[sflag:s13] =	ssyncset.done $0x0  }
0x1d: {  	[sflag:s13] =	ssyncadd.s32 $0xFFFFD800  }
0x1e: {  	[spmem:s2] =	stream.indirect.scatter.add.f32 [tilespmem:s14], [sflag:$0x1], $0x80, s3, s15, $0xb8;
	[tilespmem:$0x16480] =	vst v63  }
0x1f: {  	s18 =	simm.s32 $0xA;
	_ =	swait.ge [sflag:s13], $0x2800  }
0x20: {  	s19 =	simm.s32 $0x14;
	s17 =	sadd.s32 $0x500, s9;
	[sflag:s13] =	ssyncset.done $0x0  }
.LBB2_2:
0x21: {  	s20 =	sadd.s32 s18, s10  }
0x22: {  	[sflag:s13] =	ssyncadd.s32 $0xFFFFD800;
	s18 =	smov.u32 s19;
	s21 =	sadd.s32 $0xA, s19  }
0x23: {  	[tilespmem:s3], [sflag:$0x1] =	stream.linear.gather [hbm4b:s20+s3], $0x50, $0x38;
	[tilespmem:$0x16480] =	vst v63  }
0x24: {  	p0 =	sne.s32 s19, $0x4D8;
	_ =	swait.ge [sflag:s13], $0x50  }
0x25: {  	[sflag:s13] =	ssyncset.done $0x0  }
0x26: {  	[sflag:s13] =	ssyncadd.s32 $0xFFFFFFB0  }
0x27: {  	[tilespmem:s14], [sflag:$0x1] =	stream.linear.gather [hbm4b:s17+s3], $0x2800, $0x38;
	[tilespmem:$0x16480] =	vst v63  }
0x28: {  	_ =	swait.ge [sflag:s13], $0x2800  }
.Ltmp0:
0x29: {  	[sflag:s13] =	ssyncset.done $0x0;
	(pc) =	sbr.rel @p0 .LBB2_2-.Ltmp0, $4  }
0x2a: {  	[sflag:s13] =	ssyncadd.s32 $0xFFFFD800  }
0x2b: {  	[spmem:s2] =	stream.indirect.scatter.add.f32 [tilespmem:s14], [sflag:$0x1], $0x80, s3, s15, $0xb8;
	[tilespmem:$0x16480] =	vst v63  }
0x2c: {  	_ =	swait.ge [sflag:s13], $0x2800  }
0x2d: {  	s19 =	smov.u32 s21;
	s17 =	sadd.s32 $0x500, s17;
	[sflag:s13] =	ssyncset.done $0x0  }
0x2e: {  	s18 =	sadd.s32 s18, s10;
	[sflag:s13] =	ssyncadd.s32 $0xFFFFD800  }
0x2f: {  	[tilespmem:s3], [sflag:$0x1] =	stream.linear.gather [hbm4b:s18+s3], $0x50, $0x38;
	[tilespmem:$0x16480] =	vst v63  }
0x30: {  	_ =	swait.ge [sflag:s13], $0x50  }
0x31: {  	[sflag:s13] =	ssyncset.done $0x0  }
0x32: {  	[sflag:s13] =	ssyncadd.s32 $0xFFFFFFB0  }
0x33: {  	[tilespmem:s14], [sflag:$0x1] =	stream.linear.gather [hbm4b:s17+s3], $0x2800, $0x38;
	[tilespmem:$0x16480] =	vst v63  }
0x34: {  	_ =	swait.ge [sflag:s13], $0x2800  }
0x35: {  	[sflag:s13] =	ssyncset.done $0x0  }
0x36: {  	[sflag:s13] =	ssyncadd.s32 $0xFFFFD800  }
0x37: {  	[spmem:s2] =	stream.indirect.scatter.add.f32 [tilespmem:s14], [sflag:$0x1], $0x80, s3, s15, $0xb8;
	[tilespmem:$0x16480] =	vst v63  }
0x38: {  	_ =	swait.ge [sflag:s13], $0x2800  }
0x39: {  	[sflag:s13] =	ssyncset.done $0x0  }
0x3a: {  	[sflag:s13] =	ssyncadd.s32 $0xFFFFD800  }
0x3b: {  	[bflag:$0x0] =	sbarrier.arrive $0xFFFF  }
0x3c: {  	[hbm:s6], [sflag:s5] =	dma.local [spmem:s12], $0x2780  }
0x3d: {  	_ =	swait.ge [sflag:s13], $0x2780  }
0x3e: {  	[sflag:s13] =	ssyncset.done $0x0  }
0x3f: {  	[sflag:s13] =	ssyncadd.s32 $0xFFFFD880  }
0x40: {  	[spmem:s12], [sflag:s5] =	dma.local [hbm:s4], $0x2780  }
0x41: {  	_ =	swait.ge [sflag:s13], $0x2780  }
0x42: {  	[sflag:s13] =	ssyncset.done $0x0  }
0x43: {  	[sflag:s13] =	ssyncadd.s32 $0xFFFFD880  }
0x44: {  	s31 =	sadd.s32 $0x0, s10;
	[bflag:$0x0] =	sbarrier.arrive $0xFFFF  }
0x45: {  	[tilespmem:s3], [sflag:$0x1] =	stream.linear.gather [hbm4b:s31+s3], $0x50, $0x38;
	[tilespmem:$0x16480] =	vst v63  }
0x46: {  	_ =	swait.ge [sflag:s13], $0x50  }
0x47: {  	[sflag:s13] =	ssyncset.done $0x0  }
0x48: {  	[sflag:s13] =	ssyncadd.s32 $0xFFFFFFB0  }
0x49: {  	[tilespmem:s14], [sflag:$0x1] =	stream.linear.gather [hbm4b:s11+s3], $0x2800, $0x38;
	[tilespmem:$0x16480] =	vst v63  }
0x4a: {  	_ =	swait.ge [sflag:s13], $0x2800  }
0x4b: {  	[sflag:s13] =	ssyncset.done $0x0  }
0x4c: {  	[sflag:s13] =	ssyncadd.s32 $0xFFFFD800  }
0x4d: {  	[spmem:s2] =	stream.indirect.scatter.add.f32 [tilespmem:s14], [sflag:$0x1], $0x80, s3, s15, $0xb8;
	[tilespmem:$0x16480] =	vst v63  }
0x4e: {  	s19 =	simm.s32 $0x14;
	_ =	swait.ge [sflag:s13], $0x2800  }
0x4f: {  	s18 =	simm.s32 $0xA;
	s17 =	sadd.s32 $0x500, s11;
	[sflag:s13] =	ssyncset.done $0x0  }
.LBB2_4:
0x50: {  	s20 =	sadd.s32 s18, s10  }
0x51: {  	[sflag:s13] =	ssyncadd.s32 $0xFFFFD800;
	s18 =	smov.u32 s19;
	s21 =	sadd.s32 $0xA, s19  }
0x52: {  	[tilespmem:s3], [sflag:$0x1] =	stream.linear.gather [hbm4b:s20+s3], $0x50, $0x38;
	[tilespmem:$0x16480] =	vst v63  }
0x53: {  	p0 =	sne.s32 s19, $0x4D8;
	_ =	swait.ge [sflag:s13], $0x50  }
0x54: {  	[sflag:s13] =	ssyncset.done $0x0  }
0x55: {  	[sflag:s13] =	ssyncadd.s32 $0xFFFFFFB0  }
0x56: {  	[tilespmem:s14], [sflag:$0x1] =	stream.linear.gather [hbm4b:s17+s3], $0x2800, $0x38;
	[tilespmem:$0x16480] =	vst v63  }
0x57: {  	_ =	swait.ge [sflag:s13], $0x2800  }
.Ltmp1:
0x58: {  	[sflag:s13] =	ssyncset.done $0x0;
	(pc) =	sbr.rel @p0 .LBB2_4-.Ltmp1, $4  }
0x59: {  	[sflag:s13] =	ssyncadd.s32 $0xFFFFD800  }
0x5a: {  	[spmem:s2] =	stream.indirect.scatter.add.f32 [tilespmem:s14], [sflag:$0x1], $0x80, s3, s15, $0xb8;
	[tilespmem:$0x16480] =	vst v63  }
0x5b: {  	_ =	swait.ge [sflag:s13], $0x2800  }
0x5c: {  	s19 =	smov.u32 s21;
	s17 =	sadd.s32 $0x500, s17;
	[sflag:s13] =	ssyncset.done $0x0  }
0x5d: {  	s18 =	sadd.s32 s18, s10;
	[sflag:s13] =	ssyncadd.s32 $0xFFFFD800  }
0x5e: {  	[tilespmem:s3], [sflag:$0x1] =	stream.linear.gather [hbm4b:s18+s3], $0x50, $0x38;
	[tilespmem:$0x16480] =	vst v63  }
0x5f: {  	_ =	swait.ge [sflag:s13], $0x50  }
0x60: {  	[sflag:s13] =	ssyncset.done $0x0  }
0x61: {  	[sflag:s13] =	ssyncadd.s32 $0xFFFFFFB0  }
0x62: {  	[tilespmem:s14], [sflag:$0x1] =	stream.linear.gather [hbm4b:s17+s3], $0x2800, $0x38;
	[tilespmem:$0x16480] =	vst v63  }
0x63: {  	_ =	swait.ge [sflag:s13], $0x2800  }
0x64: {  	[sflag:s13] =	ssyncset.done $0x0  }
0x65: {  	[sflag:s13] =	ssyncadd.s32 $0xFFFFD800  }
0x66: {  	[spmem:s2] =	stream.indirect.scatter.add.f32 [tilespmem:s14], [sflag:$0x1], $0x80, s3, s15, $0xb8;
	[tilespmem:$0x16480] =	vst v63  }
0x67: {  	_ =	swait.ge [sflag:s13], $0x2800  }
0x68: {  	s16 =	sadd.s32 $0x1, s16;
	[sflag:s13] =	ssyncset.done $0x0  }
0x69: {  	p0 =	sne.s32 s16, s8;
	[sflag:s13] =	ssyncadd.s32 $0xFFFFD800  }
.Ltmp2:
0x6a: {  	[bflag:$0x0] =	sbarrier.arrive $0xFFFF;
	(pc) =	sbr.rel @p0 .LBB2_1-.Ltmp2, $4  }
0x6b: {  	[hbm:s7], [sflag:s5] =	dma.local [spmem:s12], $0x2780  }
0x6c: {  	_ =	swait.ge [sflag:s13], $0x2780  }
0x6d: {  	[sflag:s13] =	ssyncset.done $0x0  }
0x6e: {  	[sflag:s13] =	ssyncadd.s32 $0xFFFFD880  }
0x6f: {  	_ =	sfence.sel $0x180000  }
0x70: {  	[bflag:$0x0] =	sbarrier.arrive $0xFFFF  }
0x71: {  	p0 =	sne.s32 s0, $0x0;
	_ =	strace $0x9000005C  }
0x72: {  	s0 =	sadd.s32 @!p0 $0x100000, s1;
	[bflag:$0x2] =	sbarrier.arrive $0xFFFF  }
0x73: {  	[sflag:s0] =	ssyncadd.tile.s32 @!p0 $0x1;
	_ =	shalt  }
.Lfunc_end2:
_tile_overlayer_lowered:
.L_overlay_start_2:
0x74: {  	(tag) =	ssettag $0x2  }
0x75: {  	s0 =	rddreg [dreg:$0x0];
	s2 =	stileid.u32  }
0x76: {  	s1 =	rddreg [dreg:$0x1];
	p0 =	sne.s32 s2, $0x0  }
0x77: {  	s3 =	rddreg [dreg:$0x2];
	[bflag:$0x3] =	sbarrier.arrive $0xFFFF;
	s2 =	simm.s32 @!p0 $0x1C01  }
0x78: {  	[timem:s3], [sflag:s2] =	dma.local @!p0 [hbm:s0], s1  }
0x79: {  	s0 =	simm.s32 @!p0 $0x1  }
0x7a: {  	_ =	swait.ge @!p0 [sflag:s0], s1  }
0x7b: {  	s1 =	ssub.s32 @!p0 $0x0, s1;
	[sflag:s0] =	ssyncset.done @!p0 $0x0  }
0x7c: {  	[sflag:s0] =	ssyncadd.s32 @!p0 s1  }
0x7d: {  	[bflag:$0x3] =	sbarrier.arrive $0xFFFF  }
0x7e: {  	_ =	shalt  }

// kernel: kernel.33.cloned.1.call-start
scs
__scs_entry_jumppad:
0x0: {  	(pc) =	sbr.rel $0x88, $3  }
0x1: {  	(tag) =	ssettag $0x0;
	lr =	simm.s32 $0x1  }
0x2: {  	[smem:$0x3F7D] =	sst lr;
	_ =	strace $0xD0000000  }
0x3: {  	_ = 	snop  }
0x4: {  	_ = 	snop  }
0x5: {  	_ = 	snop  }
0x6: {  	_ = 	snop  }
0x7: {  	_ = 	snop  }
__scs_overlays_trampoline_lowered:
0x8: {  	[smem:$0x3F8C] =	sst s0  }
0x9: {  	[smem:$0x3F8D] =	sst s1  }
0xa: {  	[smem:$0x3F8E] =	sst s2  }
0xb: {  	[smem:$0x3F8F] =	sst s3  }
0xc: {  	[smem:$0x3F90] =	sst s4  }
0xd: {  	[smem:$0x3F91] =	sst s5  }
0xe: {  	[smem:$0x3F92] =	sst s6  }
0xf: {  	[smem:$0x3F93] =	sst s7  }
0x10: {  	[smem:$0x3F94] =	sst s8  }
0x11: {  	[smem:$0x3F95] =	sst s9;
	s0 =	simm.s32 @!p0 $0x0  }
0x12: {  	s1 =	sld [smem:$0x3F7B];
	s0 =	simm.s32 @p0 $0x1  }
0x13: {  	[smem:$0x3F96] =	sst s0;
	s0 =	simm.s32 @!p1 $0x0  }
0x14: {  	s2 =	sld [smem:$0x3F7A];
	s0 =	simm.s32 @p1 $0x1  }
0x15: {  	[smem:$0x3F97] =	sst s0;
	s0 =	simm.s32 @!p2 $0x0  }
0x16: {  	s3 =	sld [smem:$0x3FDB];
	s0 =	simm.s32 @p2 $0x1  }
0x17: {  	s4 =	simm.s32 $0x1BF5;
	[smem:$0x3F99] =	sst s0  }
0x18: {  	s0 =	sld [smem:$0x3F7C];
	_ =	swait.ge [sflag:s4], $0x0  }
0x19: {  	s7 =	sld [smem:$0x3F7D]  }
0x1a: {  	s8 =	sadd.s32 $0xFFFFE003, lr  }
0x1b: {  	s9 =	sadd.s32 $0xFFFFFEF7, lr;
	s5 =	simm.s32 $0xFFFFFFFF;
	p2 =	slt.u32 s8, $0xFFFFF086  }
0x1c: {  	p1 =	slt.u32 s9, $0xF7A;
	s5 =	simm.s32 @!p2 $0x0  }
0x1d: {  	s5 =	simm.s32 @p1 $0x1;
	p0 =	seq.s32 s7, s2  }
0x1e: {  	s7 =	smul.u32 @!p0 $0xF7A, s2;
	p2 =	seq.s32 @!p0 s5, $0x0  }
0x1f: {  	s9 =	smul.u32 $0xF7A, s1;
	s8 =	simm.s32 @!p0 $0x1BF5;
	p2 =	por !p2, p0  }
0x20: {  	[sflag:s8] =	ssyncset.s32 @!p0 $0xFFFFF086;
	s6 =	sadd.s32 @!p0 s3, s7;
	s7 =	simm.s32 @!p0 $0x108  }
0x21: {  	s3 =	sadd.s32 s3, s9;
	s6 =	sadd.s32 @!p0 $0x88, s6;
	s7 =	simm.s32 @p2 $0x1082  }
0x22: {  	[simem:s7], [sflag:s8] =	dma.local @!p0 [hbm:s6], $0xF7A  }
0x23: {  	s9 =	sor.u32 $0xD0000000, s2;
	s6 =	simm.s32 $0x108;
	_ =	swait.ge @!p0 [sflag:s8], $0x0  }
0x24: {  	s3 =	sadd.s32 $0x88, s3;
	s6 =	simm.s32 @!p1 $0x1082;
	[sflag:s4] =	ssyncset.s32 $0xFFFFF086  }
0x25: {  	[simem:s6], [sflag:s4] =	dma.local [hbm:s3], $0xF7A  }
0x26: {  	[smem:$0x3F7D] =	sst s1;
	(tag) =	ssettag s2;
	_ =	strace s9  }
0x27: {  	s1 =	sld [smem:$0x3F8D]  }
0x28: {  	s2 =	sld [smem:$0x3F8E]  }
0x29: {  	s4 =	sld [smem:$0x3F90]  }
0x2a: {  	p0 =	seq.s32 s5, $0x0;
	s5 =	sld [smem:$0x3F91]  }
0x2b: {  	s6 =	sld [smem:$0x3F92]  }
0x2c: {  	s7 =	sld [smem:$0x3F93]  }
0x2d: {  	s3 =	simm.s32 $0x108;
	s8 =	sld [smem:$0x3F94]  }
0x2e: {  	s3 =	simm.s32 @!p0 $0x1082;
	s9 =	sld [smem:$0x3F95]  }
0x2f: {  	lr =	sadd.s32 s0, s3;
	s0 =	sld [smem:$0x3F8C]  }
0x30: {  	s3 =	sld [smem:$0x3F8F]  }
0x31: {  	[smem:$0x3F98] =	sst s10  }
0x32: {  	s10 =	sld [smem:$0x3F96];
	_ =	sdelay $0x3  }
0x33: {  	p0 =	seq.s32 s10, $0x1;
	s10 =	sld [smem:$0x3F98];
	_ =	sdelay $0x3  }
0x34: {  	[smem:$0x3F98] =	sst s10  }
0x35: {  	s10 =	sld [smem:$0x3F97];
	_ =	sdelay $0x3  }
0x36: {  	p1 =	seq.s32 s10, $0x1;
	s10 =	sld [smem:$0x3F98];
	_ =	sdelay $0x3  }
0x37: {  	[smem:$0x3F98] =	sst s10  }
0x38: {  	s10 =	sld [smem:$0x3F99]  }
0x39: {  	_ = 	snop;
	(pc) =	sbr.ind lr, $3  }
0x3a: {  	_ = 	snop  }
0x3b: {  	_ = 	snop  }
0x3c: {  	p2 =	seq.s32 s10, $0x1;
	s10 =	sld [smem:$0x3F98]  }
0x3d: {  	_ =	shalt  }
0x3e: {  	_ =	shalt  }
0x3f: {  	_ =	shalt  }
0x40: {  	_ =	shalt  }
0x41: {  	_ =	shalt  }
0x42: {  	_ =	shalt  }
0x43: {  	_ =	shalt  }
0x44: {  	_ =	shalt  }
0x45: {  	_ =	shalt  }
0x46: {  	_ =	shalt  }
0x47: {  	_ =	shalt  }
0x48: {  	_ =	shalt  }
0x49: {  	_ =	shalt  }
0x4a: {  	_ =	shalt  }
0x4b: {  	_ =	shalt  }
0x4c: {  	_ =	shalt  }
0x4d: {  	_ =	shalt  }
0x4e: {  	_ =	shalt  }
0x4f: {  	_ =	shalt  }
0x50: {  	_ =	shalt  }
0x51: {  	_ =	shalt  }
0x52: {  	_ =	shalt  }
0x53: {  	_ =	shalt  }
0x54: {  	_ =	shalt  }
0x55: {  	_ =	shalt  }
0x56: {  	_ =	shalt  }
0x57: {  	_ =	shalt  }
0x58: {  	_ =	shalt  }
0x59: {  	_ =	shalt  }
0x5a: {  	_ =	shalt  }
0x5b: {  	_ =	shalt  }
0x5c: {  	_ =	shalt  }
0x5d: {  	_ =	shalt  }
0x5e: {  	_ =	shalt  }
0x5f: {  	_ =	shalt  }
0x60: {  	_ =	shalt  }
0x61: {  	_ =	shalt  }
0x62: {  	_ =	shalt  }
0x63: {  	_ =	shalt  }
0x64: {  	_ =	shalt  }
0x65: {  	_ =	shalt  }
0x66: {  	_ =	shalt  }
0x67: {  	_ =	shalt  }
0x68: {  	_ =	shalt  }
0x69: {  	_ =	shalt  }
0x6a: {  	_ =	shalt  }
0x6b: {  	_ =	shalt  }
0x6c: {  	_ =	shalt  }
0x6d: {  	_ =	shalt  }
0x6e: {  	_ =	shalt  }
0x6f: {  	_ =	shalt  }
0x70: {  	_ =	shalt  }
0x71: {  	_ =	shalt  }
0x72: {  	_ =	shalt  }
0x73: {  	_ =	shalt  }
0x74: {  	_ =	shalt  }
0x75: {  	_ =	shalt  }
0x76: {  	_ =	shalt  }
0x77: {  	_ =	shalt  }
0x78: {  	_ =	shalt  }
0x79: {  	_ =	shalt  }
0x7a: {  	_ =	shalt  }
0x7b: {  	_ =	shalt  }
0x7c: {  	_ =	shalt  }
0x7d: {  	_ =	shalt  }
0x7e: {  	_ =	shalt  }
0x7f: {  	_ =	shalt  }
0x80: {  	_ =	shalt  }
0x81: {  	_ =	shalt  }
0x82: {  	_ =	shalt  }
0x83: {  	_ =	shalt  }
0x84: {  	_ =	shalt  }
0x85: {  	_ =	shalt  }
0x86: {  	_ =	shalt  }
0x87: {  	_ =	shalt  }
.Lfunc_end0:
.L_simem_size_0:
called_computation.4_lowered:
.L_overlay_start_0:
0x88: {  	s2 =	sld [smem:$0x3FD9]  }
0x89: {  	s3 =	sld [smem:$0x3FFE];
	_ =	sdelay $0x1  }
0x8a: {  	s1 =	srdreg.scid  }
0x8b: {  	s0 =	sand.u32 $0x1, s1  }
0x8c: {  	s14 =	sshll.u32 s0, $0xA;
	s2 =	sadd.s32 s3, s2  }
0x8d: {  	s2 =	sadd.s32 s2, s14  }
0x8e: {  	[smem:$0x3FA4] =	sst s2  }
0x8f: {  	_ = 	snop  }
0x90: {  	s2 =	sld [smem:$0x3FD0];
	_ =	sdelay $0x2  }
0x91: {  	s15 =	simm.s32 $0xB;
	s4 =	simm.s32 $0x10  }
0x92: {  	[smem:s4], [sflag:s15] =	dma.local [hbm:s2], $0x1  }
0x93: {  	_ =	swait.eq [sflag:s15], $0x1  }
0x94: {  	[sflag:s15] =	ssyncset.done $0x0  }
0x95: {  	[sflag:s15] =	ssyncadd.s32 $0xFFFFFFFF  }
0x96: {  	s16 =	sld [smem:$0x13];
	(tm) =	ssettm $0x1  }
0x97: {  	s17 =	sld [smem:$0x3FFB];
	_ =	sdelay $0x3  }
0x98: {  	_ =	strace s17  }
0x99: {  	s3 =	sld [smem:$0x3FFC];
	_ =	sdelay $0x3  }
0x9a: {  	_ =	strace s3  }
0x9b: {  	s3 =	sld [smem:$0x3FFD];
	_ =	sdelay $0x3  }
0x9c: {  	_ =	strace s3  }
0x9d: {  	_ =	strace $0x8FFFFFFF  }
0x9e: {  	s18 =	sld [smem:$0x3FDB];
	_ =	sdelay $0x1  }
0x9f: {  	s19 =	simm.s32 $_scs_section_size  }
0xa0: {  	s5 =	simm.s32 $_size__tile_overlayer_lowered;
	s6 =	simm.s32 $_tile_overlayer_lowered  }
0xa1: {  	s22 =	simm.s32 $0x1BFF;
	s21 =	sshll.u32 s6, $0x1;
	s3 =	sadd.s32 s19, s18  }
0xa2: {  	s7 =	simm.s32 $0x0;
	s20 =	sshll.u32 s5, $0x1;
	s5 =	sadd.s32 s21, s3  }
0xa3: {  	[timem:s7], [sflag:s22] =	dma.local [hbm:s5], s20  }
0xa4: {  	_ =	swait.ge [sflag:s22], s20  }
0xa5: {  	s4 =	ssub.s32 $0x0, s20;
	[sflag:s22] =	ssyncset.done $0x0  }
0xa6: {  	[sflag:s22] =	ssyncadd.s32 s4;
	_ =	sdelay $0x1  }
0xa7: {  	s23 =	simm.s32 $0x1B8B  }
0xa8: {  	_ =	swait.ge [sflag:s23], $0x1  }
0xa9: {  	[sflag:s23] =	ssyncset.done $0x0  }
0xaa: {  	s25 =	simm.s32 $0x1B8E;
	s24 =	sld [smem:$0x3FFE];
	[sflag:s23] =	ssyncadd.s32 $0xFFFFFFFF  }
0xab: {  	s26 =	simm.s32 $execute0_lowered;
	[smem:$0x3FD2] =	sst s25  }
0xac: {  	s5 =	sshll.u32 s26, $0x1;
	_ =	strace $0x80000046;
	[dreg:$0x1] =	wrdreg $0xFFFFFFFF  }
0xad: {  	s28 =	simm.s32 $_size_execute0_lowered;
	s3 =	sadd.s32 s3, s5;
	[dreg:$0x0] =	wrdreg $0x0  }
0xae: {  	s5 =	sshll.u32 s28, $0x1;
	[dreg:$0x2] =	wrdreg s3  }
0xaf: {  	[dreg:$0x3] =	wrdreg s5  }
0xb0: {  	[dreg:$0x4] =	wrdreg $0xC0  }
0xb1: {  	_ =	task [dreg:s7], $0x5FFFF  }
0xb2: {  	[dreg:$0x1] =	wrdreg $0xFFFFFFFF  }
0xb3: {  	[dreg:$0x0] =	wrdreg $0x60  }
0xb4: {  	[dreg:$0x2] =	wrdreg s24  }
0xb5: {  	[dreg:$0x3] =	wrdreg s16  }
0xb6: {  	[dreg:$0x4] =	wrdreg $0xA  }
0xb7: {  	_ =	task.clear_ibuf [dreg:s7], $0x5FFFF;
	_ =	strace $0x90000046  }
0xb8: {  	s29 =	simm.s32 $0xA;
	_ =	strace $0x80000048  }
0xb9: {  	_ =	swait.ge [sflag:s29], $0x1  }
0xba: {  	[sflag:s29] =	ssyncadd.s32 $0xFFFFFFFF  }
0xbb: {  	_ =	strace $0x90000048  }
0xbc: {  	_ =	sfence  }
0xbd: {  	s30 =	sld [smem:$0x0];
	_ =	sdelay $0x2  }
0xbe: {  	s31 =	sshll.u32 s1, $0xD;
	s1 =	sshrl.u32 s1, $0x2  }
0xbf: {  	s3 =	sand.u32 $0x4000, s31;
	s1 =	sadd.s32 s1, s30  }
0xc0: {  	s0 =	sor.u32 s3, s0;
	s1 =	sshll.u32 s1, $0x11  }
0xc1: {  	s0 =	sor.u32 s1, s0  }
0xc2: {  	s0 =	sadd.s32 $0x8F2B, s0  }
0xc3: {  	[sflag:s0] =	ssyncadd.remote.s32 $0x1  }
0xc4: {  	_ =	sfence.sel $0xFFFF  }
0xc5: {  	[dreg:$0x0] =	wrdreg $0xFFFFFFFF;
	(pc) =	sbr.abs _section_cstart, $3  }
0xc6: {  	[dreg:$0x1] =	wrdreg $0xFFFFFFFF  }
0xc7: {  	_ =	task.clear_ibuf [dreg:s7], $0x2FFFF;
	_ =	strace $0x9FFFFFFF  }
0xc8: {  	(tm) =	ssettm $0x7FFFFFFF  }
0xc9: {  	_ =	shalt  }
tec
execute0_lowered:
.L_overlay_start_1:
0x0: {  	(tag) =	ssettag $0x1  }
0x1: {  	s5 =	rddreg [dreg:$0x0]  }
0x2: {  	s9 =	rddreg [dreg:$0x1]  }
0x3: {  	s0 =	rddreg [dreg:$0x2]  }
0x4: {  	s2 =	simm.s32 $0x0;
	s3 =	srdreg.scid;
	s1 =	stileid.u32  }
0x5: {  	s13 =	simm.s32 $0x100;
	s14 =	simm.s32 $0x2900;
	s15 =	simm.s32 $0x1  }
0x6: {  	s16 =	simm.s32 $0x2;
	s17 =	simm.s32 $0x0;
	s7 =	smul.u32 $0x3E80, s1  }
0x7: {  	[smem:$0x7FF] =	sst s2;
	s6 =	sand.u32 $0x1, s3;
	s10 =	smul.u32 $0x3E800, s1  }
0x8: {  	s3 =	sadd.s32 $0x3B400, s5;
	s4 =	sadd.s32 $0x14200, s5;
	s8 =	smul.u32 $0x1F40, s6  }
0x9: {  	_ =	strace $0x80000047;
	s11 =	ssub.s32 $0x2, s6;
	s6 =	smul.u32 $0x1F400, s6  }
0xa: {  	s29 =	sshrl.u32 s11, $0x1;
	s30 =	sadd.s32 s10, s5;
	s7 =	sadd.s32 s8, s7  }
0xb: {  	s10 =	simm.s32 $0x3;
	s8 =	ssub.s32 s11, s29;
	s12 =	sshrl.u32 s7, $0x3  }
0xc: {  	s11 =	simm.s32 $0x80;
	s7 =	sadd.s32 s6, s30;
	s31 =	sadd.s32 s12, s5  }
0xd: {  	s5 =	smax.u32 s8, $0x1;
	s6 =	sadd.s32 $0x62600, s7;
	s7 =	sadd.s32 $0x44A600, s7  }
0xe: {  	s9 =	sadd.s32 s12, s9;
	s12 =	simm.s32 $0x50;
	s8 =	sadd.s32 $0xC400, s31  }
.LBB2_1:
0xf: {  	s18 =	sadd.s32 $0x0, s9  }
0x10: {  	[tilespmem:s2], [sflag:$0x3] =	stream.linear.gather [hbm4b:s18+s2], $0x50, $0x38;
	[tilespmem:$0x5100] =	vst v63  }
0x11: {  	_ =	swait.ge [sflag:s10], $0x50  }
0x12: {  	[sflag:s10] =	ssyncset.done $0x0  }
0x13: {  	s31 =	sadd.s32 $0x0, s8;
	[sflag:s10] =	ssyncadd.s32 $0xFFFFFFB0  }
0x14: {  	[tilespmem:s11], [sflag:$0x3] =	stream.linear.gather [hbm4b:s31+s2], $0x50, $0x38;
	[tilespmem:$0x5100] =	vst v63  }
0x15: {  	_ =	swait.ge [sflag:s10], $0x50  }
0x16: {  	[sflag:s10] =	ssyncset.done $0x0  }
0x17: {  	[sflag:s10] =	ssyncadd.s32 $0xFFFFFFB0  }
0x18: {  	[tilespmem:s13], [sflag:$0x1] =	stream.indirect.gather [hbm4b:s3+s12], $0x80, s2, s12, $0xb8;
	[tilespmem:$0x5100] =	vst v63  }
0x19: {  	_ = 	snop  }
0x1a: {  	[tilespmem:s14], [sflag:$0x2] =	stream.indirect.gather [hbm4b:s4+s12], $0x80, s11, s12, $0xb8;
	[tilespmem:$0x5100] =	vst v63  }
0x1b: {  	_ =	swait.ge [sflag:s15], $0x2800  }
0x1c: {  	[sflag:s15] =	ssyncset.done $0x0  }
0x1d: {  	[sflag:s15] =	ssyncadd.s32 $0xFFFFD800  }
0x1e: {  	_ =	swait.ge [sflag:s16], $0x2800  }
0x1f: {  	[sflag:s16] =	ssyncset.done $0x0  }
0x20: {  	[sflag:s16] =	ssyncadd.s32 $0xFFFFD800  }
0x21: {  	[hbm4b:s6+s2] =	stream.linear.scatter [tilespmem:s13], [sflag:$0x3], $0x2800, $0x38;
	[tilespmem:$0x5100] =	vst v63  }
0x22: {  	_ =	swait.ge [sflag:s10], $0x2800  }
0x23: {  	[sflag:s10] =	ssyncset.done $0x0  }
0x24: {  	[sflag:s10] =	ssyncadd.s32 $0xFFFFD800  }
0x25: {  	[hbm4b:s7+s2] =	stream.linear.scatter [tilespmem:s14], [sflag:$0x3], $0x2800, $0x38;
	[tilespmem:$0x5100] =	vst v63  }
0x26: {  	s20 =	simm.s32 $0xA;
	s21 =	simm.s32 $0x14;
	_ =	swait.ge [sflag:s10], $0x2800  }
0x27: {  	s19 =	sadd.s32 $0x500, s6;
	s18 =	sadd.s32 $0x500, s7;
	[sflag:s10] =	ssyncset.done $0x0  }
.LBB2_2:
0x28: {  	s22 =	sadd.s32 s20, s9  }
0x29: {  	[sflag:s10] =	ssyncadd.s32 $0xFFFFD800;
	s23 =	smov.u32 s21;
	s24 =	sadd.s32 $0xA, s21  }
0x2a: {  	[tilespmem:s2], [sflag:$0x3] =	stream.linear.gather [hbm4b:s22+s2], $0x50, $0x38;
	[tilespmem:$0x5100] =	vst v63  }
0x2b: {  	p0 =	sne.s32 s21, $0x3DE;
	_ =	swait.ge [sflag:s10], $0x50  }
0x2c: {  	[sflag:s10] =	ssyncset.done $0x0  }
0x2d: {  	s21 =	sadd.s32 s20, s8;
	s20 =	smov.u32 s23;
	[sflag:s10] =	ssyncadd.s32 $0xFFFFFFB0  }
0x2e: {  	[tilespmem:s11], [sflag:$0x3] =	stream.linear.gather [hbm4b:s21+s2], $0x50, $0x38;
	[tilespmem:$0x5100] =	vst v63  }
0x2f: {  	_ =	swait.ge [sflag:s10], $0x50  }
0x30: {  	[sflag:s10] =	ssyncset.done $0x0  }
0x31: {  	[sflag:s10] =	ssyncadd.s32 $0xFFFFFFB0  }
0x32: {  	[tilespmem:s13], [sflag:$0x1] =	stream.indirect.gather [hbm4b:s3+s12], $0x80, s2, s12, $0xb8;
	[tilespmem:$0x5100] =	vst v63  }
0x33: {  	_ = 	snop  }
0x34: {  	[tilespmem:s14], [sflag:$0x2] =	stream.indirect.gather [hbm4b:s4+s12], $0x80, s11, s12, $0xb8;
	[tilespmem:$0x5100] =	vst v63  }
0x35: {  	_ =	swait.ge [sflag:s15], $0x2800  }
0x36: {  	[sflag:s15] =	ssyncset.done $0x0  }
0x37: {  	[sflag:s15] =	ssyncadd.s32 $0xFFFFD800  }
0x38: {  	_ =	swait.ge [sflag:s16], $0x2800  }
0x39: {  	[sflag:s16] =	ssyncset.done $0x0  }
0x3a: {  	[sflag:s16] =	ssyncadd.s32 $0xFFFFD800  }
0x3b: {  	[hbm4b:s19+s2] =	stream.linear.scatter [tilespmem:s13], [sflag:$0x3], $0x2800, $0x38;
	[tilespmem:$0x5100] =	vst v63  }
0x3c: {  	_ =	swait.ge [sflag:s10], $0x2800  }
.Ltmp0:
0x3d: {  	[sflag:s10] =	ssyncset.done $0x0;
	(pc) =	sbr.rel @p0 .LBB2_2-.Ltmp0, $4  }
0x3e: {  	[sflag:s10] =	ssyncadd.s32 $0xFFFFD800  }
0x3f: {  	[hbm4b:s18+s2] =	stream.linear.scatter [tilespmem:s14], [sflag:$0x3], $0x2800, $0x38;
	[tilespmem:$0x5100] =	vst v63  }
0x40: {  	s21 =	smov.u32 s24;
	_ =	swait.ge [sflag:s10], $0x2800  }
0x41: {  	s19 =	sadd.s32 $0x500, s19;
	s18 =	sadd.s32 $0x500, s18;
	[sflag:s10] =	ssyncset.done $0x0  }
0x42: {  	s21 =	sadd.s32 s20, s9;
	[sflag:s10] =	ssyncadd.s32 $0xFFFFD800  }
0x43: {  	[tilespmem:s2], [sflag:$0x3] =	stream.linear.gather [hbm4b:s21+s2], $0x50, $0x38;
	[tilespmem:$0x5100] =	vst v63  }
0x44: {  	_ =	swait.ge [sflag:s10], $0x50  }
0x45: {  	[sflag:s10] =	ssyncset.done $0x0  }
0x46: {  	s31 =	sadd.s32 s20, s8;
	[sflag:s10] =	ssyncadd.s32 $0xFFFFFFB0  }
0x47: {  	[tilespmem:s11], [sflag:$0x3] =	stream.linear.gather [hbm4b:s31+s2], $0x50, $0x38;
	[tilespmem:$0x5100] =	vst v63  }
0x48: {  	_ =	swait.ge [sflag:s10], $0x50  }
0x49: {  	[sflag:s10] =	ssyncset.done $0x0  }
0x4a: {  	[sflag:s10] =	ssyncadd.s32 $0xFFFFFFB0  }
0x4b: {  	[tilespmem:s13], [sflag:$0x1] =	stream.indirect.gather [hbm4b:s3+s12], $0x80, s2, s12, $0xb8;
	[tilespmem:$0x5100] =	vst v63  }
0x4c: {  	_ = 	snop  }
0x4d: {  	[tilespmem:s14], [sflag:$0x2] =	stream.indirect.gather [hbm4b:s4+s12], $0x80, s11, s12, $0xb8;
	[tilespmem:$0x5100] =	vst v63  }
0x4e: {  	_ =	swait.ge [sflag:s15], $0x2800  }
0x4f: {  	[sflag:s15] =	ssyncset.done $0x0  }
0x50: {  	[sflag:s15] =	ssyncadd.s32 $0xFFFFD800  }
0x51: {  	_ =	swait.ge [sflag:s16], $0x2800  }
0x52: {  	[sflag:s16] =	ssyncset.done $0x0  }
0x53: {  	[sflag:s16] =	ssyncadd.s32 $0xFFFFD800  }
0x54: {  	[hbm4b:s19+s2] =	stream.linear.scatter [tilespmem:s13], [sflag:$0x3], $0x2800, $0x38;
	[tilespmem:$0x5100] =	vst v63  }
0x55: {  	s17 =	sadd.s32 $0x1, s17;
	_ =	swait.ge [sflag:s10], $0x2800  }
0x56: {  	p0 =	sne.s32 s17, s5;
	[sflag:s10] =	ssyncset.done $0x0  }
.Ltmp1:
0x57: {  	[sflag:s10] =	ssyncadd.s32 $0xFFFFD800;
	(pc) =	sbr.rel @p0 .LBB2_1-.Ltmp1, $4  }
0x58: {  	[hbm4b:s18+s2] =	stream.linear.scatter [tilespmem:s14], [sflag:$0x3], $0x2800, $0x38;
	[tilespmem:$0x5100] =	vst v63  }
0x59: {  	_ =	swait.ge [sflag:s10], $0x2800  }
0x5a: {  	[sflag:s10] =	ssyncset.done $0x0  }
0x5b: {  	[sflag:s10] =	ssyncadd.s32 $0xFFFFD800  }
0x5c: {  	_ =	sfence.sel $0x180000  }
0x5d: {  	[bflag:$0x0] =	sbarrier.arrive $0xFFFF  }
0x5e: {  	p0 =	sne.s32 s1, $0x0;
	_ =	strace $0x90000047  }
0x5f: {  	s0 =	sadd.s32 @!p0 $0x100000, s0;
	[bflag:$0x2] =	sbarrier.arrive $0xFFFF  }
0x60: {  	[sflag:s0] =	ssyncadd.tile.s32 @!p0 $0x1;
	_ =	shalt  }
.Lfunc_end2:
_tile_overlayer_lowered:
.L_overlay_start_2:
0x61: {  	(tag) =	ssettag $0x2  }
0x62: {  	s0 =	rddreg [dreg:$0x0];
	s2 =	stileid.u32  }
0x63: {  	s1 =	rddreg [dreg:$0x1];
	p0 =	sne.s32 s2, $0x0  }
0x64: {  	s3 =	rddreg [dreg:$0x2];
	[bflag:$0x3] =	sbarrier.arrive $0xFFFF;
	s2 =	simm.s32 @!p0 $0x1C03  }
0x65: {  	[timem:s3], [sflag:s2] =	dma.local @!p0 [hbm:s0], s1  }
0x66: {  	s0 =	simm.s32 @!p0 $0x3  }
0x67: {  	_ =	swait.ge @!p0 [sflag:s0], s1  }
0x68: {  	s1 =	ssub.s32 @!p0 $0x0, s1;
	[sflag:s0] =	ssyncset.done @!p0 $0x0  }
0x69: {  	[sflag:s0] =	ssyncadd.s32 @!p0 s1  }
0x6a: {  	[bflag:$0x3] =	sbarrier.arrive $0xFFFF  }
0x6b: {  	_ =	shalt  }

// kernel: kernel.36.cloned.1.call-start
scs
__scs_entry_jumppad:
0x0: {  	(pc) =	sbr.rel $0x88, $3  }
0x1: {  	(tag) =	ssettag $0x0;
	lr =	simm.s32 $0x1  }
0x2: {  	[smem:$0x3F7D] =	sst lr;
	_ =	strace $0xD0000000  }
0x3: {  	_ = 	snop  }
0x4: {  	_ = 	snop  }
0x5: {  	_ = 	snop  }
0x6: {  	_ = 	snop  }
0x7: {  	_ = 	snop  }
__scs_overlays_trampoline_lowered:
0x8: {  	[smem:$0x3F8C] =	sst s0  }
0x9: {  	[smem:$0x3F8D] =	sst s1  }
0xa: {  	[smem:$0x3F8E] =	sst s2  }
0xb: {  	[smem:$0x3F8F] =	sst s3  }
0xc: {  	[smem:$0x3F90] =	sst s4  }
0xd: {  	[smem:$0x3F91] =	sst s5  }
0xe: {  	[smem:$0x3F92] =	sst s6  }
0xf: {  	[smem:$0x3F93] =	sst s7  }
0x10: {  	[smem:$0x3F94] =	sst s8  }
0x11: {  	[smem:$0x3F95] =	sst s9;
	s0 =	simm.s32 @!p0 $0x0  }
0x12: {  	s1 =	sld [smem:$0x3F7B];
	s0 =	simm.s32 @p0 $0x1  }
0x13: {  	[smem:$0x3F96] =	sst s0;
	s0 =	simm.s32 @!p1 $0x0  }
0x14: {  	s2 =	sld [smem:$0x3F7A];
	s0 =	simm.s32 @p1 $0x1  }
0x15: {  	[smem:$0x3F97] =	sst s0;
	s0 =	simm.s32 @!p2 $0x0  }
0x16: {  	s3 =	sld [smem:$0x3FDB];
	s0 =	simm.s32 @p2 $0x1  }
0x17: {  	s4 =	simm.s32 $0x1BF5;
	[smem:$0x3F99] =	sst s0  }
0x18: {  	s0 =	sld [smem:$0x3F7C];
	_ =	swait.ge [sflag:s4], $0x0  }
0x19: {  	s7 =	sld [smem:$0x3F7D]  }
0x1a: {  	s8 =	sadd.s32 $0xFFFFE003, lr  }
0x1b: {  	s9 =	sadd.s32 $0xFFFFFEF7, lr;
	s5 =	simm.s32 $0xFFFFFFFF;
	p2 =	slt.u32 s8, $0xFFFFF086  }
0x1c: {  	p1 =	slt.u32 s9, $0xF7A;
	s5 =	simm.s32 @!p2 $0x0  }
0x1d: {  	s5 =	simm.s32 @p1 $0x1;
	p0 =	seq.s32 s7, s2  }
0x1e: {  	s7 =	smul.u32 @!p0 $0xF7A, s2;
	p2 =	seq.s32 @!p0 s5, $0x0  }
0x1f: {  	s9 =	smul.u32 $0xF7A, s1;
	s8 =	simm.s32 @!p0 $0x1BF5;
	p2 =	por !p2, p0  }
0x20: {  	[sflag:s8] =	ssyncset.s32 @!p0 $0xFFFFF086;
	s6 =	sadd.s32 @!p0 s3, s7;
	s7 =	simm.s32 @!p0 $0x108  }
0x21: {  	s3 =	sadd.s32 s3, s9;
	s6 =	sadd.s32 @!p0 $0x88, s6;
	s7 =	simm.s32 @p2 $0x1082  }
0x22: {  	[simem:s7], [sflag:s8] =	dma.local @!p0 [hbm:s6], $0xF7A  }
0x23: {  	s9 =	sor.u32 $0xD0000000, s2;
	s6 =	simm.s32 $0x108;
	_ =	swait.ge @!p0 [sflag:s8], $0x0  }
0x24: {  	s3 =	sadd.s32 $0x88, s3;
	s6 =	simm.s32 @!p1 $0x1082;
	[sflag:s4] =	ssyncset.s32 $0xFFFFF086  }
0x25: {  	[simem:s6], [sflag:s4] =	dma.local [hbm:s3], $0xF7A  }
0x26: {  	[smem:$0x3F7D] =	sst s1;
	(tag) =	ssettag s2;
	_ =	strace s9  }
0x27: {  	s1 =	sld [smem:$0x3F8D]  }
0x28: {  	s2 =	sld [smem:$0x3F8E]  }
0x29: {  	s4 =	sld [smem:$0x3F90]  }
0x2a: {  	p0 =	seq.s32 s5, $0x0;
	s5 =	sld [smem:$0x3F91]  }
0x2b: {  	s6 =	sld [smem:$0x3F92]  }
0x2c: {  	s7 =	sld [smem:$0x3F93]  }
0x2d: {  	s3 =	simm.s32 $0x108;
	s8 =	sld [smem:$0x3F94]  }
0x2e: {  	s3 =	simm.s32 @!p0 $0x1082;
	s9 =	sld [smem:$0x3F95]  }
0x2f: {  	lr =	sadd.s32 s0, s3;
	s0 =	sld [smem:$0x3F8C]  }
0x30: {  	s3 =	sld [smem:$0x3F8F]  }
0x31: {  	[smem:$0x3F98] =	sst s10  }
0x32: {  	s10 =	sld [smem:$0x3F96];
	_ =	sdelay $0x3  }
0x33: {  	p0 =	seq.s32 s10, $0x1;
	s10 =	sld [smem:$0x3F98];
	_ =	sdelay $0x3  }
0x34: {  	[smem:$0x3F98] =	sst s10  }
0x35: {  	s10 =	sld [smem:$0x3F97];
	_ =	sdelay $0x3  }
0x36: {  	p1 =	seq.s32 s10, $0x1;
	s10 =	sld [smem:$0x3F98];
	_ =	sdelay $0x3  }
0x37: {  	[smem:$0x3F98] =	sst s10  }
0x38: {  	s10 =	sld [smem:$0x3F99]  }
0x39: {  	_ = 	snop;
	(pc) =	sbr.ind lr, $3  }
0x3a: {  	_ = 	snop  }
0x3b: {  	_ = 	snop  }
0x3c: {  	p2 =	seq.s32 s10, $0x1;
	s10 =	sld [smem:$0x3F98]  }
0x3d: {  	_ =	shalt  }
0x3e: {  	_ =	shalt  }
0x3f: {  	_ =	shalt  }
0x40: {  	_ =	shalt  }
0x41: {  	_ =	shalt  }
0x42: {  	_ =	shalt  }
0x43: {  	_ =	shalt  }
0x44: {  	_ =	shalt  }
0x45: {  	_ =	shalt  }
0x46: {  	_ =	shalt  }
0x47: {  	_ =	shalt  }
0x48: {  	_ =	shalt  }
0x49: {  	_ =	shalt  }
0x4a: {  	_ =	shalt  }
0x4b: {  	_ =	shalt  }
0x4c: {  	_ =	shalt  }
0x4d: {  	_ =	shalt  }
0x4e: {  	_ =	shalt  }
0x4f: {  	_ =	shalt  }
0x50: {  	_ =	shalt  }
0x51: {  	_ =	shalt  }
0x52: {  	_ =	shalt  }
0x53: {  	_ =	shalt  }
0x54: {  	_ =	shalt  }
0x55: {  	_ =	shalt  }
0x56: {  	_ =	shalt  }
0x57: {  	_ =	shalt  }
0x58: {  	_ =	shalt  }
0x59: {  	_ =	shalt  }
0x5a: {  	_ =	shalt  }
0x5b: {  	_ =	shalt  }
0x5c: {  	_ =	shalt  }
0x5d: {  	_ =	shalt  }
0x5e: {  	_ =	shalt  }
0x5f: {  	_ =	shalt  }
0x60: {  	_ =	shalt  }
0x61: {  	_ =	shalt  }
0x62: {  	_ =	shalt  }
0x63: {  	_ =	shalt  }
0x64: {  	_ =	shalt  }
0x65: {  	_ =	shalt  }
0x66: {  	_ =	shalt  }
0x67: {  	_ =	shalt  }
0x68: {  	_ =	shalt  }
0x69: {  	_ =	shalt  }
0x6a: {  	_ =	shalt  }
0x6b: {  	_ =	shalt  }
0x6c: {  	_ =	shalt  }
0x6d: {  	_ =	shalt  }
0x6e: {  	_ =	shalt  }
0x6f: {  	_ =	shalt  }
0x70: {  	_ =	shalt  }
0x71: {  	_ =	shalt  }
0x72: {  	_ =	shalt  }
0x73: {  	_ =	shalt  }
0x74: {  	_ =	shalt  }
0x75: {  	_ =	shalt  }
0x76: {  	_ =	shalt  }
0x77: {  	_ =	shalt  }
0x78: {  	_ =	shalt  }
0x79: {  	_ =	shalt  }
0x7a: {  	_ =	shalt  }
0x7b: {  	_ =	shalt  }
0x7c: {  	_ =	shalt  }
0x7d: {  	_ =	shalt  }
0x7e: {  	_ =	shalt  }
0x7f: {  	_ =	shalt  }
0x80: {  	_ =	shalt  }
0x81: {  	_ =	shalt  }
0x82: {  	_ =	shalt  }
0x83: {  	_ =	shalt  }
0x84: {  	_ =	shalt  }
0x85: {  	_ =	shalt  }
0x86: {  	_ =	shalt  }
0x87: {  	_ =	shalt  }
.Lfunc_end0:
.L_simem_size_0:
called_computation.5_lowered:
.L_overlay_start_0:
0x88: {  	s2 =	sld [smem:$0x3FD9]  }
0x89: {  	s3 =	sld [smem:$0x3FFE];
	_ =	sdelay $0x1  }
0x8a: {  	s1 =	srdreg.scid  }
0x8b: {  	s0 =	sand.u32 $0x1, s1  }
0x8c: {  	s15 =	sshll.u32 s0, $0xA;
	s2 =	sadd.s32 s3, s2  }
0x8d: {  	s2 =	sadd.s32 s2, s15  }
0x8e: {  	[smem:$0x3FA4] =	sst s2  }
0x8f: {  	_ = 	snop  }
0x90: {  	s2 =	sld [smem:$0x3FD0];
	_ =	sdelay $0x2  }
0x91: {  	s16 =	simm.s32 $0xB;
	s4 =	simm.s32 $0x10  }
0x92: {  	[smem:s4], [sflag:s16] =	dma.local [hbm:s2], $0x1  }
0x93: {  	_ =	swait.eq [sflag:s16], $0x1  }
0x94: {  	[sflag:s16] =	ssyncset.done $0x0  }
0x95: {  	[sflag:s16] =	ssyncadd.s32 $0xFFFFFFFF  }
0x96: {  	s17 =	sld [smem:$0x13];
	(tm) =	ssettm $0x1  }
0x97: {  	s18 =	sld [smem:$0x3FFB];
	_ =	sdelay $0x3  }
0x98: {  	_ =	strace s18  }
0x99: {  	s2 =	sld [smem:$0x3FFC];
	_ =	sdelay $0x3  }
0x9a: {  	_ =	strace s2  }
0x9b: {  	s2 =	sld [smem:$0x3FFD];
	_ =	sdelay $0x3  }
0x9c: {  	_ =	strace s2  }
0x9d: {  	_ =	strace $0x8FFFFFFF  }
0x9e: {  	s19 =	sld [smem:$0x3FDB];
	_ =	sdelay $0x1  }
0x9f: {  	s20 =	simm.s32 $_scs_section_size  }
0xa0: {  	s5 =	simm.s32 $_size__tile_overlayer_lowered;
	s6 =	simm.s32 $_tile_overlayer_lowered  }
0xa1: {  	s7 =	simm.s32 $0x1BFF;
	s21 =	sshll.u32 s6, $0x1;
	s4 =	sadd.s32 s20, s19  }
0xa2: {  	s22 =	simm.s32 $0x0;
	s5 =	sshll.u32 s5, $0x1;
	s6 =	sadd.s32 s21, s4  }
0xa3: {  	[timem:s22], [sflag:s7] =	dma.local [hbm:s6], s5  }
0xa4: {  	_ =	swait.ge [sflag:s7], s5  }
0xa5: {  	s5 =	ssub.s32 $0x0, s5;
	[sflag:s7] =	ssyncset.done $0x0  }
0xa6: {  	[sflag:s7] =	ssyncadd.s32 s5;
	_ =	sdelay $0x1  }
0xa7: {  	s23 =	simm.s32 $0x1B8B  }
0xa8: {  	_ =	swait.ge [sflag:s23], $0x1  }
0xa9: {  	[sflag:s23] =	ssyncset.done $0x0  }
0xaa: {  	[sflag:s23] =	ssyncadd.s32 $0xFFFFFFFF  }
0xab: {  	s5 =	sld [smem:$0x0]  }
0xac: {  	s6 =	sand.u32 $0xFFFFFFFE, s1  }
0xad: {  	p0 =	sne.s32 s1, s6  }
0xae: {  	s6 =	sshll.u32 @p0 s6, $0xE  }
0xaf: {  	s6 =	sadd.s32 @p0 $0x11B8D, s6;
	s7 =	sshll.u32 @p0 s5, $0x11  }
0xb0: {  	s6 =	sor.u32 @p0 s7, s6  }
0xb1: {  	[sflag:s6] =	ssyncadd.remote.s32 @p0 $0x1;
	_ =	sdelay $0x1  }
0xb2: {  	s6 =	simm.s32 @p0 $0x1B8D  }
0xb3: {  	_ =	swait.eq @p0 [sflag:s6], $0x1  }
0xb4: {  	[sflag:s6] =	ssyncadd.s32 @p0 $0xFFFFFFFF  }
0xb5: {  	s7 =	sshll.u32 @!p0 s1, $0xE  }
0xb6: {  	s7 =	sor.u32 @!p0 $0x4000, s7;
	s6 =	simm.s32 @!p0 $0x1B8D  }
0xb7: {  	s5 =	sshll.u32 @!p0 s5, $0x11;
	s7 =	sadd.s32 @!p0 $0x11B8D, s7;
	_ =	swait.eq @!p0 [sflag:s6], $0x1  }
0xb8: {  	s5 =	sor.u32 @!p0 s5, s7;
	[sflag:s6] =	ssyncadd.s32 @!p0 $0xFFFFFFFF  }
0xb9: {  	s25 =	simm.s32 $0x1B8E;
	s24 =	sld [smem:$0x3FFE];
	[sflag:s5] =	ssyncadd.remote.s32 @!p0 $0x1  }
0xba: {  	s26 =	simm.s32 $execute0_lowered;
	[smem:$0x3FD2] =	sst s25  }
0xbb: {  	s6 =	sshll.u32 s26, $0x1;
	_ =	strace $0x8000004C;
	[dreg:$0x1] =	wrdreg $0xFFFFFFFF  }
0xbc: {  	s28 =	simm.s32 $_size_execute0_lowered;
	s4 =	sadd.s32 s4, s6;
	[dreg:$0x0] =	wrdreg $0x0  }
0xbd: {  	s6 =	sshll.u32 s28, $0x1;
	[dreg:$0x2] =	wrdreg s4  }
0xbe: {  	[dreg:$0x3] =	wrdreg s6  }
0xbf: {  	[dreg:$0x4] =	wrdreg $0xC0  }
0xc0: {  	_ =	task [dreg:s22], $0x5FFFF  }
0xc1: {  	[dreg:$0x1] =	wrdreg $0xFFFFFFFF  }
0xc2: {  	[dreg:$0x0] =	wrdreg $0x60  }
0xc3: {  	[dreg:$0x2] =	wrdreg s24  }
0xc4: {  	[dreg:$0x3] =	wrdreg s17  }
0xc5: {  	[dreg:$0x4] =	wrdreg $0x28800  }
0xc6: {  	[dreg:$0x5] =	wrdreg $0xA  }
0xc7: {  	_ =	task.clear_ibuf [dreg:s22], $0x6FFFF;
	_ =	strace $0x9000004C  }
0xc8: {  	s29 =	simm.s32 $0xA;
	_ =	strace $0x8000004E  }
0xc9: {  	_ =	swait.ge [sflag:s29], $0x1  }
0xca: {  	[sflag:s29] =	ssyncadd.s32 $0xFFFFFFFF  }
0xcb: {  	_ =	strace $0x9000004E  }
0xcc: {  	_ =	sfence  }
0xcd: {  	s30 =	sld [smem:$0x0];
	_ =	sdelay $0x2  }
0xce: {  	s31 =	sshll.u32 s1, $0xD;
	s1 =	sshrl.u32 s1, $0x2  }
0xcf: {  	s4 =	sand.u32 $0x4000, s31;
	s1 =	sadd.s32 s1, s30  }
0xd0: {  	s0 =	sor.u32 s4, s0;
	s1 =	sshll.u32 s1, $0x11  }
0xd1: {  	s0 =	sor.u32 s1, s0  }
0xd2: {  	s0 =	sadd.s32 $0x8F2B, s0  }
0xd3: {  	[sflag:s0] =	ssyncadd.remote.s32 $0x1  }
0xd4: {  	_ =	sfence.sel $0xFFFF  }
0xd5: {  	[dreg:$0x0] =	wrdreg $0xFFFFFFFF;
	(pc) =	sbr.abs _section_cstart, $3  }
0xd6: {  	[dreg:$0x1] =	wrdreg $0xFFFFFFFF  }
0xd7: {  	_ =	task.clear_ibuf [dreg:s22], $0x2FFFF;
	_ =	strace $0x9FFFFFFF  }
0xd8: {  	(tm) =	ssettm $0x7FFFFFFF  }
0xd9: {  	_ =	shalt  }
tec
execute0_lowered:
.L_overlay_start_1:
0x0: {  	(tag) =	ssettag $0x1  }
0x1: {  	s4 =	rddreg [dreg:$0x0];
	s0 =	stileid.u32  }
0x2: {  	s10 =	rddreg [dreg:$0x1];
	s5 =	smul.u32 $0x3E800, s0  }
0x3: {  	s1 =	srdreg.scid;
	s6 =	smul.u32 $0x13C00, s0  }
0x4: {  	s2 =	rddreg [dreg:$0x2];
	s3 =	simm.s32 $0x0;
	s25 =	smul.u32 $0x4F000, s0  }
0x5: {  	s7 =	sand.u32 $0x1, s1;
	s1 =	rddreg [dreg:$0x3];
	s12 =	smul.u32 $0x3E80, s0  }
0x6: {  	s16 =	simm.s32 $0x0;
	[smem:$0x7FF] =	sst s3;
	s8 =	smul.u32 $0x278000, s7  }
0x7: {  	s30 =	sshll.u32 s0, $0x6;
	_ =	strace $0x8000004D;
	s29 =	smul.u32 $0x1F40, s7  }
0x8: {  	s26 =	ssub.s32 $0x2, s7;
	s15 =	smul.u32 $0x1F400, s7;
	s9 =	sadd.s32 s5, s4  }
0x9: {  	s28 =	sshrl.u32 s26, $0x1;
	s24 =	sadd.s32 s6, s8;
	s6 =	sshrl.u32 s6, $0x3  }
0xa: {  	s8 =	sshrl.u32 s25, $0x2;
	s13 =	ssub.s32 s26, s28;
	s31 =	sadd.s32 s15, s9  }
0xb: {  	s15 =	simm.s32 $0x50;
	s5 =	sshrl.u32 s24, $0x3;
	s6 =	sadd.s32 s6, s4  }
0xc: {  	s14 =	sadd.s32 s8, s2;
	s8 =	sadd.s32 s29, s12;
	s9 =	sadd.s32 $0x16EC200, s31  }
0xd: {  	s11 =	sadd.s32 s5, s4;
	s4 =	sadd.s32 $0x1EBC200, s6;
	s5 =	sor.u32 $0x1C01, s30  }
0xe: {  	s12 =	sshrl.u32 s8, $0x3;
	s8 =	smax.u32 s13, $0x1;
	s13 =	simm.s32 $0x1  }
0xf: {  	s6 =	sadd.s32 $0x1EE3A00, s11;
	s7 =	sadd.s32 $0x1F0B200, s11;
	s10 =	sadd.s32 s12, s10  }
0x10: {  	s11 =	sadd.s32 $0x1AD4200, s31;
	s12 =	sshrl.u32 s14, $0x3;
	s14 =	simm.s32 $0x80  }
.LBB2_1:
0x11: {  	[spmem:s12], [sflag:s5] =	dma.local [hbm:s4], $0x2780  }
0x12: {  	_ =	swait.ge [sflag:s13], $0x2780  }
0x13: {  	[sflag:s13] =	ssyncset.done $0x0  }
0x14: {  	[sflag:s13] =	ssyncadd.s32 $0xFFFFD880  }
0x15: {  	s17 =	sadd.s32 $0x0, s10;
	[bflag:$0x0] =	sbarrier.arrive $0xFFFF  }
0x16: {  	[tilespmem:s3], [sflag:$0x1] =	stream.linear.gather [hbm4b:s17+s3], $0x50, $0x38;
	[tilespmem:$0x16480] =	vst v63  }
0x17: {  	_ =	swait.ge [sflag:s13], $0x50  }
0x18: {  	[sflag:s13] =	ssyncset.done $0x0  }
0x19: {  	[sflag:s13] =	ssyncadd.s32 $0xFFFFFFB0  }
0x1a: {  	[tilespmem:s14], [sflag:$0x1] =	stream.linear.gather [hbm4b:s9+s3], $0x2800, $0x38;
	[tilespmem:$0x16480] =	vst v63  }
0x1b: {  	_ =	swait.ge [sflag:s13], $0x2800  }
0x1c: {  	[sflag:s13] =	ssyncset.done $0x0  }
0x1d: {  	[sflag:s13] =	ssyncadd.s32 $0xFFFFD800  }
0x1e: {  	[spmem:s2] =	stream.indirect.scatter.add.f32 [tilespmem:s14], [sflag:$0x1], $0x80, s3, s15, $0xb8;
	[tilespmem:$0x16480] =	vst v63  }
0x1f: {  	s18 =	simm.s32 $0xA;
	_ =	swait.ge [sflag:s13], $0x2800  }
0x20: {  	s19 =	simm.s32 $0x14;
	s17 =	sadd.s32 $0x500, s9;
	[sflag:s13] =	ssyncset.done $0x0  }
.LBB2_2:
0x21: {  	s20 =	sadd.s32 s18, s10  }
0x22: {  	[sflag:s13] =	ssyncadd.s32 $0xFFFFD800;
	s18 =	smov.u32 s19;
	s21 =	sadd.s32 $0xA, s19  }
0x23: {  	[tilespmem:s3], [sflag:$0x1] =	stream.linear.gather [hbm4b:s20+s3], $0x50, $0x38;
	[tilespmem:$0x16480] =	vst v63  }
0x24: {  	p0 =	sne.s32 s19, $0x3DE;
	_ =	swait.ge [sflag:s13], $0x50  }
0x25: {  	[sflag:s13] =	ssyncset.done $0x0  }
0x26: {  	[sflag:s13] =	ssyncadd.s32 $0xFFFFFFB0  }
0x27: {  	[tilespmem:s14], [sflag:$0x1] =	stream.linear.gather [hbm4b:s17+s3], $0x2800, $0x38;
	[tilespmem:$0x16480] =	vst v63  }
0x28: {  	_ =	swait.ge [sflag:s13], $0x2800  }
.Ltmp0:
0x29: {  	[sflag:s13] =	ssyncset.done $0x0;
	(pc) =	sbr.rel @p0 .LBB2_2-.Ltmp0, $4  }
0x2a: {  	[sflag:s13] =	ssyncadd.s32 $0xFFFFD800  }
0x2b: {  	[spmem:s2] =	stream.indirect.scatter.add.f32 [tilespmem:s14], [sflag:$0x1], $0x80, s3, s15, $0xb8;
	[tilespmem:$0x16480] =	vst v63  }
0x2c: {  	_ =	swait.ge [sflag:s13], $0x2800  }
0x2d: {  	s19 =	smov.u32 s21;
	s17 =	sadd.s32 $0x500, s17;
	[sflag:s13] =	ssyncset.done $0x0  }
0x2e: {  	s18 =	sadd.s32 s18, s10;
	[sflag:s13] =	ssyncadd.s32 $0xFFFFD800  }
0x2f: {  	[tilespmem:s3], [sflag:$0x1] =	stream.linear.gather [hbm4b:s18+s3], $0x50, $0x38;
	[tilespmem:$0x16480] =	vst v63  }
0x30: {  	_ =	swait.ge [sflag:s13], $0x50  }
0x31: {  	[sflag:s13] =	ssyncset.done $0x0  }
0x32: {  	[sflag:s13] =	ssyncadd.s32 $0xFFFFFFB0  }
0x33: {  	[tilespmem:s14], [sflag:$0x1] =	stream.linear.gather [hbm4b:s17+s3], $0x2800, $0x38;
	[tilespmem:$0x16480] =	vst v63  }
0x34: {  	_ =	swait.ge [sflag:s13], $0x2800  }
0x35: {  	[sflag:s13] =	ssyncset.done $0x0  }
0x36: {  	[sflag:s13] =	ssyncadd.s32 $0xFFFFD800  }
0x37: {  	[spmem:s2] =	stream.indirect.scatter.add.f32 [tilespmem:s14], [sflag:$0x1], $0x80, s3, s15, $0xb8;
	[tilespmem:$0x16480] =	vst v63  }
0x38: {  	_ =	swait.ge [sflag:s13], $0x2800  }
0x39: {  	[sflag:s13] =	ssyncset.done $0x0  }
0x3a: {  	[sflag:s13] =	ssyncadd.s32 $0xFFFFD800  }
0x3b: {  	[bflag:$0x0] =	sbarrier.arrive $0xFFFF  }
0x3c: {  	[hbm:s6], [sflag:s5] =	dma.local [spmem:s12], $0x2780  }
0x3d: {  	_ =	swait.ge [sflag:s13], $0x2780  }
0x3e: {  	[sflag:s13] =	ssyncset.done $0x0  }
0x3f: {  	[sflag:s13] =	ssyncadd.s32 $0xFFFFD880  }
0x40: {  	[spmem:s12], [sflag:s5] =	dma.local [hbm:s4], $0x2780  }
0x41: {  	_ =	swait.ge [sflag:s13], $0x2780  }
0x42: {  	[sflag:s13] =	ssyncset.done $0x0  }
0x43: {  	[sflag:s13] =	ssyncadd.s32 $0xFFFFD880  }
0x44: {  	s31 =	sadd.s32 $0x0, s10;
	[bflag:$0x0] =	sbarrier.arrive $0xFFFF  }
0x45: {  	[tilespmem:s3], [sflag:$0x1] =	stream.linear.gather [hbm4b:s31+s3], $0x50, $0x38;
	[tilespmem:$0x16480] =	vst v63  }
0x46: {  	_ =	swait.ge [sflag:s13], $0x50  }
0x47: {  	[sflag:s13] =	ssyncset.done $0x0  }
0x48: {  	[sflag:s13] =	ssyncadd.s32 $0xFFFFFFB0  }
0x49: {  	[tilespmem:s14], [sflag:$0x1] =	stream.linear.gather [hbm4b:s11+s3], $0x2800, $0x38;
	[tilespmem:$0x16480] =	vst v63  }
0x4a: {  	_ =	swait.ge [sflag:s13], $0x2800  }
0x4b: {  	[sflag:s13] =	ssyncset.done $0x0  }
0x4c: {  	[sflag:s13] =	ssyncadd.s32 $0xFFFFD800  }
0x4d: {  	[spmem:s2] =	stream.indirect.scatter.add.f32 [tilespmem:s14], [sflag:$0x1], $0x80, s3, s15, $0xb8;
	[tilespmem:$0x16480] =	vst v63  }
0x4e: {  	s19 =	simm.s32 $0x14;
	_ =	swait.ge [sflag:s13], $0x2800  }
0x4f: {  	s18 =	simm.s32 $0xA;
	s17 =	sadd.s32 $0x500, s11;
	[sflag:s13] =	ssyncset.done $0x0  }
.LBB2_4:
0x50: {  	s20 =	sadd.s32 s18, s10  }
0x51: {  	[sflag:s13] =	ssyncadd.s32 $0xFFFFD800;
	s18 =	smov.u32 s19;
	s21 =	sadd.s32 $0xA, s19  }
0x52: {  	[tilespmem:s3], [sflag:$0x1] =	stream.linear.gather [hbm4b:s20+s3], $0x50, $0x38;
	[tilespmem:$0x16480] =	vst v63  }
0x53: {  	p0 =	sne.s32 s19, $0x3DE;
	_ =	swait.ge [sflag:s13], $0x50  }
0x54: {  	[sflag:s13] =	ssyncset.done $0x0  }
0x55: {  	[sflag:s13] =	ssyncadd.s32 $0xFFFFFFB0  }
0x56: {  	[tilespmem:s14], [sflag:$0x1] =	stream.linear.gather [hbm4b:s17+s3], $0x2800, $0x38;
	[tilespmem:$0x16480] =	vst v63  }
0x57: {  	_ =	swait.ge [sflag:s13], $0x2800  }
.Ltmp1:
0x58: {  	[sflag:s13] =	ssyncset.done $0x0;
	(pc) =	sbr.rel @p0 .LBB2_4-.Ltmp1, $4  }
0x59: {  	[sflag:s13] =	ssyncadd.s32 $0xFFFFD800  }
0x5a: {  	[spmem:s2] =	stream.indirect.scatter.add.f32 [tilespmem:s14], [sflag:$0x1], $0x80, s3, s15, $0xb8;
	[tilespmem:$0x16480] =	vst v63  }
0x5b: {  	_ =	swait.ge [sflag:s13], $0x2800  }
0x5c: {  	s19 =	smov.u32 s21;
	s17 =	sadd.s32 $0x500, s17;
	[sflag:s13] =	ssyncset.done $0x0  }
0x5d: {  	s18 =	sadd.s32 s18, s10;
	[sflag:s13] =	ssyncadd.s32 $0xFFFFD800  }
0x5e: {  	[tilespmem:s3], [sflag:$0x1] =	stream.linear.gather [hbm4b:s18+s3], $0x50, $0x38;
	[tilespmem:$0x16480] =	vst v63  }
0x5f: {  	_ =	swait.ge [sflag:s13], $0x50  }
0x60: {  	[sflag:s13] =	ssyncset.done $0x0  }
0x61: {  	[sflag:s13] =	ssyncadd.s32 $0xFFFFFFB0  }
0x62: {  	[tilespmem:s14], [sflag:$0x1] =	stream.linear.gather [hbm4b:s17+s3], $0x2800, $0x38;
	[tilespmem:$0x16480] =	vst v63  }
0x63: {  	_ =	swait.ge [sflag:s13], $0x2800  }
0x64: {  	[sflag:s13] =	ssyncset.done $0x0  }
0x65: {  	[sflag:s13] =	ssyncadd.s32 $0xFFFFD800  }
0x66: {  	[spmem:s2] =	stream.indirect.scatter.add.f32 [tilespmem:s14], [sflag:$0x1], $0x80, s3, s15, $0xb8;
	[tilespmem:$0x16480] =	vst v63  }
0x67: {  	_ =	swait.ge [sflag:s13], $0x2800  }
0x68: {  	s16 =	sadd.s32 $0x1, s16;
	[sflag:s13] =	ssyncset.done $0x0  }
0x69: {  	p0 =	sne.s32 s16, s8;
	[sflag:s13] =	ssyncadd.s32 $0xFFFFD800  }
.Ltmp2:
0x6a: {  	[bflag:$0x0] =	sbarrier.arrive $0xFFFF;
	(pc) =	sbr.rel @p0 .LBB2_1-.Ltmp2, $4  }
0x6b: {  	[hbm:s7], [sflag:s5] =	dma.local [spmem:s12], $0x2780  }
0x6c: {  	_ =	swait.ge [sflag:s13], $0x2780  }
0x6d: {  	[sflag:s13] =	ssyncset.done $0x0  }
0x6e: {  	[sflag:s13] =	ssyncadd.s32 $0xFFFFD880  }
0x6f: {  	_ =	sfence.sel $0x180000  }
0x70: {  	[bflag:$0x0] =	sbarrier.arrive $0xFFFF  }
0x71: {  	p0 =	sne.s32 s0, $0x0;
	_ =	strace $0x9000004D  }
0x72: {  	s0 =	sadd.s32 @!p0 $0x100000, s1;
	[bflag:$0x2] =	sbarrier.arrive $0xFFFF  }
0x73: {  	[sflag:s0] =	ssyncadd.tile.s32 @!p0 $0x1;
	_ =	shalt  }
.Lfunc_end2:
_tile_overlayer_lowered:
.L_overlay_start_2:
0x74: {  	(tag) =	ssettag $0x2  }
0x75: {  	s0 =	rddreg [dreg:$0x0];
	s2 =	stileid.u32  }
0x76: {  	s1 =	rddreg [dreg:$0x1];
	p0 =	sne.s32 s2, $0x0  }
0x77: {  	s3 =	rddreg [dreg:$0x2];
	[bflag:$0x3] =	sbarrier.arrive $0xFFFF;
	s2 =	simm.s32 @!p0 $0x1C01  }
0x78: {  	[timem:s3], [sflag:s2] =	dma.local @!p0 [hbm:s0], s1  }
0x79: {  	s0 =	simm.s32 @!p0 $0x1  }
0x7a: {  	_ =	swait.ge @!p0 [sflag:s0], s1  }
0x7b: {  	s1 =	ssub.s32 @!p0 $0x0, s1;
	[sflag:s0] =	ssyncset.done @!p0 $0x0  }
0x7c: {  	[sflag:s0] =	ssyncadd.s32 @!p0 s1  }
0x7d: {  	[bflag:$0x3] =	sbarrier.arrive $0xFFFF  }
0x7e: {  	_ =	shalt  }

// kernel: kernel.39.cloned.1.call-start
scs
__scs_entry_jumppad:
0x0: {  	(pc) =	sbr.rel $0x88, $3  }
0x1: {  	(tag) =	ssettag $0x0;
	lr =	simm.s32 $0x1  }
0x2: {  	[smem:$0x3F7D] =	sst lr;
	_ =	strace $0xD0000000  }
0x3: {  	_ = 	snop  }
0x4: {  	_ = 	snop  }
0x5: {  	_ = 	snop  }
0x6: {  	_ = 	snop  }
0x7: {  	_ = 	snop  }
__scs_overlays_trampoline_lowered:
0x8: {  	[smem:$0x3F8C] =	sst s0  }
0x9: {  	[smem:$0x3F8D] =	sst s1  }
0xa: {  	[smem:$0x3F8E] =	sst s2  }
0xb: {  	[smem:$0x3F8F] =	sst s3  }
0xc: {  	[smem:$0x3F90] =	sst s4  }
0xd: {  	[smem:$0x3F91] =	sst s5  }
0xe: {  	[smem:$0x3F92] =	sst s6  }
0xf: {  	[smem:$0x3F93] =	sst s7  }
0x10: {  	[smem:$0x3F94] =	sst s8  }
0x11: {  	[smem:$0x3F95] =	sst s9;
	s0 =	simm.s32 @!p0 $0x0  }
0x12: {  	s1 =	sld [smem:$0x3F7B];
	s0 =	simm.s32 @p0 $0x1  }
0x13: {  	[smem:$0x3F96] =	sst s0;
	s0 =	simm.s32 @!p1 $0x0  }
0x14: {  	s2 =	sld [smem:$0x3F7A];
	s0 =	simm.s32 @p1 $0x1  }
0x15: {  	[smem:$0x3F97] =	sst s0;
	s0 =	simm.s32 @!p2 $0x0  }
0x16: {  	s3 =	sld [smem:$0x3FDB];
	s0 =	simm.s32 @p2 $0x1  }
0x17: {  	s4 =	simm.s32 $0x1BF5;
	[smem:$0x3F99] =	sst s0  }
0x18: {  	s0 =	sld [smem:$0x3F7C];
	_ =	swait.ge [sflag:s4], $0x0  }
0x19: {  	s7 =	sld [smem:$0x3F7D]  }
0x1a: {  	s8 =	sadd.s32 $0xFFFFE003, lr  }
0x1b: {  	s9 =	sadd.s32 $0xFFFFFEF7, lr;
	s5 =	simm.s32 $0xFFFFFFFF;
	p2 =	slt.u32 s8, $0xFFFFF086  }
0x1c: {  	p1 =	slt.u32 s9, $0xF7A;
	s5 =	simm.s32 @!p2 $0x0  }
0x1d: {  	s5 =	simm.s32 @p1 $0x1;
	p0 =	seq.s32 s7, s2  }
0x1e: {  	s7 =	smul.u32 @!p0 $0xF7A, s2;
	p2 =	seq.s32 @!p0 s5, $0x0  }
0x1f: {  	s9 =	smul.u32 $0xF7A, s1;
	s8 =	simm.s32 @!p0 $0x1BF5;
	p2 =	por !p2, p0  }
0x20: {  	[sflag:s8] =	ssyncset.s32 @!p0 $0xFFFFF086;
	s6 =	sadd.s32 @!p0 s3, s7;
	s7 =	simm.s32 @!p0 $0x108  }
0x21: {  	s3 =	sadd.s32 s3, s9;
	s6 =	sadd.s32 @!p0 $0x88, s6;
	s7 =	simm.s32 @p2 $0x1082  }
0x22: {  	[simem:s7], [sflag:s8] =	dma.local @!p0 [hbm:s6], $0xF7A  }
0x23: {  	s9 =	sor.u32 $0xD0000000, s2;
	s6 =	simm.s32 $0x108;
	_ =	swait.ge @!p0 [sflag:s8], $0x0  }
0x24: {  	s3 =	sadd.s32 $0x88, s3;
	s6 =	simm.s32 @!p1 $0x1082;
	[sflag:s4] =	ssyncset.s32 $0xFFFFF086  }
0x25: {  	[simem:s6], [sflag:s4] =	dma.local [hbm:s3], $0xF7A  }
0x26: {  	[smem:$0x3F7D] =	sst s1;
	(tag) =	ssettag s2;
	_ =	strace s9  }
0x27: {  	s1 =	sld [smem:$0x3F8D]  }
0x28: {  	s2 =	sld [smem:$0x3F8E]  }
0x29: {  	s4 =	sld [smem:$0x3F90]  }
0x2a: {  	p0 =	seq.s32 s5, $0x0;
	s5 =	sld [smem:$0x3F91]  }
0x2b: {  	s6 =	sld [smem:$0x3F92]  }
0x2c: {  	s7 =	sld [smem:$0x3F93]  }
0x2d: {  	s3 =	simm.s32 $0x108;
	s8 =	sld [smem:$0x3F94]  }
0x2e: {  	s3 =	simm.s32 @!p0 $0x1082;
	s9 =	sld [smem:$0x3F95]  }
0x2f: {  	lr =	sadd.s32 s0, s3;
	s0 =	sld [smem:$0x3F8C]  }
0x30: {  	s3 =	sld [smem:$0x3F8F]  }
0x31: {  	[smem:$0x3F98] =	sst s10  }
0x32: {  	s10 =	sld [smem:$0x3F96];
	_ =	sdelay $0x3  }
0x33: {  	p0 =	seq.s32 s10, $0x1;
	s10 =	sld [smem:$0x3F98];
	_ =	sdelay $0x3  }
0x34: {  	[smem:$0x3F98] =	sst s10  }
0x35: {  	s10 =	sld [smem:$0x3F97];
	_ =	sdelay $0x3  }
0x36: {  	p1 =	seq.s32 s10, $0x1;
	s10 =	sld [smem:$0x3F98];
	_ =	sdelay $0x3  }
0x37: {  	[smem:$0x3F98] =	sst s10  }
0x38: {  	s10 =	sld [smem:$0x3F99]  }
0x39: {  	_ = 	snop;
	(pc) =	sbr.ind lr, $3  }
0x3a: {  	_ = 	snop  }
0x3b: {  	_ = 	snop  }
0x3c: {  	p2 =	seq.s32 s10, $0x1;
	s10 =	sld [smem:$0x3F98]  }
0x3d: {  	_ =	shalt  }
0x3e: {  	_ =	shalt  }
0x3f: {  	_ =	shalt  }
0x40: {  	_ =	shalt  }
0x41: {  	_ =	shalt  }
0x42: {  	_ =	shalt  }
0x43: {  	_ =	shalt  }
0x44: {  	_ =	shalt  }
0x45: {  	_ =	shalt  }
0x46: {  	_ =	shalt  }
0x47: {  	_ =	shalt  }
0x48: {  	_ =	shalt  }
0x49: {  	_ =	shalt  }
0x4a: {  	_ =	shalt  }
0x4b: {  	_ =	shalt  }
0x4c: {  	_ =	shalt  }
0x4d: {  	_ =	shalt  }
0x4e: {  	_ =	shalt  }
0x4f: {  	_ =	shalt  }
0x50: {  	_ =	shalt  }
0x51: {  	_ =	shalt  }
0x52: {  	_ =	shalt  }
0x53: {  	_ =	shalt  }
0x54: {  	_ =	shalt  }
0x55: {  	_ =	shalt  }
0x56: {  	_ =	shalt  }
0x57: {  	_ =	shalt  }
0x58: {  	_ =	shalt  }
0x59: {  	_ =	shalt  }
0x5a: {  	_ =	shalt  }
0x5b: {  	_ =	shalt  }
0x5c: {  	_ =	shalt  }
0x5d: {  	_ =	shalt  }
0x5e: {  	_ =	shalt  }
0x5f: {  	_ =	shalt  }
0x60: {  	_ =	shalt  }
0x61: {  	_ =	shalt  }
0x62: {  	_ =	shalt  }
0x63: {  	_ =	shalt  }
0x64: {  	_ =	shalt  }
0x65: {  	_ =	shalt  }
0x66: {  	_ =	shalt  }
0x67: {  	_ =	shalt  }
0x68: {  	_ =	shalt  }
0x69: {  	_ =	shalt  }
0x6a: {  	_ =	shalt  }
0x6b: {  	_ =	shalt  }
0x6c: {  	_ =	shalt  }
0x6d: {  	_ =	shalt  }
0x6e: {  	_ =	shalt  }
0x6f: {  	_ =	shalt  }
0x70: {  	_ =	shalt  }
0x71: {  	_ =	shalt  }
0x72: {  	_ =	shalt  }
0x73: {  	_ =	shalt  }
0x74: {  	_ =	shalt  }
0x75: {  	_ =	shalt  }
0x76: {  	_ =	shalt  }
0x77: {  	_ =	shalt  }
0x78: {  	_ =	shalt  }
0x79: {  	_ =	shalt  }
0x7a: {  	_ =	shalt  }
0x7b: {  	_ =	shalt  }
0x7c: {  	_ =	shalt  }
0x7d: {  	_ =	shalt  }
0x7e: {  	_ =	shalt  }
0x7f: {  	_ =	shalt  }
0x80: {  	_ =	shalt  }
0x81: {  	_ =	shalt  }
0x82: {  	_ =	shalt  }
0x83: {  	_ =	shalt  }
0x84: {  	_ =	shalt  }
0x85: {  	_ =	shalt  }
0x86: {  	_ =	shalt  }
0x87: {  	_ =	shalt  }
.Lfunc_end0:
.L_simem_size_0:
called_computation.6_lowered:
.L_overlay_start_0:
0x88: {  	s2 =	sld [smem:$0x3FD9]  }
0x89: {  	s3 =	sld [smem:$0x3FFE];
	_ =	sdelay $0x1  }
0x8a: {  	s1 =	srdreg.scid  }
0x8b: {  	s0 =	sand.u32 $0x1, s1  }
0x8c: {  	s15 =	sshll.u32 s0, $0xA;
	s2 =	sadd.s32 s3, s2  }
0x8d: {  	s2 =	sadd.s32 s2, s15  }
0x8e: {  	[smem:$0x3FA4] =	sst s2  }
0x8f: {  	_ = 	snop  }
0x90: {  	s2 =	sld [smem:$0x3FD0];
	_ =	sdelay $0x2  }
0x91: {  	s16 =	simm.s32 $0xB;
	s4 =	simm.s32 $0x10  }
0x92: {  	[smem:s4], [sflag:s16] =	dma.local [hbm:s2], $0x1  }
0x93: {  	_ =	swait.eq [sflag:s16], $0x1  }
0x94: {  	[sflag:s16] =	ssyncset.done $0x0  }
0x95: {  	[sflag:s16] =	ssyncadd.s32 $0xFFFFFFFF  }
0x96: {  	s17 =	sld [smem:$0x13];
	(tm) =	ssettm $0x1  }
0x97: {  	s18 =	sld [smem:$0x3FFB];
	_ =	sdelay $0x3  }
0x98: {  	_ =	strace s18  }
0x99: {  	s2 =	sld [smem:$0x3FFC];
	_ =	sdelay $0x3  }
0x9a: {  	_ =	strace s2  }
0x9b: {  	s2 =	sld [smem:$0x3FFD];
	_ =	sdelay $0x3  }
0x9c: {  	_ =	strace s2  }
0x9d: {  	_ =	strace $0x8FFFFFFF  }
0x9e: {  	s19 =	sld [smem:$0x3FDB];
	_ =	sdelay $0x1  }
0x9f: {  	s20 =	simm.s32 $_scs_section_size  }
0xa0: {  	s5 =	simm.s32 $_size__tile_overlayer_lowered;
	s6 =	simm.s32 $_tile_overlayer_lowered  }
0xa1: {  	s7 =	simm.s32 $0x1BFF;
	s21 =	sshll.u32 s6, $0x1;
	s4 =	sadd.s32 s20, s19  }
0xa2: {  	s22 =	simm.s32 $0x0;
	s5 =	sshll.u32 s5, $0x1;
	s6 =	sadd.s32 s21, s4  }
0xa3: {  	[timem:s22], [sflag:s7] =	dma.local [hbm:s6], s5  }
0xa4: {  	_ =	swait.ge [sflag:s7], s5  }
0xa5: {  	s5 =	ssub.s32 $0x0, s5;
	[sflag:s7] =	ssyncset.done $0x0  }
0xa6: {  	[sflag:s7] =	ssyncadd.s32 s5;
	_ =	sdelay $0x1  }
0xa7: {  	s23 =	simm.s32 $0x1B8B  }
0xa8: {  	_ =	swait.ge [sflag:s23], $0x1  }
0xa9: {  	[sflag:s23] =	ssyncset.done $0x0  }
0xaa: {  	[sflag:s23] =	ssyncadd.s32 $0xFFFFFFFF  }
0xab: {  	s5 =	sld [smem:$0x0]  }
0xac: {  	s6 =	sand.u32 $0xFFFFFFFE, s1  }
0xad: {  	p0 =	sne.s32 s1, s6  }
0xae: {  	s6 =	sshll.u32 @p0 s6, $0xE  }
0xaf: {  	s6 =	sadd.s32 @p0 $0x11B8D, s6;
	s7 =	sshll.u32 @p0 s5, $0x11  }
0xb0: {  	s6 =	sor.u32 @p0 s7, s6  }
0xb1: {  	[sflag:s6] =	ssyncadd.remote.s32 @p0 $0x1;
	_ =	sdelay $0x1  }
0xb2: {  	s6 =	simm.s32 @p0 $0x1B8D  }
0xb3: {  	_ =	swait.eq @p0 [sflag:s6], $0x1  }
0xb4: {  	[sflag:s6] =	ssyncadd.s32 @p0 $0xFFFFFFFF  }
0xb5: {  	s7 =	sshll.u32 @!p0 s1, $0xE  }
0xb6: {  	s7 =	sor.u32 @!p0 $0x4000, s7;
	s6 =	simm.s32 @!p0 $0x1B8D  }
0xb7: {  	s5 =	sshll.u32 @!p0 s5, $0x11;
	s7 =	sadd.s32 @!p0 $0x11B8D, s7;
	_ =	swait.eq @!p0 [sflag:s6], $0x1  }
0xb8: {  	s5 =	sor.u32 @!p0 s5, s7;
	[sflag:s6] =	ssyncadd.s32 @!p0 $0xFFFFFFFF  }
0xb9: {  	s25 =	simm.s32 $0x1B8E;
	s24 =	sld [smem:$0x3FFE];
	[sflag:s5] =	ssyncadd.remote.s32 @!p0 $0x1  }
0xba: {  	s26 =	simm.s32 $execute0_lowered;
	[smem:$0x3FD2] =	sst s25  }
0xbb: {  	s6 =	sshll.u32 s26, $0x1;
	_ =	strace $0x80000052;
	[dreg:$0x1] =	wrdreg $0xFFFFFFFF  }
0xbc: {  	s28 =	simm.s32 $_size_execute0_lowered;
	s4 =	sadd.s32 s4, s6;
	[dreg:$0x0] =	wrdreg $0x0  }
0xbd: {  	s6 =	sshll.u32 s28, $0x1;
	[dreg:$0x2] =	wrdreg s4  }
0xbe: {  	[dreg:$0x3] =	wrdreg s6  }
0xbf: {  	[dreg:$0x4] =	wrdreg $0xC0  }
0xc0: {  	_ =	task [dreg:s22], $0x5FFFF  }
0xc1: {  	[dreg:$0x1] =	wrdreg $0xFFFFFFFF  }
0xc2: {  	[dreg:$0x0] =	wrdreg $0x60  }
0xc3: {  	[dreg:$0x2] =	wrdreg s24  }
0xc4: {  	[dreg:$0x3] =	wrdreg s17  }
0xc5: {  	[dreg:$0x4] =	wrdreg $0xA  }
0xc6: {  	_ =	task.clear_ibuf [dreg:s22], $0x5FFFF;
	_ =	strace $0x90000052  }
0xc7: {  	s29 =	simm.s32 $0xA;
	_ =	strace $0x80000054  }
0xc8: {  	_ =	swait.ge [sflag:s29], $0x1  }
0xc9: {  	[sflag:s29] =	ssyncadd.s32 $0xFFFFFFFF  }
0xca: {  	_ =	strace $0x90000054  }
0xcb: {  	_ =	sfence  }
0xcc: {  	s30 =	sld [smem:$0x0];
	_ =	sdelay $0x2  }
0xcd: {  	s31 =	sshll.u32 s1, $0xD;
	s1 =	sshrl.u32 s1, $0x2  }
0xce: {  	s4 =	sand.u32 $0x4000, s31;
	s1 =	sadd.s32 s1, s30  }
0xcf: {  	s0 =	sor.u32 s4, s0;
	s1 =	sshll.u32 s1, $0x11  }
0xd0: {  	s0 =	sor.u32 s1, s0  }
0xd1: {  	s0 =	sadd.s32 $0x8F2B, s0  }
0xd2: {  	[sflag:s0] =	ssyncadd.remote.s32 $0x1  }
0xd3: {  	_ =	sfence.sel $0xFFFF  }
0xd4: {  	[dreg:$0x0] =	wrdreg $0xFFFFFFFF;
	(pc) =	sbr.abs _section_cstart, $3  }
0xd5: {  	[dreg:$0x1] =	wrdreg $0xFFFFFFFF  }
0xd6: {  	_ =	task.clear_ibuf [dreg:s22], $0x2FFFF;
	_ =	strace $0x9FFFFFFF  }
0xd7: {  	(tm) =	ssettm $0x7FFFFFFF  }
tec
execute0_lowered:
.L_overlay_start_1:
0x0: {  	(tag) =	ssettag $0x1  }
0x1: {  	s5 =	rddreg [dreg:$0x0]  }
0x2: {  	s9 =	rddreg [dreg:$0x1]  }
0x3: {  	s0 =	rddreg [dreg:$0x2]  }
0x4: {  	s3 =	srdreg.scid;
	s1 =	stileid.u32;
	s2 =	simm.s32 $0x0  }
0x5: {  	s12 =	simm.s32 $0x50;
	s13 =	simm.s32 $0x100;
	s14 =	simm.s32 $0x2900  }
0x6: {  	s15 =	simm.s32 $0x1;
	s16 =	simm.s32 $0x2;
	s7 =	smul.u32 $0x3E80, s1  }
0x7: {  	s17 =	simm.s32 $0x0;
	s6 =	sand.u32 $0x1, s3;
	s10 =	smul.u32 $0x3E800, s1  }
0x8: {  	[smem:$0x7FF] =	sst s2;
	s3 =	sadd.s32 $0x5BB400, s5;
	s8 =	smul.u32 $0x1F40, s6  }
0x9: {  	s4 =	sadd.s32 $0x14200, s5;
	s11 =	smul.u32 $0x1F400, s6;
	s6 =	ssub.s32 $0x2, s6  }
0xa: {  	_ =	strace $0x80000053;
	s28 =	sadd.s32 s10, s5;
	s30 =	sshrl.u32 s6, $0x1  }
0xb: {  	s10 =	simm.s32 $0x3;
	s7 =	sadd.s32 s8, s7;
	s8 =	sadd.s32 s11, s28  }
0xc: {  	s6 =	ssub.s32 s6, s30;
	s11 =	simm.s32 $0x80;
	s29 =	sshrl.u32 s7, $0x3  }
0xd: {  	s6 =	smax.u32 s6, $0x1;
	s7 =	sadd.s32 $0x1AD4200, s8;
	s31 =	sadd.s32 s29, s5  }
0xe: {  	s5 =	sadd.s32 $0x16EC200, s8;
	s9 =	sadd.s32 s29, s9;
	s8 =	sadd.s32 $0xC400, s31  }
.LBB2_1:
0xf: {  	s18 =	sadd.s32 $0x0, s9  }
0x10: {  	[tilespmem:s2], [sflag:$0x3] =	stream.linear.gather [hbm4b:s18+s2], $0x50, $0x38;
	[tilespmem:$0x5100] =	vst v63  }
0x11: {  	_ =	swait.ge [sflag:s10], $0x50  }
0x12: {  	[sflag:s10] =	ssyncset.done $0x0  }
0x13: {  	s31 =	sadd.s32 $0x0, s8;
	[sflag:s10] =	ssyncadd.s32 $0xFFFFFFB0  }
0x14: {  	[tilespmem:s11], [sflag:$0x3] =	stream.linear.gather [hbm4b:s31+s2], $0x50, $0x38;
	[tilespmem:$0x5100] =	vst v63  }
0x15: {  	_ =	swait.ge [sflag:s10], $0x50  }
0x16: {  	[sflag:s10] =	ssyncset.done $0x0  }
0x17: {  	[sflag:s10] =	ssyncadd.s32 $0xFFFFFFB0  }
0x18: {  	[tilespmem:s13], [sflag:$0x1] =	stream.indirect.gather [hbm4b:s3+s12], $0x80, s2, s12, $0xb8;
	[tilespmem:$0x5100] =	vst v63  }
0x19: {  	_ = 	snop  }
0x1a: {  	[tilespmem:s14], [sflag:$0x2] =	stream.indirect.gather [hbm4b:s4+s12], $0x80, s11, s12, $0xb8;
	[tilespmem:$0x5100] =	vst v63  }
0x1b: {  	_ =	swait.ge [sflag:s15], $0x2800  }
0x1c: {  	[sflag:s15] =	ssyncset.done $0x0  }
0x1d: {  	[sflag:s15] =	ssyncadd.s32 $0xFFFFD800  }
0x1e: {  	_ =	swait.ge [sflag:s16], $0x2800  }
0x1f: {  	[sflag:s16] =	ssyncset.done $0x0  }
0x20: {  	[sflag:s16] =	ssyncadd.s32 $0xFFFFD800  }
0x21: {  	[hbm4b:s5+s2] =	stream.linear.scatter [tilespmem:s13], [sflag:$0x3], $0x2800, $0x38;
	[tilespmem:$0x5100] =	vst v63  }
0x22: {  	_ =	swait.ge [sflag:s10], $0x2800  }
0x23: {  	[sflag:s10] =	ssyncset.done $0x0  }
0x24: {  	[sflag:s10] =	ssyncadd.s32 $0xFFFFD800  }
0x25: {  	[hbm4b:s7+s2] =	stream.linear.scatter [tilespmem:s14], [sflag:$0x3], $0x2800, $0x38;
	[tilespmem:$0x5100] =	vst v63  }
0x26: {  	s20 =	simm.s32 $0xA;
	s21 =	simm.s32 $0x14;
	_ =	swait.ge [sflag:s10], $0x2800  }
0x27: {  	s19 =	sadd.s32 $0x500, s5;
	s18 =	sadd.s32 $0x500, s7;
	[sflag:s10] =	ssyncset.done $0x0  }
.LBB2_2:
0x28: {  	s22 =	sadd.s32 s20, s9  }
0x29: {  	[sflag:s10] =	ssyncadd.s32 $0xFFFFD800;
	s23 =	smov.u32 s21;
	s24 =	sadd.s32 $0xA, s21  }
0x2a: {  	[tilespmem:s2], [sflag:$0x3] =	stream.linear.gather [hbm4b:s22+s2], $0x50, $0x38;
	[tilespmem:$0x5100] =	vst v63  }
0x2b: {  	p0 =	sne.s32 s21, $0x3DE;
	_ =	swait.ge [sflag:s10], $0x50  }
0x2c: {  	[sflag:s10] =	ssyncset.done $0x0  }
0x2d: {  	s21 =	sadd.s32 s20, s8;
	s20 =	smov.u32 s23;
	[sflag:s10] =	ssyncadd.s32 $0xFFFFFFB0  }
0x2e: {  	[tilespmem:s11], [sflag:$0x3] =	stream.linear.gather [hbm4b:s21+s2], $0x50, $0x38;
	[tilespmem:$0x5100] =	vst v63  }
0x2f: {  	_ =	swait.ge [sflag:s10], $0x50  }
0x30: {  	[sflag:s10] =	ssyncset.done $0x0  }
0x31: {  	[sflag:s10] =	ssyncadd.s32 $0xFFFFFFB0  }
0x32: {  	[tilespmem:s13], [sflag:$0x1] =	stream.indirect.gather [hbm4b:s3+s12], $0x80, s2, s12, $0xb8;
	[tilespmem:$0x5100] =	vst v63  }
0x33: {  	_ = 	snop  }
0x34: {  	[tilespmem:s14], [sflag:$0x2] =	stream.indirect.gather [hbm4b:s4+s12], $0x80, s11, s12, $0xb8;
	[tilespmem:$0x5100] =	vst v63  }
0x35: {  	_ =	swait.ge [sflag:s15], $0x2800  }
0x36: {  	[sflag:s15] =	ssyncset.done $0x0  }
0x37: {  	[sflag:s15] =	ssyncadd.s32 $0xFFFFD800  }
0x38: {  	_ =	swait.ge [sflag:s16], $0x2800  }
0x39: {  	[sflag:s16] =	ssyncset.done $0x0  }
0x3a: {  	[sflag:s16] =	ssyncadd.s32 $0xFFFFD800  }
0x3b: {  	[hbm4b:s19+s2] =	stream.linear.scatter [tilespmem:s13], [sflag:$0x3], $0x2800, $0x38;
	[tilespmem:$0x5100] =	vst v63  }
0x3c: {  	_ =	swait.ge [sflag:s10], $0x2800  }
.Ltmp0:
0x3d: {  	[sflag:s10] =	ssyncset.done $0x0;
	(pc) =	sbr.rel @p0 .LBB2_2-.Ltmp0, $4  }
0x3e: {  	[sflag:s10] =	ssyncadd.s32 $0xFFFFD800  }
0x3f: {  	[hbm4b:s18+s2] =	stream.linear.scatter [tilespmem:s14], [sflag:$0x3], $0x2800, $0x38;
	[tilespmem:$0x5100] =	vst v63  }
0x40: {  	s21 =	smov.u32 s24;
	_ =	swait.ge [sflag:s10], $0x2800  }
0x41: {  	s19 =	sadd.s32 $0x500, s19;
	s18 =	sadd.s32 $0x500, s18;
	[sflag:s10] =	ssyncset.done $0x0  }
0x42: {  	s21 =	sadd.s32 s20, s9;
	[sflag:s10] =	ssyncadd.s32 $0xFFFFD800  }
0x43: {  	[tilespmem:s2], [sflag:$0x3] =	stream.linear.gather [hbm4b:s21+s2], $0x50, $0x38;
	[tilespmem:$0x5100] =	vst v63  }
0x44: {  	_ =	swait.ge [sflag:s10], $0x50  }
0x45: {  	[sflag:s10] =	ssyncset.done $0x0  }
0x46: {  	s31 =	sadd.s32 s20, s8;
	[sflag:s10] =	ssyncadd.s32 $0xFFFFFFB0  }
0x47: {  	[tilespmem:s11], [sflag:$0x3] =	stream.linear.gather [hbm4b:s31+s2], $0x50, $0x38;
	[tilespmem:$0x5100] =	vst v63  }
0x48: {  	_ =	swait.ge [sflag:s10], $0x50  }
0x49: {  	[sflag:s10] =	ssyncset.done $0x0  }
0x4a: {  	[sflag:s10] =	ssyncadd.s32 $0xFFFFFFB0  }
0x4b: {  	[tilespmem:s13], [sflag:$0x1] =	stream.indirect.gather [hbm4b:s3+s12], $0x80, s2, s12, $0xb8;
	[tilespmem:$0x5100] =	vst v63  }
0x4c: {  	_ = 	snop  }
0x4d: {  	[tilespmem:s14], [sflag:$0x2] =	stream.indirect.gather [hbm4b:s4+s12], $0x80, s11, s12, $0xb8;
	[tilespmem:$0x5100] =	vst v63  }
0x4e: {  	_ =	swait.ge [sflag:s15], $0x2800  }
0x4f: {  	[sflag:s15] =	ssyncset.done $0x0  }
0x50: {  	[sflag:s15] =	ssyncadd.s32 $0xFFFFD800  }
0x51: {  	_ =	swait.ge [sflag:s16], $0x2800  }
0x52: {  	[sflag:s16] =	ssyncset.done $0x0  }
0x53: {  	[sflag:s16] =	ssyncadd.s32 $0xFFFFD800  }
0x54: {  	[hbm4b:s19+s2] =	stream.linear.scatter [tilespmem:s13], [sflag:$0x3], $0x2800, $0x38;
	[tilespmem:$0x5100] =	vst v63  }
0x55: {  	s17 =	sadd.s32 $0x1, s17;
	_ =	swait.ge [sflag:s10], $0x2800  }
0x56: {  	p0 =	sne.s32 s17, s6;
	[sflag:s10] =	ssyncset.done $0x0  }
.Ltmp1:
0x57: {  	[sflag:s10] =	ssyncadd.s32 $0xFFFFD800;
	(pc) =	sbr.rel @p0 .LBB2_1-.Ltmp1, $4  }
0x58: {  	[hbm4b:s18+s2] =	stream.linear.scatter [tilespmem:s14], [sflag:$0x3], $0x2800, $0x38;
	[tilespmem:$0x5100] =	vst v63  }
0x59: {  	_ =	swait.ge [sflag:s10], $0x2800  }
0x5a: {  	[sflag:s10] =	ssyncset.done $0x0  }
0x5b: {  	[sflag:s10] =	ssyncadd.s32 $0xFFFFD800  }
0x5c: {  	_ =	sfence.sel $0x180000  }
0x5d: {  	[bflag:$0x0] =	sbarrier.arrive $0xFFFF  }
0x5e: {  	p0 =	sne.s32 s1, $0x0;
	_ =	strace $0x90000053  }
0x5f: {  	s0 =	sadd.s32 @!p0 $0x100000, s0;
	[bflag:$0x2] =	sbarrier.arrive $0xFFFF  }
0x60: {  	[sflag:s0] =	ssyncadd.tile.s32 @!p0 $0x1;
	_ =	shalt  }
.Lfunc_end2:
_tile_overlayer_lowered:
.L_overlay_start_2:
0x61: {  	(tag) =	ssettag $0x2  }
0x62: {  	s0 =	rddreg [dreg:$0x0];
	s2 =	stileid.u32  }
0x63: {  	s1 =	rddreg [dreg:$0x1];
	p0 =	sne.s32 s2, $0x0  }
0x64: {  	s3 =	rddreg [dreg:$0x2];
	[bflag:$0x3] =	sbarrier.arrive $0xFFFF;
	s2 =	simm.s32 @!p0 $0x1C03  }
0x65: {  	[timem:s3], [sflag:s2] =	dma.local @!p0 [hbm:s0], s1  }
0x66: {  	s0 =	simm.s32 @!p0 $0x3  }
0x67: {  	_ =	swait.ge @!p0 [sflag:s0], s1  }
0x68: {  	s1 =	ssub.s32 @!p0 $0x0, s1;
	[sflag:s0] =	ssyncset.done @!p0 $0x0  }
0x69: {  	[sflag:s0] =	ssyncadd.s32 @!p0 s1  }
0x6a: {  	[bflag:$0x3] =	sbarrier.arrive $0xFFFF  }
0x6b: {  	_ =	shalt  }

// kernel: kernel.42.cloned.1.call-start
scs
__scs_entry_jumppad:
0x0: {  	(pc) =	sbr.rel $0x88, $3  }
0x1: {  	(tag) =	ssettag $0x0;
	lr =	simm.s32 $0x1  }
0x2: {  	[smem:$0x3F7D] =	sst lr;
	_ =	strace $0xD0000000  }
0x3: {  	_ = 	snop  }
0x4: {  	_ = 	snop  }
0x5: {  	_ = 	snop  }
0x6: {  	_ = 	snop  }
0x7: {  	_ = 	snop  }
__scs_overlays_trampoline_lowered:
0x8: {  	[smem:$0x3F8C] =	sst s0  }
0x9: {  	[smem:$0x3F8D] =	sst s1  }
0xa: {  	[smem:$0x3F8E] =	sst s2  }
0xb: {  	[smem:$0x3F8F] =	sst s3  }
0xc: {  	[smem:$0x3F90] =	sst s4  }
0xd: {  	[smem:$0x3F91] =	sst s5  }
0xe: {  	[smem:$0x3F92] =	sst s6  }
0xf: {  	[smem:$0x3F93] =	sst s7  }
0x10: {  	[smem:$0x3F94] =	sst s8  }
0x11: {  	[smem:$0x3F95] =	sst s9;
	s0 =	simm.s32 @!p0 $0x0  }
0x12: {  	s1 =	sld [smem:$0x3F7B];
	s0 =	simm.s32 @p0 $0x1  }
0x13: {  	[smem:$0x3F96] =	sst s0;
	s0 =	simm.s32 @!p1 $0x0  }
0x14: {  	s2 =	sld [smem:$0x3F7A];
	s0 =	simm.s32 @p1 $0x1  }
0x15: {  	[smem:$0x3F97] =	sst s0;
	s0 =	simm.s32 @!p2 $0x0  }
0x16: {  	s3 =	sld [smem:$0x3FDB];
	s0 =	simm.s32 @p2 $0x1  }
0x17: {  	s4 =	simm.s32 $0x1BF5;
	[smem:$0x3F99] =	sst s0  }
0x18: {  	s0 =	sld [smem:$0x3F7C];
	_ =	swait.ge [sflag:s4], $0x0  }
0x19: {  	s7 =	sld [smem:$0x3F7D]  }
0x1a: {  	s8 =	sadd.s32 $0xFFFFE003, lr  }
0x1b: {  	s9 =	sadd.s32 $0xFFFFFEF7, lr;
	s5 =	simm.s32 $0xFFFFFFFF;
	p2 =	slt.u32 s8, $0xFFFFF086  }
0x1c: {  	p1 =	slt.u32 s9, $0xF7A;
	s5 =	simm.s32 @!p2 $0x0  }
0x1d: {  	s5 =	simm.s32 @p1 $0x1;
	p0 =	seq.s32 s7, s2  }
0x1e: {  	s7 =	smul.u32 @!p0 $0xF7A, s2;
	p2 =	seq.s32 @!p0 s5, $0x0  }
0x1f: {  	s9 =	smul.u32 $0xF7A, s1;
	s8 =	simm.s32 @!p0 $0x1BF5;
	p2 =	por !p2, p0  }
0x20: {  	[sflag:s8] =	ssyncset.s32 @!p0 $0xFFFFF086;
	s6 =	sadd.s32 @!p0 s3, s7;
	s7 =	simm.s32 @!p0 $0x108  }
0x21: {  	s3 =	sadd.s32 s3, s9;
	s6 =	sadd.s32 @!p0 $0x88, s6;
	s7 =	simm.s32 @p2 $0x1082  }
0x22: {  	[simem:s7], [sflag:s8] =	dma.local @!p0 [hbm:s6], $0xF7A  }
0x23: {  	s9 =	sor.u32 $0xD0000000, s2;
	s6 =	simm.s32 $0x108;
	_ =	swait.ge @!p0 [sflag:s8], $0x0  }
0x24: {  	s3 =	sadd.s32 $0x88, s3;
	s6 =	simm.s32 @!p1 $0x1082;
	[sflag:s4] =	ssyncset.s32 $0xFFFFF086  }
0x25: {  	[simem:s6], [sflag:s4] =	dma.local [hbm:s3], $0xF7A  }
0x26: {  	[smem:$0x3F7D] =	sst s1;
	(tag) =	ssettag s2;
	_ =	strace s9  }
0x27: {  	s1 =	sld [smem:$0x3F8D]  }
0x28: {  	s2 =	sld [smem:$0x3F8E]  }
0x29: {  	s4 =	sld [smem:$0x3F90]  }
0x2a: {  	p0 =	seq.s32 s5, $0x0;
	s5 =	sld [smem:$0x3F91]  }
0x2b: {  	s6 =	sld [smem:$0x3F92]  }
0x2c: {  	s7 =	sld [smem:$0x3F93]  }
0x2d: {  	s3 =	simm.s32 $0x108;
	s8 =	sld [smem:$0x3F94]  }
0x2e: {  	s3 =	simm.s32 @!p0 $0x1082;
	s9 =	sld [smem:$0x3F95]  }
0x2f: {  	lr =	sadd.s32 s0, s3;
	s0 =	sld [smem:$0x3F8C]  }
0x30: {  	s3 =	sld [smem:$0x3F8F]  }
0x31: {  	[smem:$0x3F98] =	sst s10  }
0x32: {  	s10 =	sld [smem:$0x3F96];
	_ =	sdelay $0x3  }
0x33: {  	p0 =	seq.s32 s10, $0x1;
	s10 =	sld [smem:$0x3F98];
	_ =	sdelay $0x3  }
0x34: {  	[smem:$0x3F98] =	sst s10  }
0x35: {  	s10 =	sld [smem:$0x3F97];
	_ =	sdelay $0x3  }
0x36: {  	p1 =	seq.s32 s10, $0x1;
	s10 =	sld [smem:$0x3F98];
	_ =	sdelay $0x3  }
0x37: {  	[smem:$0x3F98] =	sst s10  }
0x38: {  	s10 =	sld [smem:$0x3F99]  }
0x39: {  	_ = 	snop;
	(pc) =	sbr.ind lr, $3  }
0x3a: {  	_ = 	snop  }
0x3b: {  	_ = 	snop  }
0x3c: {  	p2 =	seq.s32 s10, $0x1;
	s10 =	sld [smem:$0x3F98]  }
0x3d: {  	_ =	shalt  }
0x3e: {  	_ =	shalt  }
0x3f: {  	_ =	shalt  }
0x40: {  	_ =	shalt  }
0x41: {  	_ =	shalt  }
0x42: {  	_ =	shalt  }
0x43: {  	_ =	shalt  }
0x44: {  	_ =	shalt  }
0x45: {  	_ =	shalt  }
0x46: {  	_ =	shalt  }
0x47: {  	_ =	shalt  }
0x48: {  	_ =	shalt  }
0x49: {  	_ =	shalt  }
0x4a: {  	_ =	shalt  }
0x4b: {  	_ =	shalt  }
0x4c: {  	_ =	shalt  }
0x4d: {  	_ =	shalt  }
0x4e: {  	_ =	shalt  }
0x4f: {  	_ =	shalt  }
0x50: {  	_ =	shalt  }
0x51: {  	_ =	shalt  }
0x52: {  	_ =	shalt  }
0x53: {  	_ =	shalt  }
0x54: {  	_ =	shalt  }
0x55: {  	_ =	shalt  }
0x56: {  	_ =	shalt  }
0x57: {  	_ =	shalt  }
0x58: {  	_ =	shalt  }
0x59: {  	_ =	shalt  }
0x5a: {  	_ =	shalt  }
0x5b: {  	_ =	shalt  }
0x5c: {  	_ =	shalt  }
0x5d: {  	_ =	shalt  }
0x5e: {  	_ =	shalt  }
0x5f: {  	_ =	shalt  }
0x60: {  	_ =	shalt  }
0x61: {  	_ =	shalt  }
0x62: {  	_ =	shalt  }
0x63: {  	_ =	shalt  }
0x64: {  	_ =	shalt  }
0x65: {  	_ =	shalt  }
0x66: {  	_ =	shalt  }
0x67: {  	_ =	shalt  }
0x68: {  	_ =	shalt  }
0x69: {  	_ =	shalt  }
0x6a: {  	_ =	shalt  }
0x6b: {  	_ =	shalt  }
0x6c: {  	_ =	shalt  }
0x6d: {  	_ =	shalt  }
0x6e: {  	_ =	shalt  }
0x6f: {  	_ =	shalt  }
0x70: {  	_ =	shalt  }
0x71: {  	_ =	shalt  }
0x72: {  	_ =	shalt  }
0x73: {  	_ =	shalt  }
0x74: {  	_ =	shalt  }
0x75: {  	_ =	shalt  }
0x76: {  	_ =	shalt  }
0x77: {  	_ =	shalt  }
0x78: {  	_ =	shalt  }
0x79: {  	_ =	shalt  }
0x7a: {  	_ =	shalt  }
0x7b: {  	_ =	shalt  }
0x7c: {  	_ =	shalt  }
0x7d: {  	_ =	shalt  }
0x7e: {  	_ =	shalt  }
0x7f: {  	_ =	shalt  }
0x80: {  	_ =	shalt  }
0x81: {  	_ =	shalt  }
0x82: {  	_ =	shalt  }
0x83: {  	_ =	shalt  }
0x84: {  	_ =	shalt  }
0x85: {  	_ =	shalt  }
0x86: {  	_ =	shalt  }
0x87: {  	_ =	shalt  }
.Lfunc_end0:
.L_simem_size_0:
called_computation.7_lowered:
.L_overlay_start_0:
0x88: {  	s2 =	sld [smem:$0x3FD9]  }
0x89: {  	s3 =	sld [smem:$0x3FFE];
	_ =	sdelay $0x1  }
0x8a: {  	s1 =	srdreg.scid  }
0x8b: {  	s0 =	sand.u32 $0x1, s1  }
0x8c: {  	s15 =	sshll.u32 s0, $0xA;
	s2 =	sadd.s32 s3, s2  }
0x8d: {  	s2 =	sadd.s32 s2, s15  }
0x8e: {  	[smem:$0x3FA4] =	sst s2  }
0x8f: {  	_ = 	snop  }
0x90: {  	s2 =	sld [smem:$0x3FD0];
	_ =	sdelay $0x2  }
0x91: {  	s16 =	simm.s32 $0xB;
	s4 =	simm.s32 $0x10  }
0x92: {  	[smem:s4], [sflag:s16] =	dma.local [hbm:s2], $0x1  }
0x93: {  	_ =	swait.eq [sflag:s16], $0x1  }
0x94: {  	[sflag:s16] =	ssyncset.done $0x0  }
0x95: {  	[sflag:s16] =	ssyncadd.s32 $0xFFFFFFFF  }
0x96: {  	s17 =	sld [smem:$0x13];
	(tm) =	ssettm $0x1  }
0x97: {  	s18 =	sld [smem:$0x3FFB];
	_ =	sdelay $0x3  }
0x98: {  	_ =	strace s18  }
0x99: {  	s2 =	sld [smem:$0x3FFC];
	_ =	sdelay $0x3  }
0x9a: {  	_ =	strace s2  }
0x9b: {  	s2 =	sld [smem:$0x3FFD];
	_ =	sdelay $0x3  }
0x9c: {  	_ =	strace s2  }
0x9d: {  	_ =	strace $0x8FFFFFFF  }
0x9e: {  	s19 =	sld [smem:$0x3FDB];
	_ =	sdelay $0x1  }
0x9f: {  	s20 =	simm.s32 $_scs_section_size  }
0xa0: {  	s5 =	simm.s32 $_size__tile_overlayer_lowered;
	s6 =	simm.s32 $_tile_overlayer_lowered  }
0xa1: {  	s7 =	simm.s32 $0x1BFF;
	s21 =	sshll.u32 s6, $0x1;
	s4 =	sadd.s32 s20, s19  }
0xa2: {  	s22 =	simm.s32 $0x0;
	s5 =	sshll.u32 s5, $0x1;
	s6 =	sadd.s32 s21, s4  }
0xa3: {  	[timem:s22], [sflag:s7] =	dma.local [hbm:s6], s5  }
0xa4: {  	_ =	swait.ge [sflag:s7], s5  }
0xa5: {  	s5 =	ssub.s32 $0x0, s5;
	[sflag:s7] =	ssyncset.done $0x0  }
0xa6: {  	[sflag:s7] =	ssyncadd.s32 s5;
	_ =	sdelay $0x1  }
0xa7: {  	s23 =	simm.s32 $0x1B8B  }
0xa8: {  	_ =	swait.ge [sflag:s23], $0x1  }
0xa9: {  	[sflag:s23] =	ssyncset.done $0x0  }
0xaa: {  	[sflag:s23] =	ssyncadd.s32 $0xFFFFFFFF  }
0xab: {  	s5 =	sld [smem:$0x0]  }
0xac: {  	s6 =	sand.u32 $0xFFFFFFFE, s1  }
0xad: {  	p0 =	sne.s32 s1, s6  }
0xae: {  	s6 =	sshll.u32 @p0 s6, $0xE  }
0xaf: {  	s6 =	sadd.s32 @p0 $0x11B8D, s6;
	s7 =	sshll.u32 @p0 s5, $0x11  }
0xb0: {  	s6 =	sor.u32 @p0 s7, s6  }
0xb1: {  	[sflag:s6] =	ssyncadd.remote.s32 @p0 $0x1;
	_ =	sdelay $0x1  }
0xb2: {  	s6 =	simm.s32 @p0 $0x1B8D  }
0xb3: {  	_ =	swait.eq @p0 [sflag:s6], $0x1  }
0xb4: {  	[sflag:s6] =	ssyncadd.s32 @p0 $0xFFFFFFFF  }
0xb5: {  	s7 =	sshll.u32 @!p0 s1, $0xE  }
0xb6: {  	s7 =	sor.u32 @!p0 $0x4000, s7;
	s6 =	simm.s32 @!p0 $0x1B8D  }
0xb7: {  	s5 =	sshll.u32 @!p0 s5, $0x11;
	s7 =	sadd.s32 @!p0 $0x11B8D, s7;
	_ =	swait.eq @!p0 [sflag:s6], $0x1  }
0xb8: {  	s5 =	sor.u32 @!p0 s5, s7;
	[sflag:s6] =	ssyncadd.s32 @!p0 $0xFFFFFFFF  }
0xb9: {  	s25 =	simm.s32 $0x1B8E;
	s24 =	sld [smem:$0x3FFE];
	[sflag:s5] =	ssyncadd.remote.s32 @!p0 $0x1  }
0xba: {  	s26 =	simm.s32 $execute0_lowered;
	[smem:$0x3FD2] =	sst s25  }
0xbb: {  	s6 =	sshll.u32 s26, $0x1;
	_ =	strace $0x80000058;
	[dreg:$0x1] =	wrdreg $0xFFFFFFFF  }
0xbc: {  	s28 =	simm.s32 $_size_execute0_lowered;
	s4 =	sadd.s32 s4, s6;
	[dreg:$0x0] =	wrdreg $0x0  }
0xbd: {  	s6 =	sshll.u32 s28, $0x1;
	[dreg:$0x2] =	wrdreg s4  }
0xbe: {  	[dreg:$0x3] =	wrdreg s6  }
0xbf: {  	[dreg:$0x4] =	wrdreg $0xC0  }
0xc0: {  	_ =	task [dreg:s22], $0x5FFFF  }
0xc1: {  	[dreg:$0x1] =	wrdreg $0xFFFFFFFF  }
0xc2: {  	[dreg:$0x0] =	wrdreg $0x60  }
0xc3: {  	[dreg:$0x2] =	wrdreg s24  }
0xc4: {  	[dreg:$0x3] =	wrdreg s17  }
0xc5: {  	[dreg:$0x4] =	wrdreg $0x28800  }
0xc6: {  	[dreg:$0x5] =	wrdreg $0xA  }
0xc7: {  	_ =	task.clear_ibuf [dreg:s22], $0x6FFFF;
	_ =	strace $0x90000058  }
0xc8: {  	s29 =	simm.s32 $0xA;
	_ =	strace $0x8000005A  }
0xc9: {  	_ =	swait.ge [sflag:s29], $0x1  }
0xca: {  	[sflag:s29] =	ssyncadd.s32 $0xFFFFFFFF  }
0xcb: {  	_ =	strace $0x9000005A  }
0xcc: {  	_ =	sfence  }
0xcd: {  	s30 =	sld [smem:$0x0];
	_ =	sdelay $0x2  }
0xce: {  	s31 =	sshll.u32 s1, $0xD;
	s1 =	sshrl.u32 s1, $0x2  }
0xcf: {  	s4 =	sand.u32 $0x4000, s31;
	s1 =	sadd.s32 s1, s30  }
0xd0: {  	s0 =	sor.u32 s4, s0;
	s1 =	sshll.u32 s1, $0x11  }
0xd1: {  	s0 =	sor.u32 s1, s0  }
0xd2: {  	s0 =	sadd.s32 $0x8F2B, s0  }
0xd3: {  	[sflag:s0] =	ssyncadd.remote.s32 $0x1  }
0xd4: {  	_ =	sfence.sel $0xFFFF  }
0xd5: {  	[dreg:$0x0] =	wrdreg $0xFFFFFFFF;
	(pc) =	sbr.abs _section_cstart, $3  }
0xd6: {  	[dreg:$0x1] =	wrdreg $0xFFFFFFFF  }
0xd7: {  	_ =	task.clear_ibuf [dreg:s22], $0x2FFFF;
	_ =	strace $0x9FFFFFFF  }
0xd8: {  	(tm) =	ssettm $0x7FFFFFFF  }
0xd9: {  	_ =	shalt  }
tec
execute0_lowered:
.L_overlay_start_1:
0x0: {  	(tag) =	ssettag $0x1  }
0x1: {  	s4 =	rddreg [dreg:$0x0];
	s0 =	stileid.u32  }
0x2: {  	s10 =	rddreg [dreg:$0x1];
	s5 =	smul.u32 $0x3E800, s0  }
0x3: {  	s1 =	srdreg.scid;
	s6 =	smul.u32 $0x13C00, s0  }
0x4: {  	s2 =	rddreg [dreg:$0x2];
	s3 =	simm.s32 $0x0;
	s25 =	smul.u32 $0x4F000, s0  }
0x5: {  	s7 =	sand.u32 $0x1, s1;
	s1 =	rddreg [dreg:$0x3];
	s12 =	smul.u32 $0x3E80, s0  }
0x6: {  	s16 =	simm.s32 $0x0;
	[smem:$0x7FF] =	sst s3;
	s8 =	smul.u32 $0x278000, s7  }
0x7: {  	s30 =	sshll.u32 s0, $0x6;
	_ =	strace $0x80000059;
	s29 =	smul.u32 $0x1F40, s7  }
0x8: {  	s26 =	ssub.s32 $0x2, s7;
	s15 =	smul.u32 $0x1F400, s7;
	s9 =	sadd.s32 s5, s4  }
0x9: {  	s28 =	sshrl.u32 s26, $0x1;
	s24 =	sadd.s32 s6, s8;
	s6 =	sshrl.u32 s6, $0x3  }
0xa: {  	s8 =	sshrl.u32 s25, $0x2;
	s13 =	ssub.s32 s26, s28;
	s31 =	sadd.s32 s15, s9  }
0xb: {  	s15 =	simm.s32 $0x50;
	s5 =	sshrl.u32 s24, $0x3;
	s6 =	sadd.s32 s6, s4  }
0xc: {  	s14 =	sadd.s32 s8, s2;
	s8 =	sadd.s32 s29, s12;
	s9 =	sadd.s32 $0xD28200, s31  }
0xd: {  	s11 =	sadd.s32 s5, s4;
	s4 =	sadd.s32 $0x1EBC200, s6;
	s5 =	sor.u32 $0x1C01, s30  }
0xe: {  	s12 =	sshrl.u32 s8, $0x3;
	s8 =	smax.u32 s13, $0x1;
	s13 =	simm.s32 $0x1  }
0xf: {  	s6 =	sadd.s32 $0x51D400, s11;
	s7 =	sadd.s32 $0x544C00, s11;
	s10 =	sadd.s32 s12, s10  }
0x10: {  	s11 =	sadd.s32 $0x1110200, s31;
	s12 =	sshrl.u32 s14, $0x3;
	s14 =	simm.s32 $0x80  }
.LBB2_1:
0x11: {  	[spmem:s12], [sflag:s5] =	dma.local [hbm:s4], $0x2780  }
0x12: {  	_ =	swait.ge [sflag:s13], $0x2780  }
0x13: {  	[sflag:s13] =	ssyncset.done $0x0  }
0x14: {  	[sflag:s13] =	ssyncadd.s32 $0xFFFFD880  }
0x15: {  	s17 =	sadd.s32 $0x0, s10;
	[bflag:$0x0] =	sbarrier.arrive $0xFFFF  }
0x16: {  	[tilespmem:s3], [sflag:$0x1] =	stream.linear.gather [hbm4b:s17+s3], $0x50, $0x38;
	[tilespmem:$0x16480] =	vst v63  }
0x17: {  	_ =	swait.ge [sflag:s13], $0x50  }
0x18: {  	[sflag:s13] =	ssyncset.done $0x0  }
0x19: {  	[sflag:s13] =	ssyncadd.s32 $0xFFFFFFB0  }
0x1a: {  	[tilespmem:s14], [sflag:$0x1] =	stream.linear.gather [hbm4b:s9+s3], $0x2800, $0x38;
	[tilespmem:$0x16480] =	vst v63  }
0x1b: {  	_ =	swait.ge [sflag:s13], $0x2800  }
0x1c: {  	[sflag:s13] =	ssyncset.done $0x0  }
0x1d: {  	[sflag:s13] =	ssyncadd.s32 $0xFFFFD800  }
0x1e: {  	[spmem:s2] =	stream.indirect.scatter.add.f32 [tilespmem:s14], [sflag:$0x1], $0x80, s3, s15, $0xb8;
	[tilespmem:$0x16480] =	vst v63  }
0x1f: {  	s18 =	simm.s32 $0xA;
	_ =	swait.ge [sflag:s13], $0x2800  }
0x20: {  	s19 =	simm.s32 $0x14;
	s17 =	sadd.s32 $0x500, s9;
	[sflag:s13] =	ssyncset.done $0x0  }
.LBB2_2:
0x21: {  	s20 =	sadd.s32 s18, s10  }
0x22: {  	[sflag:s13] =	ssyncadd.s32 $0xFFFFD800;
	s18 =	smov.u32 s19;
	s21 =	sadd.s32 $0xA, s19  }
0x23: {  	[tilespmem:s3], [sflag:$0x1] =	stream.linear.gather [hbm4b:s20+s3], $0x50, $0x38;
	[tilespmem:$0x16480] =	vst v63  }
0x24: {  	p0 =	sne.s32 s19, $0x3DE;
	_ =	swait.ge [sflag:s13], $0x50  }
0x25: {  	[sflag:s13] =	ssyncset.done $0x0  }
0x26: {  	[sflag:s13] =	ssyncadd.s32 $0xFFFFFFB0  }
0x27: {  	[tilespmem:s14], [sflag:$0x1] =	stream.linear.gather [hbm4b:s17+s3], $0x2800, $0x38;
	[tilespmem:$0x16480] =	vst v63  }
0x28: {  	_ =	swait.ge [sflag:s13], $0x2800  }
.Ltmp0:
0x29: {  	[sflag:s13] =	ssyncset.done $0x0;
	(pc) =	sbr.rel @p0 .LBB2_2-.Ltmp0, $4  }
0x2a: {  	[sflag:s13] =	ssyncadd.s32 $0xFFFFD800  }
0x2b: {  	[spmem:s2] =	stream.indirect.scatter.add.f32 [tilespmem:s14], [sflag:$0x1], $0x80, s3, s15, $0xb8;
	[tilespmem:$0x16480] =	vst v63  }
0x2c: {  	_ =	swait.ge [sflag:s13], $0x2800  }
0x2d: {  	s19 =	smov.u32 s21;
	s17 =	sadd.s32 $0x500, s17;
	[sflag:s13] =	ssyncset.done $0x0  }
0x2e: {  	s18 =	sadd.s32 s18, s10;
	[sflag:s13] =	ssyncadd.s32 $0xFFFFD800  }
0x2f: {  	[tilespmem:s3], [sflag:$0x1] =	stream.linear.gather [hbm4b:s18+s3], $0x50, $0x38;
	[tilespmem:$0x16480] =	vst v63  }
0x30: {  	_ =	swait.ge [sflag:s13], $0x50  }
0x31: {  	[sflag:s13] =	ssyncset.done $0x0  }
0x32: {  	[sflag:s13] =	ssyncadd.s32 $0xFFFFFFB0  }
0x33: {  	[tilespmem:s14], [sflag:$0x1] =	stream.linear.gather [hbm4b:s17+s3], $0x2800, $0x38;
	[tilespmem:$0x16480] =	vst v63  }
0x34: {  	_ =	swait.ge [sflag:s13], $0x2800  }
0x35: {  	[sflag:s13] =	ssyncset.done $0x0  }
0x36: {  	[sflag:s13] =	ssyncadd.s32 $0xFFFFD800  }
0x37: {  	[spmem:s2] =	stream.indirect.scatter.add.f32 [tilespmem:s14], [sflag:$0x1], $0x80, s3, s15, $0xb8;
	[tilespmem:$0x16480] =	vst v63  }
0x38: {  	_ =	swait.ge [sflag:s13], $0x2800  }
0x39: {  	[sflag:s13] =	ssyncset.done $0x0  }
0x3a: {  	[sflag:s13] =	ssyncadd.s32 $0xFFFFD800  }
0x3b: {  	[bflag:$0x0] =	sbarrier.arrive $0xFFFF  }
0x3c: {  	[hbm:s6], [sflag:s5] =	dma.local [spmem:s12], $0x2780  }
0x3d: {  	_ =	swait.ge [sflag:s13], $0x2780  }
0x3e: {  	[sflag:s13] =	ssyncset.done $0x0  }
0x3f: {  	[sflag:s13] =	ssyncadd.s32 $0xFFFFD880  }
0x40: {  	[spmem:s12], [sflag:s5] =	dma.local [hbm:s4], $0x2780  }
0x41: {  	_ =	swait.ge [sflag:s13], $0x2780  }
0x42: {  	[sflag:s13] =	ssyncset.done $0x0  }
0x43: {  	[sflag:s13] =	ssyncadd.s32 $0xFFFFD880  }
0x44: {  	s31 =	sadd.s32 $0x0, s10;
	[bflag:$0x0] =	sbarrier.arrive $0xFFFF  }
0x45: {  	[tilespmem:s3], [sflag:$0x1] =	stream.linear.gather [hbm4b:s31+s3], $0x50, $0x38;
	[tilespmem:$0x16480] =	vst v63  }
0x46: {  	_ =	swait.ge [sflag:s13], $0x50  }
0x47: {  	[sflag:s13] =	ssyncset.done $0x0  }
0x48: {  	[sflag:s13] =	ssyncadd.s32 $0xFFFFFFB0  }
0x49: {  	[tilespmem:s14], [sflag:$0x1] =	stream.linear.gather [hbm4b:s11+s3], $0x2800, $0x38;
	[tilespmem:$0x16480] =	vst v63  }
0x4a: {  	_ =	swait.ge [sflag:s13], $0x2800  }
0x4b: {  	[sflag:s13] =	ssyncset.done $0x0  }
0x4c: {  	[sflag:s13] =	ssyncadd.s32 $0xFFFFD800  }
0x4d: {  	[spmem:s2] =	stream.indirect.scatter.add.f32 [tilespmem:s14], [sflag:$0x1], $0x80, s3, s15, $0xb8;
	[tilespmem:$0x16480] =	vst v63  }
0x4e: {  	s19 =	simm.s32 $0x14;
	_ =	swait.ge [sflag:s13], $0x2800  }
0x4f: {  	s18 =	simm.s32 $0xA;
	s17 =	sadd.s32 $0x500, s11;
	[sflag:s13] =	ssyncset.done $0x0  }
.LBB2_4:
0x50: {  	s20 =	sadd.s32 s18, s10  }
0x51: {  	[sflag:s13] =	ssyncadd.s32 $0xFFFFD800;
	s18 =	smov.u32 s19;
	s21 =	sadd.s32 $0xA, s19  }
0x52: {  	[tilespmem:s3], [sflag:$0x1] =	stream.linear.gather [hbm4b:s20+s3], $0x50, $0x38;
	[tilespmem:$0x16480] =	vst v63  }
0x53: {  	p0 =	sne.s32 s19, $0x3DE;
	_ =	swait.ge [sflag:s13], $0x50  }
0x54: {  	[sflag:s13] =	ssyncset.done $0x0  }
0x55: {  	[sflag:s13] =	ssyncadd.s32 $0xFFFFFFB0  }
0x56: {  	[tilespmem:s14], [sflag:$0x1] =	stream.linear.gather [hbm4b:s17+s3], $0x2800, $0x38;
	[tilespmem:$0x16480] =	vst v63  }
0x57: {  	_ =	swait.ge [sflag:s13], $0x2800  }
.Ltmp1:
0x58: {  	[sflag:s13] =	ssyncset.done $0x0;
	(pc) =	sbr.rel @p0 .LBB2_4-.Ltmp1, $4  }
0x59: {  	[sflag:s13] =	ssyncadd.s32 $0xFFFFD800  }
0x5a: {  	[spmem:s2] =	stream.indirect.scatter.add.f32 [tilespmem:s14], [sflag:$0x1], $0x80, s3, s15, $0xb8;
	[tilespmem:$0x16480] =	vst v63  }
0x5b: {  	_ =	swait.ge [sflag:s13], $0x2800  }
0x5c: {  	s19 =	smov.u32 s21;
	s17 =	sadd.s32 $0x500, s17;
	[sflag:s13] =	ssyncset.done $0x0  }
0x5d: {  	s18 =	sadd.s32 s18, s10;
	[sflag:s13] =	ssyncadd.s32 $0xFFFFD800  }
0x5e: {  	[tilespmem:s3], [sflag:$0x1] =	stream.linear.gather [hbm4b:s18+s3], $0x50, $0x38;
	[tilespmem:$0x16480] =	vst v63  }
0x5f: {  	_ =	swait.ge [sflag:s13], $0x50  }
0x60: {  	[sflag:s13] =	ssyncset.done $0x0  }
0x61: {  	[sflag:s13] =	ssyncadd.s32 $0xFFFFFFB0  }
0x62: {  	[tilespmem:s14], [sflag:$0x1] =	stream.linear.gather [hbm4b:s17+s3], $0x2800, $0x38;
	[tilespmem:$0x16480] =	vst v63  }
0x63: {  	_ =	swait.ge [sflag:s13], $0x2800  }
0x64: {  	[sflag:s13] =	ssyncset.done $0x0  }
0x65: {  	[sflag:s13] =	ssyncadd.s32 $0xFFFFD800  }
0x66: {  	[spmem:s2] =	stream.indirect.scatter.add.f32 [tilespmem:s14], [sflag:$0x1], $0x80, s3, s15, $0xb8;
	[tilespmem:$0x16480] =	vst v63  }
0x67: {  	_ =	swait.ge [sflag:s13], $0x2800  }
0x68: {  	s16 =	sadd.s32 $0x1, s16;
	[sflag:s13] =	ssyncset.done $0x0  }
0x69: {  	p0 =	sne.s32 s16, s8;
	[sflag:s13] =	ssyncadd.s32 $0xFFFFD800  }
.Ltmp2:
0x6a: {  	[bflag:$0x0] =	sbarrier.arrive $0xFFFF;
	(pc) =	sbr.rel @p0 .LBB2_1-.Ltmp2, $4  }
0x6b: {  	[hbm:s7], [sflag:s5] =	dma.local [spmem:s12], $0x2780  }
0x6c: {  	_ =	swait.ge [sflag:s13], $0x2780  }
0x6d: {  	[sflag:s13] =	ssyncset.done $0x0  }
0x6e: {  	[sflag:s13] =	ssyncadd.s32 $0xFFFFD880  }
0x6f: {  	_ =	sfence.sel $0x180000  }
0x70: {  	[bflag:$0x0] =	sbarrier.arrive $0xFFFF  }
0x71: {  	p0 =	sne.s32 s0, $0x0;
	_ =	strace $0x90000059  }
0x72: {  	s0 =	sadd.s32 @!p0 $0x100000, s1;
	[bflag:$0x2] =	sbarrier.arrive $0xFFFF  }
0x73: {  	[sflag:s0] =	ssyncadd.tile.s32 @!p0 $0x1;
	_ =	shalt  }
.Lfunc_end2:
_tile_overlayer_lowered:
.L_overlay_start_2:
0x74: {  	(tag) =	ssettag $0x2  }
0x75: {  	s0 =	rddreg [dreg:$0x0];
	s2 =	stileid.u32  }
0x76: {  	s1 =	rddreg [dreg:$0x1];
	p0 =	sne.s32 s2, $0x0  }
0x77: {  	s3 =	rddreg [dreg:$0x2];
	[bflag:$0x3] =	sbarrier.arrive $0xFFFF;
	s2 =	simm.s32 @!p0 $0x1C01  }
0x78: {  	[timem:s3], [sflag:s2] =	dma.local @!p0 [hbm:s0], s1  }
0x79: {  	s0 =	simm.s32 @!p0 $0x1  }
0x7a: {  	_ =	swait.ge @!p0 [sflag:s0], s1  }
0x7b: {  	s1 =	ssub.s32 @!p0 $0x0, s1;
	[sflag:s0] =	ssyncset.done @!p0 $0x0  }
0x7c: {  	[sflag:s0] =	ssyncadd.s32 @!p0 s1  }
0x7d: {  	[bflag:$0x3] =	sbarrier.arrive $0xFFFF  }
0x7e: {  	_ =	shalt  }

</sc_bundles>
